<compile_context>
chip_gen: v7x
topology: tpu7x:2x2x1
jax: 0.10.2.dev20260603
libtpu: 0.0.44.dev20260713+nightly
codegen_flags: <defaults>
</compile_context>

<pallas_src>
import functools

import jax
import jax.numpy as jnp
import numpy as np
from jax import lax
from jax.experimental import pallas as pl
from jax.experimental.pallas import tpu as pltpu
from jax.experimental.pallas import tpu_sc as plsc

N = 10000
NPAD = 10240
E = 320000
D = 128
NC = 2
NS = 16
NW = NC * NS
EPW = E // NW
CHUNK = 40
NCHUNK = EPW // CHUNK
GC = 50
NGROUP = NCHUNK // GC
ROWS_PER_TILE = NPAD // NS

_COL_LO = np.array([32 * (m // 16) + (m % 16) for m in range(D // 2)], np.int32)
_COL_HI = _COL_LO + 16


def _mlp_body(rbf_ref, fw1_ref, fb1_ref, fw2cat_ref, fb2lo_ref,
              fw2hi_ref, fb2hi_ref, w_ref):
    del fb1_ref, fb2lo_ref, fb2hi_ref
    hb = jnp.maximum(
        jnp.dot(rbf_ref[...].astype(jnp.bfloat16),
                fw1_ref[...].astype(jnp.bfloat16),
                preferred_element_type=jnp.float32), 0.0).astype(jnp.bfloat16)
    wcat = jnp.dot(hb, fw2cat_ref[...].astype(jnp.bfloat16),
                   preferred_element_type=jnp.float32)
    half = jnp.uint32(0x8000)
    bits = pltpu.bitcast(wcat, jnp.uint32)
    rolled = pltpu.roll(bits, 64, axis=1)
    lo_bits = (bits + half) >> 16
    hi_bits = (rolled + half) & jnp.uint32(0xFFFF0000)
    w_ref[...] = pltpu.bitcast((lo_bits | hi_bits)[:, :D // 2], jnp.int32)


def _xl_body(x_ref, lw_ref, lb_ref, o_ref):
    o_ref[...] = (
        jnp.dot(x_ref[...], lw_ref[...], preferred_element_type=jnp.float32)
        + lb_ref[...])


def _add_body(a_ref, b_ref, o_ref):
    o_ref[...] = a_ref[0] + b_ref[0]


def _sc_body(xl_hbm, col_hbm, row_hbm, w_hbm, out_hbm,
             col_all, row_all, rows0, rows1, wv0, wv1, msg0, msg1, accum,
             gsem0, gsem1, wsem0, wsem1, ssem0, ssem1):
    c = lax.axis_index("c")
    s = lax.axis_index("s")
    wid = s * NC + c

    @plsc.parallel_loop(0, CHUNK)
    def _(i):
        for j in range(D // 16):
            msg0[i, pl.ds(j * 16, 16)] = jnp.zeros((16,), jnp.float32)
    for k in range(ROWS_PER_TILE // CHUNK):
        pltpu.sync_copy(msg0, accum.at[pl.ds(s * ROWS_PER_TILE + k * CHUNK, CHUNK)])

    plsc.subcore_barrier()

    def start(g, k, rows_buf, wv_buf, gsem, wsem):
        pltpu.async_copy(xl_hbm.at[col_all.at[k]], rows_buf, gsem)
        pltpu.async_copy(w_hbm.at[wid, g * GC + k], wv_buf, wsem)

    def finish(k, rows_buf, wv_buf, msg_buf, gsem, wsem, ssem, spend):
        pltpu.make_async_copy(xl_hbm.at[col_all.at[k]], rows_buf, gsem).wait()
        pltpu.make_async_copy(w_hbm.at[0, 0], wv_buf, wsem).wait()

        @pl.when(spend)
        def _():
            pltpu.make_async_copy(msg_buf, accum.at[row_all.at[k]], ssem).wait()

        mask = jnp.full((16,), -65536, jnp.int32)

        @plsc.parallel_loop(0, CHUNK, unroll=4)
        def _(e):
            for g in range(D // 32):
                ww = wv_buf[e, pl.ds(16 * g, 16)]
                w_lo = lax.bitcast_convert_type(ww << 16, jnp.float32)
                w_hi = lax.bitcast_convert_type(ww & mask, jnp.float32)
                msg_buf[e, pl.ds(32 * g, 16)] = (
                    rows_buf[e, pl.ds(32 * g, 16)] * w_lo)
                msg_buf[e, pl.ds(32 * g + 16, 16)] = (
                    rows_buf[e, pl.ds(32 * g + 16, 16)] * w_hi)

        pltpu.async_copy(msg_buf, accum.at[row_all.at[k]], ssem, add=True)

    def drain_scatters():
        pltpu.make_async_copy(msg0, accum.at[row_all.at[GC - 2]], ssem0).wait()
        pltpu.make_async_copy(msg1, accum.at[row_all.at[GC - 1]], ssem1).wait()

    for g in range(NGROUP):
        if g > 0:
            drain_scatters()
        pltpu.sync_copy(col_hbm.at[wid, g], col_all)
        pltpu.sync_copy(row_hbm.at[wid, g], row_all)
        start(g, 0, rows0, wv0, gsem0, wsem0)
        start(g, 1, rows1, wv1, gsem1, wsem1)

        @pl.loop(0, GC, step=2)
        def _(k):
            finish(k, rows0, wv0, msg0, gsem0, wsem0, ssem0, k >= 2)

            @pl.when(k + 2 < GC)
            def _():
                start(g, k + 2, rows0, wv0, gsem0, wsem0)

            finish(k + 1, rows1, wv1, msg1, gsem1, wsem1, ssem1, k >= 2)

            @pl.when(k + 3 < GC)
            def _():
                start(g, k + 3, rows1, wv1, gsem1, wsem1)

    drain_scatters()
    plsc.subcore_barrier()

    pltpu.sync_copy(
        accum.at[pl.ds(s * ROWS_PER_TILE, ROWS_PER_TILE)],
        out_hbm.at[c, pl.ds(s * ROWS_PER_TILE, ROWS_PER_TILE)])


_sc_scatter = functools.partial(
    pl.kernel,
    out_type=jax.ShapeDtypeStruct((NC, NPAD, D), jnp.float32),
    mesh=plsc.VectorSubcoreMesh(core_axis_name="c", subcore_axis_name="s"),
    scratch_types=[
        pltpu.VMEM((GC, CHUNK), jnp.int32),
        pltpu.VMEM((GC, CHUNK), jnp.int32),
        pltpu.VMEM((CHUNK, D), jnp.float32),
        pltpu.VMEM((CHUNK, D), jnp.float32),
        pltpu.VMEM((CHUNK, D // 2), jnp.int32),
        pltpu.VMEM((CHUNK, D // 2), jnp.int32),
        pltpu.VMEM((CHUNK, D), jnp.float32),
        pltpu.VMEM((CHUNK, D), jnp.float32),
        pltpu.VMEM_SHARED((NPAD, D), jnp.float32),
        pltpu.SemaphoreType.DMA,
        pltpu.SemaphoreType.DMA,
        pltpu.SemaphoreType.DMA,
        pltpu.SemaphoreType.DMA,
        pltpu.SemaphoreType.DMA,
        pltpu.SemaphoreType.DMA,
    ],
)(_sc_body)


def kernel(x, edge_index, edge_rbf, fw1, fb1, fw2, fb2, lw, lb):
    EB = 8000
    col_lo = jnp.asarray(_COL_LO)
    col_hi = jnp.asarray(_COL_HI)

    weight = pl.pallas_call(
        _mlp_body,
        grid=(E // EB,),
        in_specs=[
            pl.BlockSpec((EB, 16), lambda i: (i, 0)),
            pl.BlockSpec((16, D), lambda i: (0, 0)),
            pl.BlockSpec((1, D), lambda i: (0, 0)),
            pl.BlockSpec((D, D), lambda i: (0, 0)),
            pl.BlockSpec((1, D // 2), lambda i: (0, 0)),
            pl.BlockSpec((D, D // 2), lambda i: (0, 0)),
            pl.BlockSpec((1, D // 2), lambda i: (0, 0)),
        ],
        out_specs=pl.BlockSpec((EB, D // 2), lambda i: (i, 0)),
        out_shape=jax.ShapeDtypeStruct((E, D // 2), jnp.int32),
    )(edge_rbf, fw1, fb1.reshape(1, D),
      jnp.concatenate([fw2[:, col_lo], fw2[:, col_hi]], axis=1),
      fb2[col_lo].reshape(1, D // 2),
      fw2[:, col_hi], fb2[col_hi].reshape(1, D // 2))

    xl = pl.pallas_call(
        _xl_body,
        out_shape=jax.ShapeDtypeStruct((N, D), jnp.float32),
    )(x, lw, lb.reshape(1, D))

    row = edge_index[0].reshape(NW, NGROUP, GC, CHUNK)
    col = edge_index[1].reshape(NW, NGROUP, GC, CHUNK)
    partial = _sc_scatter(xl, col, row,
                          weight.reshape(NW, NCHUNK, CHUNK, D // 2))

    NB = 1000
    out = pl.pallas_call(
        _add_body,
        grid=(N // NB,),
        in_specs=[
            pl.BlockSpec((1, NB, D), lambda i: (0, i, 0)),
            pl.BlockSpec((1, NB, D), lambda i: (1, i, 0)),
        ],
        out_specs=pl.BlockSpec((NB, D), lambda i: (i, 0)),
        out_shape=jax.ShapeDtypeStruct((N, D), jnp.float32),
    )(partial, partial)
    return out

# --- scband reference (transcript-rebuilt; emitter-appended) ---
"""Pipeline reference for scband-cfconv-46342697124299 (READ-ONLY COPY).

The authoritative reference and input builder live on the scoring server;
editing this copy changes nothing except your own understanding.
"""

import jax, jax.numpy as jnp
import numpy as np

N, E, D_IN, D_OUT, R = 10000, 320000, 128, 128, 16

def setup_inputs(seed: int = 0) -> dict:
    key = jax.random.key(seed)
    ks = jax.random.split(key, 10)
    x = jax.random.normal(ks[0], (N, D_IN), dtype=jnp.float32)
    edge_index = jax.random.randint(ks[1], (2, E), 0, N)
    edge_rbf = jax.random.uniform(ks[2], (E, R), dtype=jnp.float32)
    # filter_net: Linear(R, D_OUT) -> ReLU -> Linear(D_OUT, D_OUT)
    fw1 = jax.random.normal(ks[3], (R, D_OUT), dtype=jnp.float32) * (1.0 / np.sqrt(R))
    fb1 = jnp.zeros((D_OUT,), dtype=jnp.float32)
    fw2 = jax.random.normal(ks[4], (D_OUT, D_OUT), dtype=jnp.float32) * (1.0 / np.sqrt(D_OUT))
    fb2 = jnp.zeros((D_OUT,), dtype=jnp.float32)
    # lin: Linear(D_IN, D_OUT)
    lw = jax.random.normal(ks[5], (D_IN, D_OUT), dtype=jnp.float32) * (1.0 / np.sqrt(D_IN))
    lb = jnp.zeros((D_OUT,), dtype=jnp.float32)
    return {"x": x, "edge_index": edge_index, "edge_rbf": edge_rbf,
            "fw1": fw1, "fb1": fb1, "fw2": fw2, "fb2": fb2, "lw": lw, "lb": lb}

def reference(x, edge_index, edge_rbf, fw1, fb1, fw2, fb2, lw, lb):
    # weight = filter_net(edge_rbf)
    h1 = jnp.maximum(edge_rbf @ fw1 + fb1, 0.0)
    weight = h1 @ fw2 + fb2
    # x = lin(x)
    xl = x @ lw + lb
    row = edge_index[0]
    col = edge_index[1]
    # msg = x[col] * weight  (gather)
    msg = jnp.take(xl, col, axis=0) * weight
    # scatter-add into destination nodes
    out = jax.ops.segment_sum(msg, row, num_segments=N)
    return out

if __name__ == "__main__":
    import jax
    _d = setup_inputs()
    print(jax.jit(kernel)(*tuple(_d.values())))

</pallas_src>

<mosaic_0001>
#map = affine_map<(d0, d1) -> (0, 0)>
#map1 = affine_map<(d0, d1) -> (0, 0, 0, 0)>
#map2 = affine_map<(d0, d1) -> (0, 0, 0)>
module attributes {stable_mosaic.version = 14 : i64} {
  func.func @_sc_body(%arg0: i32, %arg1: i32, %arg2: memref<10000x128xf32, #tpu.memory_space<hbm>>, %arg3: memref<32x5x50x40xi32, #tpu.memory_space<hbm>>, %arg4: memref<32x5x50x40xi32, #tpu.memory_space<hbm>>, %arg5: memref<32x250x40x64xi32, #tpu.memory_space<hbm>>, %arg6: memref<2x10240x128xf32, #tpu.memory_space<hbm>>, %arg7: memref<50x40xi32, #tpu.memory_space<vmem>>, %arg8: memref<50x40xi32, #tpu.memory_space<vmem>>, %arg9: memref<40x128xf32, #tpu.memory_space<vmem>>, %arg10: memref<40x128xf32, #tpu.memory_space<vmem>>, %arg11: memref<40x64xi32, #tpu.memory_space<vmem>>, %arg12: memref<40x64xi32, #tpu.memory_space<vmem>>, %arg13: memref<40x128xf32, #tpu.memory_space<vmem>>, %arg14: memref<40x128xf32, #tpu.memory_space<vmem>>, %arg15: memref<10240x128xf32, #tpu.memory_space<vmem_shared>>, %arg16: memref<!tpu.dma_semaphore, #tpu.memory_space<semaphore_mem>>, %arg17: memref<!tpu.dma_semaphore, #tpu.memory_space<semaphore_mem>>, %arg18: memref<!tpu.dma_semaphore, #tpu.memory_space<semaphore_mem>>, %arg19: memref<!tpu.dma_semaphore, #tpu.memory_space<semaphore_mem>>, %arg20: memref<!tpu.dma_semaphore, #tpu.memory_space<semaphore_mem>>, %arg21: memref<!tpu.dma_semaphore, #tpu.memory_space<semaphore_mem>>) attributes {dimension_semantics = [#tpu.dimension_semantics<core_parallel>, #tpu.dimension_semantics<subcore_parallel>], iteration_bounds = array<i64: 2, 16>, scalar_prefetch = 0 : i64, scratch_operands = 15 : i64, tpu.core_type = #tpu.core_type<sc_vector_subcore>, window_params = [{transform_indices = #map}, {transform_indices = #map1}, {transform_indices = #map1}, {transform_indices = #map1}, {transform_indices = #map2}]} {
    %mul3A = arith.constant 2 : i32
    %mul3A_0 = arith.muli %arg1, %mul3A : i32
    %add3A = arith.addi %mul3A_0, %arg0 : i32
    %parallel_loop3A = arith.constant 0 : i32
    %parallel_loop3A_1 = arith.constant 40 : i32
    %parallel_loop3A_2 = arith.constant 1 : i32
    scf.for %parallel_loop3A_333 = %parallel_loop3A to %parallel_loop3A_1 step %parallel_loop3A_2  : i32 {
      %parallel_loop3A_334 = arith.constant 0.000000e+00 : f32
      %parallel_loop3A_335 = vector.broadcast %parallel_loop3A_334 : f32 to vector<16xf32>
      %parallel_loop3A_336 = arith.index_cast %parallel_loop3A_333 : i32 to index
      %parallel_loop3A_337 = arith.constant 0 : index
      %parallel_loop3A_338 = tpu.vector_load %arg13[%parallel_loop3A_336, %parallel_loop3A_337] {strides = array<i32>} : memref<40x128xf32, #tpu.memory_space<vmem>>, vector<1x16xf32>,
      %parallel_loop3A_339 = vector.shape_cast %parallel_loop3A_338 : vector<1x16xf32> to vector<16xf32>
      %parallel_loop3A_340 = vector.shape_cast %parallel_loop3A_335 : vector<16xf32> to vector<1x16xf32>
      tpu.vector_store %arg13[%parallel_loop3A_336, %parallel_loop3A_337], %parallel_loop3A_340 {strides = array<i32>} : memref<40x128xf32, #tpu.memory_space<vmem>>, vector<1x16xf32>,
      %parallel_loop3A_341 = arith.constant 0.000000e+00 : f32
      %parallel_loop3A_342 = vector.broadcast %parallel_loop3A_341 : f32 to vector<16xf32>
      %parallel_loop3A_343 = arith.index_cast %parallel_loop3A_333 : i32 to index
      %parallel_loop3A_344 = arith.constant 16 : index
      %parallel_loop3A_345 = tpu.vector_load %arg13[%parallel_loop3A_343, %parallel_loop3A_344] {strides = array<i32>} : memref<40x128xf32, #tpu.memory_space<vmem>>, vector<1x16xf32>,
      %parallel_loop3A_346 = vector.shape_cast %parallel_loop3A_345 : vector<1x16xf32> to vector<16xf32>
      %parallel_loop3A_347 = vector.shape_cast %parallel_loop3A_342 : vector<16xf32> to vector<1x16xf32>
      tpu.vector_store %arg13[%parallel_loop3A_343, %parallel_loop3A_344], %parallel_loop3A_347 {strides = array<i32>} : memref<40x128xf32, #tpu.memory_space<vmem>>, vector<1x16xf32>,
      %parallel_loop3A_348 = arith.constant 0.000000e+00 : f32
      %parallel_loop3A_349 = vector.broadcast %parallel_loop3A_348 : f32 to vector<16xf32>
      %parallel_loop3A_350 = arith.index_cast %parallel_loop3A_333 : i32 to index
      %parallel_loop3A_351 = arith.constant 32 : index
      %parallel_loop3A_352 = tpu.vector_load %arg13[%parallel_loop3A_350, %parallel_loop3A_351] {strides = array<i32>} : memref<40x128xf32, #tpu.memory_space<vmem>>, vector<1x16xf32>,
      %parallel_loop3A_353 = vector.shape_cast %parallel_loop3A_352 : vector<1x16xf32> to vector<16xf32>
      %parallel_loop3A_354 = vector.shape_cast %parallel_loop3A_349 : vector<16xf32> to vector<1x16xf32>
      tpu.vector_store %arg13[%parallel_loop3A_350, %parallel_loop3A_351], %parallel_loop3A_354 {strides = array<i32>} : memref<40x128xf32, #tpu.memory_space<vmem>>, vector<1x16xf32>,
      %parallel_loop3A_355 = arith.constant 0.000000e+00 : f32
      %parallel_loop3A_356 = vector.broadcast %parallel_loop3A_355 : f32 to vector<16xf32>
      %parallel_loop3A_357 = arith.index_cast %parallel_loop3A_333 : i32 to index
      %parallel_loop3A_358 = arith.constant 48 : index
      %parallel_loop3A_359 = tpu.vector_load %arg13[%parallel_loop3A_357, %parallel_loop3A_358] {strides = array<i32>} : memref<40x128xf32, #tpu.memory_space<vmem>>, vector<1x16xf32>,
      %parallel_loop3A_360 = vector.shape_cast %parallel_loop3A_359 : vector<1x16xf32> to vector<16xf32>
      %parallel_loop3A_361 = vector.shape_cast %parallel_loop3A_356 : vector<16xf32> to vector<1x16xf32>
      tpu.vector_store %arg13[%parallel_loop3A_357, %parallel_loop3A_358], %parallel_loop3A_361 {strides = array<i32>} : memref<40x128xf32, #tpu.memory_space<vmem>>, vector<1x16xf32>,
      %parallel_loop3A_362 = arith.constant 0.000000e+00 : f32
      %parallel_loop3A_363 = vector.broadcast %parallel_loop3A_362 : f32 to vector<16xf32>
      %parallel_loop3A_364 = arith.index_cast %parallel_loop3A_333 : i32 to index
      %parallel_loop3A_365 = arith.constant 64 : index
      %parallel_loop3A_366 = tpu.vector_load %arg13[%parallel_loop3A_364, %parallel_loop3A_365] {strides = array<i32>} : memref<40x128xf32, #tpu.memory_space<vmem>>, vector<1x16xf32>,
      %parallel_loop3A_367 = vector.shape_cast %parallel_loop3A_366 : vector<1x16xf32> to vector<16xf32>
      %parallel_loop3A_368 = vector.shape_cast %parallel_loop3A_363 : vector<16xf32> to vector<1x16xf32>
      tpu.vector_store %arg13[%parallel_loop3A_364, %parallel_loop3A_365], %parallel_loop3A_368 {strides = array<i32>} : memref<40x128xf32, #tpu.memory_space<vmem>>, vector<1x16xf32>,
      %parallel_loop3A_369 = arith.constant 0.000000e+00 : f32
      %parallel_loop3A_370 = vector.broadcast %parallel_loop3A_369 : f32 to vector<16xf32>
      %parallel_loop3A_371 = arith.index_cast %parallel_loop3A_333 : i32 to index
      %parallel_loop3A_372 = arith.constant 80 : index
      %parallel_loop3A_373 = tpu.vector_load %arg13[%parallel_loop3A_371, %parallel_loop3A_372] {strides = array<i32>} : memref<40x128xf32, #tpu.memory_space<vmem>>, vector<1x16xf32>,
      %parallel_loop3A_374 = vector.shape_cast %parallel_loop3A_373 : vector<1x16xf32> to vector<16xf32>
      %parallel_loop3A_375 = vector.shape_cast %parallel_loop3A_370 : vector<16xf32> to vector<1x16xf32>
      tpu.vector_store %arg13[%parallel_loop3A_371, %parallel_loop3A_372], %parallel_loop3A_375 {strides = array<i32>} : memref<40x128xf32, #tpu.memory_space<vmem>>, vector<1x16xf32>,
      %parallel_loop3A_376 = arith.constant 0.000000e+00 : f32
      %parallel_loop3A_377 = vector.broadcast %parallel_loop3A_376 : f32 to vector<16xf32>
      %parallel_loop3A_378 = arith.index_cast %parallel_loop3A_333 : i32 to index
      %parallel_loop3A_379 = arith.constant 96 : index
      %parallel_loop3A_380 = tpu.vector_load %arg13[%parallel_loop3A_378, %parallel_loop3A_379] {strides = array<i32>} : memref<40x128xf32, #tpu.memory_space<vmem>>, vector<1x16xf32>,
      %parallel_loop3A_381 = vector.shape_cast %parallel_loop3A_380 : vector<1x16xf32> to vector<16xf32>
      %parallel_loop3A_382 = vector.shape_cast %parallel_loop3A_377 : vector<16xf32> to vector<1x16xf32>
      tpu.vector_store %arg13[%parallel_loop3A_378, %parallel_loop3A_379], %parallel_loop3A_382 {strides = array<i32>} : memref<40x128xf32, #tpu.memory_space<vmem>>, vector<1x16xf32>,
      %parallel_loop3A_383 = arith.constant 0.000000e+00 : f32
      %parallel_loop3A_384 = vector.broadcast %parallel_loop3A_383 : f32 to vector<16xf32>
      %parallel_loop3A_385 = arith.index_cast %parallel_loop3A_333 : i32 to index
      %parallel_loop3A_386 = arith.constant 112 : index
      %parallel_loop3A_387 = tpu.vector_load %arg13[%parallel_loop3A_385, %parallel_loop3A_386] {strides = array<i32>} : memref<40x128xf32, #tpu.memory_space<vmem>>, vector<1x16xf32>,
      %parallel_loop3A_388 = vector.shape_cast %parallel_loop3A_387 : vector<1x16xf32> to vector<16xf32>
      %parallel_loop3A_389 = vector.shape_cast %parallel_loop3A_384 : vector<16xf32> to vector<1x16xf32>
      tpu.vector_store %arg13[%parallel_loop3A_385, %parallel_loop3A_386], %parallel_loop3A_389 {strides = array<i32>} : memref<40x128xf32, #tpu.memory_space<vmem>>, vector<1x16xf32>,
    } {sc.loop_unroll_factor = 1 : i64, sc.parallel_access}
    %mul3A_3 = arith.constant 640 : i32
    %mul3A_4 = arith.muli %arg1, %mul3A_3 : i32
    %add3A_5 = arith.constant 0 : i32
    %add3A_6 = arith.addi %mul3A_4, %add3A_5 : i32
    "tpu.region"() ({
      %run_scoped3A_333 = tpu.sem_alloc : memref<!tpu.dma_semaphore, #tpu.memory_space<semaphore_mem>>
      %dma_start3A_334 = arith.constant 0 : i32
      %dma_start3A_335 = tpu.memref_slice %arg15[%add3A_6, %dma_start3A_334] : memref<10240x128xf32, #tpu.memory_space<vmem_shared>> -> memref<40x128xf32, #tpu.memory_space<vmem_shared>>
      %dma_start3A_336 = arith.constant 0 : i32
      %dma_start3A_337 = tpu.memref_slice %arg15[%add3A_6, %dma_start3A_336] : memref<10240x128xf32, #tpu.memory_space<vmem_shared>> -> memref<40x128xf32, #tpu.memory_space<vmem_shared>>
      tpu.enqueue_dma source(%arg13 : memref<40x128xf32, #tpu.memory_space<vmem>>) target(%dma_start3A_337 : memref<40x128xf32, #tpu.memory_space<vmem_shared>>) target_semaphore(%run_scoped3A_333 : memref<!tpu.dma_semaphore, #tpu.memory_space<semaphore_mem>>)
      %dma_wait3A_338 = arith.constant 0 : i32
      %dma_wait3A_339 = tpu.memref_slice %arg15[%add3A_6, %dma_wait3A_338] : memref<10240x128xf32, #tpu.memory_space<vmem_shared>> -> memref<40x128xf32, #tpu.memory_space<vmem_shared>>
      %dma_wait3A_340 = arith.constant 0 : i32
      %dma_wait3A_341 = tpu.memref_slice %arg15[%add3A_6, %dma_wait3A_340] : memref<10240x128xf32, #tpu.memory_space<vmem_shared>> -> memref<40x128xf32, #tpu.memory_space<vmem_shared>>
      tpu.wait_dma2 semaphore(%run_scoped3A_333 : memref<!tpu.dma_semaphore, #tpu.memory_space<semaphore_mem>>) src(%arg13 : memref<40x128xf32, #tpu.memory_space<vmem>>) dst(%dma_wait3A_341 : memref<40x128xf32, #tpu.memory_space<vmem_shared>>)
      tpu.yield
    }) : () -> ()
    %mul3A_7 = arith.constant 640 : i32
    %mul3A_8 = arith.muli %arg1, %mul3A_7 : i32
    %add3A_9 = arith.constant 40 : i32
    %add3A_10 = arith.addi %mul3A_8, %add3A_9 : i32
    "tpu.region"() ({
      %run_scoped3A_333 = tpu.sem_alloc : memref<!tpu.dma_semaphore, #tpu.memory_space<semaphore_mem>>
      %dma_start3A_334 = arith.constant 0 : i32
      %dma_start3A_335 = tpu.memref_slice %arg15[%add3A_10, %dma_start3A_334] : memref<10240x128xf32, #tpu.memory_space<vmem_shared>> -> memref<40x128xf32, #tpu.memory_space<vmem_shared>>
      %dma_start3A_336 = arith.constant 0 : i32
      %dma_start3A_337 = tpu.memref_slice %arg15[%add3A_10, %dma_start3A_336] : memref<10240x128xf32, #tpu.memory_space<vmem_shared>> -> memref<40x128xf32, #tpu.memory_space<vmem_shared>>
      tpu.enqueue_dma source(%arg13 : memref<40x128xf32, #tpu.memory_space<vmem>>) target(%dma_start3A_337 : memref<40x128xf32, #tpu.memory_space<vmem_shared>>) target_semaphore(%run_scoped3A_333 : memref<!tpu.dma_semaphore, #tpu.memory_space<semaphore_mem>>)
      %dma_wait3A_338 = arith.constant 0 : i32
      %dma_wait3A_339 = tpu.memref_slice %arg15[%add3A_10, %dma_wait3A_338] : memref<10240x128xf32, #tpu.memory_space<vmem_shared>> -> memref<40x128xf32, #tpu.memory_space<vmem_shared>>
      %dma_wait3A_340 = arith.constant 0 : i32
      %dma_wait3A_341 = tpu.memref_slice %arg15[%add3A_10, %dma_wait3A_340] : memref<10240x128xf32, #tpu.memory_space<vmem_shared>> -> memref<40x128xf32, #tpu.memory_space<vmem_shared>>
      tpu.wait_dma2 semaphore(%run_scoped3A_333 : memref<!tpu.dma_semaphore, #tpu.memory_space<semaphore_mem>>) src(%arg13 : memref<40x128xf32, #tpu.memory_space<vmem>>) dst(%dma_wait3A_341 : memref<40x128xf32, #tpu.memory_space<vmem_shared>>)
      tpu.yield
    }) : () -> ()
    %mul3A_11 = arith.constant 640 : i32
    %mul3A_12 = arith.muli %arg1, %mul3A_11 : i32
    %add3A_13 = arith.constant 80 : i32
    %add3A_14 = arith.addi %mul3A_12, %add3A_13 : i32
    "tpu.region"() ({
      %run_scoped3A_333 = tpu.sem_alloc : memref<!tpu.dma_semaphore, #tpu.memory_space<semaphore_mem>>
      %dma_start3A_334 = arith.constant 0 : i32
      %dma_start3A_335 = tpu.memref_slice %arg15[%add3A_14, %dma_start3A_334] : memref<10240x128xf32, #tpu.memory_space<vmem_shared>> -> memref<40x128xf32, #tpu.memory_space<vmem_shared>>
      %dma_start3A_336 = arith.constant 0 : i32
      %dma_start3A_337 = tpu.memref_slice %arg15[%add3A_14, %dma_start3A_336] : memref<10240x128xf32, #tpu.memory_space<vmem_shared>> -> memref<40x128xf32, #tpu.memory_space<vmem_shared>>
      tpu.enqueue_dma source(%arg13 : memref<40x128xf32, #tpu.memory_space<vmem>>) target(%dma_start3A_337 : memref<40x128xf32, #tpu.memory_space<vmem_shared>>) target_semaphore(%run_scoped3A_333 : memref<!tpu.dma_semaphore, #tpu.memory_space<semaphore_mem>>)
      %dma_wait3A_338 = arith.constant 0 : i32
      %dma_wait3A_339 = tpu.memref_slice %arg15[%add3A_14, %dma_wait3A_338] : memref<10240x128xf32, #tpu.memory_space<vmem_shared>> -> memref<40x128xf32, #tpu.memory_space<vmem_shared>>
      %dma_wait3A_340 = arith.constant 0 : i32
      %dma_wait3A_341 = tpu.memref_slice %arg15[%add3A_14, %dma_wait3A_340] : memref<10240x128xf32, #tpu.memory_space<vmem_shared>> -> memref<40x128xf32, #tpu.memory_space<vmem_shared>>
      tpu.wait_dma2 semaphore(%run_scoped3A_333 : memref<!tpu.dma_semaphore, #tpu.memory_space<semaphore_mem>>) src(%arg13 : memref<40x128xf32, #tpu.memory_space<vmem>>) dst(%dma_wait3A_341 : memref<40x128xf32, #tpu.memory_space<vmem_shared>>)
      tpu.yield
    }) : () -> ()
    %mul3A_15 = arith.constant 640 : i32
    %mul3A_16 = arith.muli %arg1, %mul3A_15 : i32
    %add3A_17 = arith.constant 120 : i32
    %add3A_18 = arith.addi %mul3A_16, %add3A_17 : i32
    "tpu.region"() ({
      %run_scoped3A_333 = tpu.sem_alloc : memref<!tpu.dma_semaphore, #tpu.memory_space<semaphore_mem>>
      %dma_start3A_334 = arith.constant 0 : i32
      %dma_start3A_335 = tpu.memref_slice %arg15[%add3A_18, %dma_start3A_334] : memref<10240x128xf32, #tpu.memory_space<vmem_shared>> -> memref<40x128xf32, #tpu.memory_space<vmem_shared>>
      %dma_start3A_336 = arith.constant 0 : i32
      %dma_start3A_337 = tpu.memref_slice %arg15[%add3A_18, %dma_start3A_336] : memref<10240x128xf32, #tpu.memory_space<vmem_shared>> -> memref<40x128xf32, #tpu.memory_space<vmem_shared>>
      tpu.enqueue_dma source(%arg13 : memref<40x128xf32, #tpu.memory_space<vmem>>) target(%dma_start3A_337 : memref<40x128xf32, #tpu.memory_space<vmem_shared>>) target_semaphore(%run_scoped3A_333 : memref<!tpu.dma_semaphore, #tpu.memory_space<semaphore_mem>>)
      %dma_wait3A_338 = arith.constant 0 : i32
      %dma_wait3A_339 = tpu.memref_slice %arg15[%add3A_18, %dma_wait3A_338] : memref<10240x128xf32, #tpu.memory_space<vmem_shared>> -> memref<40x128xf32, #tpu.memory_space<vmem_shared>>
      %dma_wait3A_340 = arith.constant 0 : i32
      %dma_wait3A_341 = tpu.memref_slice %arg15[%add3A_18, %dma_wait3A_340] : memref<10240x128xf32, #tpu.memory_space<vmem_shared>> -> memref<40x128xf32, #tpu.memory_space<vmem_shared>>
      tpu.wait_dma2 semaphore(%run_scoped3A_333 : memref<!tpu.dma_semaphore, #tpu.memory_space<semaphore_mem>>) src(%arg13 : memref<40x128xf32, #tpu.memory_space<vmem>>) dst(%dma_wait3A_341 : memref<40x128xf32, #tpu.memory_space<vmem_shared>>)
      tpu.yield
    }) : () -> ()
    %mul3A_19 = arith.constant 640 : i32
    %mul3A_20 = arith.muli %arg1, %mul3A_19 : i32
    %add3A_21 = arith.constant 160 : i32
    %add3A_22 = arith.addi %mul3A_20, %add3A_21 : i32
    "tpu.region"() ({
      %run_scoped3A_333 = tpu.sem_alloc : memref<!tpu.dma_semaphore, #tpu.memory_space<semaphore_mem>>
      %dma_start3A_334 = arith.constant 0 : i32
      %dma_start3A_335 = tpu.memref_slice %arg15[%add3A_22, %dma_start3A_334] : memref<10240x128xf32, #tpu.memory_space<vmem_shared>> -> memref<40x128xf32, #tpu.memory_space<vmem_shared>>
      %dma_start3A_336 = arith.constant 0 : i32
      %dma_start3A_337 = tpu.memref_slice %arg15[%add3A_22, %dma_start3A_336] : memref<10240x128xf32, #tpu.memory_space<vmem_shared>> -> memref<40x128xf32, #tpu.memory_space<vmem_shared>>
      tpu.enqueue_dma source(%arg13 : memref<40x128xf32, #tpu.memory_space<vmem>>) target(%dma_start3A_337 : memref<40x128xf32, #tpu.memory_space<vmem_shared>>) target_semaphore(%run_scoped3A_333 : memref<!tpu.dma_semaphore, #tpu.memory_space<semaphore_mem>>)
      %dma_wait3A_338 = arith.constant 0 : i32
      %dma_wait3A_339 = tpu.memref_slice %arg15[%add3A_22, %dma_wait3A_338] : memref<10240x128xf32, #tpu.memory_space<vmem_shared>> -> memref<40x128xf32, #tpu.memory_space<vmem_shared>>
      %dma_wait3A_340 = arith.constant 0 : i32
      %dma_wait3A_341 = tpu.memref_slice %arg15[%add3A_22, %dma_wait3A_340] : memref<10240x128xf32, #tpu.memory_space<vmem_shared>> -> memref<40x128xf32, #tpu.memory_space<vmem_shared>>
      tpu.wait_dma2 semaphore(%run_scoped3A_333 : memref<!tpu.dma_semaphore, #tpu.memory_space<semaphore_mem>>) src(%arg13 : memref<40x128xf32, #tpu.memory_space<vmem>>) dst(%dma_wait3A_341 : memref<40x128xf32, #tpu.memory_space<vmem_shared>>)
      tpu.yield
    }) : () -> ()
    %mul3A_23 = arith.constant 640 : i32
    %mul3A_24 = arith.muli %arg1, %mul3A_23 : i32
    %add3A_25 = arith.constant 200 : i32
    %add3A_26 = arith.addi %mul3A_24, %add3A_25 : i32
    "tpu.region"() ({
      %run_scoped3A_333 = tpu.sem_alloc : memref<!tpu.dma_semaphore, #tpu.memory_space<semaphore_mem>>
      %dma_start3A_334 = arith.constant 0 : i32
      %dma_start3A_335 = tpu.memref_slice %arg15[%add3A_26, %dma_start3A_334] : memref<10240x128xf32, #tpu.memory_space<vmem_shared>> -> memref<40x128xf32, #tpu.memory_space<vmem_shared>>
      %dma_start3A_336 = arith.constant 0 : i32
      %dma_start3A_337 = tpu.memref_slice %arg15[%add3A_26, %dma_start3A_336] : memref<10240x128xf32, #tpu.memory_space<vmem_shared>> -> memref<40x128xf32, #tpu.memory_space<vmem_shared>>
      tpu.enqueue_dma source(%arg13 : memref<40x128xf32, #tpu.memory_space<vmem>>) target(%dma_start3A_337 : memref<40x128xf32, #tpu.memory_space<vmem_shared>>) target_semaphore(%run_scoped3A_333 : memref<!tpu.dma_semaphore, #tpu.memory_space<semaphore_mem>>)
      %dma_wait3A_338 = arith.constant 0 : i32
      %dma_wait3A_339 = tpu.memref_slice %arg15[%add3A_26, %dma_wait3A_338] : memref<10240x128xf32, #tpu.memory_space<vmem_shared>> -> memref<40x128xf32, #tpu.memory_space<vmem_shared>>
      %dma_wait3A_340 = arith.constant 0 : i32
      %dma_wait3A_341 = tpu.memref_slice %arg15[%add3A_26, %dma_wait3A_340] : memref<10240x128xf32, #tpu.memory_space<vmem_shared>> -> memref<40x128xf32, #tpu.memory_space<vmem_shared>>
      tpu.wait_dma2 semaphore(%run_scoped3A_333 : memref<!tpu.dma_semaphore, #tpu.memory_space<semaphore_mem>>) src(%arg13 : memref<40x128xf32, #tpu.memory_space<vmem>>) dst(%dma_wait3A_341 : memref<40x128xf32, #tpu.memory_space<vmem_shared>>)
      tpu.yield
    }) : () -> ()
    %mul3A_27 = arith.constant 640 : i32
    %mul3A_28 = arith.muli %arg1, %mul3A_27 : i32
    %add3A_29 = arith.constant 240 : i32
    %add3A_30 = arith.addi %mul3A_28, %add3A_29 : i32
    "tpu.region"() ({
      %run_scoped3A_333 = tpu.sem_alloc : memref<!tpu.dma_semaphore, #tpu.memory_space<semaphore_mem>>
      %dma_start3A_334 = arith.constant 0 : i32
      %dma_start3A_335 = tpu.memref_slice %arg15[%add3A_30, %dma_start3A_334] : memref<10240x128xf32, #tpu.memory_space<vmem_shared>> -> memref<40x128xf32, #tpu.memory_space<vmem_shared>>
      %dma_start3A_336 = arith.constant 0 : i32
      %dma_start3A_337 = tpu.memref_slice %arg15[%add3A_30, %dma_start3A_336] : memref<10240x128xf32, #tpu.memory_space<vmem_shared>> -> memref<40x128xf32, #tpu.memory_space<vmem_shared>>
      tpu.enqueue_dma source(%arg13 : memref<40x128xf32, #tpu.memory_space<vmem>>) target(%dma_start3A_337 : memref<40x128xf32, #tpu.memory_space<vmem_shared>>) target_semaphore(%run_scoped3A_333 : memref<!tpu.dma_semaphore, #tpu.memory_space<semaphore_mem>>)
      %dma_wait3A_338 = arith.constant 0 : i32
      %dma_wait3A_339 = tpu.memref_slice %arg15[%add3A_30, %dma_wait3A_338] : memref<10240x128xf32, #tpu.memory_space<vmem_shared>> -> memref<40x128xf32, #tpu.memory_space<vmem_shared>>
      %dma_wait3A_340 = arith.constant 0 : i32
      %dma_wait3A_341 = tpu.memref_slice %arg15[%add3A_30, %dma_wait3A_340] : memref<10240x128xf32, #tpu.memory_space<vmem_shared>> -> memref<40x128xf32, #tpu.memory_space<vmem_shared>>
      tpu.wait_dma2 semaphore(%run_scoped3A_333 : memref<!tpu.dma_semaphore, #tpu.memory_space<semaphore_mem>>) src(%arg13 : memref<40x128xf32, #tpu.memory_space<vmem>>) dst(%dma_wait3A_341 : memref<40x128xf32, #tpu.memory_space<vmem_shared>>)
      tpu.yield
    }) : () -> ()
    %mul3A_31 = arith.constant 640 : i32
    %mul3A_32 = arith.muli %arg1, %mul3A_31 : i32
    %add3A_33 = arith.constant 280 : i32
    %add3A_34 = arith.addi %mul3A_32, %add3A_33 : i32
    "tpu.region"() ({
      %run_scoped3A_333 = tpu.sem_alloc : memref<!tpu.dma_semaphore, #tpu.memory_space<semaphore_mem>>
      %dma_start3A_334 = arith.constant 0 : i32
      %dma_start3A_335 = tpu.memref_slice %arg15[%add3A_34, %dma_start3A_334] : memref<10240x128xf32, #tpu.memory_space<vmem_shared>> -> memref<40x128xf32, #tpu.memory_space<vmem_shared>>
      %dma_start3A_336 = arith.constant 0 : i32
      %dma_start3A_337 = tpu.memref_slice %arg15[%add3A_34, %dma_start3A_336] : memref<10240x128xf32, #tpu.memory_space<vmem_shared>> -> memref<40x128xf32, #tpu.memory_space<vmem_shared>>
      tpu.enqueue_dma source(%arg13 : memref<40x128xf32, #tpu.memory_space<vmem>>) target(%dma_start3A_337 : memref<40x128xf32, #tpu.memory_space<vmem_shared>>) target_semaphore(%run_scoped3A_333 : memref<!tpu.dma_semaphore, #tpu.memory_space<semaphore_mem>>)
      %dma_wait3A_338 = arith.constant 0 : i32
      %dma_wait3A_339 = tpu.memref_slice %arg15[%add3A_34, %dma_wait3A_338] : memref<10240x128xf32, #tpu.memory_space<vmem_shared>> -> memref<40x128xf32, #tpu.memory_space<vmem_shared>>
      %dma_wait3A_340 = arith.constant 0 : i32
      %dma_wait3A_341 = tpu.memref_slice %arg15[%add3A_34, %dma_wait3A_340] : memref<10240x128xf32, #tpu.memory_space<vmem_shared>> -> memref<40x128xf32, #tpu.memory_space<vmem_shared>>
      tpu.wait_dma2 semaphore(%run_scoped3A_333 : memref<!tpu.dma_semaphore, #tpu.memory_space<semaphore_mem>>) src(%arg13 : memref<40x128xf32, #tpu.memory_space<vmem>>) dst(%dma_wait3A_341 : memref<40x128xf32, #tpu.memory_space<vmem_shared>>)
      tpu.yield
    }) : () -> ()
    %mul3A_35 = arith.constant 640 : i32
    %mul3A_36 = arith.muli %arg1, %mul3A_35 : i32
    %add3A_37 = arith.constant 320 : i32
    %add3A_38 = arith.addi %mul3A_36, %add3A_37 : i32
    "tpu.region"() ({
      %run_scoped3A_333 = tpu.sem_alloc : memref<!tpu.dma_semaphore, #tpu.memory_space<semaphore_mem>>
      %dma_start3A_334 = arith.constant 0 : i32
      %dma_start3A_335 = tpu.memref_slice %arg15[%add3A_38, %dma_start3A_334] : memref<10240x128xf32, #tpu.memory_space<vmem_shared>> -> memref<40x128xf32, #tpu.memory_space<vmem_shared>>
      %dma_start3A_336 = arith.constant 0 : i32
      %dma_start3A_337 = tpu.memref_slice %arg15[%add3A_38, %dma_start3A_336] : memref<10240x128xf32, #tpu.memory_space<vmem_shared>> -> memref<40x128xf32, #tpu.memory_space<vmem_shared>>
      tpu.enqueue_dma source(%arg13 : memref<40x128xf32, #tpu.memory_space<vmem>>) target(%dma_start3A_337 : memref<40x128xf32, #tpu.memory_space<vmem_shared>>) target_semaphore(%run_scoped3A_333 : memref<!tpu.dma_semaphore, #tpu.memory_space<semaphore_mem>>)
      %dma_wait3A_338 = arith.constant 0 : i32
      %dma_wait3A_339 = tpu.memref_slice %arg15[%add3A_38, %dma_wait3A_338] : memref<10240x128xf32, #tpu.memory_space<vmem_shared>> -> memref<40x128xf32, #tpu.memory_space<vmem_shared>>
      %dma_wait3A_340 = arith.constant 0 : i32
      %dma_wait3A_341 = tpu.memref_slice %arg15[%add3A_38, %dma_wait3A_340] : memref<10240x128xf32, #tpu.memory_space<vmem_shared>> -> memref<40x128xf32, #tpu.memory_space<vmem_shared>>
      tpu.wait_dma2 semaphore(%run_scoped3A_333 : memref<!tpu.dma_semaphore, #tpu.memory_space<semaphore_mem>>) src(%arg13 : memref<40x128xf32, #tpu.memory_space<vmem>>) dst(%dma_wait3A_341 : memref<40x128xf32, #tpu.memory_space<vmem_shared>>)
      tpu.yield
    }) : () -> ()
    %mul3A_39 = arith.constant 640 : i32
    %mul3A_40 = arith.muli %arg1, %mul3A_39 : i32
    %add3A_41 = arith.constant 360 : i32
    %add3A_42 = arith.addi %mul3A_40, %add3A_41 : i32
    "tpu.region"() ({
      %run_scoped3A_333 = tpu.sem_alloc : memref<!tpu.dma_semaphore, #tpu.memory_space<semaphore_mem>>
      %dma_start3A_334 = arith.constant 0 : i32
      %dma_start3A_335 = tpu.memref_slice %arg15[%add3A_42, %dma_start3A_334] : memref<10240x128xf32, #tpu.memory_space<vmem_shared>> -> memref<40x128xf32, #tpu.memory_space<vmem_shared>>
      %dma_start3A_336 = arith.constant 0 : i32
      %dma_start3A_337 = tpu.memref_slice %arg15[%add3A_42, %dma_start3A_336] : memref<10240x128xf32, #tpu.memory_space<vmem_shared>> -> memref<40x128xf32, #tpu.memory_space<vmem_shared>>
      tpu.enqueue_dma source(%arg13 : memref<40x128xf32, #tpu.memory_space<vmem>>) target(%dma_start3A_337 : memref<40x128xf32, #tpu.memory_space<vmem_shared>>) target_semaphore(%run_scoped3A_333 : memref<!tpu.dma_semaphore, #tpu.memory_space<semaphore_mem>>)
      %dma_wait3A_338 = arith.constant 0 : i32
      %dma_wait3A_339 = tpu.memref_slice %arg15[%add3A_42, %dma_wait3A_338] : memref<10240x128xf32, #tpu.memory_space<vmem_shared>> -> memref<40x128xf32, #tpu.memory_space<vmem_shared>>
      %dma_wait3A_340 = arith.constant 0 : i32
      %dma_wait3A_341 = tpu.memref_slice %arg15[%add3A_42, %dma_wait3A_340] : memref<10240x128xf32, #tpu.memory_space<vmem_shared>> -> memref<40x128xf32, #tpu.memory_space<vmem_shared>>
      tpu.wait_dma2 semaphore(%run_scoped3A_333 : memref<!tpu.dma_semaphore, #tpu.memory_space<semaphore_mem>>) src(%arg13 : memref<40x128xf32, #tpu.memory_space<vmem>>) dst(%dma_wait3A_341 : memref<40x128xf32, #tpu.memory_space<vmem_shared>>)
      tpu.yield
    }) : () -> ()
    %mul3A_43 = arith.constant 640 : i32
    %mul3A_44 = arith.muli %arg1, %mul3A_43 : i32
    %add3A_45 = arith.constant 400 : i32
    %add3A_46 = arith.addi %mul3A_44, %add3A_45 : i32
    "tpu.region"() ({
      %run_scoped3A_333 = tpu.sem_alloc : memref<!tpu.dma_semaphore, #tpu.memory_space<semaphore_mem>>
      %dma_start3A_334 = arith.constant 0 : i32
      %dma_start3A_335 = tpu.memref_slice %arg15[%add3A_46, %dma_start3A_334] : memref<10240x128xf32, #tpu.memory_space<vmem_shared>> -> memref<40x128xf32, #tpu.memory_space<vmem_shared>>
      %dma_start3A_336 = arith.constant 0 : i32
      %dma_start3A_337 = tpu.memref_slice %arg15[%add3A_46, %dma_start3A_336] : memref<10240x128xf32, #tpu.memory_space<vmem_shared>> -> memref<40x128xf32, #tpu.memory_space<vmem_shared>>
      tpu.enqueue_dma source(%arg13 : memref<40x128xf32, #tpu.memory_space<vmem>>) target(%dma_start3A_337 : memref<40x128xf32, #tpu.memory_space<vmem_shared>>) target_semaphore(%run_scoped3A_333 : memref<!tpu.dma_semaphore, #tpu.memory_space<semaphore_mem>>)
      %dma_wait3A_338 = arith.constant 0 : i32
      %dma_wait3A_339 = tpu.memref_slice %arg15[%add3A_46, %dma_wait3A_338] : memref<10240x128xf32, #tpu.memory_space<vmem_shared>> -> memref<40x128xf32, #tpu.memory_space<vmem_shared>>
      %dma_wait3A_340 = arith.constant 0 : i32
      %dma_wait3A_341 = tpu.memref_slice %arg15[%add3A_46, %dma_wait3A_340] : memref<10240x128xf32, #tpu.memory_space<vmem_shared>> -> memref<40x128xf32, #tpu.memory_space<vmem_shared>>
      tpu.wait_dma2 semaphore(%run_scoped3A_333 : memref<!tpu.dma_semaphore, #tpu.memory_space<semaphore_mem>>) src(%arg13 : memref<40x128xf32, #tpu.memory_space<vmem>>) dst(%dma_wait3A_341 : memref<40x128xf32, #tpu.memory_space<vmem_shared>>)
      tpu.yield
    }) : () -> ()
    %mul3A_47 = arith.constant 640 : i32
    %mul3A_48 = arith.muli %arg1, %mul3A_47 : i32
    %add3A_49 = arith.constant 440 : i32
    %add3A_50 = arith.addi %mul3A_48, %add3A_49 : i32
    "tpu.region"() ({
      %run_scoped3A_333 = tpu.sem_alloc : memref<!tpu.dma_semaphore, #tpu.memory_space<semaphore_mem>>
      %dma_start3A_334 = arith.constant 0 : i32
      %dma_start3A_335 = tpu.memref_slice %arg15[%add3A_50, %dma_start3A_334] : memref<10240x128xf32, #tpu.memory_space<vmem_shared>> -> memref<40x128xf32, #tpu.memory_space<vmem_shared>>
      %dma_start3A_336 = arith.constant 0 : i32
      %dma_start3A_337 = tpu.memref_slice %arg15[%add3A_50, %dma_start3A_336] : memref<10240x128xf32, #tpu.memory_space<vmem_shared>> -> memref<40x128xf32, #tpu.memory_space<vmem_shared>>
      tpu.enqueue_dma source(%arg13 : memref<40x128xf32, #tpu.memory_space<vmem>>) target(%dma_start3A_337 : memref<40x128xf32, #tpu.memory_space<vmem_shared>>) target_semaphore(%run_scoped3A_333 : memref<!tpu.dma_semaphore, #tpu.memory_space<semaphore_mem>>)
      %dma_wait3A_338 = arith.constant 0 : i32
      %dma_wait3A_339 = tpu.memref_slice %arg15[%add3A_50, %dma_wait3A_338] : memref<10240x128xf32, #tpu.memory_space<vmem_shared>> -> memref<40x128xf32, #tpu.memory_space<vmem_shared>>
      %dma_wait3A_340 = arith.constant 0 : i32
      %dma_wait3A_341 = tpu.memref_slice %arg15[%add3A_50, %dma_wait3A_340] : memref<10240x128xf32, #tpu.memory_space<vmem_shared>> -> memref<40x128xf32, #tpu.memory_space<vmem_shared>>
      tpu.wait_dma2 semaphore(%run_scoped3A_333 : memref<!tpu.dma_semaphore, #tpu.memory_space<semaphore_mem>>) src(%arg13 : memref<40x128xf32, #tpu.memory_space<vmem>>) dst(%dma_wait3A_341 : memref<40x128xf32, #tpu.memory_space<vmem_shared>>)
      tpu.yield
    }) : () -> ()
    %mul3A_51 = arith.constant 640 : i32
    %mul3A_52 = arith.muli %arg1, %mul3A_51 : i32
    %add3A_53 = arith.constant 480 : i32
    %add3A_54 = arith.addi %mul3A_52, %add3A_53 : i32
    "tpu.region"() ({
      %run_scoped3A_333 = tpu.sem_alloc : memref<!tpu.dma_semaphore, #tpu.memory_space<semaphore_mem>>
      %dma_start3A_334 = arith.constant 0 : i32
      %dma_start3A_335 = tpu.memref_slice %arg15[%add3A_54, %dma_start3A_334] : memref<10240x128xf32, #tpu.memory_space<vmem_shared>> -> memref<40x128xf32, #tpu.memory_space<vmem_shared>>
      %dma_start3A_336 = arith.constant 0 : i32
      %dma_start3A_337 = tpu.memref_slice %arg15[%add3A_54, %dma_start3A_336] : memref<10240x128xf32, #tpu.memory_space<vmem_shared>> -> memref<40x128xf32, #tpu.memory_space<vmem_shared>>
      tpu.enqueue_dma source(%arg13 : memref<40x128xf32, #tpu.memory_space<vmem>>) target(%dma_start3A_337 : memref<40x128xf32, #tpu.memory_space<vmem_shared>>) target_semaphore(%run_scoped3A_333 : memref<!tpu.dma_semaphore, #tpu.memory_space<semaphore_mem>>)
      %dma_wait3A_338 = arith.constant 0 : i32
      %dma_wait3A_339 = tpu.memref_slice %arg15[%add3A_54, %dma_wait3A_338] : memref<10240x128xf32, #tpu.memory_space<vmem_shared>> -> memref<40x128xf32, #tpu.memory_space<vmem_shared>>
      %dma_wait3A_340 = arith.constant 0 : i32
      %dma_wait3A_341 = tpu.memref_slice %arg15[%add3A_54, %dma_wait3A_340] : memref<10240x128xf32, #tpu.memory_space<vmem_shared>> -> memref<40x128xf32, #tpu.memory_space<vmem_shared>>
      tpu.wait_dma2 semaphore(%run_scoped3A_333 : memref<!tpu.dma_semaphore, #tpu.memory_space<semaphore_mem>>) src(%arg13 : memref<40x128xf32, #tpu.memory_space<vmem>>) dst(%dma_wait3A_341 : memref<40x128xf32, #tpu.memory_space<vmem_shared>>)
      tpu.yield
    }) : () -> ()
    %mul3A_55 = arith.constant 640 : i32
    %mul3A_56 = arith.muli %arg1, %mul3A_55 : i32
    %add3A_57 = arith.constant 520 : i32
    %add3A_58 = arith.addi %mul3A_56, %add3A_57 : i32
    "tpu.region"() ({
      %run_scoped3A_333 = tpu.sem_alloc : memref<!tpu.dma_semaphore, #tpu.memory_space<semaphore_mem>>
      %dma_start3A_334 = arith.constant 0 : i32
      %dma_start3A_335 = tpu.memref_slice %arg15[%add3A_58, %dma_start3A_334] : memref<10240x128xf32, #tpu.memory_space<vmem_shared>> -> memref<40x128xf32, #tpu.memory_space<vmem_shared>>
      %dma_start3A_336 = arith.constant 0 : i32
      %dma_start3A_337 = tpu.memref_slice %arg15[%add3A_58, %dma_start3A_336] : memref<10240x128xf32, #tpu.memory_space<vmem_shared>> -> memref<40x128xf32, #tpu.memory_space<vmem_shared>>
      tpu.enqueue_dma source(%arg13 : memref<40x128xf32, #tpu.memory_space<vmem>>) target(%dma_start3A_337 : memref<40x128xf32, #tpu.memory_space<vmem_shared>>) target_semaphore(%run_scoped3A_333 : memref<!tpu.dma_semaphore, #tpu.memory_space<semaphore_mem>>)
      %dma_wait3A_338 = arith.constant 0 : i32
      %dma_wait3A_339 = tpu.memref_slice %arg15[%add3A_58, %dma_wait3A_338] : memref<10240x128xf32, #tpu.memory_space<vmem_shared>> -> memref<40x128xf32, #tpu.memory_space<vmem_shared>>
      %dma_wait3A_340 = arith.constant 0 : i32
      %dma_wait3A_341 = tpu.memref_slice %arg15[%add3A_58, %dma_wait3A_340] : memref<10240x128xf32, #tpu.memory_space<vmem_shared>> -> memref<40x128xf32, #tpu.memory_space<vmem_shared>>
      tpu.wait_dma2 semaphore(%run_scoped3A_333 : memref<!tpu.dma_semaphore, #tpu.memory_space<semaphore_mem>>) src(%arg13 : memref<40x128xf32, #tpu.memory_space<vmem>>) dst(%dma_wait3A_341 : memref<40x128xf32, #tpu.memory_space<vmem_shared>>)
      tpu.yield
    }) : () -> ()
    %mul3A_59 = arith.constant 640 : i32
    %mul3A_60 = arith.muli %arg1, %mul3A_59 : i32
    %add3A_61 = arith.constant 560 : i32
    %add3A_62 = arith.addi %mul3A_60, %add3A_61 : i32
    "tpu.region"() ({
      %run_scoped3A_333 = tpu.sem_alloc : memref<!tpu.dma_semaphore, #tpu.memory_space<semaphore_mem>>
      %dma_start3A_334 = arith.constant 0 : i32
      %dma_start3A_335 = tpu.memref_slice %arg15[%add3A_62, %dma_start3A_334] : memref<10240x128xf32, #tpu.memory_space<vmem_shared>> -> memref<40x128xf32, #tpu.memory_space<vmem_shared>>
      %dma_start3A_336 = arith.constant 0 : i32
      %dma_start3A_337 = tpu.memref_slice %arg15[%add3A_62, %dma_start3A_336] : memref<10240x128xf32, #tpu.memory_space<vmem_shared>> -> memref<40x128xf32, #tpu.memory_space<vmem_shared>>
      tpu.enqueue_dma source(%arg13 : memref<40x128xf32, #tpu.memory_space<vmem>>) target(%dma_start3A_337 : memref<40x128xf32, #tpu.memory_space<vmem_shared>>) target_semaphore(%run_scoped3A_333 : memref<!tpu.dma_semaphore, #tpu.memory_space<semaphore_mem>>)
      %dma_wait3A_338 = arith.constant 0 : i32
      %dma_wait3A_339 = tpu.memref_slice %arg15[%add3A_62, %dma_wait3A_338] : memref<10240x128xf32, #tpu.memory_space<vmem_shared>> -> memref<40x128xf32, #tpu.memory_space<vmem_shared>>
      %dma_wait3A_340 = arith.constant 0 : i32
      %dma_wait3A_341 = tpu.memref_slice %arg15[%add3A_62, %dma_wait3A_340] : memref<10240x128xf32, #tpu.memory_space<vmem_shared>> -> memref<40x128xf32, #tpu.memory_space<vmem_shared>>
      tpu.wait_dma2 semaphore(%run_scoped3A_333 : memref<!tpu.dma_semaphore, #tpu.memory_space<semaphore_mem>>) src(%arg13 : memref<40x128xf32, #tpu.memory_space<vmem>>) dst(%dma_wait3A_341 : memref<40x128xf32, #tpu.memory_space<vmem_shared>>)
      tpu.yield
    }) : () -> ()
    %mul3A_63 = arith.constant 640 : i32
    %mul3A_64 = arith.muli %arg1, %mul3A_63 : i32
    %add3A_65 = arith.constant 600 : i32
    %add3A_66 = arith.addi %mul3A_64, %add3A_65 : i32
    "tpu.region"() ({
      %run_scoped3A_333 = tpu.sem_alloc : memref<!tpu.dma_semaphore, #tpu.memory_space<semaphore_mem>>
      %dma_start3A_334 = arith.constant 0 : i32
      %dma_start3A_335 = tpu.memref_slice %arg15[%add3A_66, %dma_start3A_334] : memref<10240x128xf32, #tpu.memory_space<vmem_shared>> -> memref<40x128xf32, #tpu.memory_space<vmem_shared>>
      %dma_start3A_336 = arith.constant 0 : i32
      %dma_start3A_337 = tpu.memref_slice %arg15[%add3A_66, %dma_start3A_336] : memref<10240x128xf32, #tpu.memory_space<vmem_shared>> -> memref<40x128xf32, #tpu.memory_space<vmem_shared>>
      tpu.enqueue_dma source(%arg13 : memref<40x128xf32, #tpu.memory_space<vmem>>) target(%dma_start3A_337 : memref<40x128xf32, #tpu.memory_space<vmem_shared>>) target_semaphore(%run_scoped3A_333 : memref<!tpu.dma_semaphore, #tpu.memory_space<semaphore_mem>>)
      %dma_wait3A_338 = arith.constant 0 : i32
      %dma_wait3A_339 = tpu.memref_slice %arg15[%add3A_66, %dma_wait3A_338] : memref<10240x128xf32, #tpu.memory_space<vmem_shared>> -> memref<40x128xf32, #tpu.memory_space<vmem_shared>>
      %dma_wait3A_340 = arith.constant 0 : i32
      %dma_wait3A_341 = tpu.memref_slice %arg15[%add3A_66, %dma_wait3A_340] : memref<10240x128xf32, #tpu.memory_space<vmem_shared>> -> memref<40x128xf32, #tpu.memory_space<vmem_shared>>
      tpu.wait_dma2 semaphore(%run_scoped3A_333 : memref<!tpu.dma_semaphore, #tpu.memory_space<semaphore_mem>>) src(%arg13 : memref<40x128xf32, #tpu.memory_space<vmem>>) dst(%dma_wait3A_341 : memref<40x128xf32, #tpu.memory_space<vmem_shared>>)
      tpu.yield
    }) : () -> ()
    %barrier3A = arith.constant 0 : index
    tpu.barrier barrier_id(%barrier3A)
    %run_scoped3A = arith.constant 0 : i32
    "tpu.region"() ({
      %run_scoped3A_333 = tpu.sem_alloc : memref<!tpu.dma_semaphore, #tpu.memory_space<semaphore_mem>>
      %dma_start3A_334 = arith.constant 0 : i32
      %dma_start3A_335 = arith.constant 0 : i32
      %dma_start3A_336 = tpu.memref_slice %arg3[%add3A, %run_scoped3A, %dma_start3A_334, %dma_start3A_335] : memref<32x5x50x40xi32, #tpu.memory_space<hbm>> -> memref<1x1x50x40xi32, #tpu.memory_space<hbm>>
      %dma_start3A_337 = tpu.memref_squeeze %dma_start3A_336 : memref<1x1x50x40xi32, #tpu.memory_space<hbm>> -> memref<50x40xi32, #tpu.memory_space<hbm>>
      %dma_start3A_338 = arith.constant 0 : i32
      %dma_start3A_339 = arith.constant 0 : i32
      %dma_start3A_340 = tpu.memref_slice %arg3[%add3A, %run_scoped3A, %dma_start3A_338, %dma_start3A_339] : memref<32x5x50x40xi32, #tpu.memory_space<hbm>> -> memref<1x1x50x40xi32, #tpu.memory_space<hbm>>
      %dma_start3A_341 = tpu.memref_squeeze %dma_start3A_340 : memref<1x1x50x40xi32, #tpu.memory_space<hbm>> -> memref<50x40xi32, #tpu.memory_space<hbm>>
      tpu.enqueue_dma source(%dma_start3A_341 : memref<50x40xi32, #tpu.memory_space<hbm>>) target(%arg7 : memref<50x40xi32, #tpu.memory_space<vmem>>) target_semaphore(%run_scoped3A_333 : memref<!tpu.dma_semaphore, #tpu.memory_space<semaphore_mem>>)
      %dma_wait3A_342 = arith.constant 0 : i32
      %dma_wait3A_343 = arith.constant 0 : i32
      %dma_wait3A_344 = tpu.memref_slice %arg3[%add3A, %run_scoped3A, %dma_wait3A_342, %dma_wait3A_343] : memref<32x5x50x40xi32, #tpu.memory_space<hbm>> -> memref<1x1x50x40xi32, #tpu.memory_space<hbm>>
      %dma_wait3A_345 = tpu.memref_squeeze %dma_wait3A_344 : memref<1x1x50x40xi32, #tpu.memory_space<hbm>> -> memref<50x40xi32, #tpu.memory_space<hbm>>
      %dma_wait3A_346 = arith.constant 0 : i32
      %dma_wait3A_347 = arith.constant 0 : i32
      %dma_wait3A_348 = tpu.memref_slice %arg3[%add3A, %run_scoped3A, %dma_wait3A_346, %dma_wait3A_347] : memref<32x5x50x40xi32, #tpu.memory_space<hbm>> -> memref<1x1x50x40xi32, #tpu.memory_space<hbm>>
      %dma_wait3A_349 = tpu.memref_squeeze %dma_wait3A_348 : memref<1x1x50x40xi32, #tpu.memory_space<hbm>> -> memref<50x40xi32, #tpu.memory_space<hbm>>
      tpu.wait_dma2 semaphore(%run_scoped3A_333 : memref<!tpu.dma_semaphore, #tpu.memory_space<semaphore_mem>>) src(%dma_wait3A_349 : memref<50x40xi32, #tpu.memory_space<hbm>>) dst(%arg7 : memref<50x40xi32, #tpu.memory_space<vmem>>)
      tpu.yield
    }) : () -> ()
    %run_scoped3A_67 = arith.constant 0 : i32
    "tpu.region"() ({
      %run_scoped3A_333 = tpu.sem_alloc : memref<!tpu.dma_semaphore, #tpu.memory_space<semaphore_mem>>
      %dma_start3A_334 = arith.constant 0 : i32
      %dma_start3A_335 = arith.constant 0 : i32
      %dma_start3A_336 = tpu.memref_slice %arg4[%add3A, %run_scoped3A_67, %dma_start3A_334, %dma_start3A_335] : memref<32x5x50x40xi32, #tpu.memory_space<hbm>> -> memref<1x1x50x40xi32, #tpu.memory_space<hbm>>
      %dma_start3A_337 = tpu.memref_squeeze %dma_start3A_336 : memref<1x1x50x40xi32, #tpu.memory_space<hbm>> -> memref<50x40xi32, #tpu.memory_space<hbm>>
      %dma_start3A_338 = arith.constant 0 : i32
      %dma_start3A_339 = arith.constant 0 : i32
      %dma_start3A_340 = tpu.memref_slice %arg4[%add3A, %run_scoped3A_67, %dma_start3A_338, %dma_start3A_339] : memref<32x5x50x40xi32, #tpu.memory_space<hbm>> -> memref<1x1x50x40xi32, #tpu.memory_space<hbm>>
      %dma_start3A_341 = tpu.memref_squeeze %dma_start3A_340 : memref<1x1x50x40xi32, #tpu.memory_space<hbm>> -> memref<50x40xi32, #tpu.memory_space<hbm>>
      tpu.enqueue_dma source(%dma_start3A_341 : memref<50x40xi32, #tpu.memory_space<hbm>>) target(%arg8 : memref<50x40xi32, #tpu.memory_space<vmem>>) target_semaphore(%run_scoped3A_333 : memref<!tpu.dma_semaphore, #tpu.memory_space<semaphore_mem>>)
      %dma_wait3A_342 = arith.constant 0 : i32
      %dma_wait3A_343 = arith.constant 0 : i32
      %dma_wait3A_344 = tpu.memref_slice %arg4[%add3A, %run_scoped3A_67, %dma_wait3A_342, %dma_wait3A_343] : memref<32x5x50x40xi32, #tpu.memory_space<hbm>> -> memref<1x1x50x40xi32, #tpu.memory_space<hbm>>
      %dma_wait3A_345 = tpu.memref_squeeze %dma_wait3A_344 : memref<1x1x50x40xi32, #tpu.memory_space<hbm>> -> memref<50x40xi32, #tpu.memory_space<hbm>>
      %dma_wait3A_346 = arith.constant 0 : i32
      %dma_wait3A_347 = arith.constant 0 : i32
      %dma_wait3A_348 = tpu.memref_slice %arg4[%add3A, %run_scoped3A_67, %dma_wait3A_346, %dma_wait3A_347] : memref<32x5x50x40xi32, #tpu.memory_space<hbm>> -> memref<1x1x50x40xi32, #tpu.memory_space<hbm>>
      %dma_wait3A_349 = tpu.memref_squeeze %dma_wait3A_348 : memref<1x1x50x40xi32, #tpu.memory_space<hbm>> -> memref<50x40xi32, #tpu.memory_space<hbm>>
      tpu.wait_dma2 semaphore(%run_scoped3A_333 : memref<!tpu.dma_semaphore, #tpu.memory_space<semaphore_mem>>) src(%dma_wait3A_349 : memref<50x40xi32, #tpu.memory_space<hbm>>) dst(%arg8 : memref<50x40xi32, #tpu.memory_space<vmem>>)
      tpu.yield
    }) : () -> ()
    %dma_start3A = arith.constant 0 : i32
    %dma_start3A_68 = arith.constant 0 : i32
    %dma_start3A_69 = tpu.memref_slice %arg7[%dma_start3A, %dma_start3A_68] : memref<50x40xi32, #tpu.memory_space<vmem>> -> memref<1x40xi32, #tpu.memory_space<vmem>>
    %dma_start3A_70 = tpu.memref_squeeze %dma_start3A_69 : memref<1x40xi32, #tpu.memory_space<vmem>> -> memref<40xi32, #tpu.memory_space<vmem>>
    %dma_start3A_71 = arith.constant 0 : i32
    %dma_start3A_72 = arith.constant 0 : i32
    %dma_start3A_73 = tpu.memref_slice %arg2[%dma_start3A_71, %dma_start3A_72] : memref<10000x128xf32, #tpu.memory_space<hbm>> -> memref<10000x128xf32, #tpu.memory_space<hbm>>
    tpu.enqueue_indirect_dma source(%dma_start3A_73 : memref<10000x128xf32, #tpu.memory_space<hbm>>) target(%arg9 : memref<40x128xf32, #tpu.memory_space<vmem>>) offsets(%dma_start3A_70 : memref<40xi32, #tpu.memory_space<vmem>>) semaphore(%arg16 : memref<!tpu.dma_semaphore, #tpu.memory_space<semaphore_mem>>)
    %dma_start3A_74 = arith.constant 0 : i32
    %dma_start3A_75 = arith.constant 0 : i32
    %dma_start3A_76 = arith.constant 0 : i32
    %dma_start3A_77 = tpu.memref_slice %arg5[%add3A, %dma_start3A_74, %dma_start3A_75, %dma_start3A_76] : memref<32x250x40x64xi32, #tpu.memory_space<hbm>> -> memref<1x1x40x64xi32, #tpu.memory_space<hbm>>
    %dma_start3A_78 = tpu.memref_squeeze %dma_start3A_77 : memref<1x1x40x64xi32, #tpu.memory_space<hbm>> -> memref<40x64xi32, #tpu.memory_space<hbm>>
    %dma_start3A_79 = arith.constant 0 : i32
    %dma_start3A_80 = arith.constant 0 : i32
    %dma_start3A_81 = tpu.memref_slice %arg5[%add3A, %dma_start3A_74, %dma_start3A_79, %dma_start3A_80] : memref<32x250x40x64xi32, #tpu.memory_space<hbm>> -> memref<1x1x40x64xi32, #tpu.memory_space<hbm>>
    %dma_start3A_82 = tpu.memref_squeeze %dma_start3A_81 : memref<1x1x40x64xi32, #tpu.memory_space<hbm>> -> memref<40x64xi32, #tpu.memory_space<hbm>>
    tpu.enqueue_dma source(%dma_start3A_82 : memref<40x64xi32, #tpu.memory_space<hbm>>) target(%arg11 : memref<40x64xi32, #tpu.memory_space<vmem>>) target_semaphore(%arg18 : memref<!tpu.dma_semaphore, #tpu.memory_space<semaphore_mem>>)
    %dma_start3A_83 = arith.constant 1 : i32
    %dma_start3A_84 = arith.constant 0 : i32
    %dma_start3A_85 = tpu.memref_slice %arg7[%dma_start3A_83, %dma_start3A_84] : memref<50x40xi32, #tpu.memory_space<vmem>> -> memref<1x40xi32, #tpu.memory_space<vmem>>
    %dma_start3A_86 = tpu.memref_squeeze %dma_start3A_85 : memref<1x40xi32, #tpu.memory_space<vmem>> -> memref<40xi32, #tpu.memory_space<vmem>>
    %dma_start3A_87 = arith.constant 0 : i32
    %dma_start3A_88 = arith.constant 0 : i32
    %dma_start3A_89 = tpu.memref_slice %arg2[%dma_start3A_87, %dma_start3A_88] : memref<10000x128xf32, #tpu.memory_space<hbm>> -> memref<10000x128xf32, #tpu.memory_space<hbm>>
    tpu.enqueue_indirect_dma source(%dma_start3A_89 : memref<10000x128xf32, #tpu.memory_space<hbm>>) target(%arg10 : memref<40x128xf32, #tpu.memory_space<vmem>>) offsets(%dma_start3A_86 : memref<40xi32, #tpu.memory_space<vmem>>) semaphore(%arg17 : memref<!tpu.dma_semaphore, #tpu.memory_space<semaphore_mem>>)
    %dma_start3A_90 = arith.constant 1 : i32
    %dma_start3A_91 = arith.constant 0 : i32
    %dma_start3A_92 = arith.constant 0 : i32
    %dma_start3A_93 = tpu.memref_slice %arg5[%add3A, %dma_start3A_90, %dma_start3A_91, %dma_start3A_92] : memref<32x250x40x64xi32, #tpu.memory_space<hbm>> -> memref<1x1x40x64xi32, #tpu.memory_space<hbm>>
    %dma_start3A_94 = tpu.memref_squeeze %dma_start3A_93 : memref<1x1x40x64xi32, #tpu.memory_space<hbm>> -> memref<40x64xi32, #tpu.memory_space<hbm>>
    %dma_start3A_95 = arith.constant 0 : i32
    %dma_start3A_96 = arith.constant 0 : i32
    %dma_start3A_97 = tpu.memref_slice %arg5[%add3A, %dma_start3A_90, %dma_start3A_95, %dma_start3A_96] : memref<32x250x40x64xi32, #tpu.memory_space<hbm>> -> memref<1x1x40x64xi32, #tpu.memory_space<hbm>>
    %dma_start3A_98 = tpu.memref_squeeze %dma_start3A_97 : memref<1x1x40x64xi32, #tpu.memory_space<hbm>> -> memref<40x64xi32, #tpu.memory_space<hbm>>
    tpu.enqueue_dma source(%dma_start3A_98 : memref<40x64xi32, #tpu.memory_space<hbm>>) target(%arg12 : memref<40x64xi32, #tpu.memory_space<vmem>>) target_semaphore(%arg19 : memref<!tpu.dma_semaphore, #tpu.memory_space<semaphore_mem>>)
    %scan3A = arith.constant 0 : i32
    %scan3A_99 = arith.constant 25 : i32
    %scan3A_100 = arith.addi %scan3A, %scan3A_99 : i32
    %scan3A_101 = arith.constant 1 : i32
    scf.for %scan3A_333 = %scan3A to %scan3A_100 step %scan3A_101  : i32 {
      %mul3A_334 = arith.constant 2 : i32
      %mul3A_335 = arith.muli %scan3A_333, %mul3A_334 : i32
      %add3A_336 = arith.constant 0 : i32
      %add3A_337 = arith.addi %add3A_336, %mul3A_335 : i32
      %ge3A = arith.constant 2 : i32
      %ge3A_338 = arith.cmpi sge, %add3A_337, %ge3A : i32
      %dma_wait3A_339 = arith.constant 0 : i32
      %dma_wait3A_340 = tpu.memref_slice %arg7[%add3A_337, %dma_wait3A_339] : memref<50x40xi32, #tpu.memory_space<vmem>> -> memref<1x40xi32, #tpu.memory_space<vmem>>
      %dma_wait3A_341 = tpu.memref_squeeze %dma_wait3A_340 : memref<1x40xi32, #tpu.memory_space<vmem>> -> memref<40xi32, #tpu.memory_space<vmem>>
      %dma_wait3A_342 = arith.constant 0 : i32
      %dma_wait3A_343 = arith.constant 0 : i32
      %dma_wait3A_344 = tpu.memref_slice %arg2[%dma_wait3A_342, %dma_wait3A_343] : memref<10000x128xf32, #tpu.memory_space<hbm>> -> memref<10000x128xf32, #tpu.memory_space<hbm>>
      tpu.wait_indirect_dma semaphore(%arg16 : memref<!tpu.dma_semaphore, #tpu.memory_space<semaphore_mem>>) src(%dma_wait3A_344 : memref<10000x128xf32, #tpu.memory_space<hbm>>) dst(%arg9 : memref<40x128xf32, #tpu.memory_space<vmem>>)
      %dma_wait3A_345 = arith.constant 0 : i32
      %dma_wait3A_346 = arith.constant 0 : i32
      %dma_wait3A_347 = arith.constant 0 : i32
      %dma_wait3A_348 = arith.constant 0 : i32
      %dma_wait3A_349 = tpu.memref_slice %arg5[%dma_wait3A_345, %dma_wait3A_346, %dma_wait3A_347, %dma_wait3A_348] : memref<32x250x40x64xi32, #tpu.memory_space<hbm>> -> memref<1x1x40x64xi32, #tpu.memory_space<hbm>>
      %dma_wait3A_350 = tpu.memref_squeeze %dma_wait3A_349 : memref<1x1x40x64xi32, #tpu.memory_space<hbm>> -> memref<40x64xi32, #tpu.memory_space<hbm>>
      %dma_wait3A_351 = arith.constant 0 : i32
      %dma_wait3A_352 = arith.constant 0 : i32
      %dma_wait3A_353 = tpu.memref_slice %arg5[%dma_wait3A_345, %dma_wait3A_346, %dma_wait3A_351, %dma_wait3A_352] : memref<32x250x40x64xi32, #tpu.memory_space<hbm>> -> memref<1x1x40x64xi32, #tpu.memory_space<hbm>>
      %dma_wait3A_354 = tpu.memref_squeeze %dma_wait3A_353 : memref<1x1x40x64xi32, #tpu.memory_space<hbm>> -> memref<40x64xi32, #tpu.memory_space<hbm>>
      tpu.wait_dma2 semaphore(%arg18 : memref<!tpu.dma_semaphore, #tpu.memory_space<semaphore_mem>>) src(%dma_wait3A_354 : memref<40x64xi32, #tpu.memory_space<hbm>>) dst(%arg11 : memref<40x64xi32, #tpu.memory_space<vmem>>)
      %convert_element_type3A = arith.extui %ge3A_338 : i1 to i32
      %cond3A = arith.constant 0 : i32
      %cond3A_355 = arith.cmpi ne, %convert_element_type3A, %cond3A : i32
      scf.if %cond3A_355 {
        %dma_wait3A_413 = arith.constant 0 : i32
        %dma_wait3A_414 = tpu.memref_slice %arg8[%add3A_337, %dma_wait3A_413] : memref<50x40xi32, #tpu.memory_space<vmem>> -> memref<1x40xi32, #tpu.memory_space<vmem>>
        %dma_wait3A_415 = tpu.memref_squeeze %dma_wait3A_414 : memref<1x40xi32, #tpu.memory_space<vmem>> -> memref<40xi32, #tpu.memory_space<vmem>>
        %dma_wait3A_416 = arith.constant 0 : i32
        %dma_wait3A_417 = arith.constant 0 : i32
        %dma_wait3A_418 = tpu.memref_slice %arg15[%dma_wait3A_416, %dma_wait3A_417] : memref<10240x128xf32, #tpu.memory_space<vmem_shared>> -> memref<10240x128xf32, #tpu.memory_space<vmem_shared>>
        tpu.wait_indirect_dma semaphore(%arg20 : memref<!tpu.dma_semaphore, #tpu.memory_space<semaphore_mem>>) src(%arg13 : memref<40x128xf32, #tpu.memory_space<vmem>>) dst(%dma_wait3A_418 : memref<10240x128xf32, #tpu.memory_space<vmem_shared>>)
      } else {
      }
      %broadcast_in_dim3A = arith.constant -65536 : i32
      %broadcast_in_dim3A_356 = vector.broadcast %broadcast_in_dim3A : i32 to vector<16xi32>
      %parallel_loop3A_357 = arith.constant 0 : i32
      %parallel_loop3A_358 = arith.constant 40 : i32
      %parallel_loop3A_359 = arith.constant 1 : i32
      scf.for %parallel_loop3A_413 = %parallel_loop3A_357 to %parallel_loop3A_358 step %parallel_loop3A_359  : i32 {
        %parallel_loop3A_414 = arith.index_cast %parallel_loop3A_413 : i32 to index
        %parallel_loop3A_415 = arith.constant 0 : index
        %parallel_loop3A_416 = tpu.vector_load %arg11[%parallel_loop3A_414, %parallel_loop3A_415] {strides = array<i32>} : memref<40x64xi32, #tpu.memory_space<vmem>>, vector<1x16xi32>,
        %parallel_loop3A_417 = vector.shape_cast %parallel_loop3A_416 : vector<1x16xi32> to vector<16xi32>
        %parallel_loop3A_418 = arith.constant 16 : i32
        %parallel_loop3A_419 = vector.broadcast %parallel_loop3A_418 : i32 to vector<16xi32>
        %parallel_loop3A_420 = arith.shli %parallel_loop3A_417, %parallel_loop3A_419 : vector<16xi32>
        %parallel_loop3A_421 = tpu.bitcast %parallel_loop3A_420 : vector<16xi32> -> vector<16xf32>
        %parallel_loop3A_422 = arith.andi %parallel_loop3A_417, %broadcast_in_dim3A_356 : vector<16xi32>
        %parallel_loop3A_423 = tpu.bitcast %parallel_loop3A_422 : vector<16xi32> -> vector<16xf32>
        %parallel_loop3A_424 = arith.index_cast %parallel_loop3A_413 : i32 to index
        %parallel_loop3A_425 = arith.constant 0 : index
        %parallel_loop3A_426 = tpu.vector_load %arg9[%parallel_loop3A_424, %parallel_loop3A_425] {strides = array<i32>} : memref<40x128xf32, #tpu.memory_space<vmem>>, vector<1x16xf32>,
        %parallel_loop3A_427 = vector.shape_cast %parallel_loop3A_426 : vector<1x16xf32> to vector<16xf32>
        %parallel_loop3A_428 = arith.mulf %parallel_loop3A_427, %parallel_loop3A_421 : vector<16xf32>
        %parallel_loop3A_429 = arith.index_cast %parallel_loop3A_413 : i32 to index
        %parallel_loop3A_430 = arith.constant 0 : index
        %parallel_loop3A_431 = tpu.vector_load %arg13[%parallel_loop3A_429, %parallel_loop3A_430] {strides = array<i32>} : memref<40x128xf32, #tpu.memory_space<vmem>>, vector<1x16xf32>,
        %parallel_loop3A_432 = vector.shape_cast %parallel_loop3A_431 : vector<1x16xf32> to vector<16xf32>
        %parallel_loop3A_433 = vector.shape_cast %parallel_loop3A_428 : vector<16xf32> to vector<1x16xf32>
        tpu.vector_store %arg13[%parallel_loop3A_429, %parallel_loop3A_430], %parallel_loop3A_433 {strides = array<i32>} : memref<40x128xf32, #tpu.memory_space<vmem>>, vector<1x16xf32>,
        %parallel_loop3A_434 = arith.index_cast %parallel_loop3A_413 : i32 to index
        %parallel_loop3A_435 = arith.constant 16 : index
        %parallel_loop3A_436 = tpu.vector_load %arg9[%parallel_loop3A_434, %parallel_loop3A_435] {strides = array<i32>} : memref<40x128xf32, #tpu.memory_space<vmem>>, vector<1x16xf32>,
        %parallel_loop3A_437 = vector.shape_cast %parallel_loop3A_436 : vector<1x16xf32> to vector<16xf32>
        %parallel_loop3A_438 = arith.mulf %parallel_loop3A_437, %parallel_loop3A_423 : vector<16xf32>
        %parallel_loop3A_439 = arith.index_cast %parallel_loop3A_413 : i32 to index
        %parallel_loop3A_440 = arith.constant 16 : index
        %parallel_loop3A_441 = tpu.vector_load %arg13[%parallel_loop3A_439, %parallel_loop3A_440] {strides = array<i32>} : memref<40x128xf32, #tpu.memory_space<vmem>>, vector<1x16xf32>,
        %parallel_loop3A_442 = vector.shape_cast %parallel_loop3A_441 : vector<1x16xf32> to vector<16xf32>
        %parallel_loop3A_443 = vector.shape_cast %parallel_loop3A_438 : vector<16xf32> to vector<1x16xf32>
        tpu.vector_store %arg13[%parallel_loop3A_439, %parallel_loop3A_440], %parallel_loop3A_443 {strides = array<i32>} : memref<40x128xf32, #tpu.memory_space<vmem>>, vector<1x16xf32>,
        %parallel_loop3A_444 = arith.index_cast %parallel_loop3A_413 : i32 to index
        %parallel_loop3A_445 = arith.constant 16 : index
        %parallel_loop3A_446 = tpu.vector_load %arg11[%parallel_loop3A_444, %parallel_loop3A_445] {strides = array<i32>} : memref<40x64xi32, #tpu.memory_space<vmem>>, vector<1x16xi32>,
        %parallel_loop3A_447 = vector.shape_cast %parallel_loop3A_446 : vector<1x16xi32> to vector<16xi32>
        %parallel_loop3A_448 = arith.constant 16 : i32
        %parallel_loop3A_449 = vector.broadcast %parallel_loop3A_448 : i32 to vector<16xi32>
        %parallel_loop3A_450 = arith.shli %parallel_loop3A_447, %parallel_loop3A_449 : vector<16xi32>
        %parallel_loop3A_451 = tpu.bitcast %parallel_loop3A_450 : vector<16xi32> -> vector<16xf32>
        %parallel_loop3A_452 = arith.andi %parallel_loop3A_447, %broadcast_in_dim3A_356 : vector<16xi32>
        %parallel_loop3A_453 = tpu.bitcast %parallel_loop3A_452 : vector<16xi32> -> vector<16xf32>
        %parallel_loop3A_454 = arith.index_cast %parallel_loop3A_413 : i32 to index
        %parallel_loop3A_455 = arith.constant 32 : index
        %parallel_loop3A_456 = tpu.vector_load %arg9[%parallel_loop3A_454, %parallel_loop3A_455] {strides = array<i32>} : memref<40x128xf32, #tpu.memory_space<vmem>>, vector<1x16xf32>,
        %parallel_loop3A_457 = vector.shape_cast %parallel_loop3A_456 : vector<1x16xf32> to vector<16xf32>
        %parallel_loop3A_458 = arith.mulf %parallel_loop3A_457, %parallel_loop3A_451 : vector<16xf32>
        %parallel_loop3A_459 = arith.index_cast %parallel_loop3A_413 : i32 to index
        %parallel_loop3A_460 = arith.constant 32 : index
        %parallel_loop3A_461 = tpu.vector_load %arg13[%parallel_loop3A_459, %parallel_loop3A_460] {strides = array<i32>} : memref<40x128xf32, #tpu.memory_space<vmem>>, vector<1x16xf32>,
        %parallel_loop3A_462 = vector.shape_cast %parallel_loop3A_461 : vector<1x16xf32> to vector<16xf32>
        %parallel_loop3A_463 = vector.shape_cast %parallel_loop3A_458 : vector<16xf32> to vector<1x16xf32>
        tpu.vector_store %arg13[%parallel_loop3A_459, %parallel_loop3A_460], %parallel_loop3A_463 {strides = array<i32>} : memref<40x128xf32, #tpu.memory_space<vmem>>, vector<1x16xf32>,
        %parallel_loop3A_464 = arith.index_cast %parallel_loop3A_413 : i32 to index
        %parallel_loop3A_465 = arith.constant 48 : index
        %parallel_loop3A_466 = tpu.vector_load %arg9[%parallel_loop3A_464, %parallel_loop3A_465] {strides = array<i32>} : memref<40x128xf32, #tpu.memory_space<vmem>>, vector<1x16xf32>,
        %parallel_loop3A_467 = vector.shape_cast %parallel_loop3A_466 : vector<1x16xf32> to vector<16xf32>
        %parallel_loop3A_468 = arith.mulf %parallel_loop3A_467, %parallel_loop3A_453 : vector<16xf32>
        %parallel_loop3A_469 = arith.index_cast %parallel_loop3A_413 : i32 to index
        %parallel_loop3A_470 = arith.constant 48 : index
        %parallel_loop3A_471 = tpu.vector_load %arg13[%parallel_loop3A_469, %parallel_loop3A_470] {strides = array<i32>} : memref<40x128xf32, #tpu.memory_space<vmem>>, vector<1x16xf32>,
        %parallel_loop3A_472 = vector.shape_cast %parallel_loop3A_471 : vector<1x16xf32> to vector<16xf32>
        %parallel_loop3A_473 = vector.shape_cast %parallel_loop3A_468 : vector<16xf32> to vector<1x16xf32>
        tpu.vector_store %arg13[%parallel_loop3A_469, %parallel_loop3A_470], %parallel_loop3A_473 {strides = array<i32>} : memref<40x128xf32, #tpu.memory_space<vmem>>, vector<1x16xf32>,
        %parallel_loop3A_474 = arith.index_cast %parallel_loop3A_413 : i32 to index
        %parallel_loop3A_475 = arith.constant 32 : index
        %parallel_loop3A_476 = tpu.vector_load %arg11[%parallel_loop3A_474, %parallel_loop3A_475] {strides = array<i32>} : memref<40x64xi32, #tpu.memory_space<vmem>>, vector<1x16xi32>,
        %parallel_loop3A_477 = vector.shape_cast %parallel_loop3A_476 : vector<1x16xi32> to vector<16xi32>
        %parallel_loop3A_478 = arith.constant 16 : i32
        %parallel_loop3A_479 = vector.broadcast %parallel_loop3A_478 : i32 to vector<16xi32>
        %parallel_loop3A_480 = arith.shli %parallel_loop3A_477, %parallel_loop3A_479 : vector<16xi32>
        %parallel_loop3A_481 = tpu.bitcast %parallel_loop3A_480 : vector<16xi32> -> vector<16xf32>
        %parallel_loop3A_482 = arith.andi %parallel_loop3A_477, %broadcast_in_dim3A_356 : vector<16xi32>
        %parallel_loop3A_483 = tpu.bitcast %parallel_loop3A_482 : vector<16xi32> -> vector<16xf32>
        %parallel_loop3A_484 = arith.index_cast %parallel_loop3A_413 : i32 to index
        %parallel_loop3A_485 = arith.constant 64 : index
        %parallel_loop3A_486 = tpu.vector_load %arg9[%parallel_loop3A_484, %parallel_loop3A_485] {strides = array<i32>} : memref<40x128xf32, #tpu.memory_space<vmem>>, vector<1x16xf32>,
        %parallel_loop3A_487 = vector.shape_cast %parallel_loop3A_486 : vector<1x16xf32> to vector<16xf32>
        %parallel_loop3A_488 = arith.mulf %parallel_loop3A_487, %parallel_loop3A_481 : vector<16xf32>
        %parallel_loop3A_489 = arith.index_cast %parallel_loop3A_413 : i32 to index
        %parallel_loop3A_490 = arith.constant 64 : index
        %parallel_loop3A_491 = tpu.vector_load %arg13[%parallel_loop3A_489, %parallel_loop3A_490] {strides = array<i32>} : memref<40x128xf32, #tpu.memory_space<vmem>>, vector<1x16xf32>,
        %parallel_loop3A_492 = vector.shape_cast %parallel_loop3A_491 : vector<1x16xf32> to vector<16xf32>
        %parallel_loop3A_493 = vector.shape_cast %parallel_loop3A_488 : vector<16xf32> to vector<1x16xf32>
        tpu.vector_store %arg13[%parallel_loop3A_489, %parallel_loop3A_490], %parallel_loop3A_493 {strides = array<i32>} : memref<40x128xf32, #tpu.memory_space<vmem>>, vector<1x16xf32>,
        %parallel_loop3A_494 = arith.index_cast %parallel_loop3A_413 : i32 to index
        %parallel_loop3A_495 = arith.constant 80 : index
        %parallel_loop3A_496 = tpu.vector_load %arg9[%parallel_loop3A_494, %parallel_loop3A_495] {strides = array<i32>} : memref<40x128xf32, #tpu.memory_space<vmem>>, vector<1x16xf32>,
        %parallel_loop3A_497 = vector.shape_cast %parallel_loop3A_496 : vector<1x16xf32> to vector<16xf32>
        %parallel_loop3A_498 = arith.mulf %parallel_loop3A_497, %parallel_loop3A_483 : vector<16xf32>
        %parallel_loop3A_499 = arith.index_cast %parallel_loop3A_413 : i32 to index
        %parallel_loop3A_500 = arith.constant 80 : index
        %parallel_loop3A_501 = tpu.vector_load %arg13[%parallel_loop3A_499, %parallel_loop3A_500] {strides = array<i32>} : memref<40x128xf32, #tpu.memory_space<vmem>>, vector<1x16xf32>,
        %parallel_loop3A_502 = vector.shape_cast %parallel_loop3A_501 : vector<1x16xf32> to vector<16xf32>
        %parallel_loop3A_503 = vector.shape_cast %parallel_loop3A_498 : vector<16xf32> to vector<1x16xf32>
        tpu.vector_store %arg13[%parallel_loop3A_499, %parallel_loop3A_500], %parallel_loop3A_503 {strides = array<i32>} : memref<40x128xf32, #tpu.memory_space<vmem>>, vector<1x16xf32>,
        %parallel_loop3A_504 = arith.index_cast %parallel_loop3A_413 : i32 to index
        %parallel_loop3A_505 = arith.constant 48 : index
        %parallel_loop3A_506 = tpu.vector_load %arg11[%parallel_loop3A_504, %parallel_loop3A_505] {strides = array<i32>} : memref<40x64xi32, #tpu.memory_space<vmem>>, vector<1x16xi32>,
        %parallel_loop3A_507 = vector.shape_cast %parallel_loop3A_506 : vector<1x16xi32> to vector<16xi32>
        %parallel_loop3A_508 = arith.constant 16 : i32
        %parallel_loop3A_509 = vector.broadcast %parallel_loop3A_508 : i32 to vector<16xi32>
        %parallel_loop3A_510 = arith.shli %parallel_loop3A_507, %parallel_loop3A_509 : vector<16xi32>
        %parallel_loop3A_511 = tpu.bitcast %parallel_loop3A_510 : vector<16xi32> -> vector<16xf32>
        %parallel_loop3A_512 = arith.andi %parallel_loop3A_507, %broadcast_in_dim3A_356 : vector<16xi32>
        %parallel_loop3A_513 = tpu.bitcast %parallel_loop3A_512 : vector<16xi32> -> vector<16xf32>
        %parallel_loop3A_514 = arith.index_cast %parallel_loop3A_413 : i32 to index
        %parallel_loop3A_515 = arith.constant 96 : index
        %parallel_loop3A_516 = tpu.vector_load %arg9[%parallel_loop3A_514, %parallel_loop3A_515] {strides = array<i32>} : memref<40x128xf32, #tpu.memory_space<vmem>>, vector<1x16xf32>,
        %parallel_loop3A_517 = vector.shape_cast %parallel_loop3A_516 : vector<1x16xf32> to vector<16xf32>
        %parallel_loop3A_518 = arith.mulf %parallel_loop3A_517, %parallel_loop3A_511 : vector<16xf32>
        %parallel_loop3A_519 = arith.index_cast %parallel_loop3A_413 : i32 to index
        %parallel_loop3A_520 = arith.constant 96 : index
        %parallel_loop3A_521 = tpu.vector_load %arg13[%parallel_loop3A_519, %parallel_loop3A_520] {strides = array<i32>} : memref<40x128xf32, #tpu.memory_space<vmem>>, vector<1x16xf32>,
        %parallel_loop3A_522 = vector.shape_cast %parallel_loop3A_521 : vector<1x16xf32> to vector<16xf32>
        %parallel_loop3A_523 = vector.shape_cast %parallel_loop3A_518 : vector<16xf32> to vector<1x16xf32>
        tpu.vector_store %arg13[%parallel_loop3A_519, %parallel_loop3A_520], %parallel_loop3A_523 {strides = array<i32>} : memref<40x128xf32, #tpu.memory_space<vmem>>, vector<1x16xf32>,
        %parallel_loop3A_524 = arith.index_cast %parallel_loop3A_413 : i32 to index
        %parallel_loop3A_525 = arith.constant 112 : index
        %parallel_loop3A_526 = tpu.vector_load %arg9[%parallel_loop3A_524, %parallel_loop3A_525] {strides = array<i32>} : memref<40x128xf32, #tpu.memory_space<vmem>>, vector<1x16xf32>,
        %parallel_loop3A_527 = vector.shape_cast %parallel_loop3A_526 : vector<1x16xf32> to vector<16xf32>
        %parallel_loop3A_528 = arith.mulf %parallel_loop3A_527, %parallel_loop3A_513 : vector<16xf32>
        %parallel_loop3A_529 = arith.index_cast %parallel_loop3A_413 : i32 to index
        %parallel_loop3A_530 = arith.constant 112 : index
        %parallel_loop3A_531 = tpu.vector_load %arg13[%parallel_loop3A_529, %parallel_loop3A_530] {strides = array<i32>} : memref<40x128xf32, #tpu.memory_space<vmem>>, vector<1x16xf32>,
        %parallel_loop3A_532 = vector.shape_cast %parallel_loop3A_531 : vector<1x16xf32> to vector<16xf32>
        %parallel_loop3A_533 = vector.shape_cast %parallel_loop3A_528 : vector<16xf32> to vector<1x16xf32>
        tpu.vector_store %arg13[%parallel_loop3A_529, %parallel_loop3A_530], %parallel_loop3A_533 {strides = array<i32>} : memref<40x128xf32, #tpu.memory_space<vmem>>, vector<1x16xf32>,
      } {sc.loop_unroll_factor = 4 : i64, sc.parallel_access}
      %dma_start3A_360 = arith.constant 0 : i32
      %dma_start3A_361 = tpu.memref_slice %arg8[%add3A_337, %dma_start3A_360] : memref<50x40xi32, #tpu.memory_space<vmem>> -> memref<1x40xi32, #tpu.memory_space<vmem>>
      %dma_start3A_362 = tpu.memref_squeeze %dma_start3A_361 : memref<1x40xi32, #tpu.memory_space<vmem>> -> memref<40xi32, #tpu.memory_space<vmem>>
      %dma_start3A_363 = arith.constant 0 : i32
      %dma_start3A_364 = arith.constant 0 : i32
      %dma_start3A_365 = tpu.memref_slice %arg15[%dma_start3A_363, %dma_start3A_364] : memref<10240x128xf32, #tpu.memory_space<vmem_shared>> -> memref<10240x128xf32, #tpu.memory_space<vmem_shared>>
      tpu.enqueue_indirect_dma source(%arg13 : memref<40x128xf32, #tpu.memory_space<vmem>>) target(%dma_start3A_365 : memref<10240x128xf32, #tpu.memory_space<vmem_shared>>) offsets(%dma_start3A_362 : memref<40xi32, #tpu.memory_space<vmem>>) semaphore(%arg20 : memref<!tpu.dma_semaphore, #tpu.memory_space<semaphore_mem>>) {add = true}
      %add3A_366 = arith.constant 2 : i32
      %add3A_367 = arith.addi %add3A_337, %add3A_366 : i32
      %lt3A = arith.constant 50 : i32
      %lt3A_368 = arith.cmpi slt, %add3A_367, %lt3A : i32
      %convert_element_type3A_369 = arith.extui %lt3A_368 : i1 to i32
      %cond3A_370 = arith.constant 0 : i32
      %cond3A_371 = arith.cmpi ne, %convert_element_type3A_369, %cond3A_370 : i32
      scf.if %cond3A_371 {
        %add3A_413 = arith.constant 2 : i32
        %add3A_414 = arith.addi %add3A_337, %add3A_413 : i32
        %dma_start3A_415 = arith.constant 0 : i32
        %dma_start3A_416 = tpu.memref_slice %arg7[%add3A_414, %dma_start3A_415] : memref<50x40xi32, #tpu.memory_space<vmem>> -> memref<1x40xi32, #tpu.memory_space<vmem>>
        %dma_start3A_417 = tpu.memref_squeeze %dma_start3A_416 : memref<1x40xi32, #tpu.memory_space<vmem>> -> memref<40xi32, #tpu.memory_space<vmem>>
        %dma_start3A_418 = arith.constant 0 : i32
        %dma_start3A_419 = arith.constant 0 : i32
        %dma_start3A_420 = tpu.memref_slice %arg2[%dma_start3A_418, %dma_start3A_419] : memref<10000x128xf32, #tpu.memory_space<hbm>> -> memref<10000x128xf32, #tpu.memory_space<hbm>>
        tpu.enqueue_indirect_dma source(%dma_start3A_420 : memref<10000x128xf32, #tpu.memory_space<hbm>>) target(%arg9 : memref<40x128xf32, #tpu.memory_space<vmem>>) offsets(%dma_start3A_417 : memref<40xi32, #tpu.memory_space<vmem>>) semaphore(%arg16 : memref<!tpu.dma_semaphore, #tpu.memory_space<semaphore_mem>>)
        %add3A_421 = arith.constant 0 : i32
        %add3A_422 = arith.addi %add3A_421, %add3A_414 : i32
        %dma_start3A_423 = arith.constant 0 : i32
        %dma_start3A_424 = arith.constant 0 : i32
        %dma_start3A_425 = tpu.memref_slice %arg5[%add3A, %add3A_422, %dma_start3A_423, %dma_start3A_424] : memref<32x250x40x64xi32, #tpu.memory_space<hbm>> -> memref<1x1x40x64xi32, #tpu.memory_space<hbm>>
        %dma_start3A_426 = tpu.memref_squeeze %dma_start3A_425 : memref<1x1x40x64xi32, #tpu.memory_space<hbm>> -> memref<40x64xi32, #tpu.memory_space<hbm>>
        %dma_start3A_427 = arith.constant 0 : i32
        %dma_start3A_428 = arith.constant 0 : i32
        %dma_start3A_429 = tpu.memref_slice %arg5[%add3A, %add3A_422, %dma_start3A_427, %dma_start3A_428] : memref<32x250x40x64xi32, #tpu.memory_space<hbm>> -> memref<1x1x40x64xi32, #tpu.memory_space<hbm>>
        %dma_start3A_430 = tpu.memref_squeeze %dma_start3A_429 : memref<1x1x40x64xi32, #tpu.memory_space<hbm>> -> memref<40x64xi32, #tpu.memory_space<hbm>>
        tpu.enqueue_dma source(%dma_start3A_430 : memref<40x64xi32, #tpu.memory_space<hbm>>) target(%arg11 : memref<40x64xi32, #tpu.memory_space<vmem>>) target_semaphore(%arg18 : memref<!tpu.dma_semaphore, #tpu.memory_space<semaphore_mem>>)
      } else {
      }
      %add3A_372 = arith.constant 1 : i32
      %add3A_373 = arith.addi %add3A_337, %add3A_372 : i32
      %ge3A_374 = arith.constant 2 : i32
      %ge3A_375 = arith.cmpi sge, %add3A_337, %ge3A_374 : i32
      %dma_wait3A_376 = arith.constant 0 : i32
      %dma_wait3A_377 = tpu.memref_slice %arg7[%add3A_373, %dma_wait3A_376] : memref<50x40xi32, #tpu.memory_space<vmem>> -> memref<1x40xi32, #tpu.memory_space<vmem>>
      %dma_wait3A_378 = tpu.memref_squeeze %dma_wait3A_377 : memref<1x40xi32, #tpu.memory_space<vmem>> -> memref<40xi32, #tpu.memory_space<vmem>>
      %dma_wait3A_379 = arith.constant 0 : i32
      %dma_wait3A_380 = arith.constant 0 : i32
      %dma_wait3A_381 = tpu.memref_slice %arg2[%dma_wait3A_379, %dma_wait3A_380] : memref<10000x128xf32, #tpu.memory_space<hbm>> -> memref<10000x128xf32, #tpu.memory_space<hbm>>
      tpu.wait_indirect_dma semaphore(%arg17 : memref<!tpu.dma_semaphore, #tpu.memory_space<semaphore_mem>>) src(%dma_wait3A_381 : memref<10000x128xf32, #tpu.memory_space<hbm>>) dst(%arg10 : memref<40x128xf32, #tpu.memory_space<vmem>>)
      %dma_wait3A_382 = arith.constant 0 : i32
      %dma_wait3A_383 = arith.constant 0 : i32
      %dma_wait3A_384 = arith.constant 0 : i32
      %dma_wait3A_385 = arith.constant 0 : i32
      %dma_wait3A_386 = tpu.memref_slice %arg5[%dma_wait3A_382, %dma_wait3A_383, %dma_wait3A_384, %dma_wait3A_385] : memref<32x250x40x64xi32, #tpu.memory_space<hbm>> -> memref<1x1x40x64xi32, #tpu.memory_space<hbm>>
      %dma_wait3A_387 = tpu.memref_squeeze %dma_wait3A_386 : memref<1x1x40x64xi32, #tpu.memory_space<hbm>> -> memref<40x64xi32, #tpu.memory_space<hbm>>
      %dma_wait3A_388 = arith.constant 0 : i32
      %dma_wait3A_389 = arith.constant 0 : i32
      %dma_wait3A_390 = tpu.memref_slice %arg5[%dma_wait3A_382, %dma_wait3A_383, %dma_wait3A_388, %dma_wait3A_389] : memref<32x250x40x64xi32, #tpu.memory_space<hbm>> -> memref<1x1x40x64xi32, #tpu.memory_space<hbm>>
      %dma_wait3A_391 = tpu.memref_squeeze %dma_wait3A_390 : memref<1x1x40x64xi32, #tpu.memory_space<hbm>> -> memref<40x64xi32, #tpu.memory_space<hbm>>
      tpu.wait_dma2 semaphore(%arg19 : memref<!tpu.dma_semaphore, #tpu.memory_space<semaphore_mem>>) src(%dma_wait3A_391 : memref<40x64xi32, #tpu.memory_space<hbm>>) dst(%arg12 : memref<40x64xi32, #tpu.memory_space<vmem>>)
      %convert_element_type3A_392 = arith.extui %ge3A_375 : i1 to i32
      %cond3A_393 = arith.constant 0 : i32
      %cond3A_394 = arith.cmpi ne, %convert_element_type3A_392, %cond3A_393 : i32
      scf.if %cond3A_394 {
        %dma_wait3A_413 = arith.constant 0 : i32
        %dma_wait3A_414 = tpu.memref_slice %arg8[%add3A_373, %dma_wait3A_413] : memref<50x40xi32, #tpu.memory_space<vmem>> -> memref<1x40xi32, #tpu.memory_space<vmem>>
        %dma_wait3A_415 = tpu.memref_squeeze %dma_wait3A_414 : memref<1x40xi32, #tpu.memory_space<vmem>> -> memref<40xi32, #tpu.memory_space<vmem>>
        %dma_wait3A_416 = arith.constant 0 : i32
        %dma_wait3A_417 = arith.constant 0 : i32
        %dma_wait3A_418 = tpu.memref_slice %arg15[%dma_wait3A_416, %dma_wait3A_417] : memref<10240x128xf32, #tpu.memory_space<vmem_shared>> -> memref<10240x128xf32, #tpu.memory_space<vmem_shared>>
        tpu.wait_indirect_dma semaphore(%arg21 : memref<!tpu.dma_semaphore, #tpu.memory_space<semaphore_mem>>) src(%arg14 : memref<40x128xf32, #tpu.memory_space<vmem>>) dst(%dma_wait3A_418 : memref<10240x128xf32, #tpu.memory_space<vmem_shared>>)
      } else {
      }
      %broadcast_in_dim3A_395 = arith.constant -65536 : i32
      %broadcast_in_dim3A_396 = vector.broadcast %broadcast_in_dim3A_395 : i32 to vector<16xi32>
      %parallel_loop3A_397 = arith.constant 0 : i32
      %parallel_loop3A_398 = arith.constant 40 : i32
      %parallel_loop3A_399 = arith.constant 1 : i32
      scf.for %parallel_loop3A_413 = %parallel_loop3A_397 to %parallel_loop3A_398 step %parallel_loop3A_399  : i32 {
        %parallel_loop3A_414 = arith.index_cast %parallel_loop3A_413 : i32 to index
        %parallel_loop3A_415 = arith.constant 0 : index
        %parallel_loop3A_416 = tpu.vector_load %arg12[%parallel_loop3A_414, %parallel_loop3A_415] {strides = array<i32>} : memref<40x64xi32, #tpu.memory_space<vmem>>, vector<1x16xi32>,
        %parallel_loop3A_417 = vector.shape_cast %parallel_loop3A_416 : vector<1x16xi32> to vector<16xi32>
        %parallel_loop3A_418 = arith.constant 16 : i32
        %parallel_loop3A_419 = vector.broadcast %parallel_loop3A_418 : i32 to vector<16xi32>
        %parallel_loop3A_420 = arith.shli %parallel_loop3A_417, %parallel_loop3A_419 : vector<16xi32>
        %parallel_loop3A_421 = tpu.bitcast %parallel_loop3A_420 : vector<16xi32> -> vector<16xf32>
        %parallel_loop3A_422 = arith.andi %parallel_loop3A_417, %broadcast_in_dim3A_396 : vector<16xi32>
        %parallel_loop3A_423 = tpu.bitcast %parallel_loop3A_422 : vector<16xi32> -> vector<16xf32>
        %parallel_loop3A_424 = arith.index_cast %parallel_loop3A_413 : i32 to index
        %parallel_loop3A_425 = arith.constant 0 : index
        %parallel_loop3A_426 = tpu.vector_load %arg10[%parallel_loop3A_424, %parallel_loop3A_425] {strides = array<i32>} : memref<40x128xf32, #tpu.memory_space<vmem>>, vector<1x16xf32>,
        %parallel_loop3A_427 = vector.shape_cast %parallel_loop3A_426 : vector<1x16xf32> to vector<16xf32>
        %parallel_loop3A_428 = arith.mulf %parallel_loop3A_427, %parallel_loop3A_421 : vector<16xf32>
        %parallel_loop3A_429 = arith.index_cast %parallel_loop3A_413 : i32 to index
        %parallel_loop3A_430 = arith.constant 0 : index
        %parallel_loop3A_431 = tpu.vector_load %arg14[%parallel_loop3A_429, %parallel_loop3A_430] {strides = array<i32>} : memref<40x128xf32, #tpu.memory_space<vmem>>, vector<1x16xf32>,
        %parallel_loop3A_432 = vector.shape_cast %parallel_loop3A_431 : vector<1x16xf32> to vector<16xf32>
        %parallel_loop3A_433 = vector.shape_cast %parallel_loop3A_428 : vector<16xf32> to vector<1x16xf32>
        tpu.vector_store %arg14[%parallel_loop3A_429, %parallel_loop3A_430], %parallel_loop3A_433 {strides = array<i32>} : memref<40x128xf32, #tpu.memory_space<vmem>>, vector<1x16xf32>,
        %parallel_loop3A_434 = arith.index_cast %parallel_loop3A_413 : i32 to index
        %parallel_loop3A_435 = arith.constant 16 : index
        %parallel_loop3A_436 = tpu.vector_load %arg10[%parallel_loop3A_434, %parallel_loop3A_435] {strides = array<i32>} : memref<40x128xf32, #tpu.memory_space<vmem>>, vector<1x16xf32>,
        %parallel_loop3A_437 = vector.shape_cast %parallel_loop3A_436 : vector<1x16xf32> to vector<16xf32>
        %parallel_loop3A_438 = arith.mulf %parallel_loop3A_437, %parallel_loop3A_423 : vector<16xf32>
        %parallel_loop3A_439 = arith.index_cast %parallel_loop3A_413 : i32 to index
        %parallel_loop3A_440 = arith.constant 16 : index
        %parallel_loop3A_441 = tpu.vector_load %arg14[%parallel_loop3A_439, %parallel_loop3A_440] {strides = array<i32>} : memref<40x128xf32, #tpu.memory_space<vmem>>, vector<1x16xf32>,
        %parallel_loop3A_442 = vector.shape_cast %parallel_loop3A_441 : vector<1x16xf32> to vector<16xf32>
        %parallel_loop3A_443 = vector.shape_cast %parallel_loop3A_438 : vector<16xf32> to vector<1x16xf32>
        tpu.vector_store %arg14[%parallel_loop3A_439, %parallel_loop3A_440], %parallel_loop3A_443 {strides = array<i32>} : memref<40x128xf32, #tpu.memory_space<vmem>>, vector<1x16xf32>,
        %parallel_loop3A_444 = arith.index_cast %parallel_loop3A_413 : i32 to index
        %parallel_loop3A_445 = arith.constant 16 : index
        %parallel_loop3A_446 = tpu.vector_load %arg12[%parallel_loop3A_444, %parallel_loop3A_445] {strides = array<i32>} : memref<40x64xi32, #tpu.memory_space<vmem>>, vector<1x16xi32>,
        %parallel_loop3A_447 = vector.shape_cast %parallel_loop3A_446 : vector<1x16xi32> to vector<16xi32>
        %parallel_loop3A_448 = arith.constant 16 : i32
        %parallel_loop3A_449 = vector.broadcast %parallel_loop3A_448 : i32 to vector<16xi32>
        %parallel_loop3A_450 = arith.shli %parallel_loop3A_447, %parallel_loop3A_449 : vector<16xi32>
        %parallel_loop3A_451 = tpu.bitcast %parallel_loop3A_450 : vector<16xi32> -> vector<16xf32>
        %parallel_loop3A_452 = arith.andi %parallel_loop3A_447, %broadcast_in_dim3A_396 : vector<16xi32>
        %parallel_loop3A_453 = tpu.bitcast %parallel_loop3A_452 : vector<16xi32> -> vector<16xf32>
        %parallel_loop3A_454 = arith.index_cast %parallel_loop3A_413 : i32 to index
        %parallel_loop3A_455 = arith.constant 32 : index
        %parallel_loop3A_456 = tpu.vector_load %arg10[%parallel_loop3A_454, %parallel_loop3A_455] {strides = array<i32>} : memref<40x128xf32, #tpu.memory_space<vmem>>, vector<1x16xf32>,
        %parallel_loop3A_457 = vector.shape_cast %parallel_loop3A_456 : vector<1x16xf32> to vector<16xf32>
        %parallel_loop3A_458 = arith.mulf %parallel_loop3A_457, %parallel_loop3A_451 : vector<16xf32>
        %parallel_loop3A_459 = arith.index_cast %parallel_loop3A_413 : i32 to index
        %parallel_loop3A_460 = arith.constant 32 : index
        %parallel_loop3A_461 = tpu.vector_load %arg14[%parallel_loop3A_459, %parallel_loop3A_460] {strides = array<i32>} : memref<40x128xf32, #tpu.memory_space<vmem>>, vector<1x16xf32>,
        %parallel_loop3A_462 = vector.shape_cast %parallel_loop3A_461 : vector<1x16xf32> to vector<16xf32>
        %parallel_loop3A_463 = vector.shape_cast %parallel_loop3A_458 : vector<16xf32> to vector<1x16xf32>
        tpu.vector_store %arg14[%parallel_loop3A_459, %parallel_loop3A_460], %parallel_loop3A_463 {strides = array<i32>} : memref<40x128xf32, #tpu.memory_space<vmem>>, vector<1x16xf32>,
        %parallel_loop3A_464 = arith.index_cast %parallel_loop3A_413 : i32 to index
        %parallel_loop3A_465 = arith.constant 48 : index
        %parallel_loop3A_466 = tpu.vector_load %arg10[%parallel_loop3A_464, %parallel_loop3A_465] {strides = array<i32>} : memref<40x128xf32, #tpu.memory_space<vmem>>, vector<1x16xf32>,
        %parallel_loop3A_467 = vector.shape_cast %parallel_loop3A_466 : vector<1x16xf32> to vector<16xf32>
        %parallel_loop3A_468 = arith.mulf %parallel_loop3A_467, %parallel_loop3A_453 : vector<16xf32>
        %parallel_loop3A_469 = arith.index_cast %parallel_loop3A_413 : i32 to index
        %parallel_loop3A_470 = arith.constant 48 : index
        %parallel_loop3A_471 = tpu.vector_load %arg14[%parallel_loop3A_469, %parallel_loop3A_470] {strides = array<i32>} : memref<40x128xf32, #tpu.memory_space<vmem>>, vector<1x16xf32>,
        %parallel_loop3A_472 = vector.shape_cast %parallel_loop3A_471 : vector<1x16xf32> to vector<16xf32>
        %parallel_loop3A_473 = vector.shape_cast %parallel_loop3A_468 : vector<16xf32> to vector<1x16xf32>
        tpu.vector_store %arg14[%parallel_loop3A_469, %parallel_loop3A_470], %parallel_loop3A_473 {strides = array<i32>} : memref<40x128xf32, #tpu.memory_space<vmem>>, vector<1x16xf32>,
        %parallel_loop3A_474 = arith.index_cast %parallel_loop3A_413 : i32 to index
        %parallel_loop3A_475 = arith.constant 32 : index
        %parallel_loop3A_476 = tpu.vector_load %arg12[%parallel_loop3A_474, %parallel_loop3A_475] {strides = array<i32>} : memref<40x64xi32, #tpu.memory_space<vmem>>, vector<1x16xi32>,
        %parallel_loop3A_477 = vector.shape_cast %parallel_loop3A_476 : vector<1x16xi32> to vector<16xi32>
        %parallel_loop3A_478 = arith.constant 16 : i32
        %parallel_loop3A_479 = vector.broadcast %parallel_loop3A_478 : i32 to vector<16xi32>
        %parallel_loop3A_480 = arith.shli %parallel_loop3A_477, %parallel_loop3A_479 : vector<16xi32>
        %parallel_loop3A_481 = tpu.bitcast %parallel_loop3A_480 : vector<16xi32> -> vector<16xf32>
        %parallel_loop3A_482 = arith.andi %parallel_loop3A_477, %broadcast_in_dim3A_396 : vector<16xi32>
        %parallel_loop3A_483 = tpu.bitcast %parallel_loop3A_482 : vector<16xi32> -> vector<16xf32>
        %parallel_loop3A_484 = arith.index_cast %parallel_loop3A_413 : i32 to index
        %parallel_loop3A_485 = arith.constant 64 : index
        %parallel_loop3A_486 = tpu.vector_load %arg10[%parallel_loop3A_484, %parallel_loop3A_485] {strides = array<i32>} : memref<40x128xf32, #tpu.memory_space<vmem>>, vector<1x16xf32>,
        %parallel_loop3A_487 = vector.shape_cast %parallel_loop3A_486 : vector<1x16xf32> to vector<16xf32>
        %parallel_loop3A_488 = arith.mulf %parallel_loop3A_487, %parallel_loop3A_481 : vector<16xf32>
        %parallel_loop3A_489 = arith.index_cast %parallel_loop3A_413 : i32 to index
        %parallel_loop3A_490 = arith.constant 64 : index
        %parallel_loop3A_491 = tpu.vector_load %arg14[%parallel_loop3A_489, %parallel_loop3A_490] {strides = array<i32>} : memref<40x128xf32, #tpu.memory_space<vmem>>, vector<1x16xf32>,
        %parallel_loop3A_492 = vector.shape_cast %parallel_loop3A_491 : vector<1x16xf32> to vector<16xf32>
        %parallel_loop3A_493 = vector.shape_cast %parallel_loop3A_488 : vector<16xf32> to vector<1x16xf32>
        tpu.vector_store %arg14[%parallel_loop3A_489, %parallel_loop3A_490], %parallel_loop3A_493 {strides = array<i32>} : memref<40x128xf32, #tpu.memory_space<vmem>>, vector<1x16xf32>,
        %parallel_loop3A_494 = arith.index_cast %parallel_loop3A_413 : i32 to index
        %parallel_loop3A_495 = arith.constant 80 : index
        %parallel_loop3A_496 = tpu.vector_load %arg10[%parallel_loop3A_494, %parallel_loop3A_495] {strides = array<i32>} : memref<40x128xf32, #tpu.memory_space<vmem>>, vector<1x16xf32>,
        %parallel_loop3A_497 = vector.shape_cast %parallel_loop3A_496 : vector<1x16xf32> to vector<16xf32>
        %parallel_loop3A_498 = arith.mulf %parallel_loop3A_497, %parallel_loop3A_483 : vector<16xf32>
        %parallel_loop3A_499 = arith.index_cast %parallel_loop3A_413 : i32 to index
        %parallel_loop3A_500 = arith.constant 80 : index
        %parallel_loop3A_501 = tpu.vector_load %arg14[%parallel_loop3A_499, %parallel_loop3A_500] {strides = array<i32>} : memref<40x128xf32, #tpu.memory_space<vmem>>, vector<1x16xf32>,
        %parallel_loop3A_502 = vector.shape_cast %parallel_loop3A_501 : vector<1x16xf32> to vector<16xf32>
        %parallel_loop3A_503 = vector.shape_cast %parallel_loop3A_498 : vector<16xf32> to vector<1x16xf32>
        tpu.vector_store %arg14[%parallel_loop3A_499, %parallel_loop3A_500], %parallel_loop3A_503 {strides = array<i32>} : memref<40x128xf32, #tpu.memory_space<vmem>>, vector<1x16xf32>,
        %parallel_loop3A_504 = arith.index_cast %parallel_loop3A_413 : i32 to index
        %parallel_loop3A_505 = arith.constant 48 : index
        %parallel_loop3A_506 = tpu.vector_load %arg12[%parallel_loop3A_504, %parallel_loop3A_505] {strides = array<i32>} : memref<40x64xi32, #tpu.memory_space<vmem>>, vector<1x16xi32>,
        %parallel_loop3A_507 = vector.shape_cast %parallel_loop3A_506 : vector<1x16xi32> to vector<16xi32>
        %parallel_loop3A_508 = arith.constant 16 : i32
        %parallel_loop3A_509 = vector.broadcast %parallel_loop3A_508 : i32 to vector<16xi32>
        %parallel_loop3A_510 = arith.shli %parallel_loop3A_507, %parallel_loop3A_509 : vector<16xi32>
        %parallel_loop3A_511 = tpu.bitcast %parallel_loop3A_510 : vector<16xi32> -> vector<16xf32>
        %parallel_loop3A_512 = arith.andi %parallel_loop3A_507, %broadcast_in_dim3A_396 : vector<16xi32>
        %parallel_loop3A_513 = tpu.bitcast %parallel_loop3A_512 : vector<16xi32> -> vector<16xf32>
        %parallel_loop3A_514 = arith.index_cast %parallel_loop3A_413 : i32 to index
        %parallel_loop3A_515 = arith.constant 96 : index
        %parallel_loop3A_516 = tpu.vector_load %arg10[%parallel_loop3A_514, %parallel_loop3A_515] {strides = array<i32>} : memref<40x128xf32, #tpu.memory_space<vmem>>, vector<1x16xf32>,
        %parallel_loop3A_517 = vector.shape_cast %parallel_loop3A_516 : vector<1x16xf32> to vector<16xf32>
        %parallel_loop3A_518 = arith.mulf %parallel_loop3A_517, %parallel_loop3A_511 : vector<16xf32>
        %parallel_loop3A_519 = arith.index_cast %parallel_loop3A_413 : i32 to index
        %parallel_loop3A_520 = arith.constant 96 : index
        %parallel_loop3A_521 = tpu.vector_load %arg14[%parallel_loop3A_519, %parallel_loop3A_520] {strides = array<i32>} : memref<40x128xf32, #tpu.memory_space<vmem>>, vector<1x16xf32>,
        %parallel_loop3A_522 = vector.shape_cast %parallel_loop3A_521 : vector<1x16xf32> to vector<16xf32>
        %parallel_loop3A_523 = vector.shape_cast %parallel_loop3A_518 : vector<16xf32> to vector<1x16xf32>
        tpu.vector_store %arg14[%parallel_loop3A_519, %parallel_loop3A_520], %parallel_loop3A_523 {strides = array<i32>} : memref<40x128xf32, #tpu.memory_space<vmem>>, vector<1x16xf32>,
        %parallel_loop3A_524 = arith.index_cast %parallel_loop3A_413 : i32 to index
        %parallel_loop3A_525 = arith.constant 112 : index
        %parallel_loop3A_526 = tpu.vector_load %arg10[%parallel_loop3A_524, %parallel_loop3A_525] {strides = array<i32>} : memref<40x128xf32, #tpu.memory_space<vmem>>, vector<1x16xf32>,
        %parallel_loop3A_527 = vector.shape_cast %parallel_loop3A_526 : vector<1x16xf32> to vector<16xf32>
        %parallel_loop3A_528 = arith.mulf %parallel_loop3A_527, %parallel_loop3A_513 : vector<16xf32>
        %parallel_loop3A_529 = arith.index_cast %parallel_loop3A_413 : i32 to index
        %parallel_loop3A_530 = arith.constant 112 : index
        %parallel_loop3A_531 = tpu.vector_load %arg14[%parallel_loop3A_529, %parallel_loop3A_530] {strides = array<i32>} : memref<40x128xf32, #tpu.memory_space<vmem>>, vector<1x16xf32>,
        %parallel_loop3A_532 = vector.shape_cast %parallel_loop3A_531 : vector<1x16xf32> to vector<16xf32>
        %parallel_loop3A_533 = vector.shape_cast %parallel_loop3A_528 : vector<16xf32> to vector<1x16xf32>
        tpu.vector_store %arg14[%parallel_loop3A_529, %parallel_loop3A_530], %parallel_loop3A_533 {strides = array<i32>} : memref<40x128xf32, #tpu.memory_space<vmem>>, vector<1x16xf32>,
      } {sc.loop_unroll_factor = 4 : i64, sc.parallel_access}
      %dma_start3A_400 = arith.constant 0 : i32
      %dma_start3A_401 = tpu.memref_slice %arg8[%add3A_373, %dma_start3A_400] : memref<50x40xi32, #tpu.memory_space<vmem>> -> memref<1x40xi32, #tpu.memory_space<vmem>>
      %dma_start3A_402 = tpu.memref_squeeze %dma_start3A_401 : memref<1x40xi32, #tpu.memory_space<vmem>> -> memref<40xi32, #tpu.memory_space<vmem>>
      %dma_start3A_403 = arith.constant 0 : i32
      %dma_start3A_404 = arith.constant 0 : i32
      %dma_start3A_405 = tpu.memref_slice %arg15[%dma_start3A_403, %dma_start3A_404] : memref<10240x128xf32, #tpu.memory_space<vmem_shared>> -> memref<10240x128xf32, #tpu.memory_space<vmem_shared>>
      tpu.enqueue_indirect_dma source(%arg14 : memref<40x128xf32, #tpu.memory_space<vmem>>) target(%dma_start3A_405 : memref<10240x128xf32, #tpu.memory_space<vmem_shared>>) offsets(%dma_start3A_402 : memref<40xi32, #tpu.memory_space<vmem>>) semaphore(%arg21 : memref<!tpu.dma_semaphore, #tpu.memory_space<semaphore_mem>>) {add = true}
      %add3A_406 = arith.constant 3 : i32
      %add3A_407 = arith.addi %add3A_337, %add3A_406 : i32
      %lt3A_408 = arith.constant 50 : i32
      %lt3A_409 = arith.cmpi slt, %add3A_407, %lt3A_408 : i32
      %convert_element_type3A_410 = arith.extui %lt3A_409 : i1 to i32
      %cond3A_411 = arith.constant 0 : i32
      %cond3A_412 = arith.cmpi ne, %convert_element_type3A_410, %cond3A_411 : i32
      scf.if %cond3A_412 {
        %add3A_413 = arith.constant 3 : i32
        %add3A_414 = arith.addi %add3A_337, %add3A_413 : i32
        %dma_start3A_415 = arith.constant 0 : i32
        %dma_start3A_416 = tpu.memref_slice %arg7[%add3A_414, %dma_start3A_415] : memref<50x40xi32, #tpu.memory_space<vmem>> -> memref<1x40xi32, #tpu.memory_space<vmem>>
        %dma_start3A_417 = tpu.memref_squeeze %dma_start3A_416 : memref<1x40xi32, #tpu.memory_space<vmem>> -> memref<40xi32, #tpu.memory_space<vmem>>
        %dma_start3A_418 = arith.constant 0 : i32
        %dma_start3A_419 = arith.constant 0 : i32
        %dma_start3A_420 = tpu.memref_slice %arg2[%dma_start3A_418, %dma_start3A_419] : memref<10000x128xf32, #tpu.memory_space<hbm>> -> memref<10000x128xf32, #tpu.memory_space<hbm>>
        tpu.enqueue_indirect_dma source(%dma_start3A_420 : memref<10000x128xf32, #tpu.memory_space<hbm>>) target(%arg10 : memref<40x128xf32, #tpu.memory_space<vmem>>) offsets(%dma_start3A_417 : memref<40xi32, #tpu.memory_space<vmem>>) semaphore(%arg17 : memref<!tpu.dma_semaphore, #tpu.memory_space<semaphore_mem>>)
        %add3A_421 = arith.constant 0 : i32
        %add3A_422 = arith.addi %add3A_421, %add3A_414 : i32
        %dma_start3A_423 = arith.constant 0 : i32
        %dma_start3A_424 = arith.constant 0 : i32
        %dma_start3A_425 = tpu.memref_slice %arg5[%add3A, %add3A_422, %dma_start3A_423, %dma_start3A_424] : memref<32x250x40x64xi32, #tpu.memory_space<hbm>> -> memref<1x1x40x64xi32, #tpu.memory_space<hbm>>
        %dma_start3A_426 = tpu.memref_squeeze %dma_start3A_425 : memref<1x1x40x64xi32, #tpu.memory_space<hbm>> -> memref<40x64xi32, #tpu.memory_space<hbm>>
        %dma_start3A_427 = arith.constant 0 : i32
        %dma_start3A_428 = arith.constant 0 : i32
        %dma_start3A_429 = tpu.memref_slice %arg5[%add3A, %add3A_422, %dma_start3A_427, %dma_start3A_428] : memref<32x250x40x64xi32, #tpu.memory_space<hbm>> -> memref<1x1x40x64xi32, #tpu.memory_space<hbm>>
        %dma_start3A_430 = tpu.memref_squeeze %dma_start3A_429 : memref<1x1x40x64xi32, #tpu.memory_space<hbm>> -> memref<40x64xi32, #tpu.memory_space<hbm>>
        tpu.enqueue_dma source(%dma_start3A_430 : memref<40x64xi32, #tpu.memory_space<hbm>>) target(%arg12 : memref<40x64xi32, #tpu.memory_space<vmem>>) target_semaphore(%arg19 : memref<!tpu.dma_semaphore, #tpu.memory_space<semaphore_mem>>)
      } else {
      }
    }
    %scan3A_102 = arith.constant 25 : i32
    %dma_wait3A = arith.constant 48 : i32
    %dma_wait3A_103 = arith.constant 0 : i32
    %dma_wait3A_104 = tpu.memref_slice %arg8[%dma_wait3A, %dma_wait3A_103] : memref<50x40xi32, #tpu.memory_space<vmem>> -> memref<1x40xi32, #tpu.memory_space<vmem>>
    %dma_wait3A_105 = tpu.memref_squeeze %dma_wait3A_104 : memref<1x40xi32, #tpu.memory_space<vmem>> -> memref<40xi32, #tpu.memory_space<vmem>>
    %dma_wait3A_106 = arith.constant 0 : i32
    %dma_wait3A_107 = arith.constant 0 : i32
    %dma_wait3A_108 = tpu.memref_slice %arg15[%dma_wait3A_106, %dma_wait3A_107] : memref<10240x128xf32, #tpu.memory_space<vmem_shared>> -> memref<10240x128xf32, #tpu.memory_space<vmem_shared>>
    tpu.wait_indirect_dma semaphore(%arg20 : memref<!tpu.dma_semaphore, #tpu.memory_space<semaphore_mem>>) src(%arg13 : memref<40x128xf32, #tpu.memory_space<vmem>>) dst(%dma_wait3A_108 : memref<10240x128xf32, #tpu.memory_space<vmem_shared>>)
    %dma_wait3A_109 = arith.constant 49 : i32
    %dma_wait3A_110 = arith.constant 0 : i32
    %dma_wait3A_111 = tpu.memref_slice %arg8[%dma_wait3A_109, %dma_wait3A_110] : memref<50x40xi32, #tpu.memory_space<vmem>> -> memref<1x40xi32, #tpu.memory_space<vmem>>
    %dma_wait3A_112 = tpu.memref_squeeze %dma_wait3A_111 : memref<1x40xi32, #tpu.memory_space<vmem>> -> memref<40xi32, #tpu.memory_space<vmem>>
    %dma_wait3A_113 = arith.constant 0 : i32
    %dma_wait3A_114 = arith.constant 0 : i32
    %dma_wait3A_115 = tpu.memref_slice %arg15[%dma_wait3A_113, %dma_wait3A_114] : memref<10240x128xf32, #tpu.memory_space<vmem_shared>> -> memref<10240x128xf32, #tpu.memory_space<vmem_shared>>
    tpu.wait_indirect_dma semaphore(%arg21 : memref<!tpu.dma_semaphore, #tpu.memory_space<semaphore_mem>>) src(%arg14 : memref<40x128xf32, #tpu.memory_space<vmem>>) dst(%dma_wait3A_115 : memref<10240x128xf32, #tpu.memory_space<vmem_shared>>)
    %run_scoped3A_116 = arith.constant 1 : i32
    "tpu.region"() ({
      %run_scoped3A_333 = tpu.sem_alloc : memref<!tpu.dma_semaphore, #tpu.memory_space<semaphore_mem>>
      %dma_start3A_334 = arith.constant 0 : i32
      %dma_start3A_335 = arith.constant 0 : i32
      %dma_start3A_336 = tpu.memref_slice %arg3[%add3A, %run_scoped3A_116, %dma_start3A_334, %dma_start3A_335] : memref<32x5x50x40xi32, #tpu.memory_space<hbm>> -> memref<1x1x50x40xi32, #tpu.memory_space<hbm>>
      %dma_start3A_337 = tpu.memref_squeeze %dma_start3A_336 : memref<1x1x50x40xi32, #tpu.memory_space<hbm>> -> memref<50x40xi32, #tpu.memory_space<hbm>>
      %dma_start3A_338 = arith.constant 0 : i32
      %dma_start3A_339 = arith.constant 0 : i32
      %dma_start3A_340 = tpu.memref_slice %arg3[%add3A, %run_scoped3A_116, %dma_start3A_338, %dma_start3A_339] : memref<32x5x50x40xi32, #tpu.memory_space<hbm>> -> memref<1x1x50x40xi32, #tpu.memory_space<hbm>>
      %dma_start3A_341 = tpu.memref_squeeze %dma_start3A_340 : memref<1x1x50x40xi32, #tpu.memory_space<hbm>> -> memref<50x40xi32, #tpu.memory_space<hbm>>
      tpu.enqueue_dma source(%dma_start3A_341 : memref<50x40xi32, #tpu.memory_space<hbm>>) target(%arg7 : memref<50x40xi32, #tpu.memory_space<vmem>>) target_semaphore(%run_scoped3A_333 : memref<!tpu.dma_semaphore, #tpu.memory_space<semaphore_mem>>)
      %dma_wait3A_342 = arith.constant 0 : i32
      %dma_wait3A_343 = arith.constant 0 : i32
      %dma_wait3A_344 = tpu.memref_slice %arg3[%add3A, %run_scoped3A_116, %dma_wait3A_342, %dma_wait3A_343] : memref<32x5x50x40xi32, #tpu.memory_space<hbm>> -> memref<1x1x50x40xi32, #tpu.memory_space<hbm>>
      %dma_wait3A_345 = tpu.memref_squeeze %dma_wait3A_344 : memref<1x1x50x40xi32, #tpu.memory_space<hbm>> -> memref<50x40xi32, #tpu.memory_space<hbm>>
      %dma_wait3A_346 = arith.constant 0 : i32
      %dma_wait3A_347 = arith.constant 0 : i32
      %dma_wait3A_348 = tpu.memref_slice %arg3[%add3A, %run_scoped3A_116, %dma_wait3A_346, %dma_wait3A_347] : memref<32x5x50x40xi32, #tpu.memory_space<hbm>> -> memref<1x1x50x40xi32, #tpu.memory_space<hbm>>
      %dma_wait3A_349 = tpu.memref_squeeze %dma_wait3A_348 : memref<1x1x50x40xi32, #tpu.memory_space<hbm>> -> memref<50x40xi32, #tpu.memory_space<hbm>>
      tpu.wait_dma2 semaphore(%run_scoped3A_333 : memref<!tpu.dma_semaphore, #tpu.memory_space<semaphore_mem>>) src(%dma_wait3A_349 : memref<50x40xi32, #tpu.memory_space<hbm>>) dst(%arg7 : memref<50x40xi32, #tpu.memory_space<vmem>>)
      tpu.yield
    }) : () -> ()
    %run_scoped3A_117 = arith.constant 1 : i32
    "tpu.region"() ({
      %run_scoped3A_333 = tpu.sem_alloc : memref<!tpu.dma_semaphore, #tpu.memory_space<semaphore_mem>>
      %dma_start3A_334 = arith.constant 0 : i32
      %dma_start3A_335 = arith.constant 0 : i32
      %dma_start3A_336 = tpu.memref_slice %arg4[%add3A, %run_scoped3A_117, %dma_start3A_334, %dma_start3A_335] : memref<32x5x50x40xi32, #tpu.memory_space<hbm>> -> memref<1x1x50x40xi32, #tpu.memory_space<hbm>>
      %dma_start3A_337 = tpu.memref_squeeze %dma_start3A_336 : memref<1x1x50x40xi32, #tpu.memory_space<hbm>> -> memref<50x40xi32, #tpu.memory_space<hbm>>
      %dma_start3A_338 = arith.constant 0 : i32
      %dma_start3A_339 = arith.constant 0 : i32
      %dma_start3A_340 = tpu.memref_slice %arg4[%add3A, %run_scoped3A_117, %dma_start3A_338, %dma_start3A_339] : memref<32x5x50x40xi32, #tpu.memory_space<hbm>> -> memref<1x1x50x40xi32, #tpu.memory_space<hbm>>
      %dma_start3A_341 = tpu.memref_squeeze %dma_start3A_340 : memref<1x1x50x40xi32, #tpu.memory_space<hbm>> -> memref<50x40xi32, #tpu.memory_space<hbm>>
      tpu.enqueue_dma source(%dma_start3A_341 : memref<50x40xi32, #tpu.memory_space<hbm>>) target(%arg8 : memref<50x40xi32, #tpu.memory_space<vmem>>) target_semaphore(%run_scoped3A_333 : memref<!tpu.dma_semaphore, #tpu.memory_space<semaphore_mem>>)
      %dma_wait3A_342 = arith.constant 0 : i32
      %dma_wait3A_343 = arith.constant 0 : i32
      %dma_wait3A_344 = tpu.memref_slice %arg4[%add3A, %run_scoped3A_117, %dma_wait3A_342, %dma_wait3A_343] : memref<32x5x50x40xi32, #tpu.memory_space<hbm>> -> memref<1x1x50x40xi32, #tpu.memory_space<hbm>>
      %dma_wait3A_345 = tpu.memref_squeeze %dma_wait3A_344 : memref<1x1x50x40xi32, #tpu.memory_space<hbm>> -> memref<50x40xi32, #tpu.memory_space<hbm>>
      %dma_wait3A_346 = arith.constant 0 : i32
      %dma_wait3A_347 = arith.constant 0 : i32
      %dma_wait3A_348 = tpu.memref_slice %arg4[%add3A, %run_scoped3A_117, %dma_wait3A_346, %dma_wait3A_347] : memref<32x5x50x40xi32, #tpu.memory_space<hbm>> -> memref<1x1x50x40xi32, #tpu.memory_space<hbm>>
      %dma_wait3A_349 = tpu.memref_squeeze %dma_wait3A_348 : memref<1x1x50x40xi32, #tpu.memory_space<hbm>> -> memref<50x40xi32, #tpu.memory_space<hbm>>
      tpu.wait_dma2 semaphore(%run_scoped3A_333 : memref<!tpu.dma_semaphore, #tpu.memory_space<semaphore_mem>>) src(%dma_wait3A_349 : memref<50x40xi32, #tpu.memory_space<hbm>>) dst(%arg8 : memref<50x40xi32, #tpu.memory_space<vmem>>)
      tpu.yield
    }) : () -> ()
    %dma_start3A_118 = arith.constant 0 : i32
    %dma_start3A_119 = arith.constant 0 : i32
    %dma_start3A_120 = tpu.memref_slice %arg7[%dma_start3A_118, %dma_start3A_119] : memref<50x40xi32, #tpu.memory_space<vmem>> -> memref<1x40xi32, #tpu.memory_space<vmem>>
    %dma_start3A_121 = tpu.memref_squeeze %dma_start3A_120 : memref<1x40xi32, #tpu.memory_space<vmem>> -> memref<40xi32, #tpu.memory_space<vmem>>
    %dma_start3A_122 = arith.constant 0 : i32
    %dma_start3A_123 = arith.constant 0 : i32
    %dma_start3A_124 = tpu.memref_slice %arg2[%dma_start3A_122, %dma_start3A_123] : memref<10000x128xf32, #tpu.memory_space<hbm>> -> memref<10000x128xf32, #tpu.memory_space<hbm>>
    tpu.enqueue_indirect_dma source(%dma_start3A_124 : memref<10000x128xf32, #tpu.memory_space<hbm>>) target(%arg9 : memref<40x128xf32, #tpu.memory_space<vmem>>) offsets(%dma_start3A_121 : memref<40xi32, #tpu.memory_space<vmem>>) semaphore(%arg16 : memref<!tpu.dma_semaphore, #tpu.memory_space<semaphore_mem>>)
    %dma_start3A_125 = arith.constant 50 : i32
    %dma_start3A_126 = arith.constant 0 : i32
    %dma_start3A_127 = arith.constant 0 : i32
    %dma_start3A_128 = tpu.memref_slice %arg5[%add3A, %dma_start3A_125, %dma_start3A_126, %dma_start3A_127] : memref<32x250x40x64xi32, #tpu.memory_space<hbm>> -> memref<1x1x40x64xi32, #tpu.memory_space<hbm>>
    %dma_start3A_129 = tpu.memref_squeeze %dma_start3A_128 : memref<1x1x40x64xi32, #tpu.memory_space<hbm>> -> memref<40x64xi32, #tpu.memory_space<hbm>>
    %dma_start3A_130 = arith.constant 0 : i32
    %dma_start3A_131 = arith.constant 0 : i32
    %dma_start3A_132 = tpu.memref_slice %arg5[%add3A, %dma_start3A_125, %dma_start3A_130, %dma_start3A_131] : memref<32x250x40x64xi32, #tpu.memory_space<hbm>> -> memref<1x1x40x64xi32, #tpu.memory_space<hbm>>
    %dma_start3A_133 = tpu.memref_squeeze %dma_start3A_132 : memref<1x1x40x64xi32, #tpu.memory_space<hbm>> -> memref<40x64xi32, #tpu.memory_space<hbm>>
    tpu.enqueue_dma source(%dma_start3A_133 : memref<40x64xi32, #tpu.memory_space<hbm>>) target(%arg11 : memref<40x64xi32, #tpu.memory_space<vmem>>) target_semaphore(%arg18 : memref<!tpu.dma_semaphore, #tpu.memory_space<semaphore_mem>>)
    %dma_start3A_134 = arith.constant 1 : i32
    %dma_start3A_135 = arith.constant 0 : i32
    %dma_start3A_136 = tpu.memref_slice %arg7[%dma_start3A_134, %dma_start3A_135] : memref<50x40xi32, #tpu.memory_space<vmem>> -> memref<1x40xi32, #tpu.memory_space<vmem>>
    %dma_start3A_137 = tpu.memref_squeeze %dma_start3A_136 : memref<1x40xi32, #tpu.memory_space<vmem>> -> memref<40xi32, #tpu.memory_space<vmem>>
    %dma_start3A_138 = arith.constant 0 : i32
    %dma_start3A_139 = arith.constant 0 : i32
    %dma_start3A_140 = tpu.memref_slice %arg2[%dma_start3A_138, %dma_start3A_139] : memref<10000x128xf32, #tpu.memory_space<hbm>> -> memref<10000x128xf32, #tpu.memory_space<hbm>>
    tpu.enqueue_indirect_dma source(%dma_start3A_140 : memref<10000x128xf32, #tpu.memory_space<hbm>>) target(%arg10 : memref<40x128xf32, #tpu.memory_space<vmem>>) offsets(%dma_start3A_137 : memref<40xi32, #tpu.memory_space<vmem>>) semaphore(%arg17 : memref<!tpu.dma_semaphore, #tpu.memory_space<semaphore_mem>>)
    %dma_start3A_141 = arith.constant 51 : i32
    %dma_start3A_142 = arith.constant 0 : i32
    %dma_start3A_143 = arith.constant 0 : i32
    %dma_start3A_144 = tpu.memref_slice %arg5[%add3A, %dma_start3A_141, %dma_start3A_142, %dma_start3A_143] : memref<32x250x40x64xi32, #tpu.memory_space<hbm>> -> memref<1x1x40x64xi32, #tpu.memory_space<hbm>>
    %dma_start3A_145 = tpu.memref_squeeze %dma_start3A_144 : memref<1x1x40x64xi32, #tpu.memory_space<hbm>> -> memref<40x64xi32, #tpu.memory_space<hbm>>
    %dma_start3A_146 = arith.constant 0 : i32
    %dma_start3A_147 = arith.constant 0 : i32
    %dma_start3A_148 = tpu.memref_slice %arg5[%add3A, %dma_start3A_141, %dma_start3A_146, %dma_start3A_147] : memref<32x250x40x64xi32, #tpu.memory_space<hbm>> -> memref<1x1x40x64xi32, #tpu.memory_space<hbm>>
    %dma_start3A_149 = tpu.memref_squeeze %dma_start3A_148 : memref<1x1x40x64xi32, #tpu.memory_space<hbm>> -> memref<40x64xi32, #tpu.memory_space<hbm>>
    tpu.enqueue_dma source(%dma_start3A_149 : memref<40x64xi32, #tpu.memory_space<hbm>>) target(%arg12 : memref<40x64xi32, #tpu.memory_space<vmem>>) target_semaphore(%arg19 : memref<!tpu.dma_semaphore, #tpu.memory_space<semaphore_mem>>)
    %scan3A_150 = arith.constant 0 : i32
    %scan3A_151 = arith.constant 25 : i32
    %scan3A_152 = arith.addi %scan3A_150, %scan3A_151 : i32
    %scan3A_153 = arith.constant 1 : i32
    scf.for %scan3A_333 = %scan3A_150 to %scan3A_152 step %scan3A_153  : i32 {
      %mul3A_334 = arith.constant 2 : i32
      %mul3A_335 = arith.muli %scan3A_333, %mul3A_334 : i32
      %add3A_336 = arith.constant 0 : i32
      %add3A_337 = arith.addi %add3A_336, %mul3A_335 : i32
      %ge3A = arith.constant 2 : i32
      %ge3A_338 = arith.cmpi sge, %add3A_337, %ge3A : i32
      %dma_wait3A_339 = arith.constant 0 : i32
      %dma_wait3A_340 = tpu.memref_slice %arg7[%add3A_337, %dma_wait3A_339] : memref<50x40xi32, #tpu.memory_space<vmem>> -> memref<1x40xi32, #tpu.memory_space<vmem>>
      %dma_wait3A_341 = tpu.memref_squeeze %dma_wait3A_340 : memref<1x40xi32, #tpu.memory_space<vmem>> -> memref<40xi32, #tpu.memory_space<vmem>>
      %dma_wait3A_342 = arith.constant 0 : i32
      %dma_wait3A_343 = arith.constant 0 : i32
      %dma_wait3A_344 = tpu.memref_slice %arg2[%dma_wait3A_342, %dma_wait3A_343] : memref<10000x128xf32, #tpu.memory_space<hbm>> -> memref<10000x128xf32, #tpu.memory_space<hbm>>
      tpu.wait_indirect_dma semaphore(%arg16 : memref<!tpu.dma_semaphore, #tpu.memory_space<semaphore_mem>>) src(%dma_wait3A_344 : memref<10000x128xf32, #tpu.memory_space<hbm>>) dst(%arg9 : memref<40x128xf32, #tpu.memory_space<vmem>>)
      %dma_wait3A_345 = arith.constant 0 : i32
      %dma_wait3A_346 = arith.constant 0 : i32
      %dma_wait3A_347 = arith.constant 0 : i32
      %dma_wait3A_348 = arith.constant 0 : i32
      %dma_wait3A_349 = tpu.memref_slice %arg5[%dma_wait3A_345, %dma_wait3A_346, %dma_wait3A_347, %dma_wait3A_348] : memref<32x250x40x64xi32, #tpu.memory_space<hbm>> -> memref<1x1x40x64xi32, #tpu.memory_space<hbm>>
      %dma_wait3A_350 = tpu.memref_squeeze %dma_wait3A_349 : memref<1x1x40x64xi32, #tpu.memory_space<hbm>> -> memref<40x64xi32, #tpu.memory_space<hbm>>
      %dma_wait3A_351 = arith.constant 0 : i32
      %dma_wait3A_352 = arith.constant 0 : i32
      %dma_wait3A_353 = tpu.memref_slice %arg5[%dma_wait3A_345, %dma_wait3A_346, %dma_wait3A_351, %dma_wait3A_352] : memref<32x250x40x64xi32, #tpu.memory_space<hbm>> -> memref<1x1x40x64xi32, #tpu.memory_space<hbm>>
      %dma_wait3A_354 = tpu.memref_squeeze %dma_wait3A_353 : memref<1x1x40x64xi32, #tpu.memory_space<hbm>> -> memref<40x64xi32, #tpu.memory_space<hbm>>
      tpu.wait_dma2 semaphore(%arg18 : memref<!tpu.dma_semaphore, #tpu.memory_space<semaphore_mem>>) src(%dma_wait3A_354 : memref<40x64xi32, #tpu.memory_space<hbm>>) dst(%arg11 : memref<40x64xi32, #tpu.memory_space<vmem>>)
      %convert_element_type3A = arith.extui %ge3A_338 : i1 to i32
      %cond3A = arith.constant 0 : i32
      %cond3A_355 = arith.cmpi ne, %convert_element_type3A, %cond3A : i32
      scf.if %cond3A_355 {
        %dma_wait3A_413 = arith.constant 0 : i32
        %dma_wait3A_414 = tpu.memref_slice %arg8[%add3A_337, %dma_wait3A_413] : memref<50x40xi32, #tpu.memory_space<vmem>> -> memref<1x40xi32, #tpu.memory_space<vmem>>
        %dma_wait3A_415 = tpu.memref_squeeze %dma_wait3A_414 : memref<1x40xi32, #tpu.memory_space<vmem>> -> memref<40xi32, #tpu.memory_space<vmem>>
        %dma_wait3A_416 = arith.constant 0 : i32
        %dma_wait3A_417 = arith.constant 0 : i32
        %dma_wait3A_418 = tpu.memref_slice %arg15[%dma_wait3A_416, %dma_wait3A_417] : memref<10240x128xf32, #tpu.memory_space<vmem_shared>> -> memref<10240x128xf32, #tpu.memory_space<vmem_shared>>
        tpu.wait_indirect_dma semaphore(%arg20 : memref<!tpu.dma_semaphore, #tpu.memory_space<semaphore_mem>>) src(%arg13 : memref<40x128xf32, #tpu.memory_space<vmem>>) dst(%dma_wait3A_418 : memref<10240x128xf32, #tpu.memory_space<vmem_shared>>)
      } else {
      }
      %broadcast_in_dim3A = arith.constant -65536 : i32
      %broadcast_in_dim3A_356 = vector.broadcast %broadcast_in_dim3A : i32 to vector<16xi32>
      %parallel_loop3A_357 = arith.constant 0 : i32
      %parallel_loop3A_358 = arith.constant 40 : i32
      %parallel_loop3A_359 = arith.constant 1 : i32
      scf.for %parallel_loop3A_413 = %parallel_loop3A_357 to %parallel_loop3A_358 step %parallel_loop3A_359  : i32 {
        %parallel_loop3A_414 = arith.index_cast %parallel_loop3A_413 : i32 to index
        %parallel_loop3A_415 = arith.constant 0 : index
        %parallel_loop3A_416 = tpu.vector_load %arg11[%parallel_loop3A_414, %parallel_loop3A_415] {strides = array<i32>} : memref<40x64xi32, #tpu.memory_space<vmem>>, vector<1x16xi32>,
        %parallel_loop3A_417 = vector.shape_cast %parallel_loop3A_416 : vector<1x16xi32> to vector<16xi32>
        %parallel_loop3A_418 = arith.constant 16 : i32
        %parallel_loop3A_419 = vector.broadcast %parallel_loop3A_418 : i32 to vector<16xi32>
        %parallel_loop3A_420 = arith.shli %parallel_loop3A_417, %parallel_loop3A_419 : vector<16xi32>
        %parallel_loop3A_421 = tpu.bitcast %parallel_loop3A_420 : vector<16xi32> -> vector<16xf32>
        %parallel_loop3A_422 = arith.andi %parallel_loop3A_417, %broadcast_in_dim3A_356 : vector<16xi32>
        %parallel_loop3A_423 = tpu.bitcast %parallel_loop3A_422 : vector<16xi32> -> vector<16xf32>
        %parallel_loop3A_424 = arith.index_cast %parallel_loop3A_413 : i32 to index
        %parallel_loop3A_425 = arith.constant 0 : index
        %parallel_loop3A_426 = tpu.vector_load %arg9[%parallel_loop3A_424, %parallel_loop3A_425] {strides = array<i32>} : memref<40x128xf32, #tpu.memory_space<vmem>>, vector<1x16xf32>,
        %parallel_loop3A_427 = vector.shape_cast %parallel_loop3A_426 : vector<1x16xf32> to vector<16xf32>
        %parallel_loop3A_428 = arith.mulf %parallel_loop3A_427, %parallel_loop3A_421 : vector<16xf32>
        %parallel_loop3A_429 = arith.index_cast %parallel_loop3A_413 : i32 to index
        %parallel_loop3A_430 = arith.constant 0 : index
        %parallel_loop3A_431 = tpu.vector_load %arg13[%parallel_loop3A_429, %parallel_loop3A_430] {strides = array<i32>} : memref<40x128xf32, #tpu.memory_space<vmem>>, vector<1x16xf32>,
        %parallel_loop3A_432 = vector.shape_cast %parallel_loop3A_431 : vector<1x16xf32> to vector<16xf32>
        %parallel_loop3A_433 = vector.shape_cast %parallel_loop3A_428 : vector<16xf32> to vector<1x16xf32>
        tpu.vector_store %arg13[%parallel_loop3A_429, %parallel_loop3A_430], %parallel_loop3A_433 {strides = array<i32>} : memref<40x128xf32, #tpu.memory_space<vmem>>, vector<1x16xf32>,
        %parallel_loop3A_434 = arith.index_cast %parallel_loop3A_413 : i32 to index
        %parallel_loop3A_435 = arith.constant 16 : index
        %parallel_loop3A_436 = tpu.vector_load %arg9[%parallel_loop3A_434, %parallel_loop3A_435] {strides = array<i32>} : memref<40x128xf32, #tpu.memory_space<vmem>>, vector<1x16xf32>,
        %parallel_loop3A_437 = vector.shape_cast %parallel_loop3A_436 : vector<1x16xf32> to vector<16xf32>
        %parallel_loop3A_438 = arith.mulf %parallel_loop3A_437, %parallel_loop3A_423 : vector<16xf32>
        %parallel_loop3A_439 = arith.index_cast %parallel_loop3A_413 : i32 to index
        %parallel_loop3A_440 = arith.constant 16 : index
        %parallel_loop3A_441 = tpu.vector_load %arg13[%parallel_loop3A_439, %parallel_loop3A_440] {strides = array<i32>} : memref<40x128xf32, #tpu.memory_space<vmem>>, vector<1x16xf32>,
        %parallel_loop3A_442 = vector.shape_cast %parallel_loop3A_441 : vector<1x16xf32> to vector<16xf32>
        %parallel_loop3A_443 = vector.shape_cast %parallel_loop3A_438 : vector<16xf32> to vector<1x16xf32>
        tpu.vector_store %arg13[%parallel_loop3A_439, %parallel_loop3A_440], %parallel_loop3A_443 {strides = array<i32>} : memref<40x128xf32, #tpu.memory_space<vmem>>, vector<1x16xf32>,
        %parallel_loop3A_444 = arith.index_cast %parallel_loop3A_413 : i32 to index
        %parallel_loop3A_445 = arith.constant 16 : index
        %parallel_loop3A_446 = tpu.vector_load %arg11[%parallel_loop3A_444, %parallel_loop3A_445] {strides = array<i32>} : memref<40x64xi32, #tpu.memory_space<vmem>>, vector<1x16xi32>,
        %parallel_loop3A_447 = vector.shape_cast %parallel_loop3A_446 : vector<1x16xi32> to vector<16xi32>
        %parallel_loop3A_448 = arith.constant 16 : i32
        %parallel_loop3A_449 = vector.broadcast %parallel_loop3A_448 : i32 to vector<16xi32>
        %parallel_loop3A_450 = arith.shli %parallel_loop3A_447, %parallel_loop3A_449 : vector<16xi32>
        %parallel_loop3A_451 = tpu.bitcast %parallel_loop3A_450 : vector<16xi32> -> vector<16xf32>
        %parallel_loop3A_452 = arith.andi %parallel_loop3A_447, %broadcast_in_dim3A_356 : vector<16xi32>
        %parallel_loop3A_453 = tpu.bitcast %parallel_loop3A_452 : vector<16xi32> -> vector<16xf32>
        %parallel_loop3A_454 = arith.index_cast %parallel_loop3A_413 : i32 to index
        %parallel_loop3A_455 = arith.constant 32 : index
        %parallel_loop3A_456 = tpu.vector_load %arg9[%parallel_loop3A_454, %parallel_loop3A_455] {strides = array<i32>} : memref<40x128xf32, #tpu.memory_space<vmem>>, vector<1x16xf32>,
        %parallel_loop3A_457 = vector.shape_cast %parallel_loop3A_456 : vector<1x16xf32> to vector<16xf32>
        %parallel_loop3A_458 = arith.mulf %parallel_loop3A_457, %parallel_loop3A_451 : vector<16xf32>
        %parallel_loop3A_459 = arith.index_cast %parallel_loop3A_413 : i32 to index
        %parallel_loop3A_460 = arith.constant 32 : index
        %parallel_loop3A_461 = tpu.vector_load %arg13[%parallel_loop3A_459, %parallel_loop3A_460] {strides = array<i32>} : memref<40x128xf32, #tpu.memory_space<vmem>>, vector<1x16xf32>,
        %parallel_loop3A_462 = vector.shape_cast %parallel_loop3A_461 : vector<1x16xf32> to vector<16xf32>
        %parallel_loop3A_463 = vector.shape_cast %parallel_loop3A_458 : vector<16xf32> to vector<1x16xf32>
        tpu.vector_store %arg13[%parallel_loop3A_459, %parallel_loop3A_460], %parallel_loop3A_463 {strides = array<i32>} : memref<40x128xf32, #tpu.memory_space<vmem>>, vector<1x16xf32>,
        %parallel_loop3A_464 = arith.index_cast %parallel_loop3A_413 : i32 to index
        %parallel_loop3A_465 = arith.constant 48 : index
        %parallel_loop3A_466 = tpu.vector_load %arg9[%parallel_loop3A_464, %parallel_loop3A_465] {strides = array<i32>} : memref<40x128xf32, #tpu.memory_space<vmem>>, vector<1x16xf32>,
        %parallel_loop3A_467 = vector.shape_cast %parallel_loop3A_466 : vector<1x16xf32> to vector<16xf32>
        %parallel_loop3A_468 = arith.mulf %parallel_loop3A_467, %parallel_loop3A_453 : vector<16xf32>
        %parallel_loop3A_469 = arith.index_cast %parallel_loop3A_413 : i32 to index
        %parallel_loop3A_470 = arith.constant 48 : index
        %parallel_loop3A_471 = tpu.vector_load %arg13[%parallel_loop3A_469, %parallel_loop3A_470] {strides = array<i32>} : memref<40x128xf32, #tpu.memory_space<vmem>>, vector<1x16xf32>,
        %parallel_loop3A_472 = vector.shape_cast %parallel_loop3A_471 : vector<1x16xf32> to vector<16xf32>
        %parallel_loop3A_473 = vector.shape_cast %parallel_loop3A_468 : vector<16xf32> to vector<1x16xf32>
        tpu.vector_store %arg13[%parallel_loop3A_469, %parallel_loop3A_470], %parallel_loop3A_473 {strides = array<i32>} : memref<40x128xf32, #tpu.memory_space<vmem>>, vector<1x16xf32>,
        %parallel_loop3A_474 = arith.index_cast %parallel_loop3A_413 : i32 to index
        %parallel_loop3A_475 = arith.constant 32 : index
        %parallel_loop3A_476 = tpu.vector_load %arg11[%parallel_loop3A_474, %parallel_loop3A_475] {strides = array<i32>} : memref<40x64xi32, #tpu.memory_space<vmem>>, vector<1x16xi32>,
        %parallel_loop3A_477 = vector.shape_cast %parallel_loop3A_476 : vector<1x16xi32> to vector<16xi32>
        %parallel_loop3A_478 = arith.constant 16 : i32
        %parallel_loop3A_479 = vector.broadcast %parallel_loop3A_478 : i32 to vector<16xi32>
        %parallel_loop3A_480 = arith.shli %parallel_loop3A_477, %parallel_loop3A_479 : vector<16xi32>
        %parallel_loop3A_481 = tpu.bitcast %parallel_loop3A_480 : vector<16xi32> -> vector<16xf32>
        %parallel_loop3A_482 = arith.andi %parallel_loop3A_477, %broadcast_in_dim3A_356 : vector<16xi32>
        %parallel_loop3A_483 = tpu.bitcast %parallel_loop3A_482 : vector<16xi32> -> vector<16xf32>
        %parallel_loop3A_484 = arith.index_cast %parallel_loop3A_413 : i32 to index
        %parallel_loop3A_485 = arith.constant 64 : index
        %parallel_loop3A_486 = tpu.vector_load %arg9[%parallel_loop3A_484, %parallel_loop3A_485] {strides = array<i32>} : memref<40x128xf32, #tpu.memory_space<vmem>>, vector<1x16xf32>,
        %parallel_loop3A_487 = vector.shape_cast %parallel_loop3A_486 : vector<1x16xf32> to vector<16xf32>
        %parallel_loop3A_488 = arith.mulf %parallel_loop3A_487, %parallel_loop3A_481 : vector<16xf32>
        %parallel_loop3A_489 = arith.index_cast %parallel_loop3A_413 : i32 to index
        %parallel_loop3A_490 = arith.constant 64 : index
        %parallel_loop3A_491 = tpu.vector_load %arg13[%parallel_loop3A_489, %parallel_loop3A_490] {strides = array<i32>} : memref<40x128xf32, #tpu.memory_space<vmem>>, vector<1x16xf32>,
        %parallel_loop3A_492 = vector.shape_cast %parallel_loop3A_491 : vector<1x16xf32> to vector<16xf32>
        %parallel_loop3A_493 = vector.shape_cast %parallel_loop3A_488 : vector<16xf32> to vector<1x16xf32>
        tpu.vector_store %arg13[%parallel_loop3A_489, %parallel_loop3A_490], %parallel_loop3A_493 {strides = array<i32>} : memref<40x128xf32, #tpu.memory_space<vmem>>, vector<1x16xf32>,
        %parallel_loop3A_494 = arith.index_cast %parallel_loop3A_413 : i32 to index
        %parallel_loop3A_495 = arith.constant 80 : index
        %parallel_loop3A_496 = tpu.vector_load %arg9[%parallel_loop3A_494, %parallel_loop3A_495] {strides = array<i32>} : memref<40x128xf32, #tpu.memory_space<vmem>>, vector<1x16xf32>,
        %parallel_loop3A_497 = vector.shape_cast %parallel_loop3A_496 : vector<1x16xf32> to vector<16xf32>
        %parallel_loop3A_498 = arith.mulf %parallel_loop3A_497, %parallel_loop3A_483 : vector<16xf32>
        %parallel_loop3A_499 = arith.index_cast %parallel_loop3A_413 : i32 to index
        %parallel_loop3A_500 = arith.constant 80 : index
        %parallel_loop3A_501 = tpu.vector_load %arg13[%parallel_loop3A_499, %parallel_loop3A_500] {strides = array<i32>} : memref<40x128xf32, #tpu.memory_space<vmem>>, vector<1x16xf32>,
        %parallel_loop3A_502 = vector.shape_cast %parallel_loop3A_501 : vector<1x16xf32> to vector<16xf32>
        %parallel_loop3A_503 = vector.shape_cast %parallel_loop3A_498 : vector<16xf32> to vector<1x16xf32>
        tpu.vector_store %arg13[%parallel_loop3A_499, %parallel_loop3A_500], %parallel_loop3A_503 {strides = array<i32>} : memref<40x128xf32, #tpu.memory_space<vmem>>, vector<1x16xf32>,
        %parallel_loop3A_504 = arith.index_cast %parallel_loop3A_413 : i32 to index
        %parallel_loop3A_505 = arith.constant 48 : index
        %parallel_loop3A_506 = tpu.vector_load %arg11[%parallel_loop3A_504, %parallel_loop3A_505] {strides = array<i32>} : memref<40x64xi32, #tpu.memory_space<vmem>>, vector<1x16xi32>,
        %parallel_loop3A_507 = vector.shape_cast %parallel_loop3A_506 : vector<1x16xi32> to vector<16xi32>
        %parallel_loop3A_508 = arith.constant 16 : i32
        %parallel_loop3A_509 = vector.broadcast %parallel_loop3A_508 : i32 to vector<16xi32>
        %parallel_loop3A_510 = arith.shli %parallel_loop3A_507, %parallel_loop3A_509 : vector<16xi32>
        %parallel_loop3A_511 = tpu.bitcast %parallel_loop3A_510 : vector<16xi32> -> vector<16xf32>
        %parallel_loop3A_512 = arith.andi %parallel_loop3A_507, %broadcast_in_dim3A_356 : vector<16xi32>
        %parallel_loop3A_513 = tpu.bitcast %parallel_loop3A_512 : vector<16xi32> -> vector<16xf32>
        %parallel_loop3A_514 = arith.index_cast %parallel_loop3A_413 : i32 to index
        %parallel_loop3A_515 = arith.constant 96 : index
        %parallel_loop3A_516 = tpu.vector_load %arg9[%parallel_loop3A_514, %parallel_loop3A_515] {strides = array<i32>} : memref<40x128xf32, #tpu.memory_space<vmem>>, vector<1x16xf32>,
        %parallel_loop3A_517 = vector.shape_cast %parallel_loop3A_516 : vector<1x16xf32> to vector<16xf32>
        %parallel_loop3A_518 = arith.mulf %parallel_loop3A_517, %parallel_loop3A_511 : vector<16xf32>
        %parallel_loop3A_519 = arith.index_cast %parallel_loop3A_413 : i32 to index
        %parallel_loop3A_520 = arith.constant 96 : index
        %parallel_loop3A_521 = tpu.vector_load %arg13[%parallel_loop3A_519, %parallel_loop3A_520] {strides = array<i32>} : memref<40x128xf32, #tpu.memory_space<vmem>>, vector<1x16xf32>,
        %parallel_loop3A_522 = vector.shape_cast %parallel_loop3A_521 : vector<1x16xf32> to vector<16xf32>
        %parallel_loop3A_523 = vector.shape_cast %parallel_loop3A_518 : vector<16xf32> to vector<1x16xf32>
        tpu.vector_store %arg13[%parallel_loop3A_519, %parallel_loop3A_520], %parallel_loop3A_523 {strides = array<i32>} : memref<40x128xf32, #tpu.memory_space<vmem>>, vector<1x16xf32>,
        %parallel_loop3A_524 = arith.index_cast %parallel_loop3A_413 : i32 to index
        %parallel_loop3A_525 = arith.constant 112 : index
        %parallel_loop3A_526 = tpu.vector_load %arg9[%parallel_loop3A_524, %parallel_loop3A_525] {strides = array<i32>} : memref<40x128xf32, #tpu.memory_space<vmem>>, vector<1x16xf32>,
        %parallel_loop3A_527 = vector.shape_cast %parallel_loop3A_526 : vector<1x16xf32> to vector<16xf32>
        %parallel_loop3A_528 = arith.mulf %parallel_loop3A_527, %parallel_loop3A_513 : vector<16xf32>
        %parallel_loop3A_529 = arith.index_cast %parallel_loop3A_413 : i32 to index
        %parallel_loop3A_530 = arith.constant 112 : index
        %parallel_loop3A_531 = tpu.vector_load %arg13[%parallel_loop3A_529, %parallel_loop3A_530] {strides = array<i32>} : memref<40x128xf32, #tpu.memory_space<vmem>>, vector<1x16xf32>,
        %parallel_loop3A_532 = vector.shape_cast %parallel_loop3A_531 : vector<1x16xf32> to vector<16xf32>
        %parallel_loop3A_533 = vector.shape_cast %parallel_loop3A_528 : vector<16xf32> to vector<1x16xf32>
        tpu.vector_store %arg13[%parallel_loop3A_529, %parallel_loop3A_530], %parallel_loop3A_533 {strides = array<i32>} : memref<40x128xf32, #tpu.memory_space<vmem>>, vector<1x16xf32>,
      } {sc.loop_unroll_factor = 4 : i64, sc.parallel_access}
      %dma_start3A_360 = arith.constant 0 : i32
      %dma_start3A_361 = tpu.memref_slice %arg8[%add3A_337, %dma_start3A_360] : memref<50x40xi32, #tpu.memory_space<vmem>> -> memref<1x40xi32, #tpu.memory_space<vmem>>
      %dma_start3A_362 = tpu.memref_squeeze %dma_start3A_361 : memref<1x40xi32, #tpu.memory_space<vmem>> -> memref<40xi32, #tpu.memory_space<vmem>>
      %dma_start3A_363 = arith.constant 0 : i32
      %dma_start3A_364 = arith.constant 0 : i32
      %dma_start3A_365 = tpu.memref_slice %arg15[%dma_start3A_363, %dma_start3A_364] : memref<10240x128xf32, #tpu.memory_space<vmem_shared>> -> memref<10240x128xf32, #tpu.memory_space<vmem_shared>>
      tpu.enqueue_indirect_dma source(%arg13 : memref<40x128xf32, #tpu.memory_space<vmem>>) target(%dma_start3A_365 : memref<10240x128xf32, #tpu.memory_space<vmem_shared>>) offsets(%dma_start3A_362 : memref<40xi32, #tpu.memory_space<vmem>>) semaphore(%arg20 : memref<!tpu.dma_semaphore, #tpu.memory_space<semaphore_mem>>) {add = true}
      %add3A_366 = arith.constant 2 : i32
      %add3A_367 = arith.addi %add3A_337, %add3A_366 : i32
      %lt3A = arith.constant 50 : i32
      %lt3A_368 = arith.cmpi slt, %add3A_367, %lt3A : i32
      %convert_element_type3A_369 = arith.extui %lt3A_368 : i1 to i32
      %cond3A_370 = arith.constant 0 : i32
      %cond3A_371 = arith.cmpi ne, %convert_element_type3A_369, %cond3A_370 : i32
      scf.if %cond3A_371 {
        %add3A_413 = arith.constant 2 : i32
        %add3A_414 = arith.addi %add3A_337, %add3A_413 : i32
        %dma_start3A_415 = arith.constant 0 : i32
        %dma_start3A_416 = tpu.memref_slice %arg7[%add3A_414, %dma_start3A_415] : memref<50x40xi32, #tpu.memory_space<vmem>> -> memref<1x40xi32, #tpu.memory_space<vmem>>
        %dma_start3A_417 = tpu.memref_squeeze %dma_start3A_416 : memref<1x40xi32, #tpu.memory_space<vmem>> -> memref<40xi32, #tpu.memory_space<vmem>>
        %dma_start3A_418 = arith.constant 0 : i32
        %dma_start3A_419 = arith.constant 0 : i32
        %dma_start3A_420 = tpu.memref_slice %arg2[%dma_start3A_418, %dma_start3A_419] : memref<10000x128xf32, #tpu.memory_space<hbm>> -> memref<10000x128xf32, #tpu.memory_space<hbm>>
        tpu.enqueue_indirect_dma source(%dma_start3A_420 : memref<10000x128xf32, #tpu.memory_space<hbm>>) target(%arg9 : memref<40x128xf32, #tpu.memory_space<vmem>>) offsets(%dma_start3A_417 : memref<40xi32, #tpu.memory_space<vmem>>) semaphore(%arg16 : memref<!tpu.dma_semaphore, #tpu.memory_space<semaphore_mem>>)
        %add3A_421 = arith.constant 50 : i32
        %add3A_422 = arith.addi %add3A_421, %add3A_414 : i32
        %dma_start3A_423 = arith.constant 0 : i32
        %dma_start3A_424 = arith.constant 0 : i32
        %dma_start3A_425 = tpu.memref_slice %arg5[%add3A, %add3A_422, %dma_start3A_423, %dma_start3A_424] : memref<32x250x40x64xi32, #tpu.memory_space<hbm>> -> memref<1x1x40x64xi32, #tpu.memory_space<hbm>>
        %dma_start3A_426 = tpu.memref_squeeze %dma_start3A_425 : memref<1x1x40x64xi32, #tpu.memory_space<hbm>> -> memref<40x64xi32, #tpu.memory_space<hbm>>
        %dma_start3A_427 = arith.constant 0 : i32
        %dma_start3A_428 = arith.constant 0 : i32
        %dma_start3A_429 = tpu.memref_slice %arg5[%add3A, %add3A_422, %dma_start3A_427, %dma_start3A_428] : memref<32x250x40x64xi32, #tpu.memory_space<hbm>> -> memref<1x1x40x64xi32, #tpu.memory_space<hbm>>
        %dma_start3A_430 = tpu.memref_squeeze %dma_start3A_429 : memref<1x1x40x64xi32, #tpu.memory_space<hbm>> -> memref<40x64xi32, #tpu.memory_space<hbm>>
        tpu.enqueue_dma source(%dma_start3A_430 : memref<40x64xi32, #tpu.memory_space<hbm>>) target(%arg11 : memref<40x64xi32, #tpu.memory_space<vmem>>) target_semaphore(%arg18 : memref<!tpu.dma_semaphore, #tpu.memory_space<semaphore_mem>>)
      } else {
      }
      %add3A_372 = arith.constant 1 : i32
      %add3A_373 = arith.addi %add3A_337, %add3A_372 : i32
      %ge3A_374 = arith.constant 2 : i32
      %ge3A_375 = arith.cmpi sge, %add3A_337, %ge3A_374 : i32
      %dma_wait3A_376 = arith.constant 0 : i32
      %dma_wait3A_377 = tpu.memref_slice %arg7[%add3A_373, %dma_wait3A_376] : memref<50x40xi32, #tpu.memory_space<vmem>> -> memref<1x40xi32, #tpu.memory_space<vmem>>
      %dma_wait3A_378 = tpu.memref_squeeze %dma_wait3A_377 : memref<1x40xi32, #tpu.memory_space<vmem>> -> memref<40xi32, #tpu.memory_space<vmem>>
      %dma_wait3A_379 = arith.constant 0 : i32
      %dma_wait3A_380 = arith.constant 0 : i32
      %dma_wait3A_381 = tpu.memref_slice %arg2[%dma_wait3A_379, %dma_wait3A_380] : memref<10000x128xf32, #tpu.memory_space<hbm>> -> memref<10000x128xf32, #tpu.memory_space<hbm>>
      tpu.wait_indirect_dma semaphore(%arg17 : memref<!tpu.dma_semaphore, #tpu.memory_space<semaphore_mem>>) src(%dma_wait3A_381 : memref<10000x128xf32, #tpu.memory_space<hbm>>) dst(%arg10 : memref<40x128xf32, #tpu.memory_space<vmem>>)
      %dma_wait3A_382 = arith.constant 0 : i32
      %dma_wait3A_383 = arith.constant 0 : i32
      %dma_wait3A_384 = arith.constant 0 : i32
      %dma_wait3A_385 = arith.constant 0 : i32
      %dma_wait3A_386 = tpu.memref_slice %arg5[%dma_wait3A_382, %dma_wait3A_383, %dma_wait3A_384, %dma_wait3A_385] : memref<32x250x40x64xi32, #tpu.memory_space<hbm>> -> memref<1x1x40x64xi32, #tpu.memory_space<hbm>>
      %dma_wait3A_387 = tpu.memref_squeeze %dma_wait3A_386 : memref<1x1x40x64xi32, #tpu.memory_space<hbm>> -> memref<40x64xi32, #tpu.memory_space<hbm>>
      %dma_wait3A_388 = arith.constant 0 : i32
      %dma_wait3A_389 = arith.constant 0 : i32
      %dma_wait3A_390 = tpu.memref_slice %arg5[%dma_wait3A_382, %dma_wait3A_383, %dma_wait3A_388, %dma_wait3A_389] : memref<32x250x40x64xi32, #tpu.memory_space<hbm>> -> memref<1x1x40x64xi32, #tpu.memory_space<hbm>>
      %dma_wait3A_391 = tpu.memref_squeeze %dma_wait3A_390 : memref<1x1x40x64xi32, #tpu.memory_space<hbm>> -> memref<40x64xi32, #tpu.memory_space<hbm>>
      tpu.wait_dma2 semaphore(%arg19 : memref<!tpu.dma_semaphore, #tpu.memory_space<semaphore_mem>>) src(%dma_wait3A_391 : memref<40x64xi32, #tpu.memory_space<hbm>>) dst(%arg12 : memref<40x64xi32, #tpu.memory_space<vmem>>)
      %convert_element_type3A_392 = arith.extui %ge3A_375 : i1 to i32
      %cond3A_393 = arith.constant 0 : i32
      %cond3A_394 = arith.cmpi ne, %convert_element_type3A_392, %cond3A_393 : i32
      scf.if %cond3A_394 {
        %dma_wait3A_413 = arith.constant 0 : i32
        %dma_wait3A_414 = tpu.memref_slice %arg8[%add3A_373, %dma_wait3A_413] : memref<50x40xi32, #tpu.memory_space<vmem>> -> memref<1x40xi32, #tpu.memory_space<vmem>>
        %dma_wait3A_415 = tpu.memref_squeeze %dma_wait3A_414 : memref<1x40xi32, #tpu.memory_space<vmem>> -> memref<40xi32, #tpu.memory_space<vmem>>
        %dma_wait3A_416 = arith.constant 0 : i32
        %dma_wait3A_417 = arith.constant 0 : i32
        %dma_wait3A_418 = tpu.memref_slice %arg15[%dma_wait3A_416, %dma_wait3A_417] : memref<10240x128xf32, #tpu.memory_space<vmem_shared>> -> memref<10240x128xf32, #tpu.memory_space<vmem_shared>>
        tpu.wait_indirect_dma semaphore(%arg21 : memref<!tpu.dma_semaphore, #tpu.memory_space<semaphore_mem>>) src(%arg14 : memref<40x128xf32, #tpu.memory_space<vmem>>) dst(%dma_wait3A_418 : memref<10240x128xf32, #tpu.memory_space<vmem_shared>>)
      } else {
      }
      %broadcast_in_dim3A_395 = arith.constant -65536 : i32
      %broadcast_in_dim3A_396 = vector.broadcast %broadcast_in_dim3A_395 : i32 to vector<16xi32>
      %parallel_loop3A_397 = arith.constant 0 : i32
      %parallel_loop3A_398 = arith.constant 40 : i32
      %parallel_loop3A_399 = arith.constant 1 : i32
      scf.for %parallel_loop3A_413 = %parallel_loop3A_397 to %parallel_loop3A_398 step %parallel_loop3A_399  : i32 {
        %parallel_loop3A_414 = arith.index_cast %parallel_loop3A_413 : i32 to index
        %parallel_loop3A_415 = arith.constant 0 : index
        %parallel_loop3A_416 = tpu.vector_load %arg12[%parallel_loop3A_414, %parallel_loop3A_415] {strides = array<i32>} : memref<40x64xi32, #tpu.memory_space<vmem>>, vector<1x16xi32>,
        %parallel_loop3A_417 = vector.shape_cast %parallel_loop3A_416 : vector<1x16xi32> to vector<16xi32>
        %parallel_loop3A_418 = arith.constant 16 : i32
        %parallel_loop3A_419 = vector.broadcast %parallel_loop3A_418 : i32 to vector<16xi32>
        %parallel_loop3A_420 = arith.shli %parallel_loop3A_417, %parallel_loop3A_419 : vector<16xi32>
        %parallel_loop3A_421 = tpu.bitcast %parallel_loop3A_420 : vector<16xi32> -> vector<16xf32>
        %parallel_loop3A_422 = arith.andi %parallel_loop3A_417, %broadcast_in_dim3A_396 : vector<16xi32>
        %parallel_loop3A_423 = tpu.bitcast %parallel_loop3A_422 : vector<16xi32> -> vector<16xf32>
        %parallel_loop3A_424 = arith.index_cast %parallel_loop3A_413 : i32 to index
        %parallel_loop3A_425 = arith.constant 0 : index
        %parallel_loop3A_426 = tpu.vector_load %arg10[%parallel_loop3A_424, %parallel_loop3A_425] {strides = array<i32>} : memref<40x128xf32, #tpu.memory_space<vmem>>, vector<1x16xf32>,
        %parallel_loop3A_427 = vector.shape_cast %parallel_loop3A_426 : vector<1x16xf32> to vector<16xf32>
        %parallel_loop3A_428 = arith.mulf %parallel_loop3A_427, %parallel_loop3A_421 : vector<16xf32>
        %parallel_loop3A_429 = arith.index_cast %parallel_loop3A_413 : i32 to index
        %parallel_loop3A_430 = arith.constant 0 : index
        %parallel_loop3A_431 = tpu.vector_load %arg14[%parallel_loop3A_429, %parallel_loop3A_430] {strides = array<i32>} : memref<40x128xf32, #tpu.memory_space<vmem>>, vector<1x16xf32>,
        %parallel_loop3A_432 = vector.shape_cast %parallel_loop3A_431 : vector<1x16xf32> to vector<16xf32>
        %parallel_loop3A_433 = vector.shape_cast %parallel_loop3A_428 : vector<16xf32> to vector<1x16xf32>
        tpu.vector_store %arg14[%parallel_loop3A_429, %parallel_loop3A_430], %parallel_loop3A_433 {strides = array<i32>} : memref<40x128xf32, #tpu.memory_space<vmem>>, vector<1x16xf32>,
        %parallel_loop3A_434 = arith.index_cast %parallel_loop3A_413 : i32 to index
        %parallel_loop3A_435 = arith.constant 16 : index
        %parallel_loop3A_436 = tpu.vector_load %arg10[%parallel_loop3A_434, %parallel_loop3A_435] {strides = array<i32>} : memref<40x128xf32, #tpu.memory_space<vmem>>, vector<1x16xf32>,
        %parallel_loop3A_437 = vector.shape_cast %parallel_loop3A_436 : vector<1x16xf32> to vector<16xf32>
        %parallel_loop3A_438 = arith.mulf %parallel_loop3A_437, %parallel_loop3A_423 : vector<16xf32>
        %parallel_loop3A_439 = arith.index_cast %parallel_loop3A_413 : i32 to index
        %parallel_loop3A_440 = arith.constant 16 : index
        %parallel_loop3A_441 = tpu.vector_load %arg14[%parallel_loop3A_439, %parallel_loop3A_440] {strides = array<i32>} : memref<40x128xf32, #tpu.memory_space<vmem>>, vector<1x16xf32>,
        %parallel_loop3A_442 = vector.shape_cast %parallel_loop3A_441 : vector<1x16xf32> to vector<16xf32>
        %parallel_loop3A_443 = vector.shape_cast %parallel_loop3A_438 : vector<16xf32> to vector<1x16xf32>
        tpu.vector_store %arg14[%parallel_loop3A_439, %parallel_loop3A_440], %parallel_loop3A_443 {strides = array<i32>} : memref<40x128xf32, #tpu.memory_space<vmem>>, vector<1x16xf32>,
        %parallel_loop3A_444 = arith.index_cast %parallel_loop3A_413 : i32 to index
        %parallel_loop3A_445 = arith.constant 16 : index
        %parallel_loop3A_446 = tpu.vector_load %arg12[%parallel_loop3A_444, %parallel_loop3A_445] {strides = array<i32>} : memref<40x64xi32, #tpu.memory_space<vmem>>, vector<1x16xi32>,
        %parallel_loop3A_447 = vector.shape_cast %parallel_loop3A_446 : vector<1x16xi32> to vector<16xi32>
        %parallel_loop3A_448 = arith.constant 16 : i32
        %parallel_loop3A_449 = vector.broadcast %parallel_loop3A_448 : i32 to vector<16xi32>
        %parallel_loop3A_450 = arith.shli %parallel_loop3A_447, %parallel_loop3A_449 : vector<16xi32>
        %parallel_loop3A_451 = tpu.bitcast %parallel_loop3A_450 : vector<16xi32> -> vector<16xf32>
        %parallel_loop3A_452 = arith.andi %parallel_loop3A_447, %broadcast_in_dim3A_396 : vector<16xi32>
        %parallel_loop3A_453 = tpu.bitcast %parallel_loop3A_452 : vector<16xi32> -> vector<16xf32>
        %parallel_loop3A_454 = arith.index_cast %parallel_loop3A_413 : i32 to index
        %parallel_loop3A_455 = arith.constant 32 : index
        %parallel_loop3A_456 = tpu.vector_load %arg10[%parallel_loop3A_454, %parallel_loop3A_455] {strides = array<i32>} : memref<40x128xf32, #tpu.memory_space<vmem>>, vector<1x16xf32>,
        %parallel_loop3A_457 = vector.shape_cast %parallel_loop3A_456 : vector<1x16xf32> to vector<16xf32>
        %parallel_loop3A_458 = arith.mulf %parallel_loop3A_457, %parallel_loop3A_451 : vector<16xf32>
        %parallel_loop3A_459 = arith.index_cast %parallel_loop3A_413 : i32 to index
        %parallel_loop3A_460 = arith.constant 32 : index
        %parallel_loop3A_461 = tpu.vector_load %arg14[%parallel_loop3A_459, %parallel_loop3A_460] {strides = array<i32>} : memref<40x128xf32, #tpu.memory_space<vmem>>, vector<1x16xf32>,
        %parallel_loop3A_462 = vector.shape_cast %parallel_loop3A_461 : vector<1x16xf32> to vector<16xf32>
        %parallel_loop3A_463 = vector.shape_cast %parallel_loop3A_458 : vector<16xf32> to vector<1x16xf32>
        tpu.vector_store %arg14[%parallel_loop3A_459, %parallel_loop3A_460], %parallel_loop3A_463 {strides = array<i32>} : memref<40x128xf32, #tpu.memory_space<vmem>>, vector<1x16xf32>,
        %parallel_loop3A_464 = arith.index_cast %parallel_loop3A_413 : i32 to index
        %parallel_loop3A_465 = arith.constant 48 : index
        %parallel_loop3A_466 = tpu.vector_load %arg10[%parallel_loop3A_464, %parallel_loop3A_465] {strides = array<i32>} : memref<40x128xf32, #tpu.memory_space<vmem>>, vector<1x16xf32>,
        %parallel_loop3A_467 = vector.shape_cast %parallel_loop3A_466 : vector<1x16xf32> to vector<16xf32>
        %parallel_loop3A_468 = arith.mulf %parallel_loop3A_467, %parallel_loop3A_453 : vector<16xf32>
        %parallel_loop3A_469 = arith.index_cast %parallel_loop3A_413 : i32 to index
        %parallel_loop3A_470 = arith.constant 48 : index
        %parallel_loop3A_471 = tpu.vector_load %arg14[%parallel_loop3A_469, %parallel_loop3A_470] {strides = array<i32>} : memref<40x128xf32, #tpu.memory_space<vmem>>, vector<1x16xf32>,
        %parallel_loop3A_472 = vector.shape_cast %parallel_loop3A_471 : vector<1x16xf32> to vector<16xf32>
        %parallel_loop3A_473 = vector.shape_cast %parallel_loop3A_468 : vector<16xf32> to vector<1x16xf32>
        tpu.vector_store %arg14[%parallel_loop3A_469, %parallel_loop3A_470], %parallel_loop3A_473 {strides = array<i32>} : memref<40x128xf32, #tpu.memory_space<vmem>>, vector<1x16xf32>,
        %parallel_loop3A_474 = arith.index_cast %parallel_loop3A_413 : i32 to index
        %parallel_loop3A_475 = arith.constant 32 : index
        %parallel_loop3A_476 = tpu.vector_load %arg12[%parallel_loop3A_474, %parallel_loop3A_475] {strides = array<i32>} : memref<40x64xi32, #tpu.memory_space<vmem>>, vector<1x16xi32>,
        %parallel_loop3A_477 = vector.shape_cast %parallel_loop3A_476 : vector<1x16xi32> to vector<16xi32>
        %parallel_loop3A_478 = arith.constant 16 : i32
        %parallel_loop3A_479 = vector.broadcast %parallel_loop3A_478 : i32 to vector<16xi32>
        %parallel_loop3A_480 = arith.shli %parallel_loop3A_477, %parallel_loop3A_479 : vector<16xi32>
        %parallel_loop3A_481 = tpu.bitcast %parallel_loop3A_480 : vector<16xi32> -> vector<16xf32>
        %parallel_loop3A_482 = arith.andi %parallel_loop3A_477, %broadcast_in_dim3A_396 : vector<16xi32>
        %parallel_loop3A_483 = tpu.bitcast %parallel_loop3A_482 : vector<16xi32> -> vector<16xf32>
        %parallel_loop3A_484 = arith.index_cast %parallel_loop3A_413 : i32 to index
        %parallel_loop3A_485 = arith.constant 64 : index
        %parallel_loop3A_486 = tpu.vector_load %arg10[%parallel_loop3A_484, %parallel_loop3A_485] {strides = array<i32>} : memref<40x128xf32, #tpu.memory_space<vmem>>, vector<1x16xf32>,
        %parallel_loop3A_487 = vector.shape_cast %parallel_loop3A_486 : vector<1x16xf32> to vector<16xf32>
        %parallel_loop3A_488 = arith.mulf %parallel_loop3A_487, %parallel_loop3A_481 : vector<16xf32>
        %parallel_loop3A_489 = arith.index_cast %parallel_loop3A_413 : i32 to index
        %parallel_loop3A_490 = arith.constant 64 : index
        %parallel_loop3A_491 = tpu.vector_load %arg14[%parallel_loop3A_489, %parallel_loop3A_490] {strides = array<i32>} : memref<40x128xf32, #tpu.memory_space<vmem>>, vector<1x16xf32>,
        %parallel_loop3A_492 = vector.shape_cast %parallel_loop3A_491 : vector<1x16xf32> to vector<16xf32>
        %parallel_loop3A_493 = vector.shape_cast %parallel_loop3A_488 : vector<16xf32> to vector<1x16xf32>
        tpu.vector_store %arg14[%parallel_loop3A_489, %parallel_loop3A_490], %parallel_loop3A_493 {strides = array<i32>} : memref<40x128xf32, #tpu.memory_space<vmem>>, vector<1x16xf32>,
        %parallel_loop3A_494 = arith.index_cast %parallel_loop3A_413 : i32 to index
        %parallel_loop3A_495 = arith.constant 80 : index
        %parallel_loop3A_496 = tpu.vector_load %arg10[%parallel_loop3A_494, %parallel_loop3A_495] {strides = array<i32>} : memref<40x128xf32, #tpu.memory_space<vmem>>, vector<1x16xf32>,
        %parallel_loop3A_497 = vector.shape_cast %parallel_loop3A_496 : vector<1x16xf32> to vector<16xf32>
        %parallel_loop3A_498 = arith.mulf %parallel_loop3A_497, %parallel_loop3A_483 : vector<16xf32>
        %parallel_loop3A_499 = arith.index_cast %parallel_loop3A_413 : i32 to index
        %parallel_loop3A_500 = arith.constant 80 : index
        %parallel_loop3A_501 = tpu.vector_load %arg14[%parallel_loop3A_499, %parallel_loop3A_500] {strides = array<i32>} : memref<40x128xf32, #tpu.memory_space<vmem>>, vector<1x16xf32>,
        %parallel_loop3A_502 = vector.shape_cast %parallel_loop3A_501 : vector<1x16xf32> to vector<16xf32>
        %parallel_loop3A_503 = vector.shape_cast %parallel_loop3A_498 : vector<16xf32> to vector<1x16xf32>
        tpu.vector_store %arg14[%parallel_loop3A_499, %parallel_loop3A_500], %parallel_loop3A_503 {strides = array<i32>} : memref<40x128xf32, #tpu.memory_space<vmem>>, vector<1x16xf32>,
        %parallel_loop3A_504 = arith.index_cast %parallel_loop3A_413 : i32 to index
        %parallel_loop3A_505 = arith.constant 48 : index
        %parallel_loop3A_506 = tpu.vector_load %arg12[%parallel_loop3A_504, %parallel_loop3A_505] {strides = array<i32>} : memref<40x64xi32, #tpu.memory_space<vmem>>, vector<1x16xi32>,
        %parallel_loop3A_507 = vector.shape_cast %parallel_loop3A_506 : vector<1x16xi32> to vector<16xi32>
        %parallel_loop3A_508 = arith.constant 16 : i32
        %parallel_loop3A_509 = vector.broadcast %parallel_loop3A_508 : i32 to vector<16xi32>
        %parallel_loop3A_510 = arith.shli %parallel_loop3A_507, %parallel_loop3A_509 : vector<16xi32>
        %parallel_loop3A_511 = tpu.bitcast %parallel_loop3A_510 : vector<16xi32> -> vector<16xf32>
        %parallel_loop3A_512 = arith.andi %parallel_loop3A_507, %broadcast_in_dim3A_396 : vector<16xi32>
        %parallel_loop3A_513 = tpu.bitcast %parallel_loop3A_512 : vector<16xi32> -> vector<16xf32>
        %parallel_loop3A_514 = arith.index_cast %parallel_loop3A_413 : i32 to index
        %parallel_loop3A_515 = arith.constant 96 : index
        %parallel_loop3A_516 = tpu.vector_load %arg10[%parallel_loop3A_514, %parallel_loop3A_515] {strides = array<i32>} : memref<40x128xf32, #tpu.memory_space<vmem>>, vector<1x16xf32>,
        %parallel_loop3A_517 = vector.shape_cast %parallel_loop3A_516 : vector<1x16xf32> to vector<16xf32>
        %parallel_loop3A_518 = arith.mulf %parallel_loop3A_517, %parallel_loop3A_511 : vector<16xf32>
        %parallel_loop3A_519 = arith.index_cast %parallel_loop3A_413 : i32 to index
        %parallel_loop3A_520 = arith.constant 96 : index
        %parallel_loop3A_521 = tpu.vector_load %arg14[%parallel_loop3A_519, %parallel_loop3A_520] {strides = array<i32>} : memref<40x128xf32, #tpu.memory_space<vmem>>, vector<1x16xf32>,
        %parallel_loop3A_522 = vector.shape_cast %parallel_loop3A_521 : vector<1x16xf32> to vector<16xf32>
        %parallel_loop3A_523 = vector.shape_cast %parallel_loop3A_518 : vector<16xf32> to vector<1x16xf32>
        tpu.vector_store %arg14[%parallel_loop3A_519, %parallel_loop3A_520], %parallel_loop3A_523 {strides = array<i32>} : memref<40x128xf32, #tpu.memory_space<vmem>>, vector<1x16xf32>,
        %parallel_loop3A_524 = arith.index_cast %parallel_loop3A_413 : i32 to index
        %parallel_loop3A_525 = arith.constant 112 : index
        %parallel_loop3A_526 = tpu.vector_load %arg10[%parallel_loop3A_524, %parallel_loop3A_525] {strides = array<i32>} : memref<40x128xf32, #tpu.memory_space<vmem>>, vector<1x16xf32>,
        %parallel_loop3A_527 = vector.shape_cast %parallel_loop3A_526 : vector<1x16xf32> to vector<16xf32>
        %parallel_loop3A_528 = arith.mulf %parallel_loop3A_527, %parallel_loop3A_513 : vector<16xf32>
        %parallel_loop3A_529 = arith.index_cast %parallel_loop3A_413 : i32 to index
        %parallel_loop3A_530 = arith.constant 112 : index
        %parallel_loop3A_531 = tpu.vector_load %arg14[%parallel_loop3A_529, %parallel_loop3A_530] {strides = array<i32>} : memref<40x128xf32, #tpu.memory_space<vmem>>, vector<1x16xf32>,
        %parallel_loop3A_532 = vector.shape_cast %parallel_loop3A_531 : vector<1x16xf32> to vector<16xf32>
        %parallel_loop3A_533 = vector.shape_cast %parallel_loop3A_528 : vector<16xf32> to vector<1x16xf32>
        tpu.vector_store %arg14[%parallel_loop3A_529, %parallel_loop3A_530], %parallel_loop3A_533 {strides = array<i32>} : memref<40x128xf32, #tpu.memory_space<vmem>>, vector<1x16xf32>,
      } {sc.loop_unroll_factor = 4 : i64, sc.parallel_access}
      %dma_start3A_400 = arith.constant 0 : i32
      %dma_start3A_401 = tpu.memref_slice %arg8[%add3A_373, %dma_start3A_400] : memref<50x40xi32, #tpu.memory_space<vmem>> -> memref<1x40xi32, #tpu.memory_space<vmem>>
      %dma_start3A_402 = tpu.memref_squeeze %dma_start3A_401 : memref<1x40xi32, #tpu.memory_space<vmem>> -> memref<40xi32, #tpu.memory_space<vmem>>
      %dma_start3A_403 = arith.constant 0 : i32
      %dma_start3A_404 = arith.constant 0 : i32
      %dma_start3A_405 = tpu.memref_slice %arg15[%dma_start3A_403, %dma_start3A_404] : memref<10240x128xf32, #tpu.memory_space<vmem_shared>> -> memref<10240x128xf32, #tpu.memory_space<vmem_shared>>
      tpu.enqueue_indirect_dma source(%arg14 : memref<40x128xf32, #tpu.memory_space<vmem>>) target(%dma_start3A_405 : memref<10240x128xf32, #tpu.memory_space<vmem_shared>>) offsets(%dma_start3A_402 : memref<40xi32, #tpu.memory_space<vmem>>) semaphore(%arg21 : memref<!tpu.dma_semaphore, #tpu.memory_space<semaphore_mem>>) {add = true}
      %add3A_406 = arith.constant 3 : i32
      %add3A_407 = arith.addi %add3A_337, %add3A_406 : i32
      %lt3A_408 = arith.constant 50 : i32
      %lt3A_409 = arith.cmpi slt, %add3A_407, %lt3A_408 : i32
      %convert_element_type3A_410 = arith.extui %lt3A_409 : i1 to i32
      %cond3A_411 = arith.constant 0 : i32
      %cond3A_412 = arith.cmpi ne, %convert_element_type3A_410, %cond3A_411 : i32
      scf.if %cond3A_412 {
        %add3A_413 = arith.constant 3 : i32
        %add3A_414 = arith.addi %add3A_337, %add3A_413 : i32
        %dma_start3A_415 = arith.constant 0 : i32
        %dma_start3A_416 = tpu.memref_slice %arg7[%add3A_414, %dma_start3A_415] : memref<50x40xi32, #tpu.memory_space<vmem>> -> memref<1x40xi32, #tpu.memory_space<vmem>>
        %dma_start3A_417 = tpu.memref_squeeze %dma_start3A_416 : memref<1x40xi32, #tpu.memory_space<vmem>> -> memref<40xi32, #tpu.memory_space<vmem>>
        %dma_start3A_418 = arith.constant 0 : i32
        %dma_start3A_419 = arith.constant 0 : i32
        %dma_start3A_420 = tpu.memref_slice %arg2[%dma_start3A_418, %dma_start3A_419] : memref<10000x128xf32, #tpu.memory_space<hbm>> -> memref<10000x128xf32, #tpu.memory_space<hbm>>
        tpu.enqueue_indirect_dma source(%dma_start3A_420 : memref<10000x128xf32, #tpu.memory_space<hbm>>) target(%arg10 : memref<40x128xf32, #tpu.memory_space<vmem>>) offsets(%dma_start3A_417 : memref<40xi32, #tpu.memory_space<vmem>>) semaphore(%arg17 : memref<!tpu.dma_semaphore, #tpu.memory_space<semaphore_mem>>)
        %add3A_421 = arith.constant 50 : i32
        %add3A_422 = arith.addi %add3A_421, %add3A_414 : i32
        %dma_start3A_423 = arith.constant 0 : i32
        %dma_start3A_424 = arith.constant 0 : i32
        %dma_start3A_425 = tpu.memref_slice %arg5[%add3A, %add3A_422, %dma_start3A_423, %dma_start3A_424] : memref<32x250x40x64xi32, #tpu.memory_space<hbm>> -> memref<1x1x40x64xi32, #tpu.memory_space<hbm>>
        %dma_start3A_426 = tpu.memref_squeeze %dma_start3A_425 : memref<1x1x40x64xi32, #tpu.memory_space<hbm>> -> memref<40x64xi32, #tpu.memory_space<hbm>>
        %dma_start3A_427 = arith.constant 0 : i32
        %dma_start3A_428 = arith.constant 0 : i32
        %dma_start3A_429 = tpu.memref_slice %arg5[%add3A, %add3A_422, %dma_start3A_427, %dma_start3A_428] : memref<32x250x40x64xi32, #tpu.memory_space<hbm>> -> memref<1x1x40x64xi32, #tpu.memory_space<hbm>>
        %dma_start3A_430 = tpu.memref_squeeze %dma_start3A_429 : memref<1x1x40x64xi32, #tpu.memory_space<hbm>> -> memref<40x64xi32, #tpu.memory_space<hbm>>
        tpu.enqueue_dma source(%dma_start3A_430 : memref<40x64xi32, #tpu.memory_space<hbm>>) target(%arg12 : memref<40x64xi32, #tpu.memory_space<vmem>>) target_semaphore(%arg19 : memref<!tpu.dma_semaphore, #tpu.memory_space<semaphore_mem>>)
      } else {
      }
    }
    %scan3A_154 = arith.constant 25 : i32
    %dma_wait3A_155 = arith.constant 48 : i32
    %dma_wait3A_156 = arith.constant 0 : i32
    %dma_wait3A_157 = tpu.memref_slice %arg8[%dma_wait3A_155, %dma_wait3A_156] : memref<50x40xi32, #tpu.memory_space<vmem>> -> memref<1x40xi32, #tpu.memory_space<vmem>>
    %dma_wait3A_158 = tpu.memref_squeeze %dma_wait3A_157 : memref<1x40xi32, #tpu.memory_space<vmem>> -> memref<40xi32, #tpu.memory_space<vmem>>
    %dma_wait3A_159 = arith.constant 0 : i32
    %dma_wait3A_160 = arith.constant 0 : i32
    %dma_wait3A_161 = tpu.memref_slice %arg15[%dma_wait3A_159, %dma_wait3A_160] : memref<10240x128xf32, #tpu.memory_space<vmem_shared>> -> memref<10240x128xf32, #tpu.memory_space<vmem_shared>>
    tpu.wait_indirect_dma semaphore(%arg20 : memref<!tpu.dma_semaphore, #tpu.memory_space<semaphore_mem>>) src(%arg13 : memref<40x128xf32, #tpu.memory_space<vmem>>) dst(%dma_wait3A_161 : memref<10240x128xf32, #tpu.memory_space<vmem_shared>>)
    %dma_wait3A_162 = arith.constant 49 : i32
    %dma_wait3A_163 = arith.constant 0 : i32
    %dma_wait3A_164 = tpu.memref_slice %arg8[%dma_wait3A_162, %dma_wait3A_163] : memref<50x40xi32, #tpu.memory_space<vmem>> -> memref<1x40xi32, #tpu.memory_space<vmem>>
    %dma_wait3A_165 = tpu.memref_squeeze %dma_wait3A_164 : memref<1x40xi32, #tpu.memory_space<vmem>> -> memref<40xi32, #tpu.memory_space<vmem>>
    %dma_wait3A_166 = arith.constant 0 : i32
    %dma_wait3A_167 = arith.constant 0 : i32
    %dma_wait3A_168 = tpu.memref_slice %arg15[%dma_wait3A_166, %dma_wait3A_167] : memref<10240x128xf32, #tpu.memory_space<vmem_shared>> -> memref<10240x128xf32, #tpu.memory_space<vmem_shared>>
    tpu.wait_indirect_dma semaphore(%arg21 : memref<!tpu.dma_semaphore, #tpu.memory_space<semaphore_mem>>) src(%arg14 : memref<40x128xf32, #tpu.memory_space<vmem>>) dst(%dma_wait3A_168 : memref<10240x128xf32, #tpu.memory_space<vmem_shared>>)
    %run_scoped3A_169 = arith.constant 2 : i32
    "tpu.region"() ({
      %run_scoped3A_333 = tpu.sem_alloc : memref<!tpu.dma_semaphore, #tpu.memory_space<semaphore_mem>>
      %dma_start3A_334 = arith.constant 0 : i32
      %dma_start3A_335 = arith.constant 0 : i32
      %dma_start3A_336 = tpu.memref_slice %arg3[%add3A, %run_scoped3A_169, %dma_start3A_334, %dma_start3A_335] : memref<32x5x50x40xi32, #tpu.memory_space<hbm>> -> memref<1x1x50x40xi32, #tpu.memory_space<hbm>>
      %dma_start3A_337 = tpu.memref_squeeze %dma_start3A_336 : memref<1x1x50x40xi32, #tpu.memory_space<hbm>> -> memref<50x40xi32, #tpu.memory_space<hbm>>
      %dma_start3A_338 = arith.constant 0 : i32
      %dma_start3A_339 = arith.constant 0 : i32
      %dma_start3A_340 = tpu.memref_slice %arg3[%add3A, %run_scoped3A_169, %dma_start3A_338, %dma_start3A_339] : memref<32x5x50x40xi32, #tpu.memory_space<hbm>> -> memref<1x1x50x40xi32, #tpu.memory_space<hbm>>
      %dma_start3A_341 = tpu.memref_squeeze %dma_start3A_340 : memref<1x1x50x40xi32, #tpu.memory_space<hbm>> -> memref<50x40xi32, #tpu.memory_space<hbm>>
      tpu.enqueue_dma source(%dma_start3A_341 : memref<50x40xi32, #tpu.memory_space<hbm>>) target(%arg7 : memref<50x40xi32, #tpu.memory_space<vmem>>) target_semaphore(%run_scoped3A_333 : memref<!tpu.dma_semaphore, #tpu.memory_space<semaphore_mem>>)
      %dma_wait3A_342 = arith.constant 0 : i32
      %dma_wait3A_343 = arith.constant 0 : i32
      %dma_wait3A_344 = tpu.memref_slice %arg3[%add3A, %run_scoped3A_169, %dma_wait3A_342, %dma_wait3A_343] : memref<32x5x50x40xi32, #tpu.memory_space<hbm>> -> memref<1x1x50x40xi32, #tpu.memory_space<hbm>>
      %dma_wait3A_345 = tpu.memref_squeeze %dma_wait3A_344 : memref<1x1x50x40xi32, #tpu.memory_space<hbm>> -> memref<50x40xi32, #tpu.memory_space<hbm>>
      %dma_wait3A_346 = arith.constant 0 : i32
      %dma_wait3A_347 = arith.constant 0 : i32
      %dma_wait3A_348 = tpu.memref_slice %arg3[%add3A, %run_scoped3A_169, %dma_wait3A_346, %dma_wait3A_347] : memref<32x5x50x40xi32, #tpu.memory_space<hbm>> -> memref<1x1x50x40xi32, #tpu.memory_space<hbm>>
      %dma_wait3A_349 = tpu.memref_squeeze %dma_wait3A_348 : memref<1x1x50x40xi32, #tpu.memory_space<hbm>> -> memref<50x40xi32, #tpu.memory_space<hbm>>
      tpu.wait_dma2 semaphore(%run_scoped3A_333 : memref<!tpu.dma_semaphore, #tpu.memory_space<semaphore_mem>>) src(%dma_wait3A_349 : memref<50x40xi32, #tpu.memory_space<hbm>>) dst(%arg7 : memref<50x40xi32, #tpu.memory_space<vmem>>)
      tpu.yield
    }) : () -> ()
    %run_scoped3A_170 = arith.constant 2 : i32
    "tpu.region"() ({
      %run_scoped3A_333 = tpu.sem_alloc : memref<!tpu.dma_semaphore, #tpu.memory_space<semaphore_mem>>
      %dma_start3A_334 = arith.constant 0 : i32
      %dma_start3A_335 = arith.constant 0 : i32
      %dma_start3A_336 = tpu.memref_slice %arg4[%add3A, %run_scoped3A_170, %dma_start3A_334, %dma_start3A_335] : memref<32x5x50x40xi32, #tpu.memory_space<hbm>> -> memref<1x1x50x40xi32, #tpu.memory_space<hbm>>
      %dma_start3A_337 = tpu.memref_squeeze %dma_start3A_336 : memref<1x1x50x40xi32, #tpu.memory_space<hbm>> -> memref<50x40xi32, #tpu.memory_space<hbm>>
      %dma_start3A_338 = arith.constant 0 : i32
      %dma_start3A_339 = arith.constant 0 : i32
      %dma_start3A_340 = tpu.memref_slice %arg4[%add3A, %run_scoped3A_170, %dma_start3A_338, %dma_start3A_339] : memref<32x5x50x40xi32, #tpu.memory_space<hbm>> -> memref<1x1x50x40xi32, #tpu.memory_space<hbm>>
      %dma_start3A_341 = tpu.memref_squeeze %dma_start3A_340 : memref<1x1x50x40xi32, #tpu.memory_space<hbm>> -> memref<50x40xi32, #tpu.memory_space<hbm>>
      tpu.enqueue_dma source(%dma_start3A_341 : memref<50x40xi32, #tpu.memory_space<hbm>>) target(%arg8 : memref<50x40xi32, #tpu.memory_space<vmem>>) target_semaphore(%run_scoped3A_333 : memref<!tpu.dma_semaphore, #tpu.memory_space<semaphore_mem>>)
      %dma_wait3A_342 = arith.constant 0 : i32
      %dma_wait3A_343 = arith.constant 0 : i32
      %dma_wait3A_344 = tpu.memref_slice %arg4[%add3A, %run_scoped3A_170, %dma_wait3A_342, %dma_wait3A_343] : memref<32x5x50x40xi32, #tpu.memory_space<hbm>> -> memref<1x1x50x40xi32, #tpu.memory_space<hbm>>
      %dma_wait3A_345 = tpu.memref_squeeze %dma_wait3A_344 : memref<1x1x50x40xi32, #tpu.memory_space<hbm>> -> memref<50x40xi32, #tpu.memory_space<hbm>>
      %dma_wait3A_346 = arith.constant 0 : i32
      %dma_wait3A_347 = arith.constant 0 : i32
      %dma_wait3A_348 = tpu.memref_slice %arg4[%add3A, %run_scoped3A_170, %dma_wait3A_346, %dma_wait3A_347] : memref<32x5x50x40xi32, #tpu.memory_space<hbm>> -> memref<1x1x50x40xi32, #tpu.memory_space<hbm>>
      %dma_wait3A_349 = tpu.memref_squeeze %dma_wait3A_348 : memref<1x1x50x40xi32, #tpu.memory_space<hbm>> -> memref<50x40xi32, #tpu.memory_space<hbm>>
      tpu.wait_dma2 semaphore(%run_scoped3A_333 : memref<!tpu.dma_semaphore, #tpu.memory_space<semaphore_mem>>) src(%dma_wait3A_349 : memref<50x40xi32, #tpu.memory_space<hbm>>) dst(%arg8 : memref<50x40xi32, #tpu.memory_space<vmem>>)
      tpu.yield
    }) : () -> ()
    %dma_start3A_171 = arith.constant 0 : i32
    %dma_start3A_172 = arith.constant 0 : i32
    %dma_start3A_173 = tpu.memref_slice %arg7[%dma_start3A_171, %dma_start3A_172] : memref<50x40xi32, #tpu.memory_space<vmem>> -> memref<1x40xi32, #tpu.memory_space<vmem>>
    %dma_start3A_174 = tpu.memref_squeeze %dma_start3A_173 : memref<1x40xi32, #tpu.memory_space<vmem>> -> memref<40xi32, #tpu.memory_space<vmem>>
    %dma_start3A_175 = arith.constant 0 : i32
    %dma_start3A_176 = arith.constant 0 : i32
    %dma_start3A_177 = tpu.memref_slice %arg2[%dma_start3A_175, %dma_start3A_176] : memref<10000x128xf32, #tpu.memory_space<hbm>> -> memref<10000x128xf32, #tpu.memory_space<hbm>>
    tpu.enqueue_indirect_dma source(%dma_start3A_177 : memref<10000x128xf32, #tpu.memory_space<hbm>>) target(%arg9 : memref<40x128xf32, #tpu.memory_space<vmem>>) offsets(%dma_start3A_174 : memref<40xi32, #tpu.memory_space<vmem>>) semaphore(%arg16 : memref<!tpu.dma_semaphore, #tpu.memory_space<semaphore_mem>>)
    %dma_start3A_178 = arith.constant 100 : i32
    %dma_start3A_179 = arith.constant 0 : i32
    %dma_start3A_180 = arith.constant 0 : i32
    %dma_start3A_181 = tpu.memref_slice %arg5[%add3A, %dma_start3A_178, %dma_start3A_179, %dma_start3A_180] : memref<32x250x40x64xi32, #tpu.memory_space<hbm>> -> memref<1x1x40x64xi32, #tpu.memory_space<hbm>>
    %dma_start3A_182 = tpu.memref_squeeze %dma_start3A_181 : memref<1x1x40x64xi32, #tpu.memory_space<hbm>> -> memref<40x64xi32, #tpu.memory_space<hbm>>
    %dma_start3A_183 = arith.constant 0 : i32
    %dma_start3A_184 = arith.constant 0 : i32
    %dma_start3A_185 = tpu.memref_slice %arg5[%add3A, %dma_start3A_178, %dma_start3A_183, %dma_start3A_184] : memref<32x250x40x64xi32, #tpu.memory_space<hbm>> -> memref<1x1x40x64xi32, #tpu.memory_space<hbm>>
    %dma_start3A_186 = tpu.memref_squeeze %dma_start3A_185 : memref<1x1x40x64xi32, #tpu.memory_space<hbm>> -> memref<40x64xi32, #tpu.memory_space<hbm>>
    tpu.enqueue_dma source(%dma_start3A_186 : memref<40x64xi32, #tpu.memory_space<hbm>>) target(%arg11 : memref<40x64xi32, #tpu.memory_space<vmem>>) target_semaphore(%arg18 : memref<!tpu.dma_semaphore, #tpu.memory_space<semaphore_mem>>)
    %dma_start3A_187 = arith.constant 1 : i32
    %dma_start3A_188 = arith.constant 0 : i32
    %dma_start3A_189 = tpu.memref_slice %arg7[%dma_start3A_187, %dma_start3A_188] : memref<50x40xi32, #tpu.memory_space<vmem>> -> memref<1x40xi32, #tpu.memory_space<vmem>>
    %dma_start3A_190 = tpu.memref_squeeze %dma_start3A_189 : memref<1x40xi32, #tpu.memory_space<vmem>> -> memref<40xi32, #tpu.memory_space<vmem>>
    %dma_start3A_191 = arith.constant 0 : i32
    %dma_start3A_192 = arith.constant 0 : i32
    %dma_start3A_193 = tpu.memref_slice %arg2[%dma_start3A_191, %dma_start3A_192] : memref<10000x128xf32, #tpu.memory_space<hbm>> -> memref<10000x128xf32, #tpu.memory_space<hbm>>
    tpu.enqueue_indirect_dma source(%dma_start3A_193 : memref<10000x128xf32, #tpu.memory_space<hbm>>) target(%arg10 : memref<40x128xf32, #tpu.memory_space<vmem>>) offsets(%dma_start3A_190 : memref<40xi32, #tpu.memory_space<vmem>>) semaphore(%arg17 : memref<!tpu.dma_semaphore, #tpu.memory_space<semaphore_mem>>)
    %dma_start3A_194 = arith.constant 101 : i32
    %dma_start3A_195 = arith.constant 0 : i32
    %dma_start3A_196 = arith.constant 0 : i32
    %dma_start3A_197 = tpu.memref_slice %arg5[%add3A, %dma_start3A_194, %dma_start3A_195, %dma_start3A_196] : memref<32x250x40x64xi32, #tpu.memory_space<hbm>> -> memref<1x1x40x64xi32, #tpu.memory_space<hbm>>
    %dma_start3A_198 = tpu.memref_squeeze %dma_start3A_197 : memref<1x1x40x64xi32, #tpu.memory_space<hbm>> -> memref<40x64xi32, #tpu.memory_space<hbm>>
    %dma_start3A_199 = arith.constant 0 : i32
    %dma_start3A_200 = arith.constant 0 : i32
    %dma_start3A_201 = tpu.memref_slice %arg5[%add3A, %dma_start3A_194, %dma_start3A_199, %dma_start3A_200] : memref<32x250x40x64xi32, #tpu.memory_space<hbm>> -> memref<1x1x40x64xi32, #tpu.memory_space<hbm>>
    %dma_start3A_202 = tpu.memref_squeeze %dma_start3A_201 : memref<1x1x40x64xi32, #tpu.memory_space<hbm>> -> memref<40x64xi32, #tpu.memory_space<hbm>>
    tpu.enqueue_dma source(%dma_start3A_202 : memref<40x64xi32, #tpu.memory_space<hbm>>) target(%arg12 : memref<40x64xi32, #tpu.memory_space<vmem>>) target_semaphore(%arg19 : memref<!tpu.dma_semaphore, #tpu.memory_space<semaphore_mem>>)
    %scan3A_203 = arith.constant 0 : i32
    %scan3A_204 = arith.constant 25 : i32
    %scan3A_205 = arith.addi %scan3A_203, %scan3A_204 : i32
    %scan3A_206 = arith.constant 1 : i32
    scf.for %scan3A_333 = %scan3A_203 to %scan3A_205 step %scan3A_206  : i32 {
      %mul3A_334 = arith.constant 2 : i32
      %mul3A_335 = arith.muli %scan3A_333, %mul3A_334 : i32
      %add3A_336 = arith.constant 0 : i32
      %add3A_337 = arith.addi %add3A_336, %mul3A_335 : i32
      %ge3A = arith.constant 2 : i32
      %ge3A_338 = arith.cmpi sge, %add3A_337, %ge3A : i32
      %dma_wait3A_339 = arith.constant 0 : i32
      %dma_wait3A_340 = tpu.memref_slice %arg7[%add3A_337, %dma_wait3A_339] : memref<50x40xi32, #tpu.memory_space<vmem>> -> memref<1x40xi32, #tpu.memory_space<vmem>>
      %dma_wait3A_341 = tpu.memref_squeeze %dma_wait3A_340 : memref<1x40xi32, #tpu.memory_space<vmem>> -> memref<40xi32, #tpu.memory_space<vmem>>
      %dma_wait3A_342 = arith.constant 0 : i32
      %dma_wait3A_343 = arith.constant 0 : i32
      %dma_wait3A_344 = tpu.memref_slice %arg2[%dma_wait3A_342, %dma_wait3A_343] : memref<10000x128xf32, #tpu.memory_space<hbm>> -> memref<10000x128xf32, #tpu.memory_space<hbm>>
      tpu.wait_indirect_dma semaphore(%arg16 : memref<!tpu.dma_semaphore, #tpu.memory_space<semaphore_mem>>) src(%dma_wait3A_344 : memref<10000x128xf32, #tpu.memory_space<hbm>>) dst(%arg9 : memref<40x128xf32, #tpu.memory_space<vmem>>)
      %dma_wait3A_345 = arith.constant 0 : i32
      %dma_wait3A_346 = arith.constant 0 : i32
      %dma_wait3A_347 = arith.constant 0 : i32
      %dma_wait3A_348 = arith.constant 0 : i32
      %dma_wait3A_349 = tpu.memref_slice %arg5[%dma_wait3A_345, %dma_wait3A_346, %dma_wait3A_347, %dma_wait3A_348] : memref<32x250x40x64xi32, #tpu.memory_space<hbm>> -> memref<1x1x40x64xi32, #tpu.memory_space<hbm>>
      %dma_wait3A_350 = tpu.memref_squeeze %dma_wait3A_349 : memref<1x1x40x64xi32, #tpu.memory_space<hbm>> -> memref<40x64xi32, #tpu.memory_space<hbm>>
      %dma_wait3A_351 = arith.constant 0 : i32
      %dma_wait3A_352 = arith.constant 0 : i32
      %dma_wait3A_353 = tpu.memref_slice %arg5[%dma_wait3A_345, %dma_wait3A_346, %dma_wait3A_351, %dma_wait3A_352] : memref<32x250x40x64xi32, #tpu.memory_space<hbm>> -> memref<1x1x40x64xi32, #tpu.memory_space<hbm>>
      %dma_wait3A_354 = tpu.memref_squeeze %dma_wait3A_353 : memref<1x1x40x64xi32, #tpu.memory_space<hbm>> -> memref<40x64xi32, #tpu.memory_space<hbm>>
      tpu.wait_dma2 semaphore(%arg18 : memref<!tpu.dma_semaphore, #tpu.memory_space<semaphore_mem>>) src(%dma_wait3A_354 : memref<40x64xi32, #tpu.memory_space<hbm>>) dst(%arg11 : memref<40x64xi32, #tpu.memory_space<vmem>>)
      %convert_element_type3A = arith.extui %ge3A_338 : i1 to i32
      %cond3A = arith.constant 0 : i32
      %cond3A_355 = arith.cmpi ne, %convert_element_type3A, %cond3A : i32
      scf.if %cond3A_355 {
        %dma_wait3A_413 = arith.constant 0 : i32
        %dma_wait3A_414 = tpu.memref_slice %arg8[%add3A_337, %dma_wait3A_413] : memref<50x40xi32, #tpu.memory_space<vmem>> -> memref<1x40xi32, #tpu.memory_space<vmem>>
        %dma_wait3A_415 = tpu.memref_squeeze %dma_wait3A_414 : memref<1x40xi32, #tpu.memory_space<vmem>> -> memref<40xi32, #tpu.memory_space<vmem>>
        %dma_wait3A_416 = arith.constant 0 : i32
        %dma_wait3A_417 = arith.constant 0 : i32
        %dma_wait3A_418 = tpu.memref_slice %arg15[%dma_wait3A_416, %dma_wait3A_417] : memref<10240x128xf32, #tpu.memory_space<vmem_shared>> -> memref<10240x128xf32, #tpu.memory_space<vmem_shared>>
        tpu.wait_indirect_dma semaphore(%arg20 : memref<!tpu.dma_semaphore, #tpu.memory_space<semaphore_mem>>) src(%arg13 : memref<40x128xf32, #tpu.memory_space<vmem>>) dst(%dma_wait3A_418 : memref<10240x128xf32, #tpu.memory_space<vmem_shared>>)
      } else {
      }
      %broadcast_in_dim3A = arith.constant -65536 : i32
      %broadcast_in_dim3A_356 = vector.broadcast %broadcast_in_dim3A : i32 to vector<16xi32>
      %parallel_loop3A_357 = arith.constant 0 : i32
      %parallel_loop3A_358 = arith.constant 40 : i32
      %parallel_loop3A_359 = arith.constant 1 : i32
      scf.for %parallel_loop3A_413 = %parallel_loop3A_357 to %parallel_loop3A_358 step %parallel_loop3A_359  : i32 {
        %parallel_loop3A_414 = arith.index_cast %parallel_loop3A_413 : i32 to index
        %parallel_loop3A_415 = arith.constant 0 : index
        %parallel_loop3A_416 = tpu.vector_load %arg11[%parallel_loop3A_414, %parallel_loop3A_415] {strides = array<i32>} : memref<40x64xi32, #tpu.memory_space<vmem>>, vector<1x16xi32>,
        %parallel_loop3A_417 = vector.shape_cast %parallel_loop3A_416 : vector<1x16xi32> to vector<16xi32>
        %parallel_loop3A_418 = arith.constant 16 : i32
        %parallel_loop3A_419 = vector.broadcast %parallel_loop3A_418 : i32 to vector<16xi32>
        %parallel_loop3A_420 = arith.shli %parallel_loop3A_417, %parallel_loop3A_419 : vector<16xi32>
        %parallel_loop3A_421 = tpu.bitcast %parallel_loop3A_420 : vector<16xi32> -> vector<16xf32>
        %parallel_loop3A_422 = arith.andi %parallel_loop3A_417, %broadcast_in_dim3A_356 : vector<16xi32>
        %parallel_loop3A_423 = tpu.bitcast %parallel_loop3A_422 : vector<16xi32> -> vector<16xf32>
        %parallel_loop3A_424 = arith.index_cast %parallel_loop3A_413 : i32 to index
        %parallel_loop3A_425 = arith.constant 0 : index
        %parallel_loop3A_426 = tpu.vector_load %arg9[%parallel_loop3A_424, %parallel_loop3A_425] {strides = array<i32>} : memref<40x128xf32, #tpu.memory_space<vmem>>, vector<1x16xf32>,
        %parallel_loop3A_427 = vector.shape_cast %parallel_loop3A_426 : vector<1x16xf32> to vector<16xf32>
        %parallel_loop3A_428 = arith.mulf %parallel_loop3A_427, %parallel_loop3A_421 : vector<16xf32>
        %parallel_loop3A_429 = arith.index_cast %parallel_loop3A_413 : i32 to index
        %parallel_loop3A_430 = arith.constant 0 : index
        %parallel_loop3A_431 = tpu.vector_load %arg13[%parallel_loop3A_429, %parallel_loop3A_430] {strides = array<i32>} : memref<40x128xf32, #tpu.memory_space<vmem>>, vector<1x16xf32>,
        %parallel_loop3A_432 = vector.shape_cast %parallel_loop3A_431 : vector<1x16xf32> to vector<16xf32>
        %parallel_loop3A_433 = vector.shape_cast %parallel_loop3A_428 : vector<16xf32> to vector<1x16xf32>
        tpu.vector_store %arg13[%parallel_loop3A_429, %parallel_loop3A_430], %parallel_loop3A_433 {strides = array<i32>} : memref<40x128xf32, #tpu.memory_space<vmem>>, vector<1x16xf32>,
        %parallel_loop3A_434 = arith.index_cast %parallel_loop3A_413 : i32 to index
        %parallel_loop3A_435 = arith.constant 16 : index
        %parallel_loop3A_436 = tpu.vector_load %arg9[%parallel_loop3A_434, %parallel_loop3A_435] {strides = array<i32>} : memref<40x128xf32, #tpu.memory_space<vmem>>, vector<1x16xf32>,
        %parallel_loop3A_437 = vector.shape_cast %parallel_loop3A_436 : vector<1x16xf32> to vector<16xf32>
        %parallel_loop3A_438 = arith.mulf %parallel_loop3A_437, %parallel_loop3A_423 : vector<16xf32>
        %parallel_loop3A_439 = arith.index_cast %parallel_loop3A_413 : i32 to index
        %parallel_loop3A_440 = arith.constant 16 : index
        %parallel_loop3A_441 = tpu.vector_load %arg13[%parallel_loop3A_439, %parallel_loop3A_440] {strides = array<i32>} : memref<40x128xf32, #tpu.memory_space<vmem>>, vector<1x16xf32>,
        %parallel_loop3A_442 = vector.shape_cast %parallel_loop3A_441 : vector<1x16xf32> to vector<16xf32>
        %parallel_loop3A_443 = vector.shape_cast %parallel_loop3A_438 : vector<16xf32> to vector<1x16xf32>
        tpu.vector_store %arg13[%parallel_loop3A_439, %parallel_loop3A_440], %parallel_loop3A_443 {strides = array<i32>} : memref<40x128xf32, #tpu.memory_space<vmem>>, vector<1x16xf32>,
        %parallel_loop3A_444 = arith.index_cast %parallel_loop3A_413 : i32 to index
        %parallel_loop3A_445 = arith.constant 16 : index
        %parallel_loop3A_446 = tpu.vector_load %arg11[%parallel_loop3A_444, %parallel_loop3A_445] {strides = array<i32>} : memref<40x64xi32, #tpu.memory_space<vmem>>, vector<1x16xi32>,
        %parallel_loop3A_447 = vector.shape_cast %parallel_loop3A_446 : vector<1x16xi32> to vector<16xi32>
        %parallel_loop3A_448 = arith.constant 16 : i32
        %parallel_loop3A_449 = vector.broadcast %parallel_loop3A_448 : i32 to vector<16xi32>
        %parallel_loop3A_450 = arith.shli %parallel_loop3A_447, %parallel_loop3A_449 : vector<16xi32>
        %parallel_loop3A_451 = tpu.bitcast %parallel_loop3A_450 : vector<16xi32> -> vector<16xf32>
        %parallel_loop3A_452 = arith.andi %parallel_loop3A_447, %broadcast_in_dim3A_356 : vector<16xi32>
        %parallel_loop3A_453 = tpu.bitcast %parallel_loop3A_452 : vector<16xi32> -> vector<16xf32>
        %parallel_loop3A_454 = arith.index_cast %parallel_loop3A_413 : i32 to index
        %parallel_loop3A_455 = arith.constant 32 : index
        %parallel_loop3A_456 = tpu.vector_load %arg9[%parallel_loop3A_454, %parallel_loop3A_455] {strides = array<i32>} : memref<40x128xf32, #tpu.memory_space<vmem>>, vector<1x16xf32>,
        %parallel_loop3A_457 = vector.shape_cast %parallel_loop3A_456 : vector<1x16xf32> to vector<16xf32>
        %parallel_loop3A_458 = arith.mulf %parallel_loop3A_457, %parallel_loop3A_451 : vector<16xf32>
        %parallel_loop3A_459 = arith.index_cast %parallel_loop3A_413 : i32 to index
        %parallel_loop3A_460 = arith.constant 32 : index
        %parallel_loop3A_461 = tpu.vector_load %arg13[%parallel_loop3A_459, %parallel_loop3A_460] {strides = array<i32>} : memref<40x128xf32, #tpu.memory_space<vmem>>, vector<1x16xf32>,
        %parallel_loop3A_462 = vector.shape_cast %parallel_loop3A_461 : vector<1x16xf32> to vector<16xf32>
        %parallel_loop3A_463 = vector.shape_cast %parallel_loop3A_458 : vector<16xf32> to vector<1x16xf32>
        tpu.vector_store %arg13[%parallel_loop3A_459, %parallel_loop3A_460], %parallel_loop3A_463 {strides = array<i32>} : memref<40x128xf32, #tpu.memory_space<vmem>>, vector<1x16xf32>,
        %parallel_loop3A_464 = arith.index_cast %parallel_loop3A_413 : i32 to index
        %parallel_loop3A_465 = arith.constant 48 : index
        %parallel_loop3A_466 = tpu.vector_load %arg9[%parallel_loop3A_464, %parallel_loop3A_465] {strides = array<i32>} : memref<40x128xf32, #tpu.memory_space<vmem>>, vector<1x16xf32>,
        %parallel_loop3A_467 = vector.shape_cast %parallel_loop3A_466 : vector<1x16xf32> to vector<16xf32>
        %parallel_loop3A_468 = arith.mulf %parallel_loop3A_467, %parallel_loop3A_453 : vector<16xf32>
        %parallel_loop3A_469 = arith.index_cast %parallel_loop3A_413 : i32 to index
        %parallel_loop3A_470 = arith.constant 48 : index
        %parallel_loop3A_471 = tpu.vector_load %arg13[%parallel_loop3A_469, %parallel_loop3A_470] {strides = array<i32>} : memref<40x128xf32, #tpu.memory_space<vmem>>, vector<1x16xf32>,
        %parallel_loop3A_472 = vector.shape_cast %parallel_loop3A_471 : vector<1x16xf32> to vector<16xf32>
        %parallel_loop3A_473 = vector.shape_cast %parallel_loop3A_468 : vector<16xf32> to vector<1x16xf32>
        tpu.vector_store %arg13[%parallel_loop3A_469, %parallel_loop3A_470], %parallel_loop3A_473 {strides = array<i32>} : memref<40x128xf32, #tpu.memory_space<vmem>>, vector<1x16xf32>,
        %parallel_loop3A_474 = arith.index_cast %parallel_loop3A_413 : i32 to index
        %parallel_loop3A_475 = arith.constant 32 : index
        %parallel_loop3A_476 = tpu.vector_load %arg11[%parallel_loop3A_474, %parallel_loop3A_475] {strides = array<i32>} : memref<40x64xi32, #tpu.memory_space<vmem>>, vector<1x16xi32>,
        %parallel_loop3A_477 = vector.shape_cast %parallel_loop3A_476 : vector<1x16xi32> to vector<16xi32>
        %parallel_loop3A_478 = arith.constant 16 : i32
        %parallel_loop3A_479 = vector.broadcast %parallel_loop3A_478 : i32 to vector<16xi32>
        %parallel_loop3A_480 = arith.shli %parallel_loop3A_477, %parallel_loop3A_479 : vector<16xi32>
        %parallel_loop3A_481 = tpu.bitcast %parallel_loop3A_480 : vector<16xi32> -> vector<16xf32>
        %parallel_loop3A_482 = arith.andi %parallel_loop3A_477, %broadcast_in_dim3A_356 : vector<16xi32>
        %parallel_loop3A_483 = tpu.bitcast %parallel_loop3A_482 : vector<16xi32> -> vector<16xf32>
        %parallel_loop3A_484 = arith.index_cast %parallel_loop3A_413 : i32 to index
        %parallel_loop3A_485 = arith.constant 64 : index
        %parallel_loop3A_486 = tpu.vector_load %arg9[%parallel_loop3A_484, %parallel_loop3A_485] {strides = array<i32>} : memref<40x128xf32, #tpu.memory_space<vmem>>, vector<1x16xf32>,
        %parallel_loop3A_487 = vector.shape_cast %parallel_loop3A_486 : vector<1x16xf32> to vector<16xf32>
        %parallel_loop3A_488 = arith.mulf %parallel_loop3A_487, %parallel_loop3A_481 : vector<16xf32>
        %parallel_loop3A_489 = arith.index_cast %parallel_loop3A_413 : i32 to index
        %parallel_loop3A_490 = arith.constant 64 : index
        %parallel_loop3A_491 = tpu.vector_load %arg13[%parallel_loop3A_489, %parallel_loop3A_490] {strides = array<i32>} : memref<40x128xf32, #tpu.memory_space<vmem>>, vector<1x16xf32>,
        %parallel_loop3A_492 = vector.shape_cast %parallel_loop3A_491 : vector<1x16xf32> to vector<16xf32>
        %parallel_loop3A_493 = vector.shape_cast %parallel_loop3A_488 : vector<16xf32> to vector<1x16xf32>
        tpu.vector_store %arg13[%parallel_loop3A_489, %parallel_loop3A_490], %parallel_loop3A_493 {strides = array<i32>} : memref<40x128xf32, #tpu.memory_space<vmem>>, vector<1x16xf32>,
        %parallel_loop3A_494 = arith.index_cast %parallel_loop3A_413 : i32 to index
        %parallel_loop3A_495 = arith.constant 80 : index
        %parallel_loop3A_496 = tpu.vector_load %arg9[%parallel_loop3A_494, %parallel_loop3A_495] {strides = array<i32>} : memref<40x128xf32, #tpu.memory_space<vmem>>, vector<1x16xf32>,
        %parallel_loop3A_497 = vector.shape_cast %parallel_loop3A_496 : vector<1x16xf32> to vector<16xf32>
        %parallel_loop3A_498 = arith.mulf %parallel_loop3A_497, %parallel_loop3A_483 : vector<16xf32>
        %parallel_loop3A_499 = arith.index_cast %parallel_loop3A_413 : i32 to index
        %parallel_loop3A_500 = arith.constant 80 : index
        %parallel_loop3A_501 = tpu.vector_load %arg13[%parallel_loop3A_499, %parallel_loop3A_500] {strides = array<i32>} : memref<40x128xf32, #tpu.memory_space<vmem>>, vector<1x16xf32>,
        %parallel_loop3A_502 = vector.shape_cast %parallel_loop3A_501 : vector<1x16xf32> to vector<16xf32>
        %parallel_loop3A_503 = vector.shape_cast %parallel_loop3A_498 : vector<16xf32> to vector<1x16xf32>
        tpu.vector_store %arg13[%parallel_loop3A_499, %parallel_loop3A_500], %parallel_loop3A_503 {strides = array<i32>} : memref<40x128xf32, #tpu.memory_space<vmem>>, vector<1x16xf32>,
        %parallel_loop3A_504 = arith.index_cast %parallel_loop3A_413 : i32 to index
        %parallel_loop3A_505 = arith.constant 48 : index
        %parallel_loop3A_506 = tpu.vector_load %arg11[%parallel_loop3A_504, %parallel_loop3A_505] {strides = array<i32>} : memref<40x64xi32, #tpu.memory_space<vmem>>, vector<1x16xi32>,
        %parallel_loop3A_507 = vector.shape_cast %parallel_loop3A_506 : vector<1x16xi32> to vector<16xi32>
        %parallel_loop3A_508 = arith.constant 16 : i32
        %parallel_loop3A_509 = vector.broadcast %parallel_loop3A_508 : i32 to vector<16xi32>
        %parallel_loop3A_510 = arith.shli %parallel_loop3A_507, %parallel_loop3A_509 : vector<16xi32>
        %parallel_loop3A_511 = tpu.bitcast %parallel_loop3A_510 : vector<16xi32> -> vector<16xf32>
        %parallel_loop3A_512 = arith.andi %parallel_loop3A_507, %broadcast_in_dim3A_356 : vector<16xi32>
        %parallel_loop3A_513 = tpu.bitcast %parallel_loop3A_512 : vector<16xi32> -> vector<16xf32>
        %parallel_loop3A_514 = arith.index_cast %parallel_loop3A_413 : i32 to index
        %parallel_loop3A_515 = arith.constant 96 : index
        %parallel_loop3A_516 = tpu.vector_load %arg9[%parallel_loop3A_514, %parallel_loop3A_515] {strides = array<i32>} : memref<40x128xf32, #tpu.memory_space<vmem>>, vector<1x16xf32>,
        %parallel_loop3A_517 = vector.shape_cast %parallel_loop3A_516 : vector<1x16xf32> to vector<16xf32>
        %parallel_loop3A_518 = arith.mulf %parallel_loop3A_517, %parallel_loop3A_511 : vector<16xf32>
        %parallel_loop3A_519 = arith.index_cast %parallel_loop3A_413 : i32 to index
        %parallel_loop3A_520 = arith.constant 96 : index
        %parallel_loop3A_521 = tpu.vector_load %arg13[%parallel_loop3A_519, %parallel_loop3A_520] {strides = array<i32>} : memref<40x128xf32, #tpu.memory_space<vmem>>, vector<1x16xf32>,
        %parallel_loop3A_522 = vector.shape_cast %parallel_loop3A_521 : vector<1x16xf32> to vector<16xf32>
        %parallel_loop3A_523 = vector.shape_cast %parallel_loop3A_518 : vector<16xf32> to vector<1x16xf32>
        tpu.vector_store %arg13[%parallel_loop3A_519, %parallel_loop3A_520], %parallel_loop3A_523 {strides = array<i32>} : memref<40x128xf32, #tpu.memory_space<vmem>>, vector<1x16xf32>,
        %parallel_loop3A_524 = arith.index_cast %parallel_loop3A_413 : i32 to index
        %parallel_loop3A_525 = arith.constant 112 : index
        %parallel_loop3A_526 = tpu.vector_load %arg9[%parallel_loop3A_524, %parallel_loop3A_525] {strides = array<i32>} : memref<40x128xf32, #tpu.memory_space<vmem>>, vector<1x16xf32>,
        %parallel_loop3A_527 = vector.shape_cast %parallel_loop3A_526 : vector<1x16xf32> to vector<16xf32>
        %parallel_loop3A_528 = arith.mulf %parallel_loop3A_527, %parallel_loop3A_513 : vector<16xf32>
        %parallel_loop3A_529 = arith.index_cast %parallel_loop3A_413 : i32 to index
        %parallel_loop3A_530 = arith.constant 112 : index
        %parallel_loop3A_531 = tpu.vector_load %arg13[%parallel_loop3A_529, %parallel_loop3A_530] {strides = array<i32>} : memref<40x128xf32, #tpu.memory_space<vmem>>, vector<1x16xf32>,
        %parallel_loop3A_532 = vector.shape_cast %parallel_loop3A_531 : vector<1x16xf32> to vector<16xf32>
        %parallel_loop3A_533 = vector.shape_cast %parallel_loop3A_528 : vector<16xf32> to vector<1x16xf32>
        tpu.vector_store %arg13[%parallel_loop3A_529, %parallel_loop3A_530], %parallel_loop3A_533 {strides = array<i32>} : memref<40x128xf32, #tpu.memory_space<vmem>>, vector<1x16xf32>,
      } {sc.loop_unroll_factor = 4 : i64, sc.parallel_access}
      %dma_start3A_360 = arith.constant 0 : i32
      %dma_start3A_361 = tpu.memref_slice %arg8[%add3A_337, %dma_start3A_360] : memref<50x40xi32, #tpu.memory_space<vmem>> -> memref<1x40xi32, #tpu.memory_space<vmem>>
      %dma_start3A_362 = tpu.memref_squeeze %dma_start3A_361 : memref<1x40xi32, #tpu.memory_space<vmem>> -> memref<40xi32, #tpu.memory_space<vmem>>
      %dma_start3A_363 = arith.constant 0 : i32
      %dma_start3A_364 = arith.constant 0 : i32
      %dma_start3A_365 = tpu.memref_slice %arg15[%dma_start3A_363, %dma_start3A_364] : memref<10240x128xf32, #tpu.memory_space<vmem_shared>> -> memref<10240x128xf32, #tpu.memory_space<vmem_shared>>
      tpu.enqueue_indirect_dma source(%arg13 : memref<40x128xf32, #tpu.memory_space<vmem>>) target(%dma_start3A_365 : memref<10240x128xf32, #tpu.memory_space<vmem_shared>>) offsets(%dma_start3A_362 : memref<40xi32, #tpu.memory_space<vmem>>) semaphore(%arg20 : memref<!tpu.dma_semaphore, #tpu.memory_space<semaphore_mem>>) {add = true}
      %add3A_366 = arith.constant 2 : i32
      %add3A_367 = arith.addi %add3A_337, %add3A_366 : i32
      %lt3A = arith.constant 50 : i32
      %lt3A_368 = arith.cmpi slt, %add3A_367, %lt3A : i32
      %convert_element_type3A_369 = arith.extui %lt3A_368 : i1 to i32
      %cond3A_370 = arith.constant 0 : i32
      %cond3A_371 = arith.cmpi ne, %convert_element_type3A_369, %cond3A_370 : i32
      scf.if %cond3A_371 {
        %add3A_413 = arith.constant 2 : i32
        %add3A_414 = arith.addi %add3A_337, %add3A_413 : i32
        %dma_start3A_415 = arith.constant 0 : i32
        %dma_start3A_416 = tpu.memref_slice %arg7[%add3A_414, %dma_start3A_415] : memref<50x40xi32, #tpu.memory_space<vmem>> -> memref<1x40xi32, #tpu.memory_space<vmem>>
        %dma_start3A_417 = tpu.memref_squeeze %dma_start3A_416 : memref<1x40xi32, #tpu.memory_space<vmem>> -> memref<40xi32, #tpu.memory_space<vmem>>
        %dma_start3A_418 = arith.constant 0 : i32
        %dma_start3A_419 = arith.constant 0 : i32
        %dma_start3A_420 = tpu.memref_slice %arg2[%dma_start3A_418, %dma_start3A_419] : memref<10000x128xf32, #tpu.memory_space<hbm>> -> memref<10000x128xf32, #tpu.memory_space<hbm>>
        tpu.enqueue_indirect_dma source(%dma_start3A_420 : memref<10000x128xf32, #tpu.memory_space<hbm>>) target(%arg9 : memref<40x128xf32, #tpu.memory_space<vmem>>) offsets(%dma_start3A_417 : memref<40xi32, #tpu.memory_space<vmem>>) semaphore(%arg16 : memref<!tpu.dma_semaphore, #tpu.memory_space<semaphore_mem>>)
        %add3A_421 = arith.constant 100 : i32
        %add3A_422 = arith.addi %add3A_421, %add3A_414 : i32
        %dma_start3A_423 = arith.constant 0 : i32
        %dma_start3A_424 = arith.constant 0 : i32
        %dma_start3A_425 = tpu.memref_slice %arg5[%add3A, %add3A_422, %dma_start3A_423, %dma_start3A_424] : memref<32x250x40x64xi32, #tpu.memory_space<hbm>> -> memref<1x1x40x64xi32, #tpu.memory_space<hbm>>
        %dma_start3A_426 = tpu.memref_squeeze %dma_start3A_425 : memref<1x1x40x64xi32, #tpu.memory_space<hbm>> -> memref<40x64xi32, #tpu.memory_space<hbm>>
        %dma_start3A_427 = arith.constant 0 : i32
        %dma_start3A_428 = arith.constant 0 : i32
        %dma_start3A_429 = tpu.memref_slice %arg5[%add3A, %add3A_422, %dma_start3A_427, %dma_start3A_428] : memref<32x250x40x64xi32, #tpu.memory_space<hbm>> -> memref<1x1x40x64xi32, #tpu.memory_space<hbm>>
        %dma_start3A_430 = tpu.memref_squeeze %dma_start3A_429 : memref<1x1x40x64xi32, #tpu.memory_space<hbm>> -> memref<40x64xi32, #tpu.memory_space<hbm>>
        tpu.enqueue_dma source(%dma_start3A_430 : memref<40x64xi32, #tpu.memory_space<hbm>>) target(%arg11 : memref<40x64xi32, #tpu.memory_space<vmem>>) target_semaphore(%arg18 : memref<!tpu.dma_semaphore, #tpu.memory_space<semaphore_mem>>)
      } else {
      }
      %add3A_372 = arith.constant 1 : i32
      %add3A_373 = arith.addi %add3A_337, %add3A_372 : i32
      %ge3A_374 = arith.constant 2 : i32
      %ge3A_375 = arith.cmpi sge, %add3A_337, %ge3A_374 : i32
      %dma_wait3A_376 = arith.constant 0 : i32
      %dma_wait3A_377 = tpu.memref_slice %arg7[%add3A_373, %dma_wait3A_376] : memref<50x40xi32, #tpu.memory_space<vmem>> -> memref<1x40xi32, #tpu.memory_space<vmem>>
      %dma_wait3A_378 = tpu.memref_squeeze %dma_wait3A_377 : memref<1x40xi32, #tpu.memory_space<vmem>> -> memref<40xi32, #tpu.memory_space<vmem>>
      %dma_wait3A_379 = arith.constant 0 : i32
      %dma_wait3A_380 = arith.constant 0 : i32
      %dma_wait3A_381 = tpu.memref_slice %arg2[%dma_wait3A_379, %dma_wait3A_380] : memref<10000x128xf32, #tpu.memory_space<hbm>> -> memref<10000x128xf32, #tpu.memory_space<hbm>>
      tpu.wait_indirect_dma semaphore(%arg17 : memref<!tpu.dma_semaphore, #tpu.memory_space<semaphore_mem>>) src(%dma_wait3A_381 : memref<10000x128xf32, #tpu.memory_space<hbm>>) dst(%arg10 : memref<40x128xf32, #tpu.memory_space<vmem>>)
      %dma_wait3A_382 = arith.constant 0 : i32
      %dma_wait3A_383 = arith.constant 0 : i32
      %dma_wait3A_384 = arith.constant 0 : i32
      %dma_wait3A_385 = arith.constant 0 : i32
      %dma_wait3A_386 = tpu.memref_slice %arg5[%dma_wait3A_382, %dma_wait3A_383, %dma_wait3A_384, %dma_wait3A_385] : memref<32x250x40x64xi32, #tpu.memory_space<hbm>> -> memref<1x1x40x64xi32, #tpu.memory_space<hbm>>
      %dma_wait3A_387 = tpu.memref_squeeze %dma_wait3A_386 : memref<1x1x40x64xi32, #tpu.memory_space<hbm>> -> memref<40x64xi32, #tpu.memory_space<hbm>>
      %dma_wait3A_388 = arith.constant 0 : i32
      %dma_wait3A_389 = arith.constant 0 : i32
      %dma_wait3A_390 = tpu.memref_slice %arg5[%dma_wait3A_382, %dma_wait3A_383, %dma_wait3A_388, %dma_wait3A_389] : memref<32x250x40x64xi32, #tpu.memory_space<hbm>> -> memref<1x1x40x64xi32, #tpu.memory_space<hbm>>
      %dma_wait3A_391 = tpu.memref_squeeze %dma_wait3A_390 : memref<1x1x40x64xi32, #tpu.memory_space<hbm>> -> memref<40x64xi32, #tpu.memory_space<hbm>>
      tpu.wait_dma2 semaphore(%arg19 : memref<!tpu.dma_semaphore, #tpu.memory_space<semaphore_mem>>) src(%dma_wait3A_391 : memref<40x64xi32, #tpu.memory_space<hbm>>) dst(%arg12 : memref<40x64xi32, #tpu.memory_space<vmem>>)
      %convert_element_type3A_392 = arith.extui %ge3A_375 : i1 to i32
      %cond3A_393 = arith.constant 0 : i32
      %cond3A_394 = arith.cmpi ne, %convert_element_type3A_392, %cond3A_393 : i32
      scf.if %cond3A_394 {
        %dma_wait3A_413 = arith.constant 0 : i32
        %dma_wait3A_414 = tpu.memref_slice %arg8[%add3A_373, %dma_wait3A_413] : memref<50x40xi32, #tpu.memory_space<vmem>> -> memref<1x40xi32, #tpu.memory_space<vmem>>
        %dma_wait3A_415 = tpu.memref_squeeze %dma_wait3A_414 : memref<1x40xi32, #tpu.memory_space<vmem>> -> memref<40xi32, #tpu.memory_space<vmem>>
        %dma_wait3A_416 = arith.constant 0 : i32
        %dma_wait3A_417 = arith.constant 0 : i32
        %dma_wait3A_418 = tpu.memref_slice %arg15[%dma_wait3A_416, %dma_wait3A_417] : memref<10240x128xf32, #tpu.memory_space<vmem_shared>> -> memref<10240x128xf32, #tpu.memory_space<vmem_shared>>
        tpu.wait_indirect_dma semaphore(%arg21 : memref<!tpu.dma_semaphore, #tpu.memory_space<semaphore_mem>>) src(%arg14 : memref<40x128xf32, #tpu.memory_space<vmem>>) dst(%dma_wait3A_418 : memref<10240x128xf32, #tpu.memory_space<vmem_shared>>)
      } else {
      }
      %broadcast_in_dim3A_395 = arith.constant -65536 : i32
      %broadcast_in_dim3A_396 = vector.broadcast %broadcast_in_dim3A_395 : i32 to vector<16xi32>
      %parallel_loop3A_397 = arith.constant 0 : i32
      %parallel_loop3A_398 = arith.constant 40 : i32
      %parallel_loop3A_399 = arith.constant 1 : i32
      scf.for %parallel_loop3A_413 = %parallel_loop3A_397 to %parallel_loop3A_398 step %parallel_loop3A_399  : i32 {
        %parallel_loop3A_414 = arith.index_cast %parallel_loop3A_413 : i32 to index
        %parallel_loop3A_415 = arith.constant 0 : index
        %parallel_loop3A_416 = tpu.vector_load %arg12[%parallel_loop3A_414, %parallel_loop3A_415] {strides = array<i32>} : memref<40x64xi32, #tpu.memory_space<vmem>>, vector<1x16xi32>,
        %parallel_loop3A_417 = vector.shape_cast %parallel_loop3A_416 : vector<1x16xi32> to vector<16xi32>
        %parallel_loop3A_418 = arith.constant 16 : i32
        %parallel_loop3A_419 = vector.broadcast %parallel_loop3A_418 : i32 to vector<16xi32>
        %parallel_loop3A_420 = arith.shli %parallel_loop3A_417, %parallel_loop3A_419 : vector<16xi32>
        %parallel_loop3A_421 = tpu.bitcast %parallel_loop3A_420 : vector<16xi32> -> vector<16xf32>
        %parallel_loop3A_422 = arith.andi %parallel_loop3A_417, %broadcast_in_dim3A_396 : vector<16xi32>
        %parallel_loop3A_423 = tpu.bitcast %parallel_loop3A_422 : vector<16xi32> -> vector<16xf32>
        %parallel_loop3A_424 = arith.index_cast %parallel_loop3A_413 : i32 to index
        %parallel_loop3A_425 = arith.constant 0 : index
        %parallel_loop3A_426 = tpu.vector_load %arg10[%parallel_loop3A_424, %parallel_loop3A_425] {strides = array<i32>} : memref<40x128xf32, #tpu.memory_space<vmem>>, vector<1x16xf32>,
        %parallel_loop3A_427 = vector.shape_cast %parallel_loop3A_426 : vector<1x16xf32> to vector<16xf32>
        %parallel_loop3A_428 = arith.mulf %parallel_loop3A_427, %parallel_loop3A_421 : vector<16xf32>
        %parallel_loop3A_429 = arith.index_cast %parallel_loop3A_413 : i32 to index
        %parallel_loop3A_430 = arith.constant 0 : index
        %parallel_loop3A_431 = tpu.vector_load %arg14[%parallel_loop3A_429, %parallel_loop3A_430] {strides = array<i32>} : memref<40x128xf32, #tpu.memory_space<vmem>>, vector<1x16xf32>,
        %parallel_loop3A_432 = vector.shape_cast %parallel_loop3A_431 : vector<1x16xf32> to vector<16xf32>
        %parallel_loop3A_433 = vector.shape_cast %parallel_loop3A_428 : vector<16xf32> to vector<1x16xf32>
        tpu.vector_store %arg14[%parallel_loop3A_429, %parallel_loop3A_430], %parallel_loop3A_433 {strides = array<i32>} : memref<40x128xf32, #tpu.memory_space<vmem>>, vector<1x16xf32>,
        %parallel_loop3A_434 = arith.index_cast %parallel_loop3A_413 : i32 to index
        %parallel_loop3A_435 = arith.constant 16 : index
        %parallel_loop3A_436 = tpu.vector_load %arg10[%parallel_loop3A_434, %parallel_loop3A_435] {strides = array<i32>} : memref<40x128xf32, #tpu.memory_space<vmem>>, vector<1x16xf32>,
        %parallel_loop3A_437 = vector.shape_cast %parallel_loop3A_436 : vector<1x16xf32> to vector<16xf32>
        %parallel_loop3A_438 = arith.mulf %parallel_loop3A_437, %parallel_loop3A_423 : vector<16xf32>
        %parallel_loop3A_439 = arith.index_cast %parallel_loop3A_413 : i32 to index
        %parallel_loop3A_440 = arith.constant 16 : index
        %parallel_loop3A_441 = tpu.vector_load %arg14[%parallel_loop3A_439, %parallel_loop3A_440] {strides = array<i32>} : memref<40x128xf32, #tpu.memory_space<vmem>>, vector<1x16xf32>,
        %parallel_loop3A_442 = vector.shape_cast %parallel_loop3A_441 : vector<1x16xf32> to vector<16xf32>
        %parallel_loop3A_443 = vector.shape_cast %parallel_loop3A_438 : vector<16xf32> to vector<1x16xf32>
        tpu.vector_store %arg14[%parallel_loop3A_439, %parallel_loop3A_440], %parallel_loop3A_443 {strides = array<i32>} : memref<40x128xf32, #tpu.memory_space<vmem>>, vector<1x16xf32>,
        %parallel_loop3A_444 = arith.index_cast %parallel_loop3A_413 : i32 to index
        %parallel_loop3A_445 = arith.constant 16 : index
        %parallel_loop3A_446 = tpu.vector_load %arg12[%parallel_loop3A_444, %parallel_loop3A_445] {strides = array<i32>} : memref<40x64xi32, #tpu.memory_space<vmem>>, vector<1x16xi32>,
        %parallel_loop3A_447 = vector.shape_cast %parallel_loop3A_446 : vector<1x16xi32> to vector<16xi32>
        %parallel_loop3A_448 = arith.constant 16 : i32
        %parallel_loop3A_449 = vector.broadcast %parallel_loop3A_448 : i32 to vector<16xi32>
        %parallel_loop3A_450 = arith.shli %parallel_loop3A_447, %parallel_loop3A_449 : vector<16xi32>
        %parallel_loop3A_451 = tpu.bitcast %parallel_loop3A_450 : vector<16xi32> -> vector<16xf32>
        %parallel_loop3A_452 = arith.andi %parallel_loop3A_447, %broadcast_in_dim3A_396 : vector<16xi32>
        %parallel_loop3A_453 = tpu.bitcast %parallel_loop3A_452 : vector<16xi32> -> vector<16xf32>
        %parallel_loop3A_454 = arith.index_cast %parallel_loop3A_413 : i32 to index
        %parallel_loop3A_455 = arith.constant 32 : index
        %parallel_loop3A_456 = tpu.vector_load %arg10[%parallel_loop3A_454, %parallel_loop3A_455] {strides = array<i32>} : memref<40x128xf32, #tpu.memory_space<vmem>>, vector<1x16xf32>,
        %parallel_loop3A_457 = vector.shape_cast %parallel_loop3A_456 : vector<1x16xf32> to vector<16xf32>
        %parallel_loop3A_458 = arith.mulf %parallel_loop3A_457, %parallel_loop3A_451 : vector<16xf32>
        %parallel_loop3A_459 = arith.index_cast %parallel_loop3A_413 : i32 to index
        %parallel_loop3A_460 = arith.constant 32 : index
        %parallel_loop3A_461 = tpu.vector_load %arg14[%parallel_loop3A_459, %parallel_loop3A_460] {strides = array<i32>} : memref<40x128xf32, #tpu.memory_space<vmem>>, vector<1x16xf32>,
        %parallel_loop3A_462 = vector.shape_cast %parallel_loop3A_461 : vector<1x16xf32> to vector<16xf32>
        %parallel_loop3A_463 = vector.shape_cast %parallel_loop3A_458 : vector<16xf32> to vector<1x16xf32>
        tpu.vector_store %arg14[%parallel_loop3A_459, %parallel_loop3A_460], %parallel_loop3A_463 {strides = array<i32>} : memref<40x128xf32, #tpu.memory_space<vmem>>, vector<1x16xf32>,
        %parallel_loop3A_464 = arith.index_cast %parallel_loop3A_413 : i32 to index
        %parallel_loop3A_465 = arith.constant 48 : index
        %parallel_loop3A_466 = tpu.vector_load %arg10[%parallel_loop3A_464, %parallel_loop3A_465] {strides = array<i32>} : memref<40x128xf32, #tpu.memory_space<vmem>>, vector<1x16xf32>,
        %parallel_loop3A_467 = vector.shape_cast %parallel_loop3A_466 : vector<1x16xf32> to vector<16xf32>
        %parallel_loop3A_468 = arith.mulf %parallel_loop3A_467, %parallel_loop3A_453 : vector<16xf32>
        %parallel_loop3A_469 = arith.index_cast %parallel_loop3A_413 : i32 to index
        %parallel_loop3A_470 = arith.constant 48 : index
        %parallel_loop3A_471 = tpu.vector_load %arg14[%parallel_loop3A_469, %parallel_loop3A_470] {strides = array<i32>} : memref<40x128xf32, #tpu.memory_space<vmem>>, vector<1x16xf32>,
        %parallel_loop3A_472 = vector.shape_cast %parallel_loop3A_471 : vector<1x16xf32> to vector<16xf32>
        %parallel_loop3A_473 = vector.shape_cast %parallel_loop3A_468 : vector<16xf32> to vector<1x16xf32>
        tpu.vector_store %arg14[%parallel_loop3A_469, %parallel_loop3A_470], %parallel_loop3A_473 {strides = array<i32>} : memref<40x128xf32, #tpu.memory_space<vmem>>, vector<1x16xf32>,
        %parallel_loop3A_474 = arith.index_cast %parallel_loop3A_413 : i32 to index
        %parallel_loop3A_475 = arith.constant 32 : index
        %parallel_loop3A_476 = tpu.vector_load %arg12[%parallel_loop3A_474, %parallel_loop3A_475] {strides = array<i32>} : memref<40x64xi32, #tpu.memory_space<vmem>>, vector<1x16xi32>,
        %parallel_loop3A_477 = vector.shape_cast %parallel_loop3A_476 : vector<1x16xi32> to vector<16xi32>
        %parallel_loop3A_478 = arith.constant 16 : i32
        %parallel_loop3A_479 = vector.broadcast %parallel_loop3A_478 : i32 to vector<16xi32>
        %parallel_loop3A_480 = arith.shli %parallel_loop3A_477, %parallel_loop3A_479 : vector<16xi32>
        %parallel_loop3A_481 = tpu.bitcast %parallel_loop3A_480 : vector<16xi32> -> vector<16xf32>
        %parallel_loop3A_482 = arith.andi %parallel_loop3A_477, %broadcast_in_dim3A_396 : vector<16xi32>
        %parallel_loop3A_483 = tpu.bitcast %parallel_loop3A_482 : vector<16xi32> -> vector<16xf32>
        %parallel_loop3A_484 = arith.index_cast %parallel_loop3A_413 : i32 to index
        %parallel_loop3A_485 = arith.constant 64 : index
        %parallel_loop3A_486 = tpu.vector_load %arg10[%parallel_loop3A_484, %parallel_loop3A_485] {strides = array<i32>} : memref<40x128xf32, #tpu.memory_space<vmem>>, vector<1x16xf32>,
        %parallel_loop3A_487 = vector.shape_cast %parallel_loop3A_486 : vector<1x16xf32> to vector<16xf32>
        %parallel_loop3A_488 = arith.mulf %parallel_loop3A_487, %parallel_loop3A_481 : vector<16xf32>
        %parallel_loop3A_489 = arith.index_cast %parallel_loop3A_413 : i32 to index
        %parallel_loop3A_490 = arith.constant 64 : index
        %parallel_loop3A_491 = tpu.vector_load %arg14[%parallel_loop3A_489, %parallel_loop3A_490] {strides = array<i32>} : memref<40x128xf32, #tpu.memory_space<vmem>>, vector<1x16xf32>,
        %parallel_loop3A_492 = vector.shape_cast %parallel_loop3A_491 : vector<1x16xf32> to vector<16xf32>
        %parallel_loop3A_493 = vector.shape_cast %parallel_loop3A_488 : vector<16xf32> to vector<1x16xf32>
        tpu.vector_store %arg14[%parallel_loop3A_489, %parallel_loop3A_490], %parallel_loop3A_493 {strides = array<i32>} : memref<40x128xf32, #tpu.memory_space<vmem>>, vector<1x16xf32>,
        %parallel_loop3A_494 = arith.index_cast %parallel_loop3A_413 : i32 to index
        %parallel_loop3A_495 = arith.constant 80 : index
        %parallel_loop3A_496 = tpu.vector_load %arg10[%parallel_loop3A_494, %parallel_loop3A_495] {strides = array<i32>} : memref<40x128xf32, #tpu.memory_space<vmem>>, vector<1x16xf32>,
        %parallel_loop3A_497 = vector.shape_cast %parallel_loop3A_496 : vector<1x16xf32> to vector<16xf32>
        %parallel_loop3A_498 = arith.mulf %parallel_loop3A_497, %parallel_loop3A_483 : vector<16xf32>
        %parallel_loop3A_499 = arith.index_cast %parallel_loop3A_413 : i32 to index
        %parallel_loop3A_500 = arith.constant 80 : index
        %parallel_loop3A_501 = tpu.vector_load %arg14[%parallel_loop3A_499, %parallel_loop3A_500] {strides = array<i32>} : memref<40x128xf32, #tpu.memory_space<vmem>>, vector<1x16xf32>,
        %parallel_loop3A_502 = vector.shape_cast %parallel_loop3A_501 : vector<1x16xf32> to vector<16xf32>
        %parallel_loop3A_503 = vector.shape_cast %parallel_loop3A_498 : vector<16xf32> to vector<1x16xf32>
        tpu.vector_store %arg14[%parallel_loop3A_499, %parallel_loop3A_500], %parallel_loop3A_503 {strides = array<i32>} : memref<40x128xf32, #tpu.memory_space<vmem>>, vector<1x16xf32>,
        %parallel_loop3A_504 = arith.index_cast %parallel_loop3A_413 : i32 to index
        %parallel_loop3A_505 = arith.constant 48 : index
        %parallel_loop3A_506 = tpu.vector_load %arg12[%parallel_loop3A_504, %parallel_loop3A_505] {strides = array<i32>} : memref<40x64xi32, #tpu.memory_space<vmem>>, vector<1x16xi32>,
        %parallel_loop3A_507 = vector.shape_cast %parallel_loop3A_506 : vector<1x16xi32> to vector<16xi32>
        %parallel_loop3A_508 = arith.constant 16 : i32
        %parallel_loop3A_509 = vector.broadcast %parallel_loop3A_508 : i32 to vector<16xi32>
        %parallel_loop3A_510 = arith.shli %parallel_loop3A_507, %parallel_loop3A_509 : vector<16xi32>
        %parallel_loop3A_511 = tpu.bitcast %parallel_loop3A_510 : vector<16xi32> -> vector<16xf32>
        %parallel_loop3A_512 = arith.andi %parallel_loop3A_507, %broadcast_in_dim3A_396 : vector<16xi32>
        %parallel_loop3A_513 = tpu.bitcast %parallel_loop3A_512 : vector<16xi32> -> vector<16xf32>
        %parallel_loop3A_514 = arith.index_cast %parallel_loop3A_413 : i32 to index
        %parallel_loop3A_515 = arith.constant 96 : index
        %parallel_loop3A_516 = tpu.vector_load %arg10[%parallel_loop3A_514, %parallel_loop3A_515] {strides = array<i32>} : memref<40x128xf32, #tpu.memory_space<vmem>>, vector<1x16xf32>,
        %parallel_loop3A_517 = vector.shape_cast %parallel_loop3A_516 : vector<1x16xf32> to vector<16xf32>
        %parallel_loop3A_518 = arith.mulf %parallel_loop3A_517, %parallel_loop3A_511 : vector<16xf32>
        %parallel_loop3A_519 = arith.index_cast %parallel_loop3A_413 : i32 to index
        %parallel_loop3A_520 = arith.constant 96 : index
        %parallel_loop3A_521 = tpu.vector_load %arg14[%parallel_loop3A_519, %parallel_loop3A_520] {strides = array<i32>} : memref<40x128xf32, #tpu.memory_space<vmem>>, vector<1x16xf32>,
        %parallel_loop3A_522 = vector.shape_cast %parallel_loop3A_521 : vector<1x16xf32> to vector<16xf32>
        %parallel_loop3A_523 = vector.shape_cast %parallel_loop3A_518 : vector<16xf32> to vector<1x16xf32>
        tpu.vector_store %arg14[%parallel_loop3A_519, %parallel_loop3A_520], %parallel_loop3A_523 {strides = array<i32>} : memref<40x128xf32, #tpu.memory_space<vmem>>, vector<1x16xf32>,
        %parallel_loop3A_524 = arith.index_cast %parallel_loop3A_413 : i32 to index
        %parallel_loop3A_525 = arith.constant 112 : index
        %parallel_loop3A_526 = tpu.vector_load %arg10[%parallel_loop3A_524, %parallel_loop3A_525] {strides = array<i32>} : memref<40x128xf32, #tpu.memory_space<vmem>>, vector<1x16xf32>,
        %parallel_loop3A_527 = vector.shape_cast %parallel_loop3A_526 : vector<1x16xf32> to vector<16xf32>
        %parallel_loop3A_528 = arith.mulf %parallel_loop3A_527, %parallel_loop3A_513 : vector<16xf32>
        %parallel_loop3A_529 = arith.index_cast %parallel_loop3A_413 : i32 to index
        %parallel_loop3A_530 = arith.constant 112 : index
        %parallel_loop3A_531 = tpu.vector_load %arg14[%parallel_loop3A_529, %parallel_loop3A_530] {strides = array<i32>} : memref<40x128xf32, #tpu.memory_space<vmem>>, vector<1x16xf32>,
        %parallel_loop3A_532 = vector.shape_cast %parallel_loop3A_531 : vector<1x16xf32> to vector<16xf32>
        %parallel_loop3A_533 = vector.shape_cast %parallel_loop3A_528 : vector<16xf32> to vector<1x16xf32>
        tpu.vector_store %arg14[%parallel_loop3A_529, %parallel_loop3A_530], %parallel_loop3A_533 {strides = array<i32>} : memref<40x128xf32, #tpu.memory_space<vmem>>, vector<1x16xf32>,
      } {sc.loop_unroll_factor = 4 : i64, sc.parallel_access}
      %dma_start3A_400 = arith.constant 0 : i32
      %dma_start3A_401 = tpu.memref_slice %arg8[%add3A_373, %dma_start3A_400] : memref<50x40xi32, #tpu.memory_space<vmem>> -> memref<1x40xi32, #tpu.memory_space<vmem>>
      %dma_start3A_402 = tpu.memref_squeeze %dma_start3A_401 : memref<1x40xi32, #tpu.memory_space<vmem>> -> memref<40xi32, #tpu.memory_space<vmem>>
      %dma_start3A_403 = arith.constant 0 : i32
      %dma_start3A_404 = arith.constant 0 : i32
      %dma_start3A_405 = tpu.memref_slice %arg15[%dma_start3A_403, %dma_start3A_404] : memref<10240x128xf32, #tpu.memory_space<vmem_shared>> -> memref<10240x128xf32, #tpu.memory_space<vmem_shared>>
      tpu.enqueue_indirect_dma source(%arg14 : memref<40x128xf32, #tpu.memory_space<vmem>>) target(%dma_start3A_405 : memref<10240x128xf32, #tpu.memory_space<vmem_shared>>) offsets(%dma_start3A_402 : memref<40xi32, #tpu.memory_space<vmem>>) semaphore(%arg21 : memref<!tpu.dma_semaphore, #tpu.memory_space<semaphore_mem>>) {add = true}
      %add3A_406 = arith.constant 3 : i32
      %add3A_407 = arith.addi %add3A_337, %add3A_406 : i32
      %lt3A_408 = arith.constant 50 : i32
      %lt3A_409 = arith.cmpi slt, %add3A_407, %lt3A_408 : i32
      %convert_element_type3A_410 = arith.extui %lt3A_409 : i1 to i32
      %cond3A_411 = arith.constant 0 : i32
      %cond3A_412 = arith.cmpi ne, %convert_element_type3A_410, %cond3A_411 : i32
      scf.if %cond3A_412 {
        %add3A_413 = arith.constant 3 : i32
        %add3A_414 = arith.addi %add3A_337, %add3A_413 : i32
        %dma_start3A_415 = arith.constant 0 : i32
        %dma_start3A_416 = tpu.memref_slice %arg7[%add3A_414, %dma_start3A_415] : memref<50x40xi32, #tpu.memory_space<vmem>> -> memref<1x40xi32, #tpu.memory_space<vmem>>
        %dma_start3A_417 = tpu.memref_squeeze %dma_start3A_416 : memref<1x40xi32, #tpu.memory_space<vmem>> -> memref<40xi32, #tpu.memory_space<vmem>>
        %dma_start3A_418 = arith.constant 0 : i32
        %dma_start3A_419 = arith.constant 0 : i32
        %dma_start3A_420 = tpu.memref_slice %arg2[%dma_start3A_418, %dma_start3A_419] : memref<10000x128xf32, #tpu.memory_space<hbm>> -> memref<10000x128xf32, #tpu.memory_space<hbm>>
        tpu.enqueue_indirect_dma source(%dma_start3A_420 : memref<10000x128xf32, #tpu.memory_space<hbm>>) target(%arg10 : memref<40x128xf32, #tpu.memory_space<vmem>>) offsets(%dma_start3A_417 : memref<40xi32, #tpu.memory_space<vmem>>) semaphore(%arg17 : memref<!tpu.dma_semaphore, #tpu.memory_space<semaphore_mem>>)
        %add3A_421 = arith.constant 100 : i32
        %add3A_422 = arith.addi %add3A_421, %add3A_414 : i32
        %dma_start3A_423 = arith.constant 0 : i32
        %dma_start3A_424 = arith.constant 0 : i32
        %dma_start3A_425 = tpu.memref_slice %arg5[%add3A, %add3A_422, %dma_start3A_423, %dma_start3A_424] : memref<32x250x40x64xi32, #tpu.memory_space<hbm>> -> memref<1x1x40x64xi32, #tpu.memory_space<hbm>>
        %dma_start3A_426 = tpu.memref_squeeze %dma_start3A_425 : memref<1x1x40x64xi32, #tpu.memory_space<hbm>> -> memref<40x64xi32, #tpu.memory_space<hbm>>
        %dma_start3A_427 = arith.constant 0 : i32
        %dma_start3A_428 = arith.constant 0 : i32
        %dma_start3A_429 = tpu.memref_slice %arg5[%add3A, %add3A_422, %dma_start3A_427, %dma_start3A_428] : memref<32x250x40x64xi32, #tpu.memory_space<hbm>> -> memref<1x1x40x64xi32, #tpu.memory_space<hbm>>
        %dma_start3A_430 = tpu.memref_squeeze %dma_start3A_429 : memref<1x1x40x64xi32, #tpu.memory_space<hbm>> -> memref<40x64xi32, #tpu.memory_space<hbm>>
        tpu.enqueue_dma source(%dma_start3A_430 : memref<40x64xi32, #tpu.memory_space<hbm>>) target(%arg12 : memref<40x64xi32, #tpu.memory_space<vmem>>) target_semaphore(%arg19 : memref<!tpu.dma_semaphore, #tpu.memory_space<semaphore_mem>>)
      } else {
      }
    }
    %scan3A_207 = arith.constant 25 : i32
    %dma_wait3A_208 = arith.constant 48 : i32
    %dma_wait3A_209 = arith.constant 0 : i32
    %dma_wait3A_210 = tpu.memref_slice %arg8[%dma_wait3A_208, %dma_wait3A_209] : memref<50x40xi32, #tpu.memory_space<vmem>> -> memref<1x40xi32, #tpu.memory_space<vmem>>
    %dma_wait3A_211 = tpu.memref_squeeze %dma_wait3A_210 : memref<1x40xi32, #tpu.memory_space<vmem>> -> memref<40xi32, #tpu.memory_space<vmem>>
    %dma_wait3A_212 = arith.constant 0 : i32
    %dma_wait3A_213 = arith.constant 0 : i32
    %dma_wait3A_214 = tpu.memref_slice %arg15[%dma_wait3A_212, %dma_wait3A_213] : memref<10240x128xf32, #tpu.memory_space<vmem_shared>> -> memref<10240x128xf32, #tpu.memory_space<vmem_shared>>
    tpu.wait_indirect_dma semaphore(%arg20 : memref<!tpu.dma_semaphore, #tpu.memory_space<semaphore_mem>>) src(%arg13 : memref<40x128xf32, #tpu.memory_space<vmem>>) dst(%dma_wait3A_214 : memref<10240x128xf32, #tpu.memory_space<vmem_shared>>)
    %dma_wait3A_215 = arith.constant 49 : i32
    %dma_wait3A_216 = arith.constant 0 : i32
    %dma_wait3A_217 = tpu.memref_slice %arg8[%dma_wait3A_215, %dma_wait3A_216] : memref<50x40xi32, #tpu.memory_space<vmem>> -> memref<1x40xi32, #tpu.memory_space<vmem>>
    %dma_wait3A_218 = tpu.memref_squeeze %dma_wait3A_217 : memref<1x40xi32, #tpu.memory_space<vmem>> -> memref<40xi32, #tpu.memory_space<vmem>>
    %dma_wait3A_219 = arith.constant 0 : i32
    %dma_wait3A_220 = arith.constant 0 : i32
    %dma_wait3A_221 = tpu.memref_slice %arg15[%dma_wait3A_219, %dma_wait3A_220] : memref<10240x128xf32, #tpu.memory_space<vmem_shared>> -> memref<10240x128xf32, #tpu.memory_space<vmem_shared>>
    tpu.wait_indirect_dma semaphore(%arg21 : memref<!tpu.dma_semaphore, #tpu.memory_space<semaphore_mem>>) src(%arg14 : memref<40x128xf32, #tpu.memory_space<vmem>>) dst(%dma_wait3A_221 : memref<10240x128xf32, #tpu.memory_space<vmem_shared>>)
    %run_scoped3A_222 = arith.constant 3 : i32
    "tpu.region"() ({
      %run_scoped3A_333 = tpu.sem_alloc : memref<!tpu.dma_semaphore, #tpu.memory_space<semaphore_mem>>
      %dma_start3A_334 = arith.constant 0 : i32
      %dma_start3A_335 = arith.constant 0 : i32
      %dma_start3A_336 = tpu.memref_slice %arg3[%add3A, %run_scoped3A_222, %dma_start3A_334, %dma_start3A_335] : memref<32x5x50x40xi32, #tpu.memory_space<hbm>> -> memref<1x1x50x40xi32, #tpu.memory_space<hbm>>
      %dma_start3A_337 = tpu.memref_squeeze %dma_start3A_336 : memref<1x1x50x40xi32, #tpu.memory_space<hbm>> -> memref<50x40xi32, #tpu.memory_space<hbm>>
      %dma_start3A_338 = arith.constant 0 : i32
      %dma_start3A_339 = arith.constant 0 : i32
      %dma_start3A_340 = tpu.memref_slice %arg3[%add3A, %run_scoped3A_222, %dma_start3A_338, %dma_start3A_339] : memref<32x5x50x40xi32, #tpu.memory_space<hbm>> -> memref<1x1x50x40xi32, #tpu.memory_space<hbm>>
      %dma_start3A_341 = tpu.memref_squeeze %dma_start3A_340 : memref<1x1x50x40xi32, #tpu.memory_space<hbm>> -> memref<50x40xi32, #tpu.memory_space<hbm>>
      tpu.enqueue_dma source(%dma_start3A_341 : memref<50x40xi32, #tpu.memory_space<hbm>>) target(%arg7 : memref<50x40xi32, #tpu.memory_space<vmem>>) target_semaphore(%run_scoped3A_333 : memref<!tpu.dma_semaphore, #tpu.memory_space<semaphore_mem>>)
      %dma_wait3A_342 = arith.constant 0 : i32
      %dma_wait3A_343 = arith.constant 0 : i32
      %dma_wait3A_344 = tpu.memref_slice %arg3[%add3A, %run_scoped3A_222, %dma_wait3A_342, %dma_wait3A_343] : memref<32x5x50x40xi32, #tpu.memory_space<hbm>> -> memref<1x1x50x40xi32, #tpu.memory_space<hbm>>
      %dma_wait3A_345 = tpu.memref_squeeze %dma_wait3A_344 : memref<1x1x50x40xi32, #tpu.memory_space<hbm>> -> memref<50x40xi32, #tpu.memory_space<hbm>>
      %dma_wait3A_346 = arith.constant 0 : i32
      %dma_wait3A_347 = arith.constant 0 : i32
      %dma_wait3A_348 = tpu.memref_slice %arg3[%add3A, %run_scoped3A_222, %dma_wait3A_346, %dma_wait3A_347] : memref<32x5x50x40xi32, #tpu.memory_space<hbm>> -> memref<1x1x50x40xi32, #tpu.memory_space<hbm>>
      %dma_wait3A_349 = tpu.memref_squeeze %dma_wait3A_348 : memref<1x1x50x40xi32, #tpu.memory_space<hbm>> -> memref<50x40xi32, #tpu.memory_space<hbm>>
      tpu.wait_dma2 semaphore(%run_scoped3A_333 : memref<!tpu.dma_semaphore, #tpu.memory_space<semaphore_mem>>) src(%dma_wait3A_349 : memref<50x40xi32, #tpu.memory_space<hbm>>) dst(%arg7 : memref<50x40xi32, #tpu.memory_space<vmem>>)
      tpu.yield
    }) : () -> ()
    %run_scoped3A_223 = arith.constant 3 : i32
    "tpu.region"() ({
      %run_scoped3A_333 = tpu.sem_alloc : memref<!tpu.dma_semaphore, #tpu.memory_space<semaphore_mem>>
      %dma_start3A_334 = arith.constant 0 : i32
      %dma_start3A_335 = arith.constant 0 : i32
      %dma_start3A_336 = tpu.memref_slice %arg4[%add3A, %run_scoped3A_223, %dma_start3A_334, %dma_start3A_335] : memref<32x5x50x40xi32, #tpu.memory_space<hbm>> -> memref<1x1x50x40xi32, #tpu.memory_space<hbm>>
      %dma_start3A_337 = tpu.memref_squeeze %dma_start3A_336 : memref<1x1x50x40xi32, #tpu.memory_space<hbm>> -> memref<50x40xi32, #tpu.memory_space<hbm>>
      %dma_start3A_338 = arith.constant 0 : i32
      %dma_start3A_339 = arith.constant 0 : i32
      %dma_start3A_340 = tpu.memref_slice %arg4[%add3A, %run_scoped3A_223, %dma_start3A_338, %dma_start3A_339] : memref<32x5x50x40xi32, #tpu.memory_space<hbm>> -> memref<1x1x50x40xi32, #tpu.memory_space<hbm>>
      %dma_start3A_341 = tpu.memref_squeeze %dma_start3A_340 : memref<1x1x50x40xi32, #tpu.memory_space<hbm>> -> memref<50x40xi32, #tpu.memory_space<hbm>>
      tpu.enqueue_dma source(%dma_start3A_341 : memref<50x40xi32, #tpu.memory_space<hbm>>) target(%arg8 : memref<50x40xi32, #tpu.memory_space<vmem>>) target_semaphore(%run_scoped3A_333 : memref<!tpu.dma_semaphore, #tpu.memory_space<semaphore_mem>>)
      %dma_wait3A_342 = arith.constant 0 : i32
      %dma_wait3A_343 = arith.constant 0 : i32
      %dma_wait3A_344 = tpu.memref_slice %arg4[%add3A, %run_scoped3A_223, %dma_wait3A_342, %dma_wait3A_343] : memref<32x5x50x40xi32, #tpu.memory_space<hbm>> -> memref<1x1x50x40xi32, #tpu.memory_space<hbm>>
      %dma_wait3A_345 = tpu.memref_squeeze %dma_wait3A_344 : memref<1x1x50x40xi32, #tpu.memory_space<hbm>> -> memref<50x40xi32, #tpu.memory_space<hbm>>
      %dma_wait3A_346 = arith.constant 0 : i32
      %dma_wait3A_347 = arith.constant 0 : i32
      %dma_wait3A_348 = tpu.memref_slice %arg4[%add3A, %run_scoped3A_223, %dma_wait3A_346, %dma_wait3A_347] : memref<32x5x50x40xi32, #tpu.memory_space<hbm>> -> memref<1x1x50x40xi32, #tpu.memory_space<hbm>>
      %dma_wait3A_349 = tpu.memref_squeeze %dma_wait3A_348 : memref<1x1x50x40xi32, #tpu.memory_space<hbm>> -> memref<50x40xi32, #tpu.memory_space<hbm>>
      tpu.wait_dma2 semaphore(%run_scoped3A_333 : memref<!tpu.dma_semaphore, #tpu.memory_space<semaphore_mem>>) src(%dma_wait3A_349 : memref<50x40xi32, #tpu.memory_space<hbm>>) dst(%arg8 : memref<50x40xi32, #tpu.memory_space<vmem>>)
      tpu.yield
    }) : () -> ()
    %dma_start3A_224 = arith.constant 0 : i32
    %dma_start3A_225 = arith.constant 0 : i32
    %dma_start3A_226 = tpu.memref_slice %arg7[%dma_start3A_224, %dma_start3A_225] : memref<50x40xi32, #tpu.memory_space<vmem>> -> memref<1x40xi32, #tpu.memory_space<vmem>>
    %dma_start3A_227 = tpu.memref_squeeze %dma_start3A_226 : memref<1x40xi32, #tpu.memory_space<vmem>> -> memref<40xi32, #tpu.memory_space<vmem>>
    %dma_start3A_228 = arith.constant 0 : i32
    %dma_start3A_229 = arith.constant 0 : i32
    %dma_start3A_230 = tpu.memref_slice %arg2[%dma_start3A_228, %dma_start3A_229] : memref<10000x128xf32, #tpu.memory_space<hbm>> -> memref<10000x128xf32, #tpu.memory_space<hbm>>
    tpu.enqueue_indirect_dma source(%dma_start3A_230 : memref<10000x128xf32, #tpu.memory_space<hbm>>) target(%arg9 : memref<40x128xf32, #tpu.memory_space<vmem>>) offsets(%dma_start3A_227 : memref<40xi32, #tpu.memory_space<vmem>>) semaphore(%arg16 : memref<!tpu.dma_semaphore, #tpu.memory_space<semaphore_mem>>)
    %dma_start3A_231 = arith.constant 150 : i32
    %dma_start3A_232 = arith.constant 0 : i32
    %dma_start3A_233 = arith.constant 0 : i32
    %dma_start3A_234 = tpu.memref_slice %arg5[%add3A, %dma_start3A_231, %dma_start3A_232, %dma_start3A_233] : memref<32x250x40x64xi32, #tpu.memory_space<hbm>> -> memref<1x1x40x64xi32, #tpu.memory_space<hbm>>
    %dma_start3A_235 = tpu.memref_squeeze %dma_start3A_234 : memref<1x1x40x64xi32, #tpu.memory_space<hbm>> -> memref<40x64xi32, #tpu.memory_space<hbm>>
    %dma_start3A_236 = arith.constant 0 : i32
    %dma_start3A_237 = arith.constant 0 : i32
    %dma_start3A_238 = tpu.memref_slice %arg5[%add3A, %dma_start3A_231, %dma_start3A_236, %dma_start3A_237] : memref<32x250x40x64xi32, #tpu.memory_space<hbm>> -> memref<1x1x40x64xi32, #tpu.memory_space<hbm>>
    %dma_start3A_239 = tpu.memref_squeeze %dma_start3A_238 : memref<1x1x40x64xi32, #tpu.memory_space<hbm>> -> memref<40x64xi32, #tpu.memory_space<hbm>>
    tpu.enqueue_dma source(%dma_start3A_239 : memref<40x64xi32, #tpu.memory_space<hbm>>) target(%arg11 : memref<40x64xi32, #tpu.memory_space<vmem>>) target_semaphore(%arg18 : memref<!tpu.dma_semaphore, #tpu.memory_space<semaphore_mem>>)
    %dma_start3A_240 = arith.constant 1 : i32
    %dma_start3A_241 = arith.constant 0 : i32
    %dma_start3A_242 = tpu.memref_slice %arg7[%dma_start3A_240, %dma_start3A_241] : memref<50x40xi32, #tpu.memory_space<vmem>> -> memref<1x40xi32, #tpu.memory_space<vmem>>
    %dma_start3A_243 = tpu.memref_squeeze %dma_start3A_242 : memref<1x40xi32, #tpu.memory_space<vmem>> -> memref<40xi32, #tpu.memory_space<vmem>>
    %dma_start3A_244 = arith.constant 0 : i32
    %dma_start3A_245 = arith.constant 0 : i32
    %dma_start3A_246 = tpu.memref_slice %arg2[%dma_start3A_244, %dma_start3A_245] : memref<10000x128xf32, #tpu.memory_space<hbm>> -> memref<10000x128xf32, #tpu.memory_space<hbm>>
    tpu.enqueue_indirect_dma source(%dma_start3A_246 : memref<10000x128xf32, #tpu.memory_space<hbm>>) target(%arg10 : memref<40x128xf32, #tpu.memory_space<vmem>>) offsets(%dma_start3A_243 : memref<40xi32, #tpu.memory_space<vmem>>) semaphore(%arg17 : memref<!tpu.dma_semaphore, #tpu.memory_space<semaphore_mem>>)
    %dma_start3A_247 = arith.constant 151 : i32
    %dma_start3A_248 = arith.constant 0 : i32
    %dma_start3A_249 = arith.constant 0 : i32
    %dma_start3A_250 = tpu.memref_slice %arg5[%add3A, %dma_start3A_247, %dma_start3A_248, %dma_start3A_249] : memref<32x250x40x64xi32, #tpu.memory_space<hbm>> -> memref<1x1x40x64xi32, #tpu.memory_space<hbm>>
    %dma_start3A_251 = tpu.memref_squeeze %dma_start3A_250 : memref<1x1x40x64xi32, #tpu.memory_space<hbm>> -> memref<40x64xi32, #tpu.memory_space<hbm>>
    %dma_start3A_252 = arith.constant 0 : i32
    %dma_start3A_253 = arith.constant 0 : i32
    %dma_start3A_254 = tpu.memref_slice %arg5[%add3A, %dma_start3A_247, %dma_start3A_252, %dma_start3A_253] : memref<32x250x40x64xi32, #tpu.memory_space<hbm>> -> memref<1x1x40x64xi32, #tpu.memory_space<hbm>>
    %dma_start3A_255 = tpu.memref_squeeze %dma_start3A_254 : memref<1x1x40x64xi32, #tpu.memory_space<hbm>> -> memref<40x64xi32, #tpu.memory_space<hbm>>
    tpu.enqueue_dma source(%dma_start3A_255 : memref<40x64xi32, #tpu.memory_space<hbm>>) target(%arg12 : memref<40x64xi32, #tpu.memory_space<vmem>>) target_semaphore(%arg19 : memref<!tpu.dma_semaphore, #tpu.memory_space<semaphore_mem>>)
    %scan3A_256 = arith.constant 0 : i32
    %scan3A_257 = arith.constant 25 : i32
    %scan3A_258 = arith.addi %scan3A_256, %scan3A_257 : i32
    %scan3A_259 = arith.constant 1 : i32
    scf.for %scan3A_333 = %scan3A_256 to %scan3A_258 step %scan3A_259  : i32 {
      %mul3A_334 = arith.constant 2 : i32
      %mul3A_335 = arith.muli %scan3A_333, %mul3A_334 : i32
      %add3A_336 = arith.constant 0 : i32
      %add3A_337 = arith.addi %add3A_336, %mul3A_335 : i32
      %ge3A = arith.constant 2 : i32
      %ge3A_338 = arith.cmpi sge, %add3A_337, %ge3A : i32
      %dma_wait3A_339 = arith.constant 0 : i32
      %dma_wait3A_340 = tpu.memref_slice %arg7[%add3A_337, %dma_wait3A_339] : memref<50x40xi32, #tpu.memory_space<vmem>> -> memref<1x40xi32, #tpu.memory_space<vmem>>
      %dma_wait3A_341 = tpu.memref_squeeze %dma_wait3A_340 : memref<1x40xi32, #tpu.memory_space<vmem>> -> memref<40xi32, #tpu.memory_space<vmem>>
      %dma_wait3A_342 = arith.constant 0 : i32
      %dma_wait3A_343 = arith.constant 0 : i32
      %dma_wait3A_344 = tpu.memref_slice %arg2[%dma_wait3A_342, %dma_wait3A_343] : memref<10000x128xf32, #tpu.memory_space<hbm>> -> memref<10000x128xf32, #tpu.memory_space<hbm>>
      tpu.wait_indirect_dma semaphore(%arg16 : memref<!tpu.dma_semaphore, #tpu.memory_space<semaphore_mem>>) src(%dma_wait3A_344 : memref<10000x128xf32, #tpu.memory_space<hbm>>) dst(%arg9 : memref<40x128xf32, #tpu.memory_space<vmem>>)
      %dma_wait3A_345 = arith.constant 0 : i32
      %dma_wait3A_346 = arith.constant 0 : i32
      %dma_wait3A_347 = arith.constant 0 : i32
      %dma_wait3A_348 = arith.constant 0 : i32
      %dma_wait3A_349 = tpu.memref_slice %arg5[%dma_wait3A_345, %dma_wait3A_346, %dma_wait3A_347, %dma_wait3A_348] : memref<32x250x40x64xi32, #tpu.memory_space<hbm>> -> memref<1x1x40x64xi32, #tpu.memory_space<hbm>>
      %dma_wait3A_350 = tpu.memref_squeeze %dma_wait3A_349 : memref<1x1x40x64xi32, #tpu.memory_space<hbm>> -> memref<40x64xi32, #tpu.memory_space<hbm>>
      %dma_wait3A_351 = arith.constant 0 : i32
      %dma_wait3A_352 = arith.constant 0 : i32
      %dma_wait3A_353 = tpu.memref_slice %arg5[%dma_wait3A_345, %dma_wait3A_346, %dma_wait3A_351, %dma_wait3A_352] : memref<32x250x40x64xi32, #tpu.memory_space<hbm>> -> memref<1x1x40x64xi32, #tpu.memory_space<hbm>>
      %dma_wait3A_354 = tpu.memref_squeeze %dma_wait3A_353 : memref<1x1x40x64xi32, #tpu.memory_space<hbm>> -> memref<40x64xi32, #tpu.memory_space<hbm>>
      tpu.wait_dma2 semaphore(%arg18 : memref<!tpu.dma_semaphore, #tpu.memory_space<semaphore_mem>>) src(%dma_wait3A_354 : memref<40x64xi32, #tpu.memory_space<hbm>>) dst(%arg11 : memref<40x64xi32, #tpu.memory_space<vmem>>)
      %convert_element_type3A = arith.extui %ge3A_338 : i1 to i32
      %cond3A = arith.constant 0 : i32
      %cond3A_355 = arith.cmpi ne, %convert_element_type3A, %cond3A : i32
      scf.if %cond3A_355 {
        %dma_wait3A_413 = arith.constant 0 : i32
        %dma_wait3A_414 = tpu.memref_slice %arg8[%add3A_337, %dma_wait3A_413] : memref<50x40xi32, #tpu.memory_space<vmem>> -> memref<1x40xi32, #tpu.memory_space<vmem>>
        %dma_wait3A_415 = tpu.memref_squeeze %dma_wait3A_414 : memref<1x40xi32, #tpu.memory_space<vmem>> -> memref<40xi32, #tpu.memory_space<vmem>>
        %dma_wait3A_416 = arith.constant 0 : i32
        %dma_wait3A_417 = arith.constant 0 : i32
        %dma_wait3A_418 = tpu.memref_slice %arg15[%dma_wait3A_416, %dma_wait3A_417] : memref<10240x128xf32, #tpu.memory_space<vmem_shared>> -> memref<10240x128xf32, #tpu.memory_space<vmem_shared>>
        tpu.wait_indirect_dma semaphore(%arg20 : memref<!tpu.dma_semaphore, #tpu.memory_space<semaphore_mem>>) src(%arg13 : memref<40x128xf32, #tpu.memory_space<vmem>>) dst(%dma_wait3A_418 : memref<10240x128xf32, #tpu.memory_space<vmem_shared>>)
      } else {
      }
      %broadcast_in_dim3A = arith.constant -65536 : i32
      %broadcast_in_dim3A_356 = vector.broadcast %broadcast_in_dim3A : i32 to vector<16xi32>
      %parallel_loop3A_357 = arith.constant 0 : i32
      %parallel_loop3A_358 = arith.constant 40 : i32
      %parallel_loop3A_359 = arith.constant 1 : i32
      scf.for %parallel_loop3A_413 = %parallel_loop3A_357 to %parallel_loop3A_358 step %parallel_loop3A_359  : i32 {
        %parallel_loop3A_414 = arith.index_cast %parallel_loop3A_413 : i32 to index
        %parallel_loop3A_415 = arith.constant 0 : index
        %parallel_loop3A_416 = tpu.vector_load %arg11[%parallel_loop3A_414, %parallel_loop3A_415] {strides = array<i32>} : memref<40x64xi32, #tpu.memory_space<vmem>>, vector<1x16xi32>,
        %parallel_loop3A_417 = vector.shape_cast %parallel_loop3A_416 : vector<1x16xi32> to vector<16xi32>
        %parallel_loop3A_418 = arith.constant 16 : i32
        %parallel_loop3A_419 = vector.broadcast %parallel_loop3A_418 : i32 to vector<16xi32>
        %parallel_loop3A_420 = arith.shli %parallel_loop3A_417, %parallel_loop3A_419 : vector<16xi32>
        %parallel_loop3A_421 = tpu.bitcast %parallel_loop3A_420 : vector<16xi32> -> vector<16xf32>
        %parallel_loop3A_422 = arith.andi %parallel_loop3A_417, %broadcast_in_dim3A_356 : vector<16xi32>
        %parallel_loop3A_423 = tpu.bitcast %parallel_loop3A_422 : vector<16xi32> -> vector<16xf32>
        %parallel_loop3A_424 = arith.index_cast %parallel_loop3A_413 : i32 to index
        %parallel_loop3A_425 = arith.constant 0 : index
        %parallel_loop3A_426 = tpu.vector_load %arg9[%parallel_loop3A_424, %parallel_loop3A_425] {strides = array<i32>} : memref<40x128xf32, #tpu.memory_space<vmem>>, vector<1x16xf32>,
        %parallel_loop3A_427 = vector.shape_cast %parallel_loop3A_426 : vector<1x16xf32> to vector<16xf32>
        %parallel_loop3A_428 = arith.mulf %parallel_loop3A_427, %parallel_loop3A_421 : vector<16xf32>
        %parallel_loop3A_429 = arith.index_cast %parallel_loop3A_413 : i32 to index
        %parallel_loop3A_430 = arith.constant 0 : index
        %parallel_loop3A_431 = tpu.vector_load %arg13[%parallel_loop3A_429, %parallel_loop3A_430] {strides = array<i32>} : memref<40x128xf32, #tpu.memory_space<vmem>>, vector<1x16xf32>,
        %parallel_loop3A_432 = vector.shape_cast %parallel_loop3A_431 : vector<1x16xf32> to vector<16xf32>
        %parallel_loop3A_433 = vector.shape_cast %parallel_loop3A_428 : vector<16xf32> to vector<1x16xf32>
        tpu.vector_store %arg13[%parallel_loop3A_429, %parallel_loop3A_430], %parallel_loop3A_433 {strides = array<i32>} : memref<40x128xf32, #tpu.memory_space<vmem>>, vector<1x16xf32>,
        %parallel_loop3A_434 = arith.index_cast %parallel_loop3A_413 : i32 to index
        %parallel_loop3A_435 = arith.constant 16 : index
        %parallel_loop3A_436 = tpu.vector_load %arg9[%parallel_loop3A_434, %parallel_loop3A_435] {strides = array<i32>} : memref<40x128xf32, #tpu.memory_space<vmem>>, vector<1x16xf32>,
        %parallel_loop3A_437 = vector.shape_cast %parallel_loop3A_436 : vector<1x16xf32> to vector<16xf32>
        %parallel_loop3A_438 = arith.mulf %parallel_loop3A_437, %parallel_loop3A_423 : vector<16xf32>
        %parallel_loop3A_439 = arith.index_cast %parallel_loop3A_413 : i32 to index
        %parallel_loop3A_440 = arith.constant 16 : index
        %parallel_loop3A_441 = tpu.vector_load %arg13[%parallel_loop3A_439, %parallel_loop3A_440] {strides = array<i32>} : memref<40x128xf32, #tpu.memory_space<vmem>>, vector<1x16xf32>,
        %parallel_loop3A_442 = vector.shape_cast %parallel_loop3A_441 : vector<1x16xf32> to vector<16xf32>
        %parallel_loop3A_443 = vector.shape_cast %parallel_loop3A_438 : vector<16xf32> to vector<1x16xf32>
        tpu.vector_store %arg13[%parallel_loop3A_439, %parallel_loop3A_440], %parallel_loop3A_443 {strides = array<i32>} : memref<40x128xf32, #tpu.memory_space<vmem>>, vector<1x16xf32>,
        %parallel_loop3A_444 = arith.index_cast %parallel_loop3A_413 : i32 to index
        %parallel_loop3A_445 = arith.constant 16 : index
        %parallel_loop3A_446 = tpu.vector_load %arg11[%parallel_loop3A_444, %parallel_loop3A_445] {strides = array<i32>} : memref<40x64xi32, #tpu.memory_space<vmem>>, vector<1x16xi32>,
        %parallel_loop3A_447 = vector.shape_cast %parallel_loop3A_446 : vector<1x16xi32> to vector<16xi32>
        %parallel_loop3A_448 = arith.constant 16 : i32
        %parallel_loop3A_449 = vector.broadcast %parallel_loop3A_448 : i32 to vector<16xi32>
        %parallel_loop3A_450 = arith.shli %parallel_loop3A_447, %parallel_loop3A_449 : vector<16xi32>
        %parallel_loop3A_451 = tpu.bitcast %parallel_loop3A_450 : vector<16xi32> -> vector<16xf32>
        %parallel_loop3A_452 = arith.andi %parallel_loop3A_447, %broadcast_in_dim3A_356 : vector<16xi32>
        %parallel_loop3A_453 = tpu.bitcast %parallel_loop3A_452 : vector<16xi32> -> vector<16xf32>
        %parallel_loop3A_454 = arith.index_cast %parallel_loop3A_413 : i32 to index
        %parallel_loop3A_455 = arith.constant 32 : index
        %parallel_loop3A_456 = tpu.vector_load %arg9[%parallel_loop3A_454, %parallel_loop3A_455] {strides = array<i32>} : memref<40x128xf32, #tpu.memory_space<vmem>>, vector<1x16xf32>,
        %parallel_loop3A_457 = vector.shape_cast %parallel_loop3A_456 : vector<1x16xf32> to vector<16xf32>
        %parallel_loop3A_458 = arith.mulf %parallel_loop3A_457, %parallel_loop3A_451 : vector<16xf32>
        %parallel_loop3A_459 = arith.index_cast %parallel_loop3A_413 : i32 to index
        %parallel_loop3A_460 = arith.constant 32 : index
        %parallel_loop3A_461 = tpu.vector_load %arg13[%parallel_loop3A_459, %parallel_loop3A_460] {strides = array<i32>} : memref<40x128xf32, #tpu.memory_space<vmem>>, vector<1x16xf32>,
        %parallel_loop3A_462 = vector.shape_cast %parallel_loop3A_461 : vector<1x16xf32> to vector<16xf32>
        %parallel_loop3A_463 = vector.shape_cast %parallel_loop3A_458 : vector<16xf32> to vector<1x16xf32>
        tpu.vector_store %arg13[%parallel_loop3A_459, %parallel_loop3A_460], %parallel_loop3A_463 {strides = array<i32>} : memref<40x128xf32, #tpu.memory_space<vmem>>, vector<1x16xf32>,
        %parallel_loop3A_464 = arith.index_cast %parallel_loop3A_413 : i32 to index
        %parallel_loop3A_465 = arith.constant 48 : index
        %parallel_loop3A_466 = tpu.vector_load %arg9[%parallel_loop3A_464, %parallel_loop3A_465] {strides = array<i32>} : memref<40x128xf32, #tpu.memory_space<vmem>>, vector<1x16xf32>,
        %parallel_loop3A_467 = vector.shape_cast %parallel_loop3A_466 : vector<1x16xf32> to vector<16xf32>
        %parallel_loop3A_468 = arith.mulf %parallel_loop3A_467, %parallel_loop3A_453 : vector<16xf32>
        %parallel_loop3A_469 = arith.index_cast %parallel_loop3A_413 : i32 to index
        %parallel_loop3A_470 = arith.constant 48 : index
        %parallel_loop3A_471 = tpu.vector_load %arg13[%parallel_loop3A_469, %parallel_loop3A_470] {strides = array<i32>} : memref<40x128xf32, #tpu.memory_space<vmem>>, vector<1x16xf32>,
        %parallel_loop3A_472 = vector.shape_cast %parallel_loop3A_471 : vector<1x16xf32> to vector<16xf32>
        %parallel_loop3A_473 = vector.shape_cast %parallel_loop3A_468 : vector<16xf32> to vector<1x16xf32>
        tpu.vector_store %arg13[%parallel_loop3A_469, %parallel_loop3A_470], %parallel_loop3A_473 {strides = array<i32>} : memref<40x128xf32, #tpu.memory_space<vmem>>, vector<1x16xf32>,
        %parallel_loop3A_474 = arith.index_cast %parallel_loop3A_413 : i32 to index
        %parallel_loop3A_475 = arith.constant 32 : index
        %parallel_loop3A_476 = tpu.vector_load %arg11[%parallel_loop3A_474, %parallel_loop3A_475] {strides = array<i32>} : memref<40x64xi32, #tpu.memory_space<vmem>>, vector<1x16xi32>,
        %parallel_loop3A_477 = vector.shape_cast %parallel_loop3A_476 : vector<1x16xi32> to vector<16xi32>
        %parallel_loop3A_478 = arith.constant 16 : i32
        %parallel_loop3A_479 = vector.broadcast %parallel_loop3A_478 : i32 to vector<16xi32>
        %parallel_loop3A_480 = arith.shli %parallel_loop3A_477, %parallel_loop3A_479 : vector<16xi32>
        %parallel_loop3A_481 = tpu.bitcast %parallel_loop3A_480 : vector<16xi32> -> vector<16xf32>
        %parallel_loop3A_482 = arith.andi %parallel_loop3A_477, %broadcast_in_dim3A_356 : vector<16xi32>
        %parallel_loop3A_483 = tpu.bitcast %parallel_loop3A_482 : vector<16xi32> -> vector<16xf32>
        %parallel_loop3A_484 = arith.index_cast %parallel_loop3A_413 : i32 to index
        %parallel_loop3A_485 = arith.constant 64 : index
        %parallel_loop3A_486 = tpu.vector_load %arg9[%parallel_loop3A_484, %parallel_loop3A_485] {strides = array<i32>} : memref<40x128xf32, #tpu.memory_space<vmem>>, vector<1x16xf32>,
        %parallel_loop3A_487 = vector.shape_cast %parallel_loop3A_486 : vector<1x16xf32> to vector<16xf32>
        %parallel_loop3A_488 = arith.mulf %parallel_loop3A_487, %parallel_loop3A_481 : vector<16xf32>
        %parallel_loop3A_489 = arith.index_cast %parallel_loop3A_413 : i32 to index
        %parallel_loop3A_490 = arith.constant 64 : index
        %parallel_loop3A_491 = tpu.vector_load %arg13[%parallel_loop3A_489, %parallel_loop3A_490] {strides = array<i32>} : memref<40x128xf32, #tpu.memory_space<vmem>>, vector<1x16xf32>,
        %parallel_loop3A_492 = vector.shape_cast %parallel_loop3A_491 : vector<1x16xf32> to vector<16xf32>
        %parallel_loop3A_493 = vector.shape_cast %parallel_loop3A_488 : vector<16xf32> to vector<1x16xf32>
        tpu.vector_store %arg13[%parallel_loop3A_489, %parallel_loop3A_490], %parallel_loop3A_493 {strides = array<i32>} : memref<40x128xf32, #tpu.memory_space<vmem>>, vector<1x16xf32>,
        %parallel_loop3A_494 = arith.index_cast %parallel_loop3A_413 : i32 to index
        %parallel_loop3A_495 = arith.constant 80 : index
        %parallel_loop3A_496 = tpu.vector_load %arg9[%parallel_loop3A_494, %parallel_loop3A_495] {strides = array<i32>} : memref<40x128xf32, #tpu.memory_space<vmem>>, vector<1x16xf32>,
        %parallel_loop3A_497 = vector.shape_cast %parallel_loop3A_496 : vector<1x16xf32> to vector<16xf32>
        %parallel_loop3A_498 = arith.mulf %parallel_loop3A_497, %parallel_loop3A_483 : vector<16xf32>
        %parallel_loop3A_499 = arith.index_cast %parallel_loop3A_413 : i32 to index
        %parallel_loop3A_500 = arith.constant 80 : index
        %parallel_loop3A_501 = tpu.vector_load %arg13[%parallel_loop3A_499, %parallel_loop3A_500] {strides = array<i32>} : memref<40x128xf32, #tpu.memory_space<vmem>>, vector<1x16xf32>,
        %parallel_loop3A_502 = vector.shape_cast %parallel_loop3A_501 : vector<1x16xf32> to vector<16xf32>
        %parallel_loop3A_503 = vector.shape_cast %parallel_loop3A_498 : vector<16xf32> to vector<1x16xf32>
        tpu.vector_store %arg13[%parallel_loop3A_499, %parallel_loop3A_500], %parallel_loop3A_503 {strides = array<i32>} : memref<40x128xf32, #tpu.memory_space<vmem>>, vector<1x16xf32>,
        %parallel_loop3A_504 = arith.index_cast %parallel_loop3A_413 : i32 to index
        %parallel_loop3A_505 = arith.constant 48 : index
        %parallel_loop3A_506 = tpu.vector_load %arg11[%parallel_loop3A_504, %parallel_loop3A_505] {strides = array<i32>} : memref<40x64xi32, #tpu.memory_space<vmem>>, vector<1x16xi32>,
        %parallel_loop3A_507 = vector.shape_cast %parallel_loop3A_506 : vector<1x16xi32> to vector<16xi32>
        %parallel_loop3A_508 = arith.constant 16 : i32
        %parallel_loop3A_509 = vector.broadcast %parallel_loop3A_508 : i32 to vector<16xi32>
        %parallel_loop3A_510 = arith.shli %parallel_loop3A_507, %parallel_loop3A_509 : vector<16xi32>
        %parallel_loop3A_511 = tpu.bitcast %parallel_loop3A_510 : vector<16xi32> -> vector<16xf32>
        %parallel_loop3A_512 = arith.andi %parallel_loop3A_507, %broadcast_in_dim3A_356 : vector<16xi32>
        %parallel_loop3A_513 = tpu.bitcast %parallel_loop3A_512 : vector<16xi32> -> vector<16xf32>
        %parallel_loop3A_514 = arith.index_cast %parallel_loop3A_413 : i32 to index
        %parallel_loop3A_515 = arith.constant 96 : index
        %parallel_loop3A_516 = tpu.vector_load %arg9[%parallel_loop3A_514, %parallel_loop3A_515] {strides = array<i32>} : memref<40x128xf32, #tpu.memory_space<vmem>>, vector<1x16xf32>,
        %parallel_loop3A_517 = vector.shape_cast %parallel_loop3A_516 : vector<1x16xf32> to vector<16xf32>
        %parallel_loop3A_518 = arith.mulf %parallel_loop3A_517, %parallel_loop3A_511 : vector<16xf32>
        %parallel_loop3A_519 = arith.index_cast %parallel_loop3A_413 : i32 to index
        %parallel_loop3A_520 = arith.constant 96 : index
        %parallel_loop3A_521 = tpu.vector_load %arg13[%parallel_loop3A_519, %parallel_loop3A_520] {strides = array<i32>} : memref<40x128xf32, #tpu.memory_space<vmem>>, vector<1x16xf32>,
        %parallel_loop3A_522 = vector.shape_cast %parallel_loop3A_521 : vector<1x16xf32> to vector<16xf32>
        %parallel_loop3A_523 = vector.shape_cast %parallel_loop3A_518 : vector<16xf32> to vector<1x16xf32>
        tpu.vector_store %arg13[%parallel_loop3A_519, %parallel_loop3A_520], %parallel_loop3A_523 {strides = array<i32>} : memref<40x128xf32, #tpu.memory_space<vmem>>, vector<1x16xf32>,
        %parallel_loop3A_524 = arith.index_cast %parallel_loop3A_413 : i32 to index
        %parallel_loop3A_525 = arith.constant 112 : index
        %parallel_loop3A_526 = tpu.vector_load %arg9[%parallel_loop3A_524, %parallel_loop3A_525] {strides = array<i32>} : memref<40x128xf32, #tpu.memory_space<vmem>>, vector<1x16xf32>,
        %parallel_loop3A_527 = vector.shape_cast %parallel_loop3A_526 : vector<1x16xf32> to vector<16xf32>
        %parallel_loop3A_528 = arith.mulf %parallel_loop3A_527, %parallel_loop3A_513 : vector<16xf32>
        %parallel_loop3A_529 = arith.index_cast %parallel_loop3A_413 : i32 to index
        %parallel_loop3A_530 = arith.constant 112 : index
        %parallel_loop3A_531 = tpu.vector_load %arg13[%parallel_loop3A_529, %parallel_loop3A_530] {strides = array<i32>} : memref<40x128xf32, #tpu.memory_space<vmem>>, vector<1x16xf32>,
        %parallel_loop3A_532 = vector.shape_cast %parallel_loop3A_531 : vector<1x16xf32> to vector<16xf32>
        %parallel_loop3A_533 = vector.shape_cast %parallel_loop3A_528 : vector<16xf32> to vector<1x16xf32>
        tpu.vector_store %arg13[%parallel_loop3A_529, %parallel_loop3A_530], %parallel_loop3A_533 {strides = array<i32>} : memref<40x128xf32, #tpu.memory_space<vmem>>, vector<1x16xf32>,
      } {sc.loop_unroll_factor = 4 : i64, sc.parallel_access}
      %dma_start3A_360 = arith.constant 0 : i32
      %dma_start3A_361 = tpu.memref_slice %arg8[%add3A_337, %dma_start3A_360] : memref<50x40xi32, #tpu.memory_space<vmem>> -> memref<1x40xi32, #tpu.memory_space<vmem>>
      %dma_start3A_362 = tpu.memref_squeeze %dma_start3A_361 : memref<1x40xi32, #tpu.memory_space<vmem>> -> memref<40xi32, #tpu.memory_space<vmem>>
      %dma_start3A_363 = arith.constant 0 : i32
      %dma_start3A_364 = arith.constant 0 : i32
      %dma_start3A_365 = tpu.memref_slice %arg15[%dma_start3A_363, %dma_start3A_364] : memref<10240x128xf32, #tpu.memory_space<vmem_shared>> -> memref<10240x128xf32, #tpu.memory_space<vmem_shared>>
      tpu.enqueue_indirect_dma source(%arg13 : memref<40x128xf32, #tpu.memory_space<vmem>>) target(%dma_start3A_365 : memref<10240x128xf32, #tpu.memory_space<vmem_shared>>) offsets(%dma_start3A_362 : memref<40xi32, #tpu.memory_space<vmem>>) semaphore(%arg20 : memref<!tpu.dma_semaphore, #tpu.memory_space<semaphore_mem>>) {add = true}
      %add3A_366 = arith.constant 2 : i32
      %add3A_367 = arith.addi %add3A_337, %add3A_366 : i32
      %lt3A = arith.constant 50 : i32
      %lt3A_368 = arith.cmpi slt, %add3A_367, %lt3A : i32
      %convert_element_type3A_369 = arith.extui %lt3A_368 : i1 to i32
      %cond3A_370 = arith.constant 0 : i32
      %cond3A_371 = arith.cmpi ne, %convert_element_type3A_369, %cond3A_370 : i32
      scf.if %cond3A_371 {
        %add3A_413 = arith.constant 2 : i32
        %add3A_414 = arith.addi %add3A_337, %add3A_413 : i32
        %dma_start3A_415 = arith.constant 0 : i32
        %dma_start3A_416 = tpu.memref_slice %arg7[%add3A_414, %dma_start3A_415] : memref<50x40xi32, #tpu.memory_space<vmem>> -> memref<1x40xi32, #tpu.memory_space<vmem>>
        %dma_start3A_417 = tpu.memref_squeeze %dma_start3A_416 : memref<1x40xi32, #tpu.memory_space<vmem>> -> memref<40xi32, #tpu.memory_space<vmem>>
        %dma_start3A_418 = arith.constant 0 : i32
        %dma_start3A_419 = arith.constant 0 : i32
        %dma_start3A_420 = tpu.memref_slice %arg2[%dma_start3A_418, %dma_start3A_419] : memref<10000x128xf32, #tpu.memory_space<hbm>> -> memref<10000x128xf32, #tpu.memory_space<hbm>>
        tpu.enqueue_indirect_dma source(%dma_start3A_420 : memref<10000x128xf32, #tpu.memory_space<hbm>>) target(%arg9 : memref<40x128xf32, #tpu.memory_space<vmem>>) offsets(%dma_start3A_417 : memref<40xi32, #tpu.memory_space<vmem>>) semaphore(%arg16 : memref<!tpu.dma_semaphore, #tpu.memory_space<semaphore_mem>>)
        %add3A_421 = arith.constant 150 : i32
        %add3A_422 = arith.addi %add3A_421, %add3A_414 : i32
        %dma_start3A_423 = arith.constant 0 : i32
        %dma_start3A_424 = arith.constant 0 : i32
        %dma_start3A_425 = tpu.memref_slice %arg5[%add3A, %add3A_422, %dma_start3A_423, %dma_start3A_424] : memref<32x250x40x64xi32, #tpu.memory_space<hbm>> -> memref<1x1x40x64xi32, #tpu.memory_space<hbm>>
        %dma_start3A_426 = tpu.memref_squeeze %dma_start3A_425 : memref<1x1x40x64xi32, #tpu.memory_space<hbm>> -> memref<40x64xi32, #tpu.memory_space<hbm>>
        %dma_start3A_427 = arith.constant 0 : i32
        %dma_start3A_428 = arith.constant 0 : i32
        %dma_start3A_429 = tpu.memref_slice %arg5[%add3A, %add3A_422, %dma_start3A_427, %dma_start3A_428] : memref<32x250x40x64xi32, #tpu.memory_space<hbm>> -> memref<1x1x40x64xi32, #tpu.memory_space<hbm>>
        %dma_start3A_430 = tpu.memref_squeeze %dma_start3A_429 : memref<1x1x40x64xi32, #tpu.memory_space<hbm>> -> memref<40x64xi32, #tpu.memory_space<hbm>>
        tpu.enqueue_dma source(%dma_start3A_430 : memref<40x64xi32, #tpu.memory_space<hbm>>) target(%arg11 : memref<40x64xi32, #tpu.memory_space<vmem>>) target_semaphore(%arg18 : memref<!tpu.dma_semaphore, #tpu.memory_space<semaphore_mem>>)
      } else {
      }
      %add3A_372 = arith.constant 1 : i32
      %add3A_373 = arith.addi %add3A_337, %add3A_372 : i32
      %ge3A_374 = arith.constant 2 : i32
      %ge3A_375 = arith.cmpi sge, %add3A_337, %ge3A_374 : i32
      %dma_wait3A_376 = arith.constant 0 : i32
      %dma_wait3A_377 = tpu.memref_slice %arg7[%add3A_373, %dma_wait3A_376] : memref<50x40xi32, #tpu.memory_space<vmem>> -> memref<1x40xi32, #tpu.memory_space<vmem>>
      %dma_wait3A_378 = tpu.memref_squeeze %dma_wait3A_377 : memref<1x40xi32, #tpu.memory_space<vmem>> -> memref<40xi32, #tpu.memory_space<vmem>>
      %dma_wait3A_379 = arith.constant 0 : i32
      %dma_wait3A_380 = arith.constant 0 : i32
      %dma_wait3A_381 = tpu.memref_slice %arg2[%dma_wait3A_379, %dma_wait3A_380] : memref<10000x128xf32, #tpu.memory_space<hbm>> -> memref<10000x128xf32, #tpu.memory_space<hbm>>
      tpu.wait_indirect_dma semaphore(%arg17 : memref<!tpu.dma_semaphore, #tpu.memory_space<semaphore_mem>>) src(%dma_wait3A_381 : memref<10000x128xf32, #tpu.memory_space<hbm>>) dst(%arg10 : memref<40x128xf32, #tpu.memory_space<vmem>>)
      %dma_wait3A_382 = arith.constant 0 : i32
      %dma_wait3A_383 = arith.constant 0 : i32
      %dma_wait3A_384 = arith.constant 0 : i32
      %dma_wait3A_385 = arith.constant 0 : i32
      %dma_wait3A_386 = tpu.memref_slice %arg5[%dma_wait3A_382, %dma_wait3A_383, %dma_wait3A_384, %dma_wait3A_385] : memref<32x250x40x64xi32, #tpu.memory_space<hbm>> -> memref<1x1x40x64xi32, #tpu.memory_space<hbm>>
      %dma_wait3A_387 = tpu.memref_squeeze %dma_wait3A_386 : memref<1x1x40x64xi32, #tpu.memory_space<hbm>> -> memref<40x64xi32, #tpu.memory_space<hbm>>
      %dma_wait3A_388 = arith.constant 0 : i32
      %dma_wait3A_389 = arith.constant 0 : i32
      %dma_wait3A_390 = tpu.memref_slice %arg5[%dma_wait3A_382, %dma_wait3A_383, %dma_wait3A_388, %dma_wait3A_389] : memref<32x250x40x64xi32, #tpu.memory_space<hbm>> -> memref<1x1x40x64xi32, #tpu.memory_space<hbm>>
      %dma_wait3A_391 = tpu.memref_squeeze %dma_wait3A_390 : memref<1x1x40x64xi32, #tpu.memory_space<hbm>> -> memref<40x64xi32, #tpu.memory_space<hbm>>
      tpu.wait_dma2 semaphore(%arg19 : memref<!tpu.dma_semaphore, #tpu.memory_space<semaphore_mem>>) src(%dma_wait3A_391 : memref<40x64xi32, #tpu.memory_space<hbm>>) dst(%arg12 : memref<40x64xi32, #tpu.memory_space<vmem>>)
      %convert_element_type3A_392 = arith.extui %ge3A_375 : i1 to i32
      %cond3A_393 = arith.constant 0 : i32
      %cond3A_394 = arith.cmpi ne, %convert_element_type3A_392, %cond3A_393 : i32
      scf.if %cond3A_394 {
        %dma_wait3A_413 = arith.constant 0 : i32
        %dma_wait3A_414 = tpu.memref_slice %arg8[%add3A_373, %dma_wait3A_413] : memref<50x40xi32, #tpu.memory_space<vmem>> -> memref<1x40xi32, #tpu.memory_space<vmem>>
        %dma_wait3A_415 = tpu.memref_squeeze %dma_wait3A_414 : memref<1x40xi32, #tpu.memory_space<vmem>> -> memref<40xi32, #tpu.memory_space<vmem>>
        %dma_wait3A_416 = arith.constant 0 : i32
        %dma_wait3A_417 = arith.constant 0 : i32
        %dma_wait3A_418 = tpu.memref_slice %arg15[%dma_wait3A_416, %dma_wait3A_417] : memref<10240x128xf32, #tpu.memory_space<vmem_shared>> -> memref<10240x128xf32, #tpu.memory_space<vmem_shared>>
        tpu.wait_indirect_dma semaphore(%arg21 : memref<!tpu.dma_semaphore, #tpu.memory_space<semaphore_mem>>) src(%arg14 : memref<40x128xf32, #tpu.memory_space<vmem>>) dst(%dma_wait3A_418 : memref<10240x128xf32, #tpu.memory_space<vmem_shared>>)
      } else {
      }
      %broadcast_in_dim3A_395 = arith.constant -65536 : i32
      %broadcast_in_dim3A_396 = vector.broadcast %broadcast_in_dim3A_395 : i32 to vector<16xi32>
      %parallel_loop3A_397 = arith.constant 0 : i32
      %parallel_loop3A_398 = arith.constant 40 : i32
      %parallel_loop3A_399 = arith.constant 1 : i32
      scf.for %parallel_loop3A_413 = %parallel_loop3A_397 to %parallel_loop3A_398 step %parallel_loop3A_399  : i32 {
        %parallel_loop3A_414 = arith.index_cast %parallel_loop3A_413 : i32 to index
        %parallel_loop3A_415 = arith.constant 0 : index
        %parallel_loop3A_416 = tpu.vector_load %arg12[%parallel_loop3A_414, %parallel_loop3A_415] {strides = array<i32>} : memref<40x64xi32, #tpu.memory_space<vmem>>, vector<1x16xi32>,
        %parallel_loop3A_417 = vector.shape_cast %parallel_loop3A_416 : vector<1x16xi32> to vector<16xi32>
        %parallel_loop3A_418 = arith.constant 16 : i32
        %parallel_loop3A_419 = vector.broadcast %parallel_loop3A_418 : i32 to vector<16xi32>
        %parallel_loop3A_420 = arith.shli %parallel_loop3A_417, %parallel_loop3A_419 : vector<16xi32>
        %parallel_loop3A_421 = tpu.bitcast %parallel_loop3A_420 : vector<16xi32> -> vector<16xf32>
        %parallel_loop3A_422 = arith.andi %parallel_loop3A_417, %broadcast_in_dim3A_396 : vector<16xi32>
        %parallel_loop3A_423 = tpu.bitcast %parallel_loop3A_422 : vector<16xi32> -> vector<16xf32>
        %parallel_loop3A_424 = arith.index_cast %parallel_loop3A_413 : i32 to index
        %parallel_loop3A_425 = arith.constant 0 : index
        %parallel_loop3A_426 = tpu.vector_load %arg10[%parallel_loop3A_424, %parallel_loop3A_425] {strides = array<i32>} : memref<40x128xf32, #tpu.memory_space<vmem>>, vector<1x16xf32>,
        %parallel_loop3A_427 = vector.shape_cast %parallel_loop3A_426 : vector<1x16xf32> to vector<16xf32>
        %parallel_loop3A_428 = arith.mulf %parallel_loop3A_427, %parallel_loop3A_421 : vector<16xf32>
        %parallel_loop3A_429 = arith.index_cast %parallel_loop3A_413 : i32 to index
        %parallel_loop3A_430 = arith.constant 0 : index
        %parallel_loop3A_431 = tpu.vector_load %arg14[%parallel_loop3A_429, %parallel_loop3A_430] {strides = array<i32>} : memref<40x128xf32, #tpu.memory_space<vmem>>, vector<1x16xf32>,
        %parallel_loop3A_432 = vector.shape_cast %parallel_loop3A_431 : vector<1x16xf32> to vector<16xf32>
        %parallel_loop3A_433 = vector.shape_cast %parallel_loop3A_428 : vector<16xf32> to vector<1x16xf32>
        tpu.vector_store %arg14[%parallel_loop3A_429, %parallel_loop3A_430], %parallel_loop3A_433 {strides = array<i32>} : memref<40x128xf32, #tpu.memory_space<vmem>>, vector<1x16xf32>,
        %parallel_loop3A_434 = arith.index_cast %parallel_loop3A_413 : i32 to index
        %parallel_loop3A_435 = arith.constant 16 : index
        %parallel_loop3A_436 = tpu.vector_load %arg10[%parallel_loop3A_434, %parallel_loop3A_435] {strides = array<i32>} : memref<40x128xf32, #tpu.memory_space<vmem>>, vector<1x16xf32>,
        %parallel_loop3A_437 = vector.shape_cast %parallel_loop3A_436 : vector<1x16xf32> to vector<16xf32>
        %parallel_loop3A_438 = arith.mulf %parallel_loop3A_437, %parallel_loop3A_423 : vector<16xf32>
        %parallel_loop3A_439 = arith.index_cast %parallel_loop3A_413 : i32 to index
        %parallel_loop3A_440 = arith.constant 16 : index
        %parallel_loop3A_441 = tpu.vector_load %arg14[%parallel_loop3A_439, %parallel_loop3A_440] {strides = array<i32>} : memref<40x128xf32, #tpu.memory_space<vmem>>, vector<1x16xf32>,
        %parallel_loop3A_442 = vector.shape_cast %parallel_loop3A_441 : vector<1x16xf32> to vector<16xf32>
        %parallel_loop3A_443 = vector.shape_cast %parallel_loop3A_438 : vector<16xf32> to vector<1x16xf32>
        tpu.vector_store %arg14[%parallel_loop3A_439, %parallel_loop3A_440], %parallel_loop3A_443 {strides = array<i32>} : memref<40x128xf32, #tpu.memory_space<vmem>>, vector<1x16xf32>,
        %parallel_loop3A_444 = arith.index_cast %parallel_loop3A_413 : i32 to index
        %parallel_loop3A_445 = arith.constant 16 : index
        %parallel_loop3A_446 = tpu.vector_load %arg12[%parallel_loop3A_444, %parallel_loop3A_445] {strides = array<i32>} : memref<40x64xi32, #tpu.memory_space<vmem>>, vector<1x16xi32>,
        %parallel_loop3A_447 = vector.shape_cast %parallel_loop3A_446 : vector<1x16xi32> to vector<16xi32>
        %parallel_loop3A_448 = arith.constant 16 : i32
        %parallel_loop3A_449 = vector.broadcast %parallel_loop3A_448 : i32 to vector<16xi32>
        %parallel_loop3A_450 = arith.shli %parallel_loop3A_447, %parallel_loop3A_449 : vector<16xi32>
        %parallel_loop3A_451 = tpu.bitcast %parallel_loop3A_450 : vector<16xi32> -> vector<16xf32>
        %parallel_loop3A_452 = arith.andi %parallel_loop3A_447, %broadcast_in_dim3A_396 : vector<16xi32>
        %parallel_loop3A_453 = tpu.bitcast %parallel_loop3A_452 : vector<16xi32> -> vector<16xf32>
        %parallel_loop3A_454 = arith.index_cast %parallel_loop3A_413 : i32 to index
        %parallel_loop3A_455 = arith.constant 32 : index
        %parallel_loop3A_456 = tpu.vector_load %arg10[%parallel_loop3A_454, %parallel_loop3A_455] {strides = array<i32>} : memref<40x128xf32, #tpu.memory_space<vmem>>, vector<1x16xf32>,
        %parallel_loop3A_457 = vector.shape_cast %parallel_loop3A_456 : vector<1x16xf32> to vector<16xf32>
        %parallel_loop3A_458 = arith.mulf %parallel_loop3A_457, %parallel_loop3A_451 : vector<16xf32>
        %parallel_loop3A_459 = arith.index_cast %parallel_loop3A_413 : i32 to index
        %parallel_loop3A_460 = arith.constant 32 : index
        %parallel_loop3A_461 = tpu.vector_load %arg14[%parallel_loop3A_459, %parallel_loop3A_460] {strides = array<i32>} : memref<40x128xf32, #tpu.memory_space<vmem>>, vector<1x16xf32>,
        %parallel_loop3A_462 = vector.shape_cast %parallel_loop3A_461 : vector<1x16xf32> to vector<16xf32>
        %parallel_loop3A_463 = vector.shape_cast %parallel_loop3A_458 : vector<16xf32> to vector<1x16xf32>
        tpu.vector_store %arg14[%parallel_loop3A_459, %parallel_loop3A_460], %parallel_loop3A_463 {strides = array<i32>} : memref<40x128xf32, #tpu.memory_space<vmem>>, vector<1x16xf32>,
        %parallel_loop3A_464 = arith.index_cast %parallel_loop3A_413 : i32 to index
        %parallel_loop3A_465 = arith.constant 48 : index
        %parallel_loop3A_466 = tpu.vector_load %arg10[%parallel_loop3A_464, %parallel_loop3A_465] {strides = array<i32>} : memref<40x128xf32, #tpu.memory_space<vmem>>, vector<1x16xf32>,
        %parallel_loop3A_467 = vector.shape_cast %parallel_loop3A_466 : vector<1x16xf32> to vector<16xf32>
        %parallel_loop3A_468 = arith.mulf %parallel_loop3A_467, %parallel_loop3A_453 : vector<16xf32>
        %parallel_loop3A_469 = arith.index_cast %parallel_loop3A_413 : i32 to index
        %parallel_loop3A_470 = arith.constant 48 : index
        %parallel_loop3A_471 = tpu.vector_load %arg14[%parallel_loop3A_469, %parallel_loop3A_470] {strides = array<i32>} : memref<40x128xf32, #tpu.memory_space<vmem>>, vector<1x16xf32>,
        %parallel_loop3A_472 = vector.shape_cast %parallel_loop3A_471 : vector<1x16xf32> to vector<16xf32>
        %parallel_loop3A_473 = vector.shape_cast %parallel_loop3A_468 : vector<16xf32> to vector<1x16xf32>
        tpu.vector_store %arg14[%parallel_loop3A_469, %parallel_loop3A_470], %parallel_loop3A_473 {strides = array<i32>} : memref<40x128xf32, #tpu.memory_space<vmem>>, vector<1x16xf32>,
        %parallel_loop3A_474 = arith.index_cast %parallel_loop3A_413 : i32 to index
        %parallel_loop3A_475 = arith.constant 32 : index
        %parallel_loop3A_476 = tpu.vector_load %arg12[%parallel_loop3A_474, %parallel_loop3A_475] {strides = array<i32>} : memref<40x64xi32, #tpu.memory_space<vmem>>, vector<1x16xi32>,
        %parallel_loop3A_477 = vector.shape_cast %parallel_loop3A_476 : vector<1x16xi32> to vector<16xi32>
        %parallel_loop3A_478 = arith.constant 16 : i32
        %parallel_loop3A_479 = vector.broadcast %parallel_loop3A_478 : i32 to vector<16xi32>
        %parallel_loop3A_480 = arith.shli %parallel_loop3A_477, %parallel_loop3A_479 : vector<16xi32>
        %parallel_loop3A_481 = tpu.bitcast %parallel_loop3A_480 : vector<16xi32> -> vector<16xf32>
        %parallel_loop3A_482 = arith.andi %parallel_loop3A_477, %broadcast_in_dim3A_396 : vector<16xi32>
        %parallel_loop3A_483 = tpu.bitcast %parallel_loop3A_482 : vector<16xi32> -> vector<16xf32>
        %parallel_loop3A_484 = arith.index_cast %parallel_loop3A_413 : i32 to index
        %parallel_loop3A_485 = arith.constant 64 : index
        %parallel_loop3A_486 = tpu.vector_load %arg10[%parallel_loop3A_484, %parallel_loop3A_485] {strides = array<i32>} : memref<40x128xf32, #tpu.memory_space<vmem>>, vector<1x16xf32>,
        %parallel_loop3A_487 = vector.shape_cast %parallel_loop3A_486 : vector<1x16xf32> to vector<16xf32>
        %parallel_loop3A_488 = arith.mulf %parallel_loop3A_487, %parallel_loop3A_481 : vector<16xf32>
        %parallel_loop3A_489 = arith.index_cast %parallel_loop3A_413 : i32 to index
        %parallel_loop3A_490 = arith.constant 64 : index
        %parallel_loop3A_491 = tpu.vector_load %arg14[%parallel_loop3A_489, %parallel_loop3A_490] {strides = array<i32>} : memref<40x128xf32, #tpu.memory_space<vmem>>, vector<1x16xf32>,
        %parallel_loop3A_492 = vector.shape_cast %parallel_loop3A_491 : vector<1x16xf32> to vector<16xf32>
        %parallel_loop3A_493 = vector.shape_cast %parallel_loop3A_488 : vector<16xf32> to vector<1x16xf32>
        tpu.vector_store %arg14[%parallel_loop3A_489, %parallel_loop3A_490], %parallel_loop3A_493 {strides = array<i32>} : memref<40x128xf32, #tpu.memory_space<vmem>>, vector<1x16xf32>,
        %parallel_loop3A_494 = arith.index_cast %parallel_loop3A_413 : i32 to index
        %parallel_loop3A_495 = arith.constant 80 : index
        %parallel_loop3A_496 = tpu.vector_load %arg10[%parallel_loop3A_494, %parallel_loop3A_495] {strides = array<i32>} : memref<40x128xf32, #tpu.memory_space<vmem>>, vector<1x16xf32>,
        %parallel_loop3A_497 = vector.shape_cast %parallel_loop3A_496 : vector<1x16xf32> to vector<16xf32>
        %parallel_loop3A_498 = arith.mulf %parallel_loop3A_497, %parallel_loop3A_483 : vector<16xf32>
        %parallel_loop3A_499 = arith.index_cast %parallel_loop3A_413 : i32 to index
        %parallel_loop3A_500 = arith.constant 80 : index
        %parallel_loop3A_501 = tpu.vector_load %arg14[%parallel_loop3A_499, %parallel_loop3A_500] {strides = array<i32>} : memref<40x128xf32, #tpu.memory_space<vmem>>, vector<1x16xf32>,
        %parallel_loop3A_502 = vector.shape_cast %parallel_loop3A_501 : vector<1x16xf32> to vector<16xf32>
        %parallel_loop3A_503 = vector.shape_cast %parallel_loop3A_498 : vector<16xf32> to vector<1x16xf32>
        tpu.vector_store %arg14[%parallel_loop3A_499, %parallel_loop3A_500], %parallel_loop3A_503 {strides = array<i32>} : memref<40x128xf32, #tpu.memory_space<vmem>>, vector<1x16xf32>,
        %parallel_loop3A_504 = arith.index_cast %parallel_loop3A_413 : i32 to index
        %parallel_loop3A_505 = arith.constant 48 : index
        %parallel_loop3A_506 = tpu.vector_load %arg12[%parallel_loop3A_504, %parallel_loop3A_505] {strides = array<i32>} : memref<40x64xi32, #tpu.memory_space<vmem>>, vector<1x16xi32>,
        %parallel_loop3A_507 = vector.shape_cast %parallel_loop3A_506 : vector<1x16xi32> to vector<16xi32>
        %parallel_loop3A_508 = arith.constant 16 : i32
        %parallel_loop3A_509 = vector.broadcast %parallel_loop3A_508 : i32 to vector<16xi32>
        %parallel_loop3A_510 = arith.shli %parallel_loop3A_507, %parallel_loop3A_509 : vector<16xi32>
        %parallel_loop3A_511 = tpu.bitcast %parallel_loop3A_510 : vector<16xi32> -> vector<16xf32>
        %parallel_loop3A_512 = arith.andi %parallel_loop3A_507, %broadcast_in_dim3A_396 : vector<16xi32>
        %parallel_loop3A_513 = tpu.bitcast %parallel_loop3A_512 : vector<16xi32> -> vector<16xf32>
        %parallel_loop3A_514 = arith.index_cast %parallel_loop3A_413 : i32 to index
        %parallel_loop3A_515 = arith.constant 96 : index
        %parallel_loop3A_516 = tpu.vector_load %arg10[%parallel_loop3A_514, %parallel_loop3A_515] {strides = array<i32>} : memref<40x128xf32, #tpu.memory_space<vmem>>, vector<1x16xf32>,
        %parallel_loop3A_517 = vector.shape_cast %parallel_loop3A_516 : vector<1x16xf32> to vector<16xf32>
        %parallel_loop3A_518 = arith.mulf %parallel_loop3A_517, %parallel_loop3A_511 : vector<16xf32>
        %parallel_loop3A_519 = arith.index_cast %parallel_loop3A_413 : i32 to index
        %parallel_loop3A_520 = arith.constant 96 : index
        %parallel_loop3A_521 = tpu.vector_load %arg14[%parallel_loop3A_519, %parallel_loop3A_520] {strides = array<i32>} : memref<40x128xf32, #tpu.memory_space<vmem>>, vector<1x16xf32>,
        %parallel_loop3A_522 = vector.shape_cast %parallel_loop3A_521 : vector<1x16xf32> to vector<16xf32>
        %parallel_loop3A_523 = vector.shape_cast %parallel_loop3A_518 : vector<16xf32> to vector<1x16xf32>
        tpu.vector_store %arg14[%parallel_loop3A_519, %parallel_loop3A_520], %parallel_loop3A_523 {strides = array<i32>} : memref<40x128xf32, #tpu.memory_space<vmem>>, vector<1x16xf32>,
        %parallel_loop3A_524 = arith.index_cast %parallel_loop3A_413 : i32 to index
        %parallel_loop3A_525 = arith.constant 112 : index
        %parallel_loop3A_526 = tpu.vector_load %arg10[%parallel_loop3A_524, %parallel_loop3A_525] {strides = array<i32>} : memref<40x128xf32, #tpu.memory_space<vmem>>, vector<1x16xf32>,
        %parallel_loop3A_527 = vector.shape_cast %parallel_loop3A_526 : vector<1x16xf32> to vector<16xf32>
        %parallel_loop3A_528 = arith.mulf %parallel_loop3A_527, %parallel_loop3A_513 : vector<16xf32>
        %parallel_loop3A_529 = arith.index_cast %parallel_loop3A_413 : i32 to index
        %parallel_loop3A_530 = arith.constant 112 : index
        %parallel_loop3A_531 = tpu.vector_load %arg14[%parallel_loop3A_529, %parallel_loop3A_530] {strides = array<i32>} : memref<40x128xf32, #tpu.memory_space<vmem>>, vector<1x16xf32>,
        %parallel_loop3A_532 = vector.shape_cast %parallel_loop3A_531 : vector<1x16xf32> to vector<16xf32>
        %parallel_loop3A_533 = vector.shape_cast %parallel_loop3A_528 : vector<16xf32> to vector<1x16xf32>
        tpu.vector_store %arg14[%parallel_loop3A_529, %parallel_loop3A_530], %parallel_loop3A_533 {strides = array<i32>} : memref<40x128xf32, #tpu.memory_space<vmem>>, vector<1x16xf32>,
      } {sc.loop_unroll_factor = 4 : i64, sc.parallel_access}
      %dma_start3A_400 = arith.constant 0 : i32
      %dma_start3A_401 = tpu.memref_slice %arg8[%add3A_373, %dma_start3A_400] : memref<50x40xi32, #tpu.memory_space<vmem>> -> memref<1x40xi32, #tpu.memory_space<vmem>>
      %dma_start3A_402 = tpu.memref_squeeze %dma_start3A_401 : memref<1x40xi32, #tpu.memory_space<vmem>> -> memref<40xi32, #tpu.memory_space<vmem>>
      %dma_start3A_403 = arith.constant 0 : i32
      %dma_start3A_404 = arith.constant 0 : i32
      %dma_start3A_405 = tpu.memref_slice %arg15[%dma_start3A_403, %dma_start3A_404] : memref<10240x128xf32, #tpu.memory_space<vmem_shared>> -> memref<10240x128xf32, #tpu.memory_space<vmem_shared>>
      tpu.enqueue_indirect_dma source(%arg14 : memref<40x128xf32, #tpu.memory_space<vmem>>) target(%dma_start3A_405 : memref<10240x128xf32, #tpu.memory_space<vmem_shared>>) offsets(%dma_start3A_402 : memref<40xi32, #tpu.memory_space<vmem>>) semaphore(%arg21 : memref<!tpu.dma_semaphore, #tpu.memory_space<semaphore_mem>>) {add = true}
      %add3A_406 = arith.constant 3 : i32
      %add3A_407 = arith.addi %add3A_337, %add3A_406 : i32
      %lt3A_408 = arith.constant 50 : i32
      %lt3A_409 = arith.cmpi slt, %add3A_407, %lt3A_408 : i32
      %convert_element_type3A_410 = arith.extui %lt3A_409 : i1 to i32
      %cond3A_411 = arith.constant 0 : i32
      %cond3A_412 = arith.cmpi ne, %convert_element_type3A_410, %cond3A_411 : i32
      scf.if %cond3A_412 {
        %add3A_413 = arith.constant 3 : i32
        %add3A_414 = arith.addi %add3A_337, %add3A_413 : i32
        %dma_start3A_415 = arith.constant 0 : i32
        %dma_start3A_416 = tpu.memref_slice %arg7[%add3A_414, %dma_start3A_415] : memref<50x40xi32, #tpu.memory_space<vmem>> -> memref<1x40xi32, #tpu.memory_space<vmem>>
        %dma_start3A_417 = tpu.memref_squeeze %dma_start3A_416 : memref<1x40xi32, #tpu.memory_space<vmem>> -> memref<40xi32, #tpu.memory_space<vmem>>
        %dma_start3A_418 = arith.constant 0 : i32
        %dma_start3A_419 = arith.constant 0 : i32
        %dma_start3A_420 = tpu.memref_slice %arg2[%dma_start3A_418, %dma_start3A_419] : memref<10000x128xf32, #tpu.memory_space<hbm>> -> memref<10000x128xf32, #tpu.memory_space<hbm>>
        tpu.enqueue_indirect_dma source(%dma_start3A_420 : memref<10000x128xf32, #tpu.memory_space<hbm>>) target(%arg10 : memref<40x128xf32, #tpu.memory_space<vmem>>) offsets(%dma_start3A_417 : memref<40xi32, #tpu.memory_space<vmem>>) semaphore(%arg17 : memref<!tpu.dma_semaphore, #tpu.memory_space<semaphore_mem>>)
        %add3A_421 = arith.constant 150 : i32
        %add3A_422 = arith.addi %add3A_421, %add3A_414 : i32
        %dma_start3A_423 = arith.constant 0 : i32
        %dma_start3A_424 = arith.constant 0 : i32
        %dma_start3A_425 = tpu.memref_slice %arg5[%add3A, %add3A_422, %dma_start3A_423, %dma_start3A_424] : memref<32x250x40x64xi32, #tpu.memory_space<hbm>> -> memref<1x1x40x64xi32, #tpu.memory_space<hbm>>
        %dma_start3A_426 = tpu.memref_squeeze %dma_start3A_425 : memref<1x1x40x64xi32, #tpu.memory_space<hbm>> -> memref<40x64xi32, #tpu.memory_space<hbm>>
        %dma_start3A_427 = arith.constant 0 : i32
        %dma_start3A_428 = arith.constant 0 : i32
        %dma_start3A_429 = tpu.memref_slice %arg5[%add3A, %add3A_422, %dma_start3A_427, %dma_start3A_428] : memref<32x250x40x64xi32, #tpu.memory_space<hbm>> -> memref<1x1x40x64xi32, #tpu.memory_space<hbm>>
        %dma_start3A_430 = tpu.memref_squeeze %dma_start3A_429 : memref<1x1x40x64xi32, #tpu.memory_space<hbm>> -> memref<40x64xi32, #tpu.memory_space<hbm>>
        tpu.enqueue_dma source(%dma_start3A_430 : memref<40x64xi32, #tpu.memory_space<hbm>>) target(%arg12 : memref<40x64xi32, #tpu.memory_space<vmem>>) target_semaphore(%arg19 : memref<!tpu.dma_semaphore, #tpu.memory_space<semaphore_mem>>)
      } else {
      }
    }
    %scan3A_260 = arith.constant 25 : i32
    %dma_wait3A_261 = arith.constant 48 : i32
    %dma_wait3A_262 = arith.constant 0 : i32
    %dma_wait3A_263 = tpu.memref_slice %arg8[%dma_wait3A_261, %dma_wait3A_262] : memref<50x40xi32, #tpu.memory_space<vmem>> -> memref<1x40xi32, #tpu.memory_space<vmem>>
    %dma_wait3A_264 = tpu.memref_squeeze %dma_wait3A_263 : memref<1x40xi32, #tpu.memory_space<vmem>> -> memref<40xi32, #tpu.memory_space<vmem>>
    %dma_wait3A_265 = arith.constant 0 : i32
    %dma_wait3A_266 = arith.constant 0 : i32
    %dma_wait3A_267 = tpu.memref_slice %arg15[%dma_wait3A_265, %dma_wait3A_266] : memref<10240x128xf32, #tpu.memory_space<vmem_shared>> -> memref<10240x128xf32, #tpu.memory_space<vmem_shared>>
    tpu.wait_indirect_dma semaphore(%arg20 : memref<!tpu.dma_semaphore, #tpu.memory_space<semaphore_mem>>) src(%arg13 : memref<40x128xf32, #tpu.memory_space<vmem>>) dst(%dma_wait3A_267 : memref<10240x128xf32, #tpu.memory_space<vmem_shared>>)
    %dma_wait3A_268 = arith.constant 49 : i32
    %dma_wait3A_269 = arith.constant 0 : i32
    %dma_wait3A_270 = tpu.memref_slice %arg8[%dma_wait3A_268, %dma_wait3A_269] : memref<50x40xi32, #tpu.memory_space<vmem>> -> memref<1x40xi32, #tpu.memory_space<vmem>>
    %dma_wait3A_271 = tpu.memref_squeeze %dma_wait3A_270 : memref<1x40xi32, #tpu.memory_space<vmem>> -> memref<40xi32, #tpu.memory_space<vmem>>
    %dma_wait3A_272 = arith.constant 0 : i32
    %dma_wait3A_273 = arith.constant 0 : i32
    %dma_wait3A_274 = tpu.memref_slice %arg15[%dma_wait3A_272, %dma_wait3A_273] : memref<10240x128xf32, #tpu.memory_space<vmem_shared>> -> memref<10240x128xf32, #tpu.memory_space<vmem_shared>>
    tpu.wait_indirect_dma semaphore(%arg21 : memref<!tpu.dma_semaphore, #tpu.memory_space<semaphore_mem>>) src(%arg14 : memref<40x128xf32, #tpu.memory_space<vmem>>) dst(%dma_wait3A_274 : memref<10240x128xf32, #tpu.memory_space<vmem_shared>>)
    %run_scoped3A_275 = arith.constant 4 : i32
    "tpu.region"() ({
      %run_scoped3A_333 = tpu.sem_alloc : memref<!tpu.dma_semaphore, #tpu.memory_space<semaphore_mem>>
      %dma_start3A_334 = arith.constant 0 : i32
      %dma_start3A_335 = arith.constant 0 : i32
      %dma_start3A_336 = tpu.memref_slice %arg3[%add3A, %run_scoped3A_275, %dma_start3A_334, %dma_start3A_335] : memref<32x5x50x40xi32, #tpu.memory_space<hbm>> -> memref<1x1x50x40xi32, #tpu.memory_space<hbm>>
      %dma_start3A_337 = tpu.memref_squeeze %dma_start3A_336 : memref<1x1x50x40xi32, #tpu.memory_space<hbm>> -> memref<50x40xi32, #tpu.memory_space<hbm>>
      %dma_start3A_338 = arith.constant 0 : i32
      %dma_start3A_339 = arith.constant 0 : i32
      %dma_start3A_340 = tpu.memref_slice %arg3[%add3A, %run_scoped3A_275, %dma_start3A_338, %dma_start3A_339] : memref<32x5x50x40xi32, #tpu.memory_space<hbm>> -> memref<1x1x50x40xi32, #tpu.memory_space<hbm>>
      %dma_start3A_341 = tpu.memref_squeeze %dma_start3A_340 : memref<1x1x50x40xi32, #tpu.memory_space<hbm>> -> memref<50x40xi32, #tpu.memory_space<hbm>>
      tpu.enqueue_dma source(%dma_start3A_341 : memref<50x40xi32, #tpu.memory_space<hbm>>) target(%arg7 : memref<50x40xi32, #tpu.memory_space<vmem>>) target_semaphore(%run_scoped3A_333 : memref<!tpu.dma_semaphore, #tpu.memory_space<semaphore_mem>>)
      %dma_wait3A_342 = arith.constant 0 : i32
      %dma_wait3A_343 = arith.constant 0 : i32
      %dma_wait3A_344 = tpu.memref_slice %arg3[%add3A, %run_scoped3A_275, %dma_wait3A_342, %dma_wait3A_343] : memref<32x5x50x40xi32, #tpu.memory_space<hbm>> -> memref<1x1x50x40xi32, #tpu.memory_space<hbm>>
      %dma_wait3A_345 = tpu.memref_squeeze %dma_wait3A_344 : memref<1x1x50x40xi32, #tpu.memory_space<hbm>> -> memref<50x40xi32, #tpu.memory_space<hbm>>
      %dma_wait3A_346 = arith.constant 0 : i32
      %dma_wait3A_347 = arith.constant 0 : i32
      %dma_wait3A_348 = tpu.memref_slice %arg3[%add3A, %run_scoped3A_275, %dma_wait3A_346, %dma_wait3A_347] : memref<32x5x50x40xi32, #tpu.memory_space<hbm>> -> memref<1x1x50x40xi32, #tpu.memory_space<hbm>>
      %dma_wait3A_349 = tpu.memref_squeeze %dma_wait3A_348 : memref<1x1x50x40xi32, #tpu.memory_space<hbm>> -> memref<50x40xi32, #tpu.memory_space<hbm>>
      tpu.wait_dma2 semaphore(%run_scoped3A_333 : memref<!tpu.dma_semaphore, #tpu.memory_space<semaphore_mem>>) src(%dma_wait3A_349 : memref<50x40xi32, #tpu.memory_space<hbm>>) dst(%arg7 : memref<50x40xi32, #tpu.memory_space<vmem>>)
      tpu.yield
    }) : () -> ()
    %run_scoped3A_276 = arith.constant 4 : i32
    "tpu.region"() ({
      %run_scoped3A_333 = tpu.sem_alloc : memref<!tpu.dma_semaphore, #tpu.memory_space<semaphore_mem>>
      %dma_start3A_334 = arith.constant 0 : i32
      %dma_start3A_335 = arith.constant 0 : i32
      %dma_start3A_336 = tpu.memref_slice %arg4[%add3A, %run_scoped3A_276, %dma_start3A_334, %dma_start3A_335] : memref<32x5x50x40xi32, #tpu.memory_space<hbm>> -> memref<1x1x50x40xi32, #tpu.memory_space<hbm>>
      %dma_start3A_337 = tpu.memref_squeeze %dma_start3A_336 : memref<1x1x50x40xi32, #tpu.memory_space<hbm>> -> memref<50x40xi32, #tpu.memory_space<hbm>>
      %dma_start3A_338 = arith.constant 0 : i32
      %dma_start3A_339 = arith.constant 0 : i32
      %dma_start3A_340 = tpu.memref_slice %arg4[%add3A, %run_scoped3A_276, %dma_start3A_338, %dma_start3A_339] : memref<32x5x50x40xi32, #tpu.memory_space<hbm>> -> memref<1x1x50x40xi32, #tpu.memory_space<hbm>>
      %dma_start3A_341 = tpu.memref_squeeze %dma_start3A_340 : memref<1x1x50x40xi32, #tpu.memory_space<hbm>> -> memref<50x40xi32, #tpu.memory_space<hbm>>
      tpu.enqueue_dma source(%dma_start3A_341 : memref<50x40xi32, #tpu.memory_space<hbm>>) target(%arg8 : memref<50x40xi32, #tpu.memory_space<vmem>>) target_semaphore(%run_scoped3A_333 : memref<!tpu.dma_semaphore, #tpu.memory_space<semaphore_mem>>)
      %dma_wait3A_342 = arith.constant 0 : i32
      %dma_wait3A_343 = arith.constant 0 : i32
      %dma_wait3A_344 = tpu.memref_slice %arg4[%add3A, %run_scoped3A_276, %dma_wait3A_342, %dma_wait3A_343] : memref<32x5x50x40xi32, #tpu.memory_space<hbm>> -> memref<1x1x50x40xi32, #tpu.memory_space<hbm>>
      %dma_wait3A_345 = tpu.memref_squeeze %dma_wait3A_344 : memref<1x1x50x40xi32, #tpu.memory_space<hbm>> -> memref<50x40xi32, #tpu.memory_space<hbm>>
      %dma_wait3A_346 = arith.constant 0 : i32
      %dma_wait3A_347 = arith.constant 0 : i32
      %dma_wait3A_348 = tpu.memref_slice %arg4[%add3A, %run_scoped3A_276, %dma_wait3A_346, %dma_wait3A_347] : memref<32x5x50x40xi32, #tpu.memory_space<hbm>> -> memref<1x1x50x40xi32, #tpu.memory_space<hbm>>
      %dma_wait3A_349 = tpu.memref_squeeze %dma_wait3A_348 : memref<1x1x50x40xi32, #tpu.memory_space<hbm>> -> memref<50x40xi32, #tpu.memory_space<hbm>>
      tpu.wait_dma2 semaphore(%run_scoped3A_333 : memref<!tpu.dma_semaphore, #tpu.memory_space<semaphore_mem>>) src(%dma_wait3A_349 : memref<50x40xi32, #tpu.memory_space<hbm>>) dst(%arg8 : memref<50x40xi32, #tpu.memory_space<vmem>>)
      tpu.yield
    }) : () -> ()
    %dma_start3A_277 = arith.constant 0 : i32
    %dma_start3A_278 = arith.constant 0 : i32
    %dma_start3A_279 = tpu.memref_slice %arg7[%dma_start3A_277, %dma_start3A_278] : memref<50x40xi32, #tpu.memory_space<vmem>> -> memref<1x40xi32, #tpu.memory_space<vmem>>
    %dma_start3A_280 = tpu.memref_squeeze %dma_start3A_279 : memref<1x40xi32, #tpu.memory_space<vmem>> -> memref<40xi32, #tpu.memory_space<vmem>>
    %dma_start3A_281 = arith.constant 0 : i32
    %dma_start3A_282 = arith.constant 0 : i32
    %dma_start3A_283 = tpu.memref_slice %arg2[%dma_start3A_281, %dma_start3A_282] : memref<10000x128xf32, #tpu.memory_space<hbm>> -> memref<10000x128xf32, #tpu.memory_space<hbm>>
    tpu.enqueue_indirect_dma source(%dma_start3A_283 : memref<10000x128xf32, #tpu.memory_space<hbm>>) target(%arg9 : memref<40x128xf32, #tpu.memory_space<vmem>>) offsets(%dma_start3A_280 : memref<40xi32, #tpu.memory_space<vmem>>) semaphore(%arg16 : memref<!tpu.dma_semaphore, #tpu.memory_space<semaphore_mem>>)
    %dma_start3A_284 = arith.constant 200 : i32
    %dma_start3A_285 = arith.constant 0 : i32
    %dma_start3A_286 = arith.constant 0 : i32
    %dma_start3A_287 = tpu.memref_slice %arg5[%add3A, %dma_start3A_284, %dma_start3A_285, %dma_start3A_286] : memref<32x250x40x64xi32, #tpu.memory_space<hbm>> -> memref<1x1x40x64xi32, #tpu.memory_space<hbm>>
    %dma_start3A_288 = tpu.memref_squeeze %dma_start3A_287 : memref<1x1x40x64xi32, #tpu.memory_space<hbm>> -> memref<40x64xi32, #tpu.memory_space<hbm>>
    %dma_start3A_289 = arith.constant 0 : i32
    %dma_start3A_290 = arith.constant 0 : i32
    %dma_start3A_291 = tpu.memref_slice %arg5[%add3A, %dma_start3A_284, %dma_start3A_289, %dma_start3A_290] : memref<32x250x40x64xi32, #tpu.memory_space<hbm>> -> memref<1x1x40x64xi32, #tpu.memory_space<hbm>>
    %dma_start3A_292 = tpu.memref_squeeze %dma_start3A_291 : memref<1x1x40x64xi32, #tpu.memory_space<hbm>> -> memref<40x64xi32, #tpu.memory_space<hbm>>
    tpu.enqueue_dma source(%dma_start3A_292 : memref<40x64xi32, #tpu.memory_space<hbm>>) target(%arg11 : memref<40x64xi32, #tpu.memory_space<vmem>>) target_semaphore(%arg18 : memref<!tpu.dma_semaphore, #tpu.memory_space<semaphore_mem>>)
    %dma_start3A_293 = arith.constant 1 : i32
    %dma_start3A_294 = arith.constant 0 : i32
    %dma_start3A_295 = tpu.memref_slice %arg7[%dma_start3A_293, %dma_start3A_294] : memref<50x40xi32, #tpu.memory_space<vmem>> -> memref<1x40xi32, #tpu.memory_space<vmem>>
    %dma_start3A_296 = tpu.memref_squeeze %dma_start3A_295 : memref<1x40xi32, #tpu.memory_space<vmem>> -> memref<40xi32, #tpu.memory_space<vmem>>
    %dma_start3A_297 = arith.constant 0 : i32
    %dma_start3A_298 = arith.constant 0 : i32
    %dma_start3A_299 = tpu.memref_slice %arg2[%dma_start3A_297, %dma_start3A_298] : memref<10000x128xf32, #tpu.memory_space<hbm>> -> memref<10000x128xf32, #tpu.memory_space<hbm>>
    tpu.enqueue_indirect_dma source(%dma_start3A_299 : memref<10000x128xf32, #tpu.memory_space<hbm>>) target(%arg10 : memref<40x128xf32, #tpu.memory_space<vmem>>) offsets(%dma_start3A_296 : memref<40xi32, #tpu.memory_space<vmem>>) semaphore(%arg17 : memref<!tpu.dma_semaphore, #tpu.memory_space<semaphore_mem>>)
    %dma_start3A_300 = arith.constant 201 : i32
    %dma_start3A_301 = arith.constant 0 : i32
    %dma_start3A_302 = arith.constant 0 : i32
    %dma_start3A_303 = tpu.memref_slice %arg5[%add3A, %dma_start3A_300, %dma_start3A_301, %dma_start3A_302] : memref<32x250x40x64xi32, #tpu.memory_space<hbm>> -> memref<1x1x40x64xi32, #tpu.memory_space<hbm>>
    %dma_start3A_304 = tpu.memref_squeeze %dma_start3A_303 : memref<1x1x40x64xi32, #tpu.memory_space<hbm>> -> memref<40x64xi32, #tpu.memory_space<hbm>>
    %dma_start3A_305 = arith.constant 0 : i32
    %dma_start3A_306 = arith.constant 0 : i32
    %dma_start3A_307 = tpu.memref_slice %arg5[%add3A, %dma_start3A_300, %dma_start3A_305, %dma_start3A_306] : memref<32x250x40x64xi32, #tpu.memory_space<hbm>> -> memref<1x1x40x64xi32, #tpu.memory_space<hbm>>
    %dma_start3A_308 = tpu.memref_squeeze %dma_start3A_307 : memref<1x1x40x64xi32, #tpu.memory_space<hbm>> -> memref<40x64xi32, #tpu.memory_space<hbm>>
    tpu.enqueue_dma source(%dma_start3A_308 : memref<40x64xi32, #tpu.memory_space<hbm>>) target(%arg12 : memref<40x64xi32, #tpu.memory_space<vmem>>) target_semaphore(%arg19 : memref<!tpu.dma_semaphore, #tpu.memory_space<semaphore_mem>>)
    %scan3A_309 = arith.constant 0 : i32
    %scan3A_310 = arith.constant 25 : i32
    %scan3A_311 = arith.addi %scan3A_309, %scan3A_310 : i32
    %scan3A_312 = arith.constant 1 : i32
    scf.for %scan3A_333 = %scan3A_309 to %scan3A_311 step %scan3A_312  : i32 {
      %mul3A_334 = arith.constant 2 : i32
      %mul3A_335 = arith.muli %scan3A_333, %mul3A_334 : i32
      %add3A_336 = arith.constant 0 : i32
      %add3A_337 = arith.addi %add3A_336, %mul3A_335 : i32
      %ge3A = arith.constant 2 : i32
      %ge3A_338 = arith.cmpi sge, %add3A_337, %ge3A : i32
      %dma_wait3A_339 = arith.constant 0 : i32
      %dma_wait3A_340 = tpu.memref_slice %arg7[%add3A_337, %dma_wait3A_339] : memref<50x40xi32, #tpu.memory_space<vmem>> -> memref<1x40xi32, #tpu.memory_space<vmem>>
      %dma_wait3A_341 = tpu.memref_squeeze %dma_wait3A_340 : memref<1x40xi32, #tpu.memory_space<vmem>> -> memref<40xi32, #tpu.memory_space<vmem>>
      %dma_wait3A_342 = arith.constant 0 : i32
      %dma_wait3A_343 = arith.constant 0 : i32
      %dma_wait3A_344 = tpu.memref_slice %arg2[%dma_wait3A_342, %dma_wait3A_343] : memref<10000x128xf32, #tpu.memory_space<hbm>> -> memref<10000x128xf32, #tpu.memory_space<hbm>>
      tpu.wait_indirect_dma semaphore(%arg16 : memref<!tpu.dma_semaphore, #tpu.memory_space<semaphore_mem>>) src(%dma_wait3A_344 : memref<10000x128xf32, #tpu.memory_space<hbm>>) dst(%arg9 : memref<40x128xf32, #tpu.memory_space<vmem>>)
      %dma_wait3A_345 = arith.constant 0 : i32
      %dma_wait3A_346 = arith.constant 0 : i32
      %dma_wait3A_347 = arith.constant 0 : i32
      %dma_wait3A_348 = arith.constant 0 : i32
      %dma_wait3A_349 = tpu.memref_slice %arg5[%dma_wait3A_345, %dma_wait3A_346, %dma_wait3A_347, %dma_wait3A_348] : memref<32x250x40x64xi32, #tpu.memory_space<hbm>> -> memref<1x1x40x64xi32, #tpu.memory_space<hbm>>
      %dma_wait3A_350 = tpu.memref_squeeze %dma_wait3A_349 : memref<1x1x40x64xi32, #tpu.memory_space<hbm>> -> memref<40x64xi32, #tpu.memory_space<hbm>>
      %dma_wait3A_351 = arith.constant 0 : i32
      %dma_wait3A_352 = arith.constant 0 : i32
      %dma_wait3A_353 = tpu.memref_slice %arg5[%dma_wait3A_345, %dma_wait3A_346, %dma_wait3A_351, %dma_wait3A_352] : memref<32x250x40x64xi32, #tpu.memory_space<hbm>> -> memref<1x1x40x64xi32, #tpu.memory_space<hbm>>
      %dma_wait3A_354 = tpu.memref_squeeze %dma_wait3A_353 : memref<1x1x40x64xi32, #tpu.memory_space<hbm>> -> memref<40x64xi32, #tpu.memory_space<hbm>>
      tpu.wait_dma2 semaphore(%arg18 : memref<!tpu.dma_semaphore, #tpu.memory_space<semaphore_mem>>) src(%dma_wait3A_354 : memref<40x64xi32, #tpu.memory_space<hbm>>) dst(%arg11 : memref<40x64xi32, #tpu.memory_space<vmem>>)
      %convert_element_type3A = arith.extui %ge3A_338 : i1 to i32
      %cond3A = arith.constant 0 : i32
      %cond3A_355 = arith.cmpi ne, %convert_element_type3A, %cond3A : i32
      scf.if %cond3A_355 {
        %dma_wait3A_413 = arith.constant 0 : i32
        %dma_wait3A_414 = tpu.memref_slice %arg8[%add3A_337, %dma_wait3A_413] : memref<50x40xi32, #tpu.memory_space<vmem>> -> memref<1x40xi32, #tpu.memory_space<vmem>>
        %dma_wait3A_415 = tpu.memref_squeeze %dma_wait3A_414 : memref<1x40xi32, #tpu.memory_space<vmem>> -> memref<40xi32, #tpu.memory_space<vmem>>
        %dma_wait3A_416 = arith.constant 0 : i32
        %dma_wait3A_417 = arith.constant 0 : i32
        %dma_wait3A_418 = tpu.memref_slice %arg15[%dma_wait3A_416, %dma_wait3A_417] : memref<10240x128xf32, #tpu.memory_space<vmem_shared>> -> memref<10240x128xf32, #tpu.memory_space<vmem_shared>>
        tpu.wait_indirect_dma semaphore(%arg20 : memref<!tpu.dma_semaphore, #tpu.memory_space<semaphore_mem>>) src(%arg13 : memref<40x128xf32, #tpu.memory_space<vmem>>) dst(%dma_wait3A_418 : memref<10240x128xf32, #tpu.memory_space<vmem_shared>>)
      } else {
      }
      %broadcast_in_dim3A = arith.constant -65536 : i32
      %broadcast_in_dim3A_356 = vector.broadcast %broadcast_in_dim3A : i32 to vector<16xi32>
      %parallel_loop3A_357 = arith.constant 0 : i32
      %parallel_loop3A_358 = arith.constant 40 : i32
      %parallel_loop3A_359 = arith.constant 1 : i32
      scf.for %parallel_loop3A_413 = %parallel_loop3A_357 to %parallel_loop3A_358 step %parallel_loop3A_359  : i32 {
        %parallel_loop3A_414 = arith.index_cast %parallel_loop3A_413 : i32 to index
        %parallel_loop3A_415 = arith.constant 0 : index
        %parallel_loop3A_416 = tpu.vector_load %arg11[%parallel_loop3A_414, %parallel_loop3A_415] {strides = array<i32>} : memref<40x64xi32, #tpu.memory_space<vmem>>, vector<1x16xi32>,
        %parallel_loop3A_417 = vector.shape_cast %parallel_loop3A_416 : vector<1x16xi32> to vector<16xi32>
        %parallel_loop3A_418 = arith.constant 16 : i32
        %parallel_loop3A_419 = vector.broadcast %parallel_loop3A_418 : i32 to vector<16xi32>
        %parallel_loop3A_420 = arith.shli %parallel_loop3A_417, %parallel_loop3A_419 : vector<16xi32>
        %parallel_loop3A_421 = tpu.bitcast %parallel_loop3A_420 : vector<16xi32> -> vector<16xf32>
        %parallel_loop3A_422 = arith.andi %parallel_loop3A_417, %broadcast_in_dim3A_356 : vector<16xi32>
        %parallel_loop3A_423 = tpu.bitcast %parallel_loop3A_422 : vector<16xi32> -> vector<16xf32>
        %parallel_loop3A_424 = arith.index_cast %parallel_loop3A_413 : i32 to index
        %parallel_loop3A_425 = arith.constant 0 : index
        %parallel_loop3A_426 = tpu.vector_load %arg9[%parallel_loop3A_424, %parallel_loop3A_425] {strides = array<i32>} : memref<40x128xf32, #tpu.memory_space<vmem>>, vector<1x16xf32>,
        %parallel_loop3A_427 = vector.shape_cast %parallel_loop3A_426 : vector<1x16xf32> to vector<16xf32>
        %parallel_loop3A_428 = arith.mulf %parallel_loop3A_427, %parallel_loop3A_421 : vector<16xf32>
        %parallel_loop3A_429 = arith.index_cast %parallel_loop3A_413 : i32 to index
        %parallel_loop3A_430 = arith.constant 0 : index
        %parallel_loop3A_431 = tpu.vector_load %arg13[%parallel_loop3A_429, %parallel_loop3A_430] {strides = array<i32>} : memref<40x128xf32, #tpu.memory_space<vmem>>, vector<1x16xf32>,
        %parallel_loop3A_432 = vector.shape_cast %parallel_loop3A_431 : vector<1x16xf32> to vector<16xf32>
        %parallel_loop3A_433 = vector.shape_cast %parallel_loop3A_428 : vector<16xf32> to vector<1x16xf32>
        tpu.vector_store %arg13[%parallel_loop3A_429, %parallel_loop3A_430], %parallel_loop3A_433 {strides = array<i32>} : memref<40x128xf32, #tpu.memory_space<vmem>>, vector<1x16xf32>,
        %parallel_loop3A_434 = arith.index_cast %parallel_loop3A_413 : i32 to index
        %parallel_loop3A_435 = arith.constant 16 : index
        %parallel_loop3A_436 = tpu.vector_load %arg9[%parallel_loop3A_434, %parallel_loop3A_435] {strides = array<i32>} : memref<40x128xf32, #tpu.memory_space<vmem>>, vector<1x16xf32>,
        %parallel_loop3A_437 = vector.shape_cast %parallel_loop3A_436 : vector<1x16xf32> to vector<16xf32>
        %parallel_loop3A_438 = arith.mulf %parallel_loop3A_437, %parallel_loop3A_423 : vector<16xf32>
        %parallel_loop3A_439 = arith.index_cast %parallel_loop3A_413 : i32 to index
        %parallel_loop3A_440 = arith.constant 16 : index
        %parallel_loop3A_441 = tpu.vector_load %arg13[%parallel_loop3A_439, %parallel_loop3A_440] {strides = array<i32>} : memref<40x128xf32, #tpu.memory_space<vmem>>, vector<1x16xf32>,
        %parallel_loop3A_442 = vector.shape_cast %parallel_loop3A_441 : vector<1x16xf32> to vector<16xf32>
        %parallel_loop3A_443 = vector.shape_cast %parallel_loop3A_438 : vector<16xf32> to vector<1x16xf32>
        tpu.vector_store %arg13[%parallel_loop3A_439, %parallel_loop3A_440], %parallel_loop3A_443 {strides = array<i32>} : memref<40x128xf32, #tpu.memory_space<vmem>>, vector<1x16xf32>,
        %parallel_loop3A_444 = arith.index_cast %parallel_loop3A_413 : i32 to index
        %parallel_loop3A_445 = arith.constant 16 : index
        %parallel_loop3A_446 = tpu.vector_load %arg11[%parallel_loop3A_444, %parallel_loop3A_445] {strides = array<i32>} : memref<40x64xi32, #tpu.memory_space<vmem>>, vector<1x16xi32>,
        %parallel_loop3A_447 = vector.shape_cast %parallel_loop3A_446 : vector<1x16xi32> to vector<16xi32>
        %parallel_loop3A_448 = arith.constant 16 : i32
        %parallel_loop3A_449 = vector.broadcast %parallel_loop3A_448 : i32 to vector<16xi32>
        %parallel_loop3A_450 = arith.shli %parallel_loop3A_447, %parallel_loop3A_449 : vector<16xi32>
        %parallel_loop3A_451 = tpu.bitcast %parallel_loop3A_450 : vector<16xi32> -> vector<16xf32>
        %parallel_loop3A_452 = arith.andi %parallel_loop3A_447, %broadcast_in_dim3A_356 : vector<16xi32>
        %parallel_loop3A_453 = tpu.bitcast %parallel_loop3A_452 : vector<16xi32> -> vector<16xf32>
        %parallel_loop3A_454 = arith.index_cast %parallel_loop3A_413 : i32 to index
        %parallel_loop3A_455 = arith.constant 32 : index
        %parallel_loop3A_456 = tpu.vector_load %arg9[%parallel_loop3A_454, %parallel_loop3A_455] {strides = array<i32>} : memref<40x128xf32, #tpu.memory_space<vmem>>, vector<1x16xf32>,
        %parallel_loop3A_457 = vector.shape_cast %parallel_loop3A_456 : vector<1x16xf32> to vector<16xf32>
        %parallel_loop3A_458 = arith.mulf %parallel_loop3A_457, %parallel_loop3A_451 : vector<16xf32>
        %parallel_loop3A_459 = arith.index_cast %parallel_loop3A_413 : i32 to index
        %parallel_loop3A_460 = arith.constant 32 : index
        %parallel_loop3A_461 = tpu.vector_load %arg13[%parallel_loop3A_459, %parallel_loop3A_460] {strides = array<i32>} : memref<40x128xf32, #tpu.memory_space<vmem>>, vector<1x16xf32>,
        %parallel_loop3A_462 = vector.shape_cast %parallel_loop3A_461 : vector<1x16xf32> to vector<16xf32>
        %parallel_loop3A_463 = vector.shape_cast %parallel_loop3A_458 : vector<16xf32> to vector<1x16xf32>
        tpu.vector_store %arg13[%parallel_loop3A_459, %parallel_loop3A_460], %parallel_loop3A_463 {strides = array<i32>} : memref<40x128xf32, #tpu.memory_space<vmem>>, vector<1x16xf32>,
        %parallel_loop3A_464 = arith.index_cast %parallel_loop3A_413 : i32 to index
        %parallel_loop3A_465 = arith.constant 48 : index
        %parallel_loop3A_466 = tpu.vector_load %arg9[%parallel_loop3A_464, %parallel_loop3A_465] {strides = array<i32>} : memref<40x128xf32, #tpu.memory_space<vmem>>, vector<1x16xf32>,
        %parallel_loop3A_467 = vector.shape_cast %parallel_loop3A_466 : vector<1x16xf32> to vector<16xf32>
        %parallel_loop3A_468 = arith.mulf %parallel_loop3A_467, %parallel_loop3A_453 : vector<16xf32>
        %parallel_loop3A_469 = arith.index_cast %parallel_loop3A_413 : i32 to index
        %parallel_loop3A_470 = arith.constant 48 : index
        %parallel_loop3A_471 = tpu.vector_load %arg13[%parallel_loop3A_469, %parallel_loop3A_470] {strides = array<i32>} : memref<40x128xf32, #tpu.memory_space<vmem>>, vector<1x16xf32>,
        %parallel_loop3A_472 = vector.shape_cast %parallel_loop3A_471 : vector<1x16xf32> to vector<16xf32>
        %parallel_loop3A_473 = vector.shape_cast %parallel_loop3A_468 : vector<16xf32> to vector<1x16xf32>
        tpu.vector_store %arg13[%parallel_loop3A_469, %parallel_loop3A_470], %parallel_loop3A_473 {strides = array<i32>} : memref<40x128xf32, #tpu.memory_space<vmem>>, vector<1x16xf32>,
        %parallel_loop3A_474 = arith.index_cast %parallel_loop3A_413 : i32 to index
        %parallel_loop3A_475 = arith.constant 32 : index
        %parallel_loop3A_476 = tpu.vector_load %arg11[%parallel_loop3A_474, %parallel_loop3A_475] {strides = array<i32>} : memref<40x64xi32, #tpu.memory_space<vmem>>, vector<1x16xi32>,
        %parallel_loop3A_477 = vector.shape_cast %parallel_loop3A_476 : vector<1x16xi32> to vector<16xi32>
        %parallel_loop3A_478 = arith.constant 16 : i32
        %parallel_loop3A_479 = vector.broadcast %parallel_loop3A_478 : i32 to vector<16xi32>
        %parallel_loop3A_480 = arith.shli %parallel_loop3A_477, %parallel_loop3A_479 : vector<16xi32>
        %parallel_loop3A_481 = tpu.bitcast %parallel_loop3A_480 : vector<16xi32> -> vector<16xf32>
        %parallel_loop3A_482 = arith.andi %parallel_loop3A_477, %broadcast_in_dim3A_356 : vector<16xi32>
        %parallel_loop3A_483 = tpu.bitcast %parallel_loop3A_482 : vector<16xi32> -> vector<16xf32>
        %parallel_loop3A_484 = arith.index_cast %parallel_loop3A_413 : i32 to index
        %parallel_loop3A_485 = arith.constant 64 : index
        %parallel_loop3A_486 = tpu.vector_load %arg9[%parallel_loop3A_484, %parallel_loop3A_485] {strides = array<i32>} : memref<40x128xf32, #tpu.memory_space<vmem>>, vector<1x16xf32>,
        %parallel_loop3A_487 = vector.shape_cast %parallel_loop3A_486 : vector<1x16xf32> to vector<16xf32>
        %parallel_loop3A_488 = arith.mulf %parallel_loop3A_487, %parallel_loop3A_481 : vector<16xf32>
        %parallel_loop3A_489 = arith.index_cast %parallel_loop3A_413 : i32 to index
        %parallel_loop3A_490 = arith.constant 64 : index
        %parallel_loop3A_491 = tpu.vector_load %arg13[%parallel_loop3A_489, %parallel_loop3A_490] {strides = array<i32>} : memref<40x128xf32, #tpu.memory_space<vmem>>, vector<1x16xf32>,
        %parallel_loop3A_492 = vector.shape_cast %parallel_loop3A_491 : vector<1x16xf32> to vector<16xf32>
        %parallel_loop3A_493 = vector.shape_cast %parallel_loop3A_488 : vector<16xf32> to vector<1x16xf32>
        tpu.vector_store %arg13[%parallel_loop3A_489, %parallel_loop3A_490], %parallel_loop3A_493 {strides = array<i32>} : memref<40x128xf32, #tpu.memory_space<vmem>>, vector<1x16xf32>,
        %parallel_loop3A_494 = arith.index_cast %parallel_loop3A_413 : i32 to index
        %parallel_loop3A_495 = arith.constant 80 : index
        %parallel_loop3A_496 = tpu.vector_load %arg9[%parallel_loop3A_494, %parallel_loop3A_495] {strides = array<i32>} : memref<40x128xf32, #tpu.memory_space<vmem>>, vector<1x16xf32>,
        %parallel_loop3A_497 = vector.shape_cast %parallel_loop3A_496 : vector<1x16xf32> to vector<16xf32>
        %parallel_loop3A_498 = arith.mulf %parallel_loop3A_497, %parallel_loop3A_483 : vector<16xf32>
        %parallel_loop3A_499 = arith.index_cast %parallel_loop3A_413 : i32 to index
        %parallel_loop3A_500 = arith.constant 80 : index
        %parallel_loop3A_501 = tpu.vector_load %arg13[%parallel_loop3A_499, %parallel_loop3A_500] {strides = array<i32>} : memref<40x128xf32, #tpu.memory_space<vmem>>, vector<1x16xf32>,
        %parallel_loop3A_502 = vector.shape_cast %parallel_loop3A_501 : vector<1x16xf32> to vector<16xf32>
        %parallel_loop3A_503 = vector.shape_cast %parallel_loop3A_498 : vector<16xf32> to vector<1x16xf32>
        tpu.vector_store %arg13[%parallel_loop3A_499, %parallel_loop3A_500], %parallel_loop3A_503 {strides = array<i32>} : memref<40x128xf32, #tpu.memory_space<vmem>>, vector<1x16xf32>,
        %parallel_loop3A_504 = arith.index_cast %parallel_loop3A_413 : i32 to index
        %parallel_loop3A_505 = arith.constant 48 : index
        %parallel_loop3A_506 = tpu.vector_load %arg11[%parallel_loop3A_504, %parallel_loop3A_505] {strides = array<i32>} : memref<40x64xi32, #tpu.memory_space<vmem>>, vector<1x16xi32>,
        %parallel_loop3A_507 = vector.shape_cast %parallel_loop3A_506 : vector<1x16xi32> to vector<16xi32>
        %parallel_loop3A_508 = arith.constant 16 : i32
        %parallel_loop3A_509 = vector.broadcast %parallel_loop3A_508 : i32 to vector<16xi32>
        %parallel_loop3A_510 = arith.shli %parallel_loop3A_507, %parallel_loop3A_509 : vector<16xi32>
        %parallel_loop3A_511 = tpu.bitcast %parallel_loop3A_510 : vector<16xi32> -> vector<16xf32>
        %parallel_loop3A_512 = arith.andi %parallel_loop3A_507, %broadcast_in_dim3A_356 : vector<16xi32>
        %parallel_loop3A_513 = tpu.bitcast %parallel_loop3A_512 : vector<16xi32> -> vector<16xf32>
        %parallel_loop3A_514 = arith.index_cast %parallel_loop3A_413 : i32 to index
        %parallel_loop3A_515 = arith.constant 96 : index
        %parallel_loop3A_516 = tpu.vector_load %arg9[%parallel_loop3A_514, %parallel_loop3A_515] {strides = array<i32>} : memref<40x128xf32, #tpu.memory_space<vmem>>, vector<1x16xf32>,
        %parallel_loop3A_517 = vector.shape_cast %parallel_loop3A_516 : vector<1x16xf32> to vector<16xf32>
        %parallel_loop3A_518 = arith.mulf %parallel_loop3A_517, %parallel_loop3A_511 : vector<16xf32>
        %parallel_loop3A_519 = arith.index_cast %parallel_loop3A_413 : i32 to index
        %parallel_loop3A_520 = arith.constant 96 : index
        %parallel_loop3A_521 = tpu.vector_load %arg13[%parallel_loop3A_519, %parallel_loop3A_520] {strides = array<i32>} : memref<40x128xf32, #tpu.memory_space<vmem>>, vector<1x16xf32>,
        %parallel_loop3A_522 = vector.shape_cast %parallel_loop3A_521 : vector<1x16xf32> to vector<16xf32>
        %parallel_loop3A_523 = vector.shape_cast %parallel_loop3A_518 : vector<16xf32> to vector<1x16xf32>
        tpu.vector_store %arg13[%parallel_loop3A_519, %parallel_loop3A_520], %parallel_loop3A_523 {strides = array<i32>} : memref<40x128xf32, #tpu.memory_space<vmem>>, vector<1x16xf32>,
        %parallel_loop3A_524 = arith.index_cast %parallel_loop3A_413 : i32 to index
        %parallel_loop3A_525 = arith.constant 112 : index
        %parallel_loop3A_526 = tpu.vector_load %arg9[%parallel_loop3A_524, %parallel_loop3A_525] {strides = array<i32>} : memref<40x128xf32, #tpu.memory_space<vmem>>, vector<1x16xf32>,
        %parallel_loop3A_527 = vector.shape_cast %parallel_loop3A_526 : vector<1x16xf32> to vector<16xf32>
        %parallel_loop3A_528 = arith.mulf %parallel_loop3A_527, %parallel_loop3A_513 : vector<16xf32>
        %parallel_loop3A_529 = arith.index_cast %parallel_loop3A_413 : i32 to index
        %parallel_loop3A_530 = arith.constant 112 : index
        %parallel_loop3A_531 = tpu.vector_load %arg13[%parallel_loop3A_529, %parallel_loop3A_530] {strides = array<i32>} : memref<40x128xf32, #tpu.memory_space<vmem>>, vector<1x16xf32>,
        %parallel_loop3A_532 = vector.shape_cast %parallel_loop3A_531 : vector<1x16xf32> to vector<16xf32>
        %parallel_loop3A_533 = vector.shape_cast %parallel_loop3A_528 : vector<16xf32> to vector<1x16xf32>
        tpu.vector_store %arg13[%parallel_loop3A_529, %parallel_loop3A_530], %parallel_loop3A_533 {strides = array<i32>} : memref<40x128xf32, #tpu.memory_space<vmem>>, vector<1x16xf32>,
      } {sc.loop_unroll_factor = 4 : i64, sc.parallel_access}
      %dma_start3A_360 = arith.constant 0 : i32
      %dma_start3A_361 = tpu.memref_slice %arg8[%add3A_337, %dma_start3A_360] : memref<50x40xi32, #tpu.memory_space<vmem>> -> memref<1x40xi32, #tpu.memory_space<vmem>>
      %dma_start3A_362 = tpu.memref_squeeze %dma_start3A_361 : memref<1x40xi32, #tpu.memory_space<vmem>> -> memref<40xi32, #tpu.memory_space<vmem>>
      %dma_start3A_363 = arith.constant 0 : i32
      %dma_start3A_364 = arith.constant 0 : i32
      %dma_start3A_365 = tpu.memref_slice %arg15[%dma_start3A_363, %dma_start3A_364] : memref<10240x128xf32, #tpu.memory_space<vmem_shared>> -> memref<10240x128xf32, #tpu.memory_space<vmem_shared>>
      tpu.enqueue_indirect_dma source(%arg13 : memref<40x128xf32, #tpu.memory_space<vmem>>) target(%dma_start3A_365 : memref<10240x128xf32, #tpu.memory_space<vmem_shared>>) offsets(%dma_start3A_362 : memref<40xi32, #tpu.memory_space<vmem>>) semaphore(%arg20 : memref<!tpu.dma_semaphore, #tpu.memory_space<semaphore_mem>>) {add = true}
      %add3A_366 = arith.constant 2 : i32
      %add3A_367 = arith.addi %add3A_337, %add3A_366 : i32
      %lt3A = arith.constant 50 : i32
      %lt3A_368 = arith.cmpi slt, %add3A_367, %lt3A : i32
      %convert_element_type3A_369 = arith.extui %lt3A_368 : i1 to i32
      %cond3A_370 = arith.constant 0 : i32
      %cond3A_371 = arith.cmpi ne, %convert_element_type3A_369, %cond3A_370 : i32
      scf.if %cond3A_371 {
        %add3A_413 = arith.constant 2 : i32
        %add3A_414 = arith.addi %add3A_337, %add3A_413 : i32
        %dma_start3A_415 = arith.constant 0 : i32
        %dma_start3A_416 = tpu.memref_slice %arg7[%add3A_414, %dma_start3A_415] : memref<50x40xi32, #tpu.memory_space<vmem>> -> memref<1x40xi32, #tpu.memory_space<vmem>>
        %dma_start3A_417 = tpu.memref_squeeze %dma_start3A_416 : memref<1x40xi32, #tpu.memory_space<vmem>> -> memref<40xi32, #tpu.memory_space<vmem>>
        %dma_start3A_418 = arith.constant 0 : i32
        %dma_start3A_419 = arith.constant 0 : i32
        %dma_start3A_420 = tpu.memref_slice %arg2[%dma_start3A_418, %dma_start3A_419] : memref<10000x128xf32, #tpu.memory_space<hbm>> -> memref<10000x128xf32, #tpu.memory_space<hbm>>
        tpu.enqueue_indirect_dma source(%dma_start3A_420 : memref<10000x128xf32, #tpu.memory_space<hbm>>) target(%arg9 : memref<40x128xf32, #tpu.memory_space<vmem>>) offsets(%dma_start3A_417 : memref<40xi32, #tpu.memory_space<vmem>>) semaphore(%arg16 : memref<!tpu.dma_semaphore, #tpu.memory_space<semaphore_mem>>)
        %add3A_421 = arith.constant 200 : i32
        %add3A_422 = arith.addi %add3A_421, %add3A_414 : i32
        %dma_start3A_423 = arith.constant 0 : i32
        %dma_start3A_424 = arith.constant 0 : i32
        %dma_start3A_425 = tpu.memref_slice %arg5[%add3A, %add3A_422, %dma_start3A_423, %dma_start3A_424] : memref<32x250x40x64xi32, #tpu.memory_space<hbm>> -> memref<1x1x40x64xi32, #tpu.memory_space<hbm>>
        %dma_start3A_426 = tpu.memref_squeeze %dma_start3A_425 : memref<1x1x40x64xi32, #tpu.memory_space<hbm>> -> memref<40x64xi32, #tpu.memory_space<hbm>>
        %dma_start3A_427 = arith.constant 0 : i32
        %dma_start3A_428 = arith.constant 0 : i32
        %dma_start3A_429 = tpu.memref_slice %arg5[%add3A, %add3A_422, %dma_start3A_427, %dma_start3A_428] : memref<32x250x40x64xi32, #tpu.memory_space<hbm>> -> memref<1x1x40x64xi32, #tpu.memory_space<hbm>>
        %dma_start3A_430 = tpu.memref_squeeze %dma_start3A_429 : memref<1x1x40x64xi32, #tpu.memory_space<hbm>> -> memref<40x64xi32, #tpu.memory_space<hbm>>
        tpu.enqueue_dma source(%dma_start3A_430 : memref<40x64xi32, #tpu.memory_space<hbm>>) target(%arg11 : memref<40x64xi32, #tpu.memory_space<vmem>>) target_semaphore(%arg18 : memref<!tpu.dma_semaphore, #tpu.memory_space<semaphore_mem>>)
      } else {
      }
      %add3A_372 = arith.constant 1 : i32
      %add3A_373 = arith.addi %add3A_337, %add3A_372 : i32
      %ge3A_374 = arith.constant 2 : i32
      %ge3A_375 = arith.cmpi sge, %add3A_337, %ge3A_374 : i32
      %dma_wait3A_376 = arith.constant 0 : i32
      %dma_wait3A_377 = tpu.memref_slice %arg7[%add3A_373, %dma_wait3A_376] : memref<50x40xi32, #tpu.memory_space<vmem>> -> memref<1x40xi32, #tpu.memory_space<vmem>>
      %dma_wait3A_378 = tpu.memref_squeeze %dma_wait3A_377 : memref<1x40xi32, #tpu.memory_space<vmem>> -> memref<40xi32, #tpu.memory_space<vmem>>
      %dma_wait3A_379 = arith.constant 0 : i32
      %dma_wait3A_380 = arith.constant 0 : i32
      %dma_wait3A_381 = tpu.memref_slice %arg2[%dma_wait3A_379, %dma_wait3A_380] : memref<10000x128xf32, #tpu.memory_space<hbm>> -> memref<10000x128xf32, #tpu.memory_space<hbm>>
      tpu.wait_indirect_dma semaphore(%arg17 : memref<!tpu.dma_semaphore, #tpu.memory_space<semaphore_mem>>) src(%dma_wait3A_381 : memref<10000x128xf32, #tpu.memory_space<hbm>>) dst(%arg10 : memref<40x128xf32, #tpu.memory_space<vmem>>)
      %dma_wait3A_382 = arith.constant 0 : i32
      %dma_wait3A_383 = arith.constant 0 : i32
      %dma_wait3A_384 = arith.constant 0 : i32
      %dma_wait3A_385 = arith.constant 0 : i32
      %dma_wait3A_386 = tpu.memref_slice %arg5[%dma_wait3A_382, %dma_wait3A_383, %dma_wait3A_384, %dma_wait3A_385] : memref<32x250x40x64xi32, #tpu.memory_space<hbm>> -> memref<1x1x40x64xi32, #tpu.memory_space<hbm>>
      %dma_wait3A_387 = tpu.memref_squeeze %dma_wait3A_386 : memref<1x1x40x64xi32, #tpu.memory_space<hbm>> -> memref<40x64xi32, #tpu.memory_space<hbm>>
      %dma_wait3A_388 = arith.constant 0 : i32
      %dma_wait3A_389 = arith.constant 0 : i32
      %dma_wait3A_390 = tpu.memref_slice %arg5[%dma_wait3A_382, %dma_wait3A_383, %dma_wait3A_388, %dma_wait3A_389] : memref<32x250x40x64xi32, #tpu.memory_space<hbm>> -> memref<1x1x40x64xi32, #tpu.memory_space<hbm>>
      %dma_wait3A_391 = tpu.memref_squeeze %dma_wait3A_390 : memref<1x1x40x64xi32, #tpu.memory_space<hbm>> -> memref<40x64xi32, #tpu.memory_space<hbm>>
      tpu.wait_dma2 semaphore(%arg19 : memref<!tpu.dma_semaphore, #tpu.memory_space<semaphore_mem>>) src(%dma_wait3A_391 : memref<40x64xi32, #tpu.memory_space<hbm>>) dst(%arg12 : memref<40x64xi32, #tpu.memory_space<vmem>>)
      %convert_element_type3A_392 = arith.extui %ge3A_375 : i1 to i32
      %cond3A_393 = arith.constant 0 : i32
      %cond3A_394 = arith.cmpi ne, %convert_element_type3A_392, %cond3A_393 : i32
      scf.if %cond3A_394 {
        %dma_wait3A_413 = arith.constant 0 : i32
        %dma_wait3A_414 = tpu.memref_slice %arg8[%add3A_373, %dma_wait3A_413] : memref<50x40xi32, #tpu.memory_space<vmem>> -> memref<1x40xi32, #tpu.memory_space<vmem>>
        %dma_wait3A_415 = tpu.memref_squeeze %dma_wait3A_414 : memref<1x40xi32, #tpu.memory_space<vmem>> -> memref<40xi32, #tpu.memory_space<vmem>>
        %dma_wait3A_416 = arith.constant 0 : i32
        %dma_wait3A_417 = arith.constant 0 : i32
        %dma_wait3A_418 = tpu.memref_slice %arg15[%dma_wait3A_416, %dma_wait3A_417] : memref<10240x128xf32, #tpu.memory_space<vmem_shared>> -> memref<10240x128xf32, #tpu.memory_space<vmem_shared>>
        tpu.wait_indirect_dma semaphore(%arg21 : memref<!tpu.dma_semaphore, #tpu.memory_space<semaphore_mem>>) src(%arg14 : memref<40x128xf32, #tpu.memory_space<vmem>>) dst(%dma_wait3A_418 : memref<10240x128xf32, #tpu.memory_space<vmem_shared>>)
      } else {
      }
      %broadcast_in_dim3A_395 = arith.constant -65536 : i32
      %broadcast_in_dim3A_396 = vector.broadcast %broadcast_in_dim3A_395 : i32 to vector<16xi32>
      %parallel_loop3A_397 = arith.constant 0 : i32
      %parallel_loop3A_398 = arith.constant 40 : i32
      %parallel_loop3A_399 = arith.constant 1 : i32
      scf.for %parallel_loop3A_413 = %parallel_loop3A_397 to %parallel_loop3A_398 step %parallel_loop3A_399  : i32 {
        %parallel_loop3A_414 = arith.index_cast %parallel_loop3A_413 : i32 to index
        %parallel_loop3A_415 = arith.constant 0 : index
        %parallel_loop3A_416 = tpu.vector_load %arg12[%parallel_loop3A_414, %parallel_loop3A_415] {strides = array<i32>} : memref<40x64xi32, #tpu.memory_space<vmem>>, vector<1x16xi32>,
        %parallel_loop3A_417 = vector.shape_cast %parallel_loop3A_416 : vector<1x16xi32> to vector<16xi32>
        %parallel_loop3A_418 = arith.constant 16 : i32
        %parallel_loop3A_419 = vector.broadcast %parallel_loop3A_418 : i32 to vector<16xi32>
        %parallel_loop3A_420 = arith.shli %parallel_loop3A_417, %parallel_loop3A_419 : vector<16xi32>
        %parallel_loop3A_421 = tpu.bitcast %parallel_loop3A_420 : vector<16xi32> -> vector<16xf32>
        %parallel_loop3A_422 = arith.andi %parallel_loop3A_417, %broadcast_in_dim3A_396 : vector<16xi32>
        %parallel_loop3A_423 = tpu.bitcast %parallel_loop3A_422 : vector<16xi32> -> vector<16xf32>
        %parallel_loop3A_424 = arith.index_cast %parallel_loop3A_413 : i32 to index
        %parallel_loop3A_425 = arith.constant 0 : index
        %parallel_loop3A_426 = tpu.vector_load %arg10[%parallel_loop3A_424, %parallel_loop3A_425] {strides = array<i32>} : memref<40x128xf32, #tpu.memory_space<vmem>>, vector<1x16xf32>,
        %parallel_loop3A_427 = vector.shape_cast %parallel_loop3A_426 : vector<1x16xf32> to vector<16xf32>
        %parallel_loop3A_428 = arith.mulf %parallel_loop3A_427, %parallel_loop3A_421 : vector<16xf32>
        %parallel_loop3A_429 = arith.index_cast %parallel_loop3A_413 : i32 to index
        %parallel_loop3A_430 = arith.constant 0 : index
        %parallel_loop3A_431 = tpu.vector_load %arg14[%parallel_loop3A_429, %parallel_loop3A_430] {strides = array<i32>} : memref<40x128xf32, #tpu.memory_space<vmem>>, vector<1x16xf32>,
        %parallel_loop3A_432 = vector.shape_cast %parallel_loop3A_431 : vector<1x16xf32> to vector<16xf32>
        %parallel_loop3A_433 = vector.shape_cast %parallel_loop3A_428 : vector<16xf32> to vector<1x16xf32>
        tpu.vector_store %arg14[%parallel_loop3A_429, %parallel_loop3A_430], %parallel_loop3A_433 {strides = array<i32>} : memref<40x128xf32, #tpu.memory_space<vmem>>, vector<1x16xf32>,
        %parallel_loop3A_434 = arith.index_cast %parallel_loop3A_413 : i32 to index
        %parallel_loop3A_435 = arith.constant 16 : index
        %parallel_loop3A_436 = tpu.vector_load %arg10[%parallel_loop3A_434, %parallel_loop3A_435] {strides = array<i32>} : memref<40x128xf32, #tpu.memory_space<vmem>>, vector<1x16xf32>,
        %parallel_loop3A_437 = vector.shape_cast %parallel_loop3A_436 : vector<1x16xf32> to vector<16xf32>
        %parallel_loop3A_438 = arith.mulf %parallel_loop3A_437, %parallel_loop3A_423 : vector<16xf32>
        %parallel_loop3A_439 = arith.index_cast %parallel_loop3A_413 : i32 to index
        %parallel_loop3A_440 = arith.constant 16 : index
        %parallel_loop3A_441 = tpu.vector_load %arg14[%parallel_loop3A_439, %parallel_loop3A_440] {strides = array<i32>} : memref<40x128xf32, #tpu.memory_space<vmem>>, vector<1x16xf32>,
        %parallel_loop3A_442 = vector.shape_cast %parallel_loop3A_441 : vector<1x16xf32> to vector<16xf32>
        %parallel_loop3A_443 = vector.shape_cast %parallel_loop3A_438 : vector<16xf32> to vector<1x16xf32>
        tpu.vector_store %arg14[%parallel_loop3A_439, %parallel_loop3A_440], %parallel_loop3A_443 {strides = array<i32>} : memref<40x128xf32, #tpu.memory_space<vmem>>, vector<1x16xf32>,
        %parallel_loop3A_444 = arith.index_cast %parallel_loop3A_413 : i32 to index
        %parallel_loop3A_445 = arith.constant 16 : index
        %parallel_loop3A_446 = tpu.vector_load %arg12[%parallel_loop3A_444, %parallel_loop3A_445] {strides = array<i32>} : memref<40x64xi32, #tpu.memory_space<vmem>>, vector<1x16xi32>,
        %parallel_loop3A_447 = vector.shape_cast %parallel_loop3A_446 : vector<1x16xi32> to vector<16xi32>
        %parallel_loop3A_448 = arith.constant 16 : i32
        %parallel_loop3A_449 = vector.broadcast %parallel_loop3A_448 : i32 to vector<16xi32>
        %parallel_loop3A_450 = arith.shli %parallel_loop3A_447, %parallel_loop3A_449 : vector<16xi32>
        %parallel_loop3A_451 = tpu.bitcast %parallel_loop3A_450 : vector<16xi32> -> vector<16xf32>
        %parallel_loop3A_452 = arith.andi %parallel_loop3A_447, %broadcast_in_dim3A_396 : vector<16xi32>
        %parallel_loop3A_453 = tpu.bitcast %parallel_loop3A_452 : vector<16xi32> -> vector<16xf32>
        %parallel_loop3A_454 = arith.index_cast %parallel_loop3A_413 : i32 to index
        %parallel_loop3A_455 = arith.constant 32 : index
        %parallel_loop3A_456 = tpu.vector_load %arg10[%parallel_loop3A_454, %parallel_loop3A_455] {strides = array<i32>} : memref<40x128xf32, #tpu.memory_space<vmem>>, vector<1x16xf32>,
        %parallel_loop3A_457 = vector.shape_cast %parallel_loop3A_456 : vector<1x16xf32> to vector<16xf32>
        %parallel_loop3A_458 = arith.mulf %parallel_loop3A_457, %parallel_loop3A_451 : vector<16xf32>
        %parallel_loop3A_459 = arith.index_cast %parallel_loop3A_413 : i32 to index
        %parallel_loop3A_460 = arith.constant 32 : index
        %parallel_loop3A_461 = tpu.vector_load %arg14[%parallel_loop3A_459, %parallel_loop3A_460] {strides = array<i32>} : memref<40x128xf32, #tpu.memory_space<vmem>>, vector<1x16xf32>,
        %parallel_loop3A_462 = vector.shape_cast %parallel_loop3A_461 : vector<1x16xf32> to vector<16xf32>
        %parallel_loop3A_463 = vector.shape_cast %parallel_loop3A_458 : vector<16xf32> to vector<1x16xf32>
        tpu.vector_store %arg14[%parallel_loop3A_459, %parallel_loop3A_460], %parallel_loop3A_463 {strides = array<i32>} : memref<40x128xf32, #tpu.memory_space<vmem>>, vector<1x16xf32>,
        %parallel_loop3A_464 = arith.index_cast %parallel_loop3A_413 : i32 to index
        %parallel_loop3A_465 = arith.constant 48 : index
        %parallel_loop3A_466 = tpu.vector_load %arg10[%parallel_loop3A_464, %parallel_loop3A_465] {strides = array<i32>} : memref<40x128xf32, #tpu.memory_space<vmem>>, vector<1x16xf32>,
        %parallel_loop3A_467 = vector.shape_cast %parallel_loop3A_466 : vector<1x16xf32> to vector<16xf32>
        %parallel_loop3A_468 = arith.mulf %parallel_loop3A_467, %parallel_loop3A_453 : vector<16xf32>
        %parallel_loop3A_469 = arith.index_cast %parallel_loop3A_413 : i32 to index
        %parallel_loop3A_470 = arith.constant 48 : index
        %parallel_loop3A_471 = tpu.vector_load %arg14[%parallel_loop3A_469, %parallel_loop3A_470] {strides = array<i32>} : memref<40x128xf32, #tpu.memory_space<vmem>>, vector<1x16xf32>,
        %parallel_loop3A_472 = vector.shape_cast %parallel_loop3A_471 : vector<1x16xf32> to vector<16xf32>
        %parallel_loop3A_473 = vector.shape_cast %parallel_loop3A_468 : vector<16xf32> to vector<1x16xf32>
        tpu.vector_store %arg14[%parallel_loop3A_469, %parallel_loop3A_470], %parallel_loop3A_473 {strides = array<i32>} : memref<40x128xf32, #tpu.memory_space<vmem>>, vector<1x16xf32>,
        %parallel_loop3A_474 = arith.index_cast %parallel_loop3A_413 : i32 to index
        %parallel_loop3A_475 = arith.constant 32 : index
        %parallel_loop3A_476 = tpu.vector_load %arg12[%parallel_loop3A_474, %parallel_loop3A_475] {strides = array<i32>} : memref<40x64xi32, #tpu.memory_space<vmem>>, vector<1x16xi32>,
        %parallel_loop3A_477 = vector.shape_cast %parallel_loop3A_476 : vector<1x16xi32> to vector<16xi32>
        %parallel_loop3A_478 = arith.constant 16 : i32
        %parallel_loop3A_479 = vector.broadcast %parallel_loop3A_478 : i32 to vector<16xi32>
        %parallel_loop3A_480 = arith.shli %parallel_loop3A_477, %parallel_loop3A_479 : vector<16xi32>
        %parallel_loop3A_481 = tpu.bitcast %parallel_loop3A_480 : vector<16xi32> -> vector<16xf32>
        %parallel_loop3A_482 = arith.andi %parallel_loop3A_477, %broadcast_in_dim3A_396 : vector<16xi32>
        %parallel_loop3A_483 = tpu.bitcast %parallel_loop3A_482 : vector<16xi32> -> vector<16xf32>
        %parallel_loop3A_484 = arith.index_cast %parallel_loop3A_413 : i32 to index
        %parallel_loop3A_485 = arith.constant 64 : index
        %parallel_loop3A_486 = tpu.vector_load %arg10[%parallel_loop3A_484, %parallel_loop3A_485] {strides = array<i32>} : memref<40x128xf32, #tpu.memory_space<vmem>>, vector<1x16xf32>,
        %parallel_loop3A_487 = vector.shape_cast %parallel_loop3A_486 : vector<1x16xf32> to vector<16xf32>
        %parallel_loop3A_488 = arith.mulf %parallel_loop3A_487, %parallel_loop3A_481 : vector<16xf32>
        %parallel_loop3A_489 = arith.index_cast %parallel_loop3A_413 : i32 to index
        %parallel_loop3A_490 = arith.constant 64 : index
        %parallel_loop3A_491 = tpu.vector_load %arg14[%parallel_loop3A_489, %parallel_loop3A_490] {strides = array<i32>} : memref<40x128xf32, #tpu.memory_space<vmem>>, vector<1x16xf32>,
        %parallel_loop3A_492 = vector.shape_cast %parallel_loop3A_491 : vector<1x16xf32> to vector<16xf32>
        %parallel_loop3A_493 = vector.shape_cast %parallel_loop3A_488 : vector<16xf32> to vector<1x16xf32>
        tpu.vector_store %arg14[%parallel_loop3A_489, %parallel_loop3A_490], %parallel_loop3A_493 {strides = array<i32>} : memref<40x128xf32, #tpu.memory_space<vmem>>, vector<1x16xf32>,
        %parallel_loop3A_494 = arith.index_cast %parallel_loop3A_413 : i32 to index
        %parallel_loop3A_495 = arith.constant 80 : index
        %parallel_loop3A_496 = tpu.vector_load %arg10[%parallel_loop3A_494, %parallel_loop3A_495] {strides = array<i32>} : memref<40x128xf32, #tpu.memory_space<vmem>>, vector<1x16xf32>,
        %parallel_loop3A_497 = vector.shape_cast %parallel_loop3A_496 : vector<1x16xf32> to vector<16xf32>
        %parallel_loop3A_498 = arith.mulf %parallel_loop3A_497, %parallel_loop3A_483 : vector<16xf32>
        %parallel_loop3A_499 = arith.index_cast %parallel_loop3A_413 : i32 to index
        %parallel_loop3A_500 = arith.constant 80 : index
        %parallel_loop3A_501 = tpu.vector_load %arg14[%parallel_loop3A_499, %parallel_loop3A_500] {strides = array<i32>} : memref<40x128xf32, #tpu.memory_space<vmem>>, vector<1x16xf32>,
        %parallel_loop3A_502 = vector.shape_cast %parallel_loop3A_501 : vector<1x16xf32> to vector<16xf32>
        %parallel_loop3A_503 = vector.shape_cast %parallel_loop3A_498 : vector<16xf32> to vector<1x16xf32>
        tpu.vector_store %arg14[%parallel_loop3A_499, %parallel_loop3A_500], %parallel_loop3A_503 {strides = array<i32>} : memref<40x128xf32, #tpu.memory_space<vmem>>, vector<1x16xf32>,
        %parallel_loop3A_504 = arith.index_cast %parallel_loop3A_413 : i32 to index
        %parallel_loop3A_505 = arith.constant 48 : index
        %parallel_loop3A_506 = tpu.vector_load %arg12[%parallel_loop3A_504, %parallel_loop3A_505] {strides = array<i32>} : memref<40x64xi32, #tpu.memory_space<vmem>>, vector<1x16xi32>,
        %parallel_loop3A_507 = vector.shape_cast %parallel_loop3A_506 : vector<1x16xi32> to vector<16xi32>
        %parallel_loop3A_508 = arith.constant 16 : i32
        %parallel_loop3A_509 = vector.broadcast %parallel_loop3A_508 : i32 to vector<16xi32>
        %parallel_loop3A_510 = arith.shli %parallel_loop3A_507, %parallel_loop3A_509 : vector<16xi32>
        %parallel_loop3A_511 = tpu.bitcast %parallel_loop3A_510 : vector<16xi32> -> vector<16xf32>
        %parallel_loop3A_512 = arith.andi %parallel_loop3A_507, %broadcast_in_dim3A_396 : vector<16xi32>
        %parallel_loop3A_513 = tpu.bitcast %parallel_loop3A_512 : vector<16xi32> -> vector<16xf32>
        %parallel_loop3A_514 = arith.index_cast %parallel_loop3A_413 : i32 to index
        %parallel_loop3A_515 = arith.constant 96 : index
        %parallel_loop3A_516 = tpu.vector_load %arg10[%parallel_loop3A_514, %parallel_loop3A_515] {strides = array<i32>} : memref<40x128xf32, #tpu.memory_space<vmem>>, vector<1x16xf32>,
        %parallel_loop3A_517 = vector.shape_cast %parallel_loop3A_516 : vector<1x16xf32> to vector<16xf32>
        %parallel_loop3A_518 = arith.mulf %parallel_loop3A_517, %parallel_loop3A_511 : vector<16xf32>
        %parallel_loop3A_519 = arith.index_cast %parallel_loop3A_413 : i32 to index
        %parallel_loop3A_520 = arith.constant 96 : index
        %parallel_loop3A_521 = tpu.vector_load %arg14[%parallel_loop3A_519, %parallel_loop3A_520] {strides = array<i32>} : memref<40x128xf32, #tpu.memory_space<vmem>>, vector<1x16xf32>,
        %parallel_loop3A_522 = vector.shape_cast %parallel_loop3A_521 : vector<1x16xf32> to vector<16xf32>
        %parallel_loop3A_523 = vector.shape_cast %parallel_loop3A_518 : vector<16xf32> to vector<1x16xf32>
        tpu.vector_store %arg14[%parallel_loop3A_519, %parallel_loop3A_520], %parallel_loop3A_523 {strides = array<i32>} : memref<40x128xf32, #tpu.memory_space<vmem>>, vector<1x16xf32>,
        %parallel_loop3A_524 = arith.index_cast %parallel_loop3A_413 : i32 to index
        %parallel_loop3A_525 = arith.constant 112 : index
        %parallel_loop3A_526 = tpu.vector_load %arg10[%parallel_loop3A_524, %parallel_loop3A_525] {strides = array<i32>} : memref<40x128xf32, #tpu.memory_space<vmem>>, vector<1x16xf32>,
        %parallel_loop3A_527 = vector.shape_cast %parallel_loop3A_526 : vector<1x16xf32> to vector<16xf32>
        %parallel_loop3A_528 = arith.mulf %parallel_loop3A_527, %parallel_loop3A_513 : vector<16xf32>
        %parallel_loop3A_529 = arith.index_cast %parallel_loop3A_413 : i32 to index
        %parallel_loop3A_530 = arith.constant 112 : index
        %parallel_loop3A_531 = tpu.vector_load %arg14[%parallel_loop3A_529, %parallel_loop3A_530] {strides = array<i32>} : memref<40x128xf32, #tpu.memory_space<vmem>>, vector<1x16xf32>,
        %parallel_loop3A_532 = vector.shape_cast %parallel_loop3A_531 : vector<1x16xf32> to vector<16xf32>
        %parallel_loop3A_533 = vector.shape_cast %parallel_loop3A_528 : vector<16xf32> to vector<1x16xf32>
        tpu.vector_store %arg14[%parallel_loop3A_529, %parallel_loop3A_530], %parallel_loop3A_533 {strides = array<i32>} : memref<40x128xf32, #tpu.memory_space<vmem>>, vector<1x16xf32>,
      } {sc.loop_unroll_factor = 4 : i64, sc.parallel_access}
      %dma_start3A_400 = arith.constant 0 : i32
      %dma_start3A_401 = tpu.memref_slice %arg8[%add3A_373, %dma_start3A_400] : memref<50x40xi32, #tpu.memory_space<vmem>> -> memref<1x40xi32, #tpu.memory_space<vmem>>
      %dma_start3A_402 = tpu.memref_squeeze %dma_start3A_401 : memref<1x40xi32, #tpu.memory_space<vmem>> -> memref<40xi32, #tpu.memory_space<vmem>>
      %dma_start3A_403 = arith.constant 0 : i32
      %dma_start3A_404 = arith.constant 0 : i32
      %dma_start3A_405 = tpu.memref_slice %arg15[%dma_start3A_403, %dma_start3A_404] : memref<10240x128xf32, #tpu.memory_space<vmem_shared>> -> memref<10240x128xf32, #tpu.memory_space<vmem_shared>>
      tpu.enqueue_indirect_dma source(%arg14 : memref<40x128xf32, #tpu.memory_space<vmem>>) target(%dma_start3A_405 : memref<10240x128xf32, #tpu.memory_space<vmem_shared>>) offsets(%dma_start3A_402 : memref<40xi32, #tpu.memory_space<vmem>>) semaphore(%arg21 : memref<!tpu.dma_semaphore, #tpu.memory_space<semaphore_mem>>) {add = true}
      %add3A_406 = arith.constant 3 : i32
      %add3A_407 = arith.addi %add3A_337, %add3A_406 : i32
      %lt3A_408 = arith.constant 50 : i32
      %lt3A_409 = arith.cmpi slt, %add3A_407, %lt3A_408 : i32
      %convert_element_type3A_410 = arith.extui %lt3A_409 : i1 to i32
      %cond3A_411 = arith.constant 0 : i32
      %cond3A_412 = arith.cmpi ne, %convert_element_type3A_410, %cond3A_411 : i32
      scf.if %cond3A_412 {
        %add3A_413 = arith.constant 3 : i32
        %add3A_414 = arith.addi %add3A_337, %add3A_413 : i32
        %dma_start3A_415 = arith.constant 0 : i32
        %dma_start3A_416 = tpu.memref_slice %arg7[%add3A_414, %dma_start3A_415] : memref<50x40xi32, #tpu.memory_space<vmem>> -> memref<1x40xi32, #tpu.memory_space<vmem>>
        %dma_start3A_417 = tpu.memref_squeeze %dma_start3A_416 : memref<1x40xi32, #tpu.memory_space<vmem>> -> memref<40xi32, #tpu.memory_space<vmem>>
        %dma_start3A_418 = arith.constant 0 : i32
        %dma_start3A_419 = arith.constant 0 : i32
        %dma_start3A_420 = tpu.memref_slice %arg2[%dma_start3A_418, %dma_start3A_419] : memref<10000x128xf32, #tpu.memory_space<hbm>> -> memref<10000x128xf32, #tpu.memory_space<hbm>>
        tpu.enqueue_indirect_dma source(%dma_start3A_420 : memref<10000x128xf32, #tpu.memory_space<hbm>>) target(%arg10 : memref<40x128xf32, #tpu.memory_space<vmem>>) offsets(%dma_start3A_417 : memref<40xi32, #tpu.memory_space<vmem>>) semaphore(%arg17 : memref<!tpu.dma_semaphore, #tpu.memory_space<semaphore_mem>>)
        %add3A_421 = arith.constant 200 : i32
        %add3A_422 = arith.addi %add3A_421, %add3A_414 : i32
        %dma_start3A_423 = arith.constant 0 : i32
        %dma_start3A_424 = arith.constant 0 : i32
        %dma_start3A_425 = tpu.memref_slice %arg5[%add3A, %add3A_422, %dma_start3A_423, %dma_start3A_424] : memref<32x250x40x64xi32, #tpu.memory_space<hbm>> -> memref<1x1x40x64xi32, #tpu.memory_space<hbm>>
        %dma_start3A_426 = tpu.memref_squeeze %dma_start3A_425 : memref<1x1x40x64xi32, #tpu.memory_space<hbm>> -> memref<40x64xi32, #tpu.memory_space<hbm>>
        %dma_start3A_427 = arith.constant 0 : i32
        %dma_start3A_428 = arith.constant 0 : i32
        %dma_start3A_429 = tpu.memref_slice %arg5[%add3A, %add3A_422, %dma_start3A_427, %dma_start3A_428] : memref<32x250x40x64xi32, #tpu.memory_space<hbm>> -> memref<1x1x40x64xi32, #tpu.memory_space<hbm>>
        %dma_start3A_430 = tpu.memref_squeeze %dma_start3A_429 : memref<1x1x40x64xi32, #tpu.memory_space<hbm>> -> memref<40x64xi32, #tpu.memory_space<hbm>>
        tpu.enqueue_dma source(%dma_start3A_430 : memref<40x64xi32, #tpu.memory_space<hbm>>) target(%arg12 : memref<40x64xi32, #tpu.memory_space<vmem>>) target_semaphore(%arg19 : memref<!tpu.dma_semaphore, #tpu.memory_space<semaphore_mem>>)
      } else {
      }
    }
    %scan3A_313 = arith.constant 25 : i32
    %dma_wait3A_314 = arith.constant 48 : i32
    %dma_wait3A_315 = arith.constant 0 : i32
    %dma_wait3A_316 = tpu.memref_slice %arg8[%dma_wait3A_314, %dma_wait3A_315] : memref<50x40xi32, #tpu.memory_space<vmem>> -> memref<1x40xi32, #tpu.memory_space<vmem>>
    %dma_wait3A_317 = tpu.memref_squeeze %dma_wait3A_316 : memref<1x40xi32, #tpu.memory_space<vmem>> -> memref<40xi32, #tpu.memory_space<vmem>>
    %dma_wait3A_318 = arith.constant 0 : i32
    %dma_wait3A_319 = arith.constant 0 : i32
    %dma_wait3A_320 = tpu.memref_slice %arg15[%dma_wait3A_318, %dma_wait3A_319] : memref<10240x128xf32, #tpu.memory_space<vmem_shared>> -> memref<10240x128xf32, #tpu.memory_space<vmem_shared>>
    tpu.wait_indirect_dma semaphore(%arg20 : memref<!tpu.dma_semaphore, #tpu.memory_space<semaphore_mem>>) src(%arg13 : memref<40x128xf32, #tpu.memory_space<vmem>>) dst(%dma_wait3A_320 : memref<10240x128xf32, #tpu.memory_space<vmem_shared>>)
    %dma_wait3A_321 = arith.constant 49 : i32
    %dma_wait3A_322 = arith.constant 0 : i32
    %dma_wait3A_323 = tpu.memref_slice %arg8[%dma_wait3A_321, %dma_wait3A_322] : memref<50x40xi32, #tpu.memory_space<vmem>> -> memref<1x40xi32, #tpu.memory_space<vmem>>
    %dma_wait3A_324 = tpu.memref_squeeze %dma_wait3A_323 : memref<1x40xi32, #tpu.memory_space<vmem>> -> memref<40xi32, #tpu.memory_space<vmem>>
    %dma_wait3A_325 = arith.constant 0 : i32
    %dma_wait3A_326 = arith.constant 0 : i32
    %dma_wait3A_327 = tpu.memref_slice %arg15[%dma_wait3A_325, %dma_wait3A_326] : memref<10240x128xf32, #tpu.memory_space<vmem_shared>> -> memref<10240x128xf32, #tpu.memory_space<vmem_shared>>
    tpu.wait_indirect_dma semaphore(%arg21 : memref<!tpu.dma_semaphore, #tpu.memory_space<semaphore_mem>>) src(%arg14 : memref<40x128xf32, #tpu.memory_space<vmem>>) dst(%dma_wait3A_327 : memref<10240x128xf32, #tpu.memory_space<vmem_shared>>)
    %barrier3A_328 = arith.constant 0 : index
    tpu.barrier barrier_id(%barrier3A_328)
    %mul3A_329 = arith.constant 640 : i32
    %mul3A_330 = arith.muli %arg1, %mul3A_329 : i32
    %mul3A_331 = arith.constant 640 : i32
    %mul3A_332 = arith.muli %arg1, %mul3A_331 : i32
    "tpu.region"() ({
      %run_scoped3A_333 = tpu.sem_alloc : memref<!tpu.dma_semaphore, #tpu.memory_space<semaphore_mem>>
      %dma_start3A_334 = arith.constant 0 : i32
      %dma_start3A_335 = tpu.memref_slice %arg6[%arg0, %mul3A_332, %dma_start3A_334] : memref<2x10240x128xf32, #tpu.memory_space<hbm>> -> memref<1x640x128xf32, #tpu.memory_space<hbm>>
      %dma_start3A_336 = tpu.memref_squeeze %dma_start3A_335 : memref<1x640x128xf32, #tpu.memory_space<hbm>> -> memref<640x128xf32, #tpu.memory_space<hbm>>
      %dma_start3A_337 = arith.constant 0 : i32
      %dma_start3A_338 = tpu.memref_slice %arg15[%mul3A_330, %dma_start3A_337] : memref<10240x128xf32, #tpu.memory_space<vmem_shared>> -> memref<640x128xf32, #tpu.memory_space<vmem_shared>>
      tpu.enqueue_dma source(%dma_start3A_338 : memref<640x128xf32, #tpu.memory_space<vmem_shared>>) target(%dma_start3A_336 : memref<640x128xf32, #tpu.memory_space<hbm>>) target_semaphore(%run_scoped3A_333 : memref<!tpu.dma_semaphore, #tpu.memory_space<semaphore_mem>>)
      %dma_wait3A_339 = arith.constant 0 : i32
      %dma_wait3A_340 = tpu.memref_slice %arg6[%arg0, %mul3A_332, %dma_wait3A_339] : memref<2x10240x128xf32, #tpu.memory_space<hbm>> -> memref<1x640x128xf32, #tpu.memory_space<hbm>>
      %dma_wait3A_341 = tpu.memref_squeeze %dma_wait3A_340 : memref<1x640x128xf32, #tpu.memory_space<hbm>> -> memref<640x128xf32, #tpu.memory_space<hbm>>
      %dma_wait3A_342 = arith.constant 0 : i32
      %dma_wait3A_343 = tpu.memref_slice %arg15[%mul3A_330, %dma_wait3A_342] : memref<10240x128xf32, #tpu.memory_space<vmem_shared>> -> memref<640x128xf32, #tpu.memory_space<vmem_shared>>
      tpu.wait_dma2 semaphore(%run_scoped3A_333 : memref<!tpu.dma_semaphore, #tpu.memory_space<semaphore_mem>>) src(%dma_wait3A_343 : memref<640x128xf32, #tpu.memory_space<vmem_shared>>) dst(%dma_wait3A_341 : memref<640x128xf32, #tpu.memory_space<hbm>>)
      tpu.yield
    }) : () -> ()
    return
  }
}

module attributes {stable_mosaic.version = 14 : i64} {
  func.func @_xl_body(%arg0: memref<10000x128xf32, #tpu.memory_space<vmem>>, %arg1: memref<128x128xf32, #tpu.memory_space<vmem>>, %arg2: memref<1x128xf32, #tpu.memory_space<vmem>>, %arg3: memref<10000x128xf32, #tpu.memory_space<vmem>>) attributes {dimension_semantics = [], scalar_prefetch = 0 : i64, scratch_operands = 0 : i64, tpu.core_type = #tpu.core_type<tc>} {
    %get3A = arith.constant 0 : index
    %get3A_0 = arith.constant 0 : index
    %get3A_1 = vector.load %arg0[%get3A, %get3A_0] : memref<10000x128xf32, #tpu.memory_space<vmem>>, vector<10000x128xf32>
    %get3A_2 = arith.constant 0 : index
    %get3A_3 = arith.constant 0 : index
    %get3A_4 = vector.load %arg1[%get3A_2, %get3A_3] : memref<128x128xf32, #tpu.memory_space<vmem>>, vector<128x128xf32>
    %dot_general3A = arith.constant dense<0.000000e+00> : vector<10000x128xf32>
    %dot_general3A_5 = tpu.matmul %get3A_1, %get3A_4, %dot_general3A {dimension_numbers = #tpu.dot_dimension_numbers<[1], [0], [0], [1], [0, 0, 1, 1], [], []>, transpose_lhs_hint = false} : vector<10000x128xf32>, vector<128x128xf32>, vector<10000x128xf32> -> vector<10000x128xf32>
    %get3A_6 = arith.constant 0 : index
    %get3A_7 = arith.constant 0 : index
    %get3A_8 = vector.load %arg2[%get3A_6, %get3A_7] : memref<1x128xf32, #tpu.memory_space<vmem>>, vector<1x128xf32>
    %add3A = vector.broadcast %get3A_8 : vector<1x128xf32> to vector<10000x128xf32>
    %add3A_9 = arith.addf %dot_general3A_5, %add3A : vector<10000x128xf32>
    %swap3A = arith.constant 0 : index
    %swap3A_10 = arith.constant 0 : index
    %swap3A_11 = vector.load %arg3[%swap3A, %swap3A_10] : memref<10000x128xf32, #tpu.memory_space<vmem>>, vector<10000x128xf32>
    tpu.vector_store %arg3[%swap3A, %swap3A_10], %add3A_9 {strides = array<i32>} : memref<10000x128xf32, #tpu.memory_space<vmem>>, vector<10000x128xf32>,
    return
  }
}

module attributes {stable_mosaic.version = 14 : i64} {
  func.func @_mlp_body(%arg0: i32, %arg1: memref<8000x16xf32, #tpu.memory_space<vmem>>, %arg2: memref<16x128xf32, #tpu.memory_space<vmem>>, %arg3: memref<1x128xf32, #tpu.memory_space<vmem>>, %arg4: memref<128x128xf32, #tpu.memory_space<vmem>>, %arg5: memref<1x64xf32, #tpu.memory_space<vmem>>, %arg6: memref<128x64xf32, #tpu.memory_space<vmem>>, %arg7: memref<1x64xf32, #tpu.memory_space<vmem>>, %arg8: memref<8000x64xi32, #tpu.memory_space<vmem>>) attributes {dimension_semantics = [#tpu.dimension_semantics<arbitrary>], iteration_bounds = array<i64: 40>, scalar_prefetch = 0 : i64, scratch_operands = 0 : i64, tpu.core_type = #tpu.core_type<tc>, window_params = [{transform_indices = @transform_0, window_bounds = array<i64: 8000, 16>}, {pipeline_mode = #tpu.pipeline_mode<synchronous>, transform_indices = @transform_1, window_bounds = array<i64: 16, 128>}, {pipeline_mode = #tpu.pipeline_mode<synchronous>, transform_indices = @transform_2, window_bounds = array<i64: 1, 128>}, {pipeline_mode = #tpu.pipeline_mode<synchronous>, transform_indices = @transform_3, window_bounds = array<i64: 128, 128>}, {pipeline_mode = #tpu.pipeline_mode<synchronous>, transform_indices = @transform_4, window_bounds = array<i64: 1, 64>}, {pipeline_mode = #tpu.pipeline_mode<synchronous>, transform_indices = @transform_5, window_bounds = array<i64: 128, 64>}, {pipeline_mode = #tpu.pipeline_mode<synchronous>, transform_indices = @transform_6, window_bounds = array<i64: 1, 64>}, {transform_indices = @transform_7, window_bounds = array<i64: 8000, 64>}]} {
    %get3A = arith.constant 0 : index
    %get3A_0 = arith.constant 0 : index
    %get3A_1 = vector.load %arg1[%get3A, %get3A_0] : memref<8000x16xf32, #tpu.memory_space<vmem>>, vector<8000x16xf32>
    %convert_element_type3A = arith.truncf %get3A_1 : vector<8000x16xf32> to vector<8000x16xbf16>
    %get3A_2 = arith.constant 0 : index
    %get3A_3 = arith.constant 0 : index
    %get3A_4 = vector.load %arg2[%get3A_2, %get3A_3] : memref<16x128xf32, #tpu.memory_space<vmem>>, vector<16x128xf32>
    %convert_element_type3A_5 = arith.truncf %get3A_4 : vector<16x128xf32> to vector<16x128xbf16>
    %dot_general3A = arith.constant dense<0.000000e+00> : vector<8000x128xf32>
    %dot_general3A_6 = tpu.matmul %convert_element_type3A, %convert_element_type3A_5, %dot_general3A {dimension_numbers = #tpu.dot_dimension_numbers<[1], [0], [0], [1], [0, 0, 1, 1], [], []>, transpose_lhs_hint = false} : vector<8000x16xbf16>, vector<16x128xbf16>, vector<8000x128xf32> -> vector<8000x128xf32>
    %max3A = arith.constant 0.000000e+00 : f32
    %max3A_7 = vector.broadcast %max3A : f32 to vector<8000x128xf32>
    %max3A_8 = arith.maximumf %dot_general3A_6, %max3A_7 : vector<8000x128xf32>
    %convert_element_type3A_9 = arith.truncf %max3A_8 : vector<8000x128xf32> to vector<8000x128xbf16>
    %get3A_10 = arith.constant 0 : index
    %get3A_11 = arith.constant 0 : index
    %get3A_12 = vector.load %arg4[%get3A_10, %get3A_11] : memref<128x128xf32, #tpu.memory_space<vmem>>, vector<128x128xf32>
    %convert_element_type3A_13 = arith.truncf %get3A_12 : vector<128x128xf32> to vector<128x128xbf16>
    %dot_general3A_14 = arith.constant dense<0.000000e+00> : vector<8000x128xf32>
    %dot_general3A_15 = tpu.matmul %convert_element_type3A_9, %convert_element_type3A_13, %dot_general3A_14 {dimension_numbers = #tpu.dot_dimension_numbers<[1], [0], [0], [1], [0, 0, 1, 1], [], []>, transpose_lhs_hint = false} : vector<8000x128xbf16>, vector<128x128xbf16>, vector<8000x128xf32> -> vector<8000x128xf32>
    %bitcast3A = tpu.bitcast %dot_general3A_15 : vector<8000x128xf32> -> vector<8000x128xi32>
    %roll3A = arith.constant 64 : i32
    %roll3A_16 = tpu.dynamic_rotate %bitcast3A by %roll3A dim 1 : vector<8000x128xi32>, i32 -> vector<8000x128xi32>
    %add3A = arith.constant 32768 : i32
    %add3A_17 = vector.broadcast %add3A : i32 to vector<8000x128xi32>
    %add3A_18 = arith.addi %bitcast3A, %add3A_17 : vector<8000x128xi32>
    %shift_right_logical3A = arith.constant 16 : i32
    %shift_right_logical3A_19 = vector.broadcast %shift_right_logical3A : i32 to vector<8000x128xi32>
    %shift_right_logical3A_20 = arith.shrui %add3A_18, %shift_right_logical3A_19 : vector<8000x128xi32>
    %add3A_21 = arith.constant 32768 : i32
    %add3A_22 = vector.broadcast %add3A_21 : i32 to vector<8000x128xi32>
    %add3A_23 = arith.addi %roll3A_16, %add3A_22 : vector<8000x128xi32>
    %and3A = arith.constant -65536 : i32
    %and3A_24 = vector.broadcast %and3A : i32 to vector<8000x128xi32>
    %and3A_25 = arith.andi %add3A_23, %and3A_24 : vector<8000x128xi32>
    %or3A = arith.ori %shift_right_logical3A_20, %and3A_25 : vector<8000x128xi32>
    %slice3A = vector.extract_strided_slice %or3A {offsets = [0, 0], sizes = [8000, 64], strides = [1, 1]} : vector<8000x128xi32> to vector<8000x64xi32>
    %bitcast3A_26 = tpu.bitcast %slice3A : vector<8000x64xi32> -> vector<8000x64xi32>
    %swap3A = arith.constant 0 : index
    %swap3A_27 = arith.constant 0 : index
    %swap3A_28 = vector.load %arg8[%swap3A, %swap3A_27] : memref<8000x64xi32, #tpu.memory_space<vmem>>, vector<8000x64xi32>
    tpu.vector_store %arg8[%swap3A, %swap3A_27], %bitcast3A_26 {strides = array<i32>} : memref<8000x64xi32, #tpu.memory_space<vmem>>, vector<8000x64xi32>,
    return
  }
  func.func @transform_0(%arg0: i32) -> (i32, i32) {
    %c0_i32 = arith.constant 0 : i32
    %c0_i32_0 = arith.constant 0 : i32
    return %arg0, %c0_i32 : i32, i32
  }
  func.func @transform_1(%arg0: i32) -> (i32, i32) {
    %c0_i32 = arith.constant 0 : i32
    %c0_i32_0 = arith.constant 0 : i32
    %c0_i32_1 = arith.constant 0 : i32
    return %c0_i32, %c0_i32_0 : i32, i32
  }
  func.func @transform_2(%arg0: i32) -> (i32, i32) {
    %c0_i32 = arith.constant 0 : i32
    %c0_i32_0 = arith.constant 0 : i32
    %c0_i32_1 = arith.constant 0 : i32
    return %c0_i32, %c0_i32_0 : i32, i32
  }
  func.func @transform_3(%arg0: i32) -> (i32, i32) {
    %c0_i32 = arith.constant 0 : i32
    %c0_i32_0 = arith.constant 0 : i32
    %c0_i32_1 = arith.constant 0 : i32
    return %c0_i32, %c0_i32_0 : i32, i32
  }
  func.func @transform_4(%arg0: i32) -> (i32, i32) {
    %c0_i32 = arith.constant 0 : i32
    %c0_i32_0 = arith.constant 0 : i32
    %c0_i32_1 = arith.constant 0 : i32
    return %c0_i32, %c0_i32_0 : i32, i32
  }
  func.func @transform_5(%arg0: i32) -> (i32, i32) {
    %c0_i32 = arith.constant 0 : i32
    %c0_i32_0 = arith.constant 0 : i32
    %c0_i32_1 = arith.constant 0 : i32
    return %c0_i32, %c0_i32_0 : i32, i32
  }
  func.func @transform_6(%arg0: i32) -> (i32, i32) {
    %c0_i32 = arith.constant 0 : i32
    %c0_i32_0 = arith.constant 0 : i32
    %c0_i32_1 = arith.constant 0 : i32
    return %c0_i32, %c0_i32_0 : i32, i32
  }
  func.func @transform_7(%arg0: i32) -> (i32, i32) {
    %c0_i32 = arith.constant 0 : i32
    %c0_i32_0 = arith.constant 0 : i32
    return %arg0, %c0_i32 : i32, i32
  }
}

module attributes {stable_mosaic.version = 14 : i64} {
  func.func @_add_body(%arg0: i32, %arg1: memref<1x1000x128xf32, #tpu.memory_space<vmem>>, %arg2: memref<1x1000x128xf32, #tpu.memory_space<vmem>>, %arg3: memref<1000x128xf32, #tpu.memory_space<vmem>>) attributes {dimension_semantics = [#tpu.dimension_semantics<arbitrary>], iteration_bounds = array<i64: 10>, scalar_prefetch = 0 : i64, scratch_operands = 0 : i64, tpu.core_type = #tpu.core_type<tc>, window_params = [{transform_indices = @transform_0, window_bounds = array<i64: 1, 1000, 128>}, {transform_indices = @transform_1, window_bounds = array<i64: 1, 1000, 128>}, {transform_indices = @transform_2, window_bounds = array<i64: 1000, 128>}]} {
    %get3A = arith.constant 0 : index
    %get3A_0 = arith.constant 0 : index
    %get3A_1 = arith.constant 0 : index
    %get3A_2 = vector.load %arg1[%get3A, %get3A_0, %get3A_1] : memref<1x1000x128xf32, #tpu.memory_space<vmem>>, vector<1x1000x128xf32>
    %get3A_3 = vector.shape_cast %get3A_2 : vector<1x1000x128xf32> to vector<1000x128xf32>
    %get3A_4 = arith.constant 0 : index
    %get3A_5 = arith.constant 0 : index
    %get3A_6 = arith.constant 0 : index
    %get3A_7 = vector.load %arg2[%get3A_4, %get3A_5, %get3A_6] : memref<1x1000x128xf32, #tpu.memory_space<vmem>>, vector<1x1000x128xf32>
    %get3A_8 = vector.shape_cast %get3A_7 : vector<1x1000x128xf32> to vector<1000x128xf32>
    %add3A = arith.addf %get3A_3, %get3A_8 : vector<1000x128xf32>
    %swap3A = arith.constant 0 : index
    %swap3A_9 = arith.constant 0 : index
    %swap3A_10 = vector.load %arg3[%swap3A, %swap3A_9] : memref<1000x128xf32, #tpu.memory_space<vmem>>, vector<1000x128xf32>
    tpu.vector_store %arg3[%swap3A, %swap3A_9], %add3A {strides = array<i32>} : memref<1000x128xf32, #tpu.memory_space<vmem>>, vector<1000x128xf32>,
    return
  }
  func.func @transform_0(%arg0: i32) -> (i32, i32, i32) {
    %c0_i32 = arith.constant 0 : i32
    %c0_i32_0 = arith.constant 0 : i32
    %c0_i32_1 = arith.constant 0 : i32
    return %c0_i32, %arg0, %c0_i32_0 : i32, i32, i32
  }
  func.func @transform_1(%arg0: i32) -> (i32, i32, i32) {
    %c1_i32 = arith.constant 1 : i32
    %c0_i32 = arith.constant 0 : i32
    %c0_i32_0 = arith.constant 0 : i32
    return %c1_i32, %arg0, %c0_i32 : i32, i32, i32
  }
  func.func @transform_2(%arg0: i32) -> (i32, i32) {
    %c0_i32 = arith.constant 0 : i32
    %c0_i32_0 = arith.constant 0 : i32
    return %arg0, %c0_i32 : i32, i32
  }
}

</mosaic_0001>

<sc_bundles>
// kernel: kernel.6.cloned.1.call-start
scs
__scs_entry_jumppad:
0x0: {  	(pc) =	sbr.rel $0x88, $3  }
0x1: {  	(tag) =	ssettag $0x0;
	lr =	simm.s32 $0x1  }
0x2: {  	[smem:$0x3F98] =	sst lr;
	_ =	strace $0xD0000000  }
0x3: {  	_ = 	snop  }
0x4: {  	_ = 	snop  }
0x5: {  	_ = 	snop  }
0x6: {  	_ = 	snop  }
0x7: {  	_ = 	snop  }
__scs_overlays_trampoline_lowered:
0x8: {  	[smem:$0x3FA7] =	sst s0  }
0x9: {  	[smem:$0x3FA8] =	sst s1  }
0xa: {  	[smem:$0x3FA9] =	sst s2  }
0xb: {  	[smem:$0x3FAA] =	sst s3  }
0xc: {  	[smem:$0x3FAB] =	sst s4  }
0xd: {  	[smem:$0x3FAC] =	sst s5  }
0xe: {  	[smem:$0x3FAD] =	sst s6  }
0xf: {  	[smem:$0x3FAE] =	sst s7  }
0x10: {  	[smem:$0x3FAF] =	sst s8  }
0x11: {  	[smem:$0x3FB0] =	sst s9;
	s0 =	simm.s32 @!p0 $0x0  }
0x12: {  	s1 =	sld [smem:$0x3F96];
	s0 =	simm.s32 @p0 $0x1  }
0x13: {  	[smem:$0x3FB1] =	sst s0;
	s0 =	simm.s32 @!p1 $0x0  }
0x14: {  	s2 =	sld [smem:$0x3F95];
	s0 =	simm.s32 @p1 $0x1  }
0x15: {  	[smem:$0x3FB2] =	sst s0;
	s0 =	simm.s32 @!p2 $0x0  }
0x16: {  	s3 =	sld [smem:$0x3FDB];
	s0 =	simm.s32 @p2 $0x1  }
0x17: {  	s4 =	simm.s32 $0x1BF5;
	[smem:$0x3FB4] =	sst s0  }
0x18: {  	s0 =	sld [smem:$0x3F97];
	_ =	swait.ge [sflag:s4], $0x0  }
0x19: {  	s7 =	sld [smem:$0x3F98]  }
0x1a: {  	s8 =	sadd.s32 $0xFFFFE003, lr  }
0x1b: {  	s9 =	sadd.s32 $0xFFFFFEF7, lr;
	s5 =	simm.s32 $0xFFFFFFFF;
	p2 =	slt.u32 s8, $0xFFFFF086  }
0x1c: {  	p1 =	slt.u32 s9, $0xF7A;
	s5 =	simm.s32 @!p2 $0x0  }
0x1d: {  	s5 =	simm.s32 @p1 $0x1;
	p0 =	seq.s32 s7, s2  }
0x1e: {  	s7 =	smul.u32 @!p0 $0xF7A, s2;
	p2 =	seq.s32 @!p0 s5, $0x0  }
0x1f: {  	s9 =	smul.u32 $0xF7A, s1;
	s8 =	simm.s32 @!p0 $0x1BF5;
	p2 =	por !p2, p0  }
0x20: {  	[sflag:s8] =	ssyncset.s32 @!p0 $0xFFFFF086;
	s6 =	sadd.s32 @!p0 s3, s7;
	s7 =	simm.s32 @!p0 $0x108  }
0x21: {  	s3 =	sadd.s32 s3, s9;
	s6 =	sadd.s32 @!p0 $0x88, s6;
	s7 =	simm.s32 @p2 $0x1082  }
0x22: {  	[simem:s7], [sflag:s8] =	dma.local @!p0 [hbm:s6], $0xF7A  }
0x23: {  	s9 =	sor.u32 $0xD0000000, s2;
	s6 =	simm.s32 $0x108;
	_ =	swait.ge @!p0 [sflag:s8], $0x0  }
0x24: {  	s3 =	sadd.s32 $0x88, s3;
	s6 =	simm.s32 @!p1 $0x1082;
	[sflag:s4] =	ssyncset.s32 $0xFFFFF086  }
0x25: {  	[simem:s6], [sflag:s4] =	dma.local [hbm:s3], $0xF7A  }
0x26: {  	[smem:$0x3F98] =	sst s1;
	(tag) =	ssettag s2;
	_ =	strace s9  }
0x27: {  	s1 =	sld [smem:$0x3FA8]  }
0x28: {  	s2 =	sld [smem:$0x3FA9]  }
0x29: {  	s4 =	sld [smem:$0x3FAB]  }
0x2a: {  	p0 =	seq.s32 s5, $0x0;
	s5 =	sld [smem:$0x3FAC]  }
0x2b: {  	s6 =	sld [smem:$0x3FAD]  }
0x2c: {  	s7 =	sld [smem:$0x3FAE]  }
0x2d: {  	s3 =	simm.s32 $0x108;
	s8 =	sld [smem:$0x3FAF]  }
0x2e: {  	s3 =	simm.s32 @!p0 $0x1082;
	s9 =	sld [smem:$0x3FB0]  }
0x2f: {  	lr =	sadd.s32 s0, s3;
	s0 =	sld [smem:$0x3FA7]  }
0x30: {  	s3 =	sld [smem:$0x3FAA]  }
0x31: {  	[smem:$0x3FB3] =	sst s10  }
0x32: {  	s10 =	sld [smem:$0x3FB1];
	_ =	sdelay $0x3  }
0x33: {  	p0 =	seq.s32 s10, $0x1;
	s10 =	sld [smem:$0x3FB3];
	_ =	sdelay $0x3  }
0x34: {  	[smem:$0x3FB3] =	sst s10  }
0x35: {  	s10 =	sld [smem:$0x3FB2];
	_ =	sdelay $0x3  }
0x36: {  	p1 =	seq.s32 s10, $0x1;
	s10 =	sld [smem:$0x3FB3];
	_ =	sdelay $0x3  }
0x37: {  	[smem:$0x3FB3] =	sst s10  }
0x38: {  	s10 =	sld [smem:$0x3FB4]  }
0x39: {  	_ = 	snop;
	(pc) =	sbr.ind lr, $3  }
0x3a: {  	_ = 	snop  }
0x3b: {  	_ = 	snop  }
0x3c: {  	p2 =	seq.s32 s10, $0x1;
	s10 =	sld [smem:$0x3FB3]  }
0x3d: {  	_ =	shalt  }
0x3e: {  	_ =	shalt  }
0x3f: {  	_ =	shalt  }
0x40: {  	_ =	shalt  }
0x41: {  	_ =	shalt  }
0x42: {  	_ =	shalt  }
0x43: {  	_ =	shalt  }
0x44: {  	_ =	shalt  }
0x45: {  	_ =	shalt  }
0x46: {  	_ =	shalt  }
0x47: {  	_ =	shalt  }
0x48: {  	_ =	shalt  }
0x49: {  	_ =	shalt  }
0x4a: {  	_ =	shalt  }
0x4b: {  	_ =	shalt  }
0x4c: {  	_ =	shalt  }
0x4d: {  	_ =	shalt  }
0x4e: {  	_ =	shalt  }
0x4f: {  	_ =	shalt  }
0x50: {  	_ =	shalt  }
0x51: {  	_ =	shalt  }
0x52: {  	_ =	shalt  }
0x53: {  	_ =	shalt  }
0x54: {  	_ =	shalt  }
0x55: {  	_ =	shalt  }
0x56: {  	_ =	shalt  }
0x57: {  	_ =	shalt  }
0x58: {  	_ =	shalt  }
0x59: {  	_ =	shalt  }
0x5a: {  	_ =	shalt  }
0x5b: {  	_ =	shalt  }
0x5c: {  	_ =	shalt  }
0x5d: {  	_ =	shalt  }
0x5e: {  	_ =	shalt  }
0x5f: {  	_ =	shalt  }
0x60: {  	_ =	shalt  }
0x61: {  	_ =	shalt  }
0x62: {  	_ =	shalt  }
0x63: {  	_ =	shalt  }
0x64: {  	_ =	shalt  }
0x65: {  	_ =	shalt  }
0x66: {  	_ =	shalt  }
0x67: {  	_ =	shalt  }
0x68: {  	_ =	shalt  }
0x69: {  	_ =	shalt  }
0x6a: {  	_ =	shalt  }
0x6b: {  	_ =	shalt  }
0x6c: {  	_ =	shalt  }
0x6d: {  	_ =	shalt  }
0x6e: {  	_ =	shalt  }
0x6f: {  	_ =	shalt  }
0x70: {  	_ =	shalt  }
0x71: {  	_ =	shalt  }
0x72: {  	_ =	shalt  }
0x73: {  	_ =	shalt  }
0x74: {  	_ =	shalt  }
0x75: {  	_ =	shalt  }
0x76: {  	_ =	shalt  }
0x77: {  	_ =	shalt  }
0x78: {  	_ =	shalt  }
0x79: {  	_ =	shalt  }
0x7a: {  	_ =	shalt  }
0x7b: {  	_ =	shalt  }
0x7c: {  	_ =	shalt  }
0x7d: {  	_ =	shalt  }
0x7e: {  	_ =	shalt  }
0x7f: {  	_ =	shalt  }
0x80: {  	_ =	shalt  }
0x81: {  	_ =	shalt  }
0x82: {  	_ =	shalt  }
0x83: {  	_ =	shalt  }
0x84: {  	_ =	shalt  }
0x85: {  	_ =	shalt  }
0x86: {  	_ =	shalt  }
0x87: {  	_ =	shalt  }
.Lfunc_end0:
.L_simem_size_0:
called_computation_lowered:
.L_overlay_start_0:
0x88: {  	s2 =	sld [smem:$0x3FD9]  }
0x89: {  	s3 =	sld [smem:$0x3FFE];
	_ =	sdelay $0x1  }
0x8a: {  	s1 =	srdreg.scid  }
0x8b: {  	s0 =	sand.u32 $0x1, s1  }
0x8c: {  	s17 =	sshll.u32 s0, $0xA;
	s2 =	sadd.s32 s3, s2  }
0x8d: {  	s2 =	sadd.s32 s2, s17  }
0x8e: {  	[smem:$0x3FBF] =	sst s2  }
0x8f: {  	_ = 	snop  }
0x90: {  	s2 =	sld [smem:$0x3FD0];
	(tm) =	ssettm $0x1  }
0x91: {  	s18 =	sld [smem:$0x3FFB];
	_ =	sdelay $0x3  }
0x92: {  	_ =	strace s18  }
0x93: {  	s3 =	sld [smem:$0x3FFC];
	_ =	sdelay $0x3  }
0x94: {  	_ =	strace s3  }
0x95: {  	s3 =	sld [smem:$0x3FFD];
	_ =	sdelay $0x3  }
0x96: {  	_ =	strace s3  }
0x97: {  	_ =	strace $0x8FFFFFFF  }
0x98: {  	s19 =	sld [smem:$0x3FDB];
	_ =	sdelay $0x1  }
0x99: {  	s4 =	simm.s32 $_scs_section_size  }
0x9a: {  	s5 =	simm.s32 $_size__tile_overlayer_lowered;
	s6 =	simm.s32 $_tile_overlayer_lowered  }
0x9b: {  	s22 =	simm.s32 $0x1BFF;
	s21 =	sshll.u32 s6, $0x1;
	s3 =	sadd.s32 s4, s19  }
0x9c: {  	s7 =	simm.s32 $0x0;
	s20 =	sshll.u32 s5, $0x1;
	s5 =	sadd.s32 s21, s3  }
0x9d: {  	[timem:s7], [sflag:s22] =	dma.local [hbm:s5], s20  }
0x9e: {  	_ =	swait.ge [sflag:s22], s20  }
0x9f: {  	s4 =	ssub.s32 $0x0, s20;
	[sflag:s22] =	ssyncset.done $0x0  }
0xa0: {  	[sflag:s22] =	ssyncadd.s32 s4;
	_ =	sdelay $0x1  }
0xa1: {  	s23 =	simm.s32 $0x1B8B  }
0xa2: {  	_ =	swait.ge [sflag:s23], $0x1  }
0xa3: {  	[sflag:s23] =	ssyncset.done $0x0  }
0xa4: {  	s25 =	simm.s32 $0x1B8E;
	s24 =	sld [smem:$0x3FFE];
	[sflag:s23] =	ssyncadd.s32 $0xFFFFFFFF  }
0xa5: {  	s26 =	simm.s32 $execute0_lowered;
	[smem:$0x3FD2] =	sst s25  }
0xa6: {  	s5 =	sshll.u32 s26, $0x1;
	_ =	strace $0x80000046;
	[dreg:$0x1] =	wrdreg $0xFFFFFFFF  }
0xa7: {  	s28 =	simm.s32 $_size_execute0_lowered;
	s3 =	sadd.s32 s3, s5;
	[dreg:$0x0] =	wrdreg $0x0  }
0xa8: {  	s5 =	sshll.u32 s28, $0x1;
	[dreg:$0x2] =	wrdreg s3  }
0xa9: {  	[dreg:$0x3] =	wrdreg s5  }
0xaa: {  	[dreg:$0x4] =	wrdreg $0xC0  }
0xab: {  	_ =	task [dreg:s7], $0x5FFFF  }
0xac: {  	[dreg:$0x1] =	wrdreg $0xFFFFFFFF  }
0xad: {  	[dreg:$0x0] =	wrdreg $0x60  }
0xae: {  	[dreg:$0x2] =	wrdreg s2  }
0xaf: {  	[dreg:$0x3] =	wrdreg s24  }
0xb0: {  	[dreg:$0x4] =	wrdreg $0xB0000  }
0xb1: {  	[dreg:$0x5] =	wrdreg $0x9  }
0xb2: {  	_ =	task.clear_ibuf [dreg:s7], $0x6FFFF;
	_ =	strace $0x90000046  }
0xb3: {  	s29 =	simm.s32 $0x9;
	_ =	strace $0x80000048  }
0xb4: {  	_ =	swait.ge [sflag:s29], $0x1  }
0xb5: {  	[sflag:s29] =	ssyncadd.s32 $0xFFFFFFFF  }
0xb6: {  	_ =	strace $0x90000048  }
0xb7: {  	_ =	sfence  }
0xb8: {  	s30 =	sld [smem:$0x0];
	_ =	sdelay $0x2  }
0xb9: {  	s31 =	sshll.u32 s1, $0xD;
	s1 =	sshrl.u32 s1, $0x2  }
0xba: {  	s3 =	sand.u32 $0x4000, s31;
	s1 =	sadd.s32 s1, s30  }
0xbb: {  	s0 =	sor.u32 s3, s0;
	s1 =	sshll.u32 s1, $0x11  }
0xbc: {  	s0 =	sor.u32 s1, s0  }
0xbd: {  	s0 =	sadd.s32 $0x8F2B, s0  }
0xbe: {  	[sflag:s0] =	ssyncadd.remote.s32 $0x1  }
0xbf: {  	_ =	sfence.sel $0xFFFF  }
0xc0: {  	[dreg:$0x0] =	wrdreg $0xFFFFFFFF;
	(pc) =	sbr.abs _section_cstart, $3  }
0xc1: {  	[dreg:$0x1] =	wrdreg $0xFFFFFFFF  }
0xc2: {  	_ =	task.clear_ibuf [dreg:s7], $0x2FFFF;
	_ =	strace $0x9FFFFFFF  }
0xc3: {  	(tm) =	ssettm $0x7FFFFFFF  }
tec
execute0_lowered:
.L_overlay_start_1:
0x0: {  	(tag) =	ssettag $0x1  }
0x1: {  	s1 =	rddreg [dreg:$0x0]  }
0x2: {  	s0 =	rddreg [dreg:$0x1]  }
0x3: {  	s2 =	rddreg [dreg:$0x2];
	s10 =	stileid.u32  }
0x4: {  	s3 =	srdreg.scid;
	s4 =	simm.s32 $0x0;
	s6 =	smul.u32 $0x14000, s10  }
0x5: {  	[smem:$0x7FF] =	sst s4;
	s9 =	smul.u32 $0x50000, s10  }
0x6: {  	s3 =	sand.u32 $0x1, s3;
	s7 =	sadd.s32 $0x506400, s0;
	s8 =	sadd.s32 $0x4E3400, s0  }
0x7: {  	s10 =	sshll.u32 s10, $0x1;
	s5 =	smul.u32 $0x140000, s3;
	s9 =	sshrl.u32 s9, $0x2  }
0x8: {  	_ =	strace $0x80000047;
	s21 =	ssub.s32 $0x2, s3;
	s15 =	sadd.s32 s9, s2  }
0x9: {  	s3 =	sor.u32 s3, s10;
	s23 =	sadd.s32 $0x1400, s15;
	[dreg:$0x4] =	wrdreg s15  }
0xa: {  	s11 =	sshrl.u32 s21, $0x1;
	s24 =	sadd.s32 $0x2800, s15;
	[dreg:$0x5] =	wrdreg s23  }
0xb: {  	s22 =	smul.u32 $0x8C00, s3;
	s25 =	sadd.s32 $0x3C00, s15;
	[dreg:$0x6] =	wrdreg s24  }
0xc: {  	s6 =	sadd.s32 s6, s5;
	s26 =	sadd.s32 $0x5000, s15;
	[dreg:$0x7] =	wrdreg s25  }
0xd: {  	s9 =	sshrl.u32 s22, $0x3;
	s22 =	sadd.s32 $0x6400, s15;
	[dreg:$0x8] =	wrdreg s26  }
0xe: {  	s5 =	sadd.s32 $0x529400, s0;
	s10 =	sadd.s32 s7, s9;
	[dreg:$0x13] =	wrdreg s22  }
0xf: {  	s6 =	sshrl.u32 s6, $0x3;
	s12 =	sadd.s32 s8, s9;
	[dreg:$0x9] =	wrdreg s10  }
0x10: {  	s0 =	sadd.s32 s6, s0;
	s24 =	sadd.s32 $0x7800, s15;
	[dreg:$0xa] =	wrdreg s12  }
0x11: {  	s6 =	ssub.s32 s21, s11;
	s25 =	sadd.s32 $0x8C00, s15;
	[dreg:$0x17] =	wrdreg s24  }
0x12: {  	s13 =	sadd.s32 $0x380, s9;
	s26 =	sadd.s32 $0xA000, s15;
	[dreg:$0x18] =	wrdreg s25  }
0x13: {  	s11 =	smul.u32 $0x138800, s3;
	s12 =	sadd.s32 s7, s13;
	[dreg:$0x19] =	wrdreg s26  }
0x14: {  	s16 =	sadd.s32 $0x700, s9;
	s3 =	sadd.s32 s8, s13;
	[dreg:$0xb] =	wrdreg s12  }
0x15: {  	s18 =	sadd.s32 $0xA80, s9;
	s17 =	sadd.s32 s7, s16;
	[dreg:$0xc] =	wrdreg s3  }
0x16: {  	s9 =	sadd.s32 $0xE00, s9;
	s19 =	sadd.s32 s7, s18;
	[dreg:$0xd] =	wrdreg s17  }
0x17: {  	s20 =	sadd.s32 s7, s9;
	[dreg:$0xf] =	wrdreg s19  }
0x18: {  	s21 =	sadd.s32 s8, s9;
	[dreg:$0x11] =	wrdreg s20  }
0x19: {  	s0 =	sadd.s32 $0x1400, s0;
	[dreg:$0x12] =	wrdreg s21  }
0x1a: {  	s23 =	smax.u32 s6, $0x1;
	[dreg:$0x15] =	wrdreg s0  }
0x1b: {  	s6 =	sadd.s32 $0xB400, s15;
	[dreg:$0x16] =	wrdreg s23  }
0x1c: {  	s7 =	sadd.s32 $0xC800, s15;
	[dreg:$0x1a] =	wrdreg s6  }
0x1d: {  	s9 =	sadd.s32 $0xF000, s15;
	[dreg:$0x1b] =	wrdreg s7  }
0x1e: {  	s10 =	sadd.s32 $0x10400, s15;
	[dreg:$0x1d] =	wrdreg s9  }
0x1f: {  	s13 =	sadd.s32 $0x12C00, s15;
	[dreg:$0x1e] =	wrdreg s10  }
0x20: {  	s12 =	sadd.s32 s8, s16;
	[smem:$0x7F2] =	sst s13  }
0x21: {  	s3 =	sadd.s32 s8, s18;
	[dreg:$0xe] =	wrdreg s12  }
0x22: {  	s30 =	simm.s32 $0x8800;
	s8 =	sadd.s32 $0xDC00, s15;
	[dreg:$0x10] =	wrdreg s3  }
0x23: {  	s31 =	simm.s32 $0x7;
	s20 =	sadd.s32 $0x80C00, s11;
	[dreg:$0x1c] =	wrdreg s8  }
0x24: {  	s14 =	sshrl.u32 s11, $0x3;
	s26 =	sadd.s32 $0x42400, s11;
	[smem:$0x7F8] =	sst s20  }
0x25: {  	s24 =	sadd.s32 $0xBF400, s11;
	s12 =	sadd.s32 $0x11800, s15;
	[smem:$0x7FD] =	sst s26  }
0x26: {  	s28 =	sadd.s32 $0xFC800, s11;
	s3 =	sadd.s32 s5, s14;
	[dreg:$0x1f] =	wrdreg s12  }
0x27: {  	s29 =	sadd.s32 $0xFDC00, s11;
	s14 =	sadd.s32 $0x280, s3;
	[dreg:$0x14] =	wrdreg s3  }
0x28: {  	s10 =	simm.s32 $0x4C00;
	s16 =	sadd.s32 $0x7D00, s3;
	[smem:$0x7F3] =	sst s14  }
0x29: {  	s13 =	simm.s32 $0x1;
	s17 =	sadd.s32 $0x7F80, s3;
	[smem:$0x7F4] =	sst s16  }
0x2a: {  	s6 =	simm.s32 $0x0;
	s18 =	sadd.s32 $0xFA00, s3;
	[smem:$0x7F5] =	sst s17  }
0x2b: {  	s20 =	simm.s32 $0x4;
	s19 =	sadd.s32 $0xFC80, s3;
	[smem:$0x7F6] =	sst s18  }
0x2c: {  	s21 =	sadd.s32 $0x17700, s3;
	s22 =	sadd.s32 $0x17980, s3;
	[smem:$0x7F7] =	sst s19  }
.Ltmp0:
0x2d: {  	s23 =	sadd.s32 $0x1F400, s3;
	[smem:$0x7F9] =	sst s21;
	(pc) =	sbr.rel .LBB2_1-.Ltmp0, $4  }
0x2e: {  	s25 =	sadd.s32 $0x1F680, s3;
	s3 =	simm.s32 $0x28;
	[smem:$0x7FA] =	sst s22  }
0x2f: {  	s12 =	simm.s32 $0x7400;
	s14 =	sadd.s32 $0x41000, s11;
	[smem:$0x7FB] =	sst s23  }
0x30: {  	s18 =	sadd.s32 $0x7F800, s11;
	s22 =	sadd.s32 $0xBE000, s11;
	[smem:$0x7FC] =	sst s25  }
0x31: {  	v0 =	vimm.f32 $0.0e+00;
	s16 =	simm.s32 $0x3;
	s17 =	simm.s32 $0x2;
	s21 =	simm.s32 $0x9C00  }
.LBB2_38:
0x32: {  	s0 =	simm.s32 $0x5  }
0x33: {  	_ =	swait.ge [sflag:s0], $0x1400  }
0x34: {  	[sflag:s0] =	ssyncset.done $0x0  }
0x35: {  	s19 =	simm.s32 $0x6;
	[sflag:s0] =	ssyncadd.s32 $0xFFFFEC00  }
0x36: {  	_ =	swait.ge [sflag:s19], $0x1400  }
0x37: {  	[sflag:s19] =	ssyncset.done $0x0  }
0x38: {  	[sflag:s19] =	ssyncadd.s32 $0xFFFFEC00  }
0x39: {  	s23 =	stileid.u32;
	[bflag:$0x0] =	sbarrier.arrive $0xFFFF  }
0x3a: {  	s0 =	sshll.u32 s23, $0x6;
	s15 =	rddreg [dreg:$0x4]  }
0x3b: {  	s0 =	sor.u32 $0x1C07, s0;
	s7 =	rddreg [dreg:$0x15];
	s6 =	sshrl.u32 s15, $0x3  }
0x3c: {  	[hbm:s7], [sflag:s0] =	dma.local [spmem:s6], $0x2800  }
0x3d: {  	_ =	swait.ge [sflag:s31], $0x2800  }
0x3e: {  	s25 =	sld [smem:$0x7F1];
	_ =	sdelay $0x2  }
0x3f: {  	s26 =	rddreg [dreg:$0x16];
	s6 =	sadd.s32 $0x1, s25  }
0x40: {  	p0 =	sne.s32 s6, s26  }
.Ltmp1:
0x41: {  	_ = 	snop;
	(pc) =	sbr.rel @!p0 .LBB2_39-.Ltmp1, $3  }
0x42: {  	_ =	sdelay $0x1  }
0x43: {  	[sflag:s31] =	ssyncset.done $0x0  }
0x44: {  	[sflag:s31] =	ssyncadd.s32 $0xFFFFD800  }
.LBB2_1:
0x45: {  	[smem:$0x7F1] =	sst s6;
	s0 =	simm.s32 $0x0;
	s6 =	simm.s32 $0x200  }
.LBB2_2:
0x46: {  	p0 =	sne.s32 s6, $0x4E00;
	[tilespmem:s0+$0x8870] =	vst v0  }
0x47: {  	[tilespmem:s0+$0x8800] =	vst v0  }
0x48: {  	[tilespmem:s0+$0x8810] =	vst v0  }
.Ltmp2:
0x49: {  	[tilespmem:s0+$0x8820] =	vst v0;
	(pc) =	sbr.rel @p0 .LBB2_2-.Ltmp2, $4  }
0x4a: {  	[tilespmem:s0+$0x8830] =	vst v0  }
0x4b: {  	[tilespmem:s0+$0x8840] =	vst v0  }
0x4c: {  	[tilespmem:s0+$0x8850] =	vst v0  }
0x4d: {  	[tilespmem:s0+$0x8860] =	vst v0;
	s0 =	sshra.s32 s6, $0x2;
	s6 =	sadd.s32 $0x200, s6  }
0x4e: {  	[tilespmem:s0+$0x8870] =	vst v0  }
0x4f: {  	[tilespmem:s0+$0x8800] =	vst v0  }
0x50: {  	[tilespmem:s0+$0x8810] =	vst v0  }
0x51: {  	[tilespmem:s0+$0x8820] =	vst v0  }
0x52: {  	[tilespmem:s0+$0x8830] =	vst v0  }
0x53: {  	[tilespmem:s0+$0x8840] =	vst v0  }
0x54: {  	[tilespmem:s0+$0x8850] =	vst v0  }
0x55: {  	[tilespmem:s0+$0x8860] =	vst v0  }
0x56: {  	[spmem:s15] =	stream.linear.scatter [tilespmem:s30], [sflag:$0x7], $0x1400, $0x38;
	[tilespmem:$0x1F000] =	vst v63  }
0x57: {  	_ =	swait.ge [sflag:s31], $0x1400  }
0x58: {  	[sflag:s31] =	ssyncset.done $0x0  }
0x59: {  	s19 =	rddreg [dreg:$0x5];
	[sflag:s31] =	ssyncadd.s32 $0xFFFFEC00  }
0x5a: {  	[spmem:s19] =	stream.linear.scatter [tilespmem:s30], [sflag:$0x7], $0x1400, $0x38;
	[tilespmem:$0x1F000] =	vst v63  }
0x5b: {  	_ =	swait.ge [sflag:s31], $0x1400  }
0x5c: {  	[sflag:s31] =	ssyncset.done $0x0  }
0x5d: {  	s23 =	rddreg [dreg:$0x6];
	[sflag:s31] =	ssyncadd.s32 $0xFFFFEC00  }
0x5e: {  	[spmem:s23] =	stream.linear.scatter [tilespmem:s30], [sflag:$0x7], $0x1400, $0x38;
	[tilespmem:$0x1F000] =	vst v63  }
0x5f: {  	_ =	swait.ge [sflag:s31], $0x1400  }
0x60: {  	[sflag:s31] =	ssyncset.done $0x0  }
0x61: {  	s25 =	rddreg [dreg:$0x7];
	[sflag:s31] =	ssyncadd.s32 $0xFFFFEC00  }
0x62: {  	[spmem:s25] =	stream.linear.scatter [tilespmem:s30], [sflag:$0x7], $0x1400, $0x38;
	[tilespmem:$0x1F000] =	vst v63  }
0x63: {  	_ =	swait.ge [sflag:s31], $0x1400  }
0x64: {  	[sflag:s31] =	ssyncset.done $0x0  }
0x65: {  	s26 =	rddreg [dreg:$0x8];
	[sflag:s31] =	ssyncadd.s32 $0xFFFFEC00  }
0x66: {  	[spmem:s26] =	stream.linear.scatter [tilespmem:s30], [sflag:$0x7], $0x1400, $0x38;
	[tilespmem:$0x1F000] =	vst v63  }
0x67: {  	_ =	swait.ge [sflag:s31], $0x1400  }
0x68: {  	[sflag:s31] =	ssyncset.done $0x0  }
0x69: {  	s6 =	rddreg [dreg:$0x13];
	[sflag:s31] =	ssyncadd.s32 $0xFFFFEC00  }
0x6a: {  	[spmem:s6] =	stream.linear.scatter [tilespmem:s30], [sflag:$0x7], $0x1400, $0x38;
	[tilespmem:$0x1F000] =	vst v63  }
0x6b: {  	_ =	swait.ge [sflag:s31], $0x1400  }
0x6c: {  	[sflag:s31] =	ssyncset.done $0x0  }
0x6d: {  	s7 =	rddreg [dreg:$0x17];
	[sflag:s31] =	ssyncadd.s32 $0xFFFFEC00  }
0x6e: {  	[spmem:s7] =	stream.linear.scatter [tilespmem:s30], [sflag:$0x7], $0x1400, $0x38;
	[tilespmem:$0x1F000] =	vst v63  }
0x6f: {  	_ =	swait.ge [sflag:s31], $0x1400  }
0x70: {  	[sflag:s31] =	ssyncset.done $0x0  }
0x71: {  	s8 =	rddreg [dreg:$0x18];
	[sflag:s31] =	ssyncadd.s32 $0xFFFFEC00  }
0x72: {  	[spmem:s8] =	stream.linear.scatter [tilespmem:s30], [sflag:$0x7], $0x1400, $0x38;
	[tilespmem:$0x1F000] =	vst v63  }
0x73: {  	_ =	swait.ge [sflag:s31], $0x1400  }
0x74: {  	[sflag:s31] =	ssyncset.done $0x0  }
0x75: {  	s9 =	rddreg [dreg:$0x19];
	[sflag:s31] =	ssyncadd.s32 $0xFFFFEC00  }
0x76: {  	[spmem:s9] =	stream.linear.scatter [tilespmem:s30], [sflag:$0x7], $0x1400, $0x38;
	[tilespmem:$0x1F000] =	vst v63  }
0x77: {  	_ =	swait.ge [sflag:s31], $0x1400  }
0x78: {  	[sflag:s31] =	ssyncset.done $0x0  }
0x79: {  	s15 =	rddreg [dreg:$0x1a];
	[sflag:s31] =	ssyncadd.s32 $0xFFFFEC00  }
0x7a: {  	[spmem:s15] =	stream.linear.scatter [tilespmem:s30], [sflag:$0x7], $0x1400, $0x38;
	[tilespmem:$0x1F000] =	vst v63  }
0x7b: {  	_ =	swait.ge [sflag:s31], $0x1400  }
0x7c: {  	[sflag:s31] =	ssyncset.done $0x0  }
0x7d: {  	s19 =	rddreg [dreg:$0x1b];
	[sflag:s31] =	ssyncadd.s32 $0xFFFFEC00  }
0x7e: {  	[spmem:s19] =	stream.linear.scatter [tilespmem:s30], [sflag:$0x7], $0x1400, $0x38;
	[tilespmem:$0x1F000] =	vst v63  }
0x7f: {  	_ =	swait.ge [sflag:s31], $0x1400  }
0x80: {  	[sflag:s31] =	ssyncset.done $0x0  }
0x81: {  	s23 =	rddreg [dreg:$0x1c];
	[sflag:s31] =	ssyncadd.s32 $0xFFFFEC00  }
0x82: {  	[spmem:s23] =	stream.linear.scatter [tilespmem:s30], [sflag:$0x7], $0x1400, $0x38;
	[tilespmem:$0x1F000] =	vst v63  }
0x83: {  	_ =	swait.ge [sflag:s31], $0x1400  }
0x84: {  	[sflag:s31] =	ssyncset.done $0x0  }
0x85: {  	s25 =	rddreg [dreg:$0x1d];
	[sflag:s31] =	ssyncadd.s32 $0xFFFFEC00  }
0x86: {  	[spmem:s25] =	stream.linear.scatter [tilespmem:s30], [sflag:$0x7], $0x1400, $0x38;
	[tilespmem:$0x1F000] =	vst v63  }
0x87: {  	_ =	swait.ge [sflag:s31], $0x1400  }
0x88: {  	[sflag:s31] =	ssyncset.done $0x0  }
0x89: {  	s26 =	rddreg [dreg:$0x1e];
	[sflag:s31] =	ssyncadd.s32 $0xFFFFEC00  }
0x8a: {  	[spmem:s26] =	stream.linear.scatter [tilespmem:s30], [sflag:$0x7], $0x1400, $0x38;
	[tilespmem:$0x1F000] =	vst v63  }
0x8b: {  	_ =	swait.ge [sflag:s31], $0x1400  }
0x8c: {  	[sflag:s31] =	ssyncset.done $0x0  }
0x8d: {  	s6 =	rddreg [dreg:$0x1f];
	[sflag:s31] =	ssyncadd.s32 $0xFFFFEC00  }
0x8e: {  	[spmem:s6] =	stream.linear.scatter [tilespmem:s30], [sflag:$0x7], $0x1400, $0x38;
	[tilespmem:$0x1F000] =	vst v63  }
0x8f: {  	_ =	swait.ge [sflag:s31], $0x1400  }
0x90: {  	s7 =	sld [smem:$0x7F2]  }
0x91: {  	[sflag:s31] =	ssyncset.done $0x0  }
0x92: {  	[sflag:s31] =	ssyncadd.s32 $0xFFFFEC00  }
0x93: {  	[spmem:s7] =	stream.linear.scatter [tilespmem:s30], [sflag:$0x7], $0x1400, $0x38;
	[tilespmem:$0x1F000] =	vst v63  }
0x94: {  	_ =	swait.ge [sflag:s31], $0x1400  }
0x95: {  	[sflag:s31] =	ssyncset.done $0x0  }
0x96: {  	[sflag:s31] =	ssyncadd.s32 $0xFFFFEC00  }
0x97: {  	[bflag:$0x0] =	sbarrier.arrive $0xFFFF  }
0x98: {  	s6 =	simm.s32 $0x0;
	s8 =	rddreg [dreg:$0x9]  }
0x99: {  	[tilespmem:s6], [sflag:$0x7] =	stream.linear.gather [hbm4b:s8+s6], $0x1900, $0x38;
	[tilespmem:$0x1F000] =	vst v63  }
0x9a: {  	_ =	swait.ge [sflag:s31], $0x1900  }
0x9b: {  	[sflag:s31] =	ssyncset.done $0x0  }
0x9c: {  	s7 =	simm.s32 $0x1C00;
	s9 =	rddreg [dreg:$0xa];
	[sflag:s31] =	ssyncadd.s32 $0xFFFFE700  }
0x9d: {  	[tilespmem:s7], [sflag:$0x7] =	stream.linear.gather [hbm4b:s9+s6], $0x1900, $0x38;
	[tilespmem:$0x1F000] =	vst v63  }
0x9e: {  	_ =	swait.ge [sflag:s31], $0x1900  }
0x9f: {  	[sflag:s31] =	ssyncset.done $0x0  }
0xa0: {  	s15 =	simm.s32 $0x3800;
	[sflag:s31] =	ssyncadd.s32 $0xFFFFE700  }
0xa1: {  	[tilespmem:s15], [sflag:$0x1] =	stream.indirect.gather [hbm4b:s1+s3], $0x80, s6, s3, $0xb8;
	[tilespmem:$0x1F000] =	vst v63  }
0xa2: {  	s23 =	simm.s32 $0x6000;
	s19 =	rddreg [dreg:$0x14]  }
0xa3: {  	[tilespmem:s23], [sflag:$0x3] =	stream.linear.gather [hbm4b:s19+s6], $0x1400, $0x38;
	[tilespmem:$0x1F000] =	vst v63  }
0xa4: {  	s25 =	simm.s32 $0x80;
	s26 =	sld [smem:$0x7F3]  }
0xa5: {  	[tilespmem:s10], [sflag:$0x2] =	stream.indirect.gather [hbm4b:s1+s3], $0x80, s25, s3, $0xb8;
	[tilespmem:$0x1F000] =	vst v63  }
0xa6: {  	_ = 	snop  }
0xa7: {  	[tilespmem:s12], [sflag:$0x4] =	stream.linear.gather [hbm4b:s26+s6], $0x1400, $0x38;
	[tilespmem:$0x1F000] =	vst v63  }
.LBB2_4:
0xa8: {  	_ =	swait.ge [sflag:s13], $0x1400  }
0xa9: {  	[sflag:s13] =	ssyncset.done $0x0  }
0xaa: {  	[sflag:s13] =	ssyncadd.s32 $0xFFFFEC00  }
0xab: {  	_ =	swait.ge [sflag:s16], $0x1400  }
0xac: {  	p0 =	seq.s32 s6, $0x0;
	[sflag:s16] =	ssyncset.done $0x0  }
0xad: {  	s0 =	simm.s32 @!p0 $0x5;
	[sflag:s16] =	ssyncadd.s32 $0xFFFFEC00  }
0xae: {  	_ =	swait.ge @!p0 [sflag:s0], $0x1400  }
0xaf: {  	[sflag:s0] =	ssyncset.done @!p0 $0x0  }
0xb0: {  	s7 =	simm.s32 $0x6100;
	[sflag:s0] =	ssyncadd.s32 @!p0 $0xFFFFEC00  }
0xb1: {  	s9 =	simm.s32 $0x3900;
	v1 =	vld [tilespmem:s7+$0x80]  }
0xb2: {  	v2 =	vld [tilespmem:s9+$0x80];
	_ =	sdelay $0x2  }
0xb3: {  	v3 =	vld [tilespmem:s7+$0xFFFFFF80]  }
0xb4: {  	v5 =	vld [tilespmem:s7+$0xFFFFFF00];
	v4 =	vshll.u32 v1, $0x10  }
0xb5: {  	v6 =	vld [tilespmem:s9+$0xFFFFFF80];
	v2 =	vmul.f32 v4, v2  }
0xb6: {  	s8 =	simm.s32 $0x8900;
	v4 =	vld [tilespmem:s9+$0xFFFFFF00]  }
0xb7: {  	[tilespmem:s8+$0x80] =	vst v2  }
0xb8: {  	v2 =	vld [tilespmem:s9+$0x90]  }
0xb9: {  	v7 =	vld [tilespmem:s7+$0x0];
	v10 =	vshll.u32 v3, $0x10  }
0xba: {  	v8 =	vld [tilespmem:s9+$0x0];
	v9 =	vshll.u32 v5, $0x10;
	v6 =	vmul.f32 v10, v6  }
0xbb: {  	v4 =	vmul.f32 v9, v4  }
0xbc: {  	v1 =	vand.u32 $0xFFFF0000, v1;
	[tilespmem:s8+$0xFFFFFF80] =	vst v6  }
0xbd: {  	v6 =	vld [tilespmem:s9+$0xFFFFFF90];
	[tilespmem:s8+$0xFFFFFF00] =	vst v4;
	v1 =	vmul.f32 v1, v2  }
0xbe: {  	v2 =	vshll.u32 v7, $0x10;
	v4 =	vld [tilespmem:s9+$0xFFFFFF10]  }
0xbf: {  	v2 =	vmul.f32 v2, v8;
	[tilespmem:s8+$0x90] =	vst v1  }
0xc0: {  	v1 =	vld [tilespmem:s7+$0x90]  }
0xc1: {  	v3 =	vand.u32 $0xFFFF0000, v3;
	[tilespmem:s8+$0x0] =	vst v2;
	v2 =	vld [tilespmem:s9+$0xA0]  }
0xc2: {  	v5 =	vand.u32 $0xFFFF0000, v5;
	v3 =	vmul.f32 v3, v6  }
0xc3: {  	v8 =	vld [tilespmem:s9+$0x10];
	v4 =	vmul.f32 v5, v4  }
0xc4: {  	[tilespmem:s8+$0xFFFFFF90] =	vst v3  }
0xc5: {  	[tilespmem:s8+$0xFFFFFF10] =	vst v4;
	v4 =	vshll.u32 v1, $0x10  }
0xc6: {  	v3 =	vld [tilespmem:s7+$0xFFFFFF90];
	v2 =	vmul.f32 v4, v2  }
0xc7: {  	v5 =	vand.u32 $0xFFFF0000, v7;
	v6 =	vld [tilespmem:s7+$0xFFFFFF10]  }
0xc8: {  	v4 =	vmul.f32 v5, v8;
	v5 =	vld [tilespmem:s9+$0xFFFFFF20];
	[tilespmem:s8+$0xA0] =	vst v2  }
0xc9: {  	v2 =	vld [tilespmem:s9+$0xB0]  }
0xca: {  	v7 =	vld [tilespmem:s9+$0xFFFFFFA0];
	[tilespmem:s8+$0x10] =	vst v4  }
0xcb: {  	v4 =	vld [tilespmem:s7+$0x10]  }
0xcc: {  	v9 =	vld [tilespmem:s9+$0x20];
	v8 =	vshll.u32 v6, $0x10  }
0xcd: {  	v1 =	vand.u32 $0xFFFF0000, v1;
	v5 =	vmul.f32 v8, v5  }
0xce: {  	v1 =	vmul.f32 v1, v2  }
0xcf: {  	[tilespmem:s8+$0xFFFFFF20] =	vst v5;
	v2 =	vshll.u32 v3, $0x10  }
0xd0: {  	v5 =	vshll.u32 v4, $0x10;
	v8 =	vld [tilespmem:s9+$0xFFFFFF30];
	v2 =	vmul.f32 v2, v7;
	[tilespmem:s8+$0xB0] =	vst v1  }
0xd1: {  	v1 =	vmul.f32 v5, v9;
	v9 =	vld [tilespmem:s7+$0xA0]  }
0xd2: {  	[tilespmem:s8+$0xFFFFFFA0] =	vst v2;
	v2 =	vld [tilespmem:s9+$0xC0]  }
0xd3: {  	v5 =	vld [tilespmem:s9+$0xFFFFFFB0];
	[tilespmem:s8+$0x20] =	vst v1  }
0xd4: {  	v1 =	vand.u32 $0xFFFF0000, v6;
	v6 =	vld [tilespmem:s9+$0x30]  }
0xd5: {  	v1 =	vmul.f32 v1, v8  }
0xd6: {  	v7 =	vshll.u32 v9, $0x10  }
0xd7: {  	v3 =	vand.u32 $0xFFFF0000, v3;
	[tilespmem:s8+$0xFFFFFF30] =	vst v1;
	v1 =	vmul.f32 v7, v2  }
0xd8: {  	v2 =	vand.u32 $0xFFFF0000, v4;
	v7 =	vld [tilespmem:s7+$0xFFFFFF20];
	v3 =	vmul.f32 v3, v5  }
0xd9: {  	v8 =	vld [tilespmem:s9+$0xFFFFFF40];
	v2 =	vmul.f32 v2, v6;
	[tilespmem:s8+$0xC0] =	vst v1  }
0xda: {  	[tilespmem:s8+$0xFFFFFFB0] =	vst v3;
	v4 =	vld [tilespmem:s9+$0xD0]  }
0xdb: {  	v3 =	vld [tilespmem:s7+$0xFFFFFFA0];
	[tilespmem:s8+$0x30] =	vst v2  }
0xdc: {  	v2 =	vld [tilespmem:s7+$0x20]  }
0xdd: {  	s26 =	simm.s32 $0x0;
	s15 =	simm.s32 $0x6300;
	v5 =	vld [tilespmem:s9+$0xFFFFFFC0];
	v6 =	vshll.u32 v7, $0x10  }
0xde: {  	s25 =	simm.s32 $0x3900;
	s23 =	simm.s32 $0x8900;
	s0 =	sshll.u32 s6, $0x1;
	v1 =	vand.u32 $0xFFFF0000, v7;
	v7 =	vmul.f32 v6, v8;
	v6 =	vld [tilespmem:s9+$0x40];
	v8 =	vand.u32 $0xFFFF0000, v9  }
.LBB2_5:
0xdf: {  	v9 =	vld [tilespmem:s15+$0x80];
	s26 =	sadd.s32 $0x4, s26;
	v4 =	vmul.f32 v8, v4;
	s9 =	sadd.s32 $0x200, s9  }
0xe0: {  	v8 =	vld [tilespmem:s9+$0x80];
	p1 =	slt.u32 s26, $0x24;
	[tilespmem:s8+$0xFFFFFF40] =	vst v7;
	v7 =	vshll.u32 v3, $0x10;
	v3 =	vand.u32 $0xFFFF0000, v3  }
0xe1: {  	v10 =	vld [tilespmem:s15+$0xFFFFFF80];
	v11 =	vshll.u32 v2, $0x10;
	v2 =	vand.u32 $0xFFFF0000, v2;
	[tilespmem:s8+$0xD0] =	vst v4  }
0xe2: {  	v4 =	vmul.f32 v7, v5;
	v5 =	vld [tilespmem:s7+$0xB0]  }
0xe3: {  	v6 =	vmul.f32 v11, v6;
	v7 =	vld [tilespmem:s25+$0xE0]  }
0xe4: {  	v11 =	vld [tilespmem:s15+$0x0];
	v12 =	vshll.u32 v9, $0x10;
	[tilespmem:s8+$0xFFFFFFC0] =	vst v4  }
0xe5: {  	v4 =	vld [tilespmem:s15+$0xFFFFFF00];
	v8 =	vmul.f32 v12, v8;
	[tilespmem:s8+$0x40] =	vst v6  }
0xe6: {  	s8 =	sadd.s32 $0x200, s8;
	v6 =	vld [tilespmem:s9+$0xFFFFFF00];
	v12 =	vshll.u32 v10, $0x10;
	v10 =	vand.u32 $0xFFFF0000, v10  }
0xe7: {  	v13 =	vld [tilespmem:s9+$0xFFFFFF80];
	[tilespmem:s8+$0x80] =	vst v8;
	v8 =	vshll.u32 v5, $0x10  }
0xe8: {  	v14 =	vld [tilespmem:s9+$0x90];
	v7 =	vmul.f32 v8, v7  }
0xe9: {  	v8 =	vshll.u32 v11, $0x10;
	v11 =	vand.u32 $0xFFFF0000, v11;
	v15 =	vld [tilespmem:s9+$0x0]  }
0xea: {  	v16 =	vshll.u32 v4, $0x10;
	v4 =	vand.u32 $0xFFFF0000, v4;
	v17 =	vld [tilespmem:s25+$0xFFFFFF50];
	[tilespmem:s23+$0xE0] =	vst v7  }
0xeb: {  	v6 =	vmul.f32 v16, v6;
	v7 =	vld [tilespmem:s25+$0xF0]  }
0xec: {  	v9 =	vand.u32 $0xFFFF0000, v9;
	v12 =	vmul.f32 v12, v13;
	v13 =	vld [tilespmem:s25+$0xFFFFFFD0]  }
0xed: {  	[tilespmem:s8+$0xFFFFFF00] =	vst v6;
	v6 =	vmul.f32 v9, v14;
	v9 =	vld [tilespmem:s25+$0x50]  }
0xee: {  	v14 =	vld [tilespmem:s9+$0xFFFFFF10];
	[tilespmem:s8+$0xFFFFFF80] =	vst v12;
	v8 =	vmul.f32 v8, v15  }
0xef: {  	v5 =	vand.u32 $0xFFFF0000, v5;
	v12 =	vld [tilespmem:s9+$0xFFFFFF90];
	[tilespmem:s8+$0x90] =	vst v6;
	v1 =	vmul.f32 v1, v17  }
0xf0: {  	[tilespmem:s8+$0x0] =	vst v8;
	v6 =	vld [tilespmem:s15+$0x90];
	v5 =	vmul.f32 v5, v7  }
0xf1: {  	v7 =	vld [tilespmem:s9+$0xA0];
	[tilespmem:s23+$0xFFFFFF50] =	vst v1;
	v1 =	vmul.f32 v3, v13  }
0xf2: {  	v3 =	vld [tilespmem:s9+$0x10];
	v2 =	vmul.f32 v2, v9;
	[tilespmem:s23+$0xF0] =	vst v5  }
0xf3: {  	v4 =	vmul.f32 v4, v14;
	v5 =	vld [tilespmem:s7+$0xFFFFFF30];
	[tilespmem:s23+$0xFFFFFFD0] =	vst v1  }
0xf4: {  	v1 =	vmul.f32 v10, v12;
	v8 =	vld [tilespmem:s7+$0xFFFFFFB0];
	[tilespmem:s23+$0x50] =	vst v2  }
0xf5: {  	[tilespmem:s8+$0xFFFFFF10] =	vst v4;
	v2 =	vshll.u32 v6, $0x10;
	v4 =	vld [tilespmem:s7+$0x30];
	s7 =	smov.u32 s15  }
0xf6: {  	v9 =	vld [tilespmem:s15+$0xFFFFFF10];
	[tilespmem:s8+$0xFFFFFF90] =	vst v1;
	v1 =	vmul.f32 v2, v7  }
0xf7: {  	v2 =	vld [tilespmem:s15+$0xFFFFFF90];
	v3 =	vmul.f32 v11, v3  }
0xf8: {  	v7 =	vld [tilespmem:s9+$0xFFFFFF20];
	[tilespmem:s8+$0xA0] =	vst v1;
	v1 =	vshll.u32 v5, $0x10;
	v5 =	vand.u32 $0xFFFF0000, v5  }
0xf9: {  	[tilespmem:s8+$0x10] =	vst v3;
	v3 =	vld [tilespmem:s9+$0xB0];
	v10 =	vshll.u32 v8, $0x10;
	v8 =	vand.u32 $0xFFFF0000, v8  }
0xfa: {  	v11 =	vld [tilespmem:s15+$0x10];
	v12 =	vshll.u32 v4, $0x10;
	v13 =	vand.u32 $0xFFFF0000, v4  }
0xfb: {  	v4 =	vshll.u32 v9, $0x10;
	v9 =	vand.u32 $0xFFFF0000, v9;
	v14 =	vld [tilespmem:s9+$0xFFFFFFA0]  }
0xfc: {  	v15 =	vshll.u32 v2, $0x10;
	v2 =	vand.u32 $0xFFFF0000, v2;
	v16 =	vld [tilespmem:s9+$0x20]  }
0xfd: {  	v6 =	vand.u32 $0xFFFF0000, v6;
	v4 =	vmul.f32 v4, v7;
	v7 =	vld [tilespmem:s25+$0xFFFFFF60]  }
0xfe: {  	v3 =	vmul.f32 v6, v3;
	v6 =	vld [tilespmem:s25+$0xFFFFFFE0]  }
0xff: {  	[tilespmem:s8+$0xFFFFFF20] =	vst v4;
	v4 =	vshll.u32 v11, $0x10;
	v11 =	vand.u32 $0xFFFF0000, v11;
	v17 =	vld [tilespmem:s25+$0x60]  }
0x100: {  	v18 =	vld [tilespmem:s9+$0xFFFFFF30];
	v14 =	vmul.f32 v15, v14;
	[tilespmem:s8+$0xB0] =	vst v3  }
0x101: {  	v3 =	vmul.f32 v4, v16;
	v15 =	vld [tilespmem:s15+$0xA0]  }
0x102: {  	[tilespmem:s8+$0xFFFFFFA0] =	vst v14;
	v4 =	vld [tilespmem:s9+$0xC0];
	v1 =	vmul.f32 v1, v7  }
0x103: {  	v7 =	vld [tilespmem:s9+$0xFFFFFFB0];
	[tilespmem:s8+$0x20] =	vst v3;
	v3 =	vmul.f32 v10, v6  }
0x104: {  	v6 =	vld [tilespmem:s9+$0x30];
	[tilespmem:s23+$0xFFFFFF60] =	vst v1;
	v1 =	vmul.f32 v12, v17  }
0x105: {  	v9 =	vmul.f32 v9, v18;
	v10 =	vld [tilespmem:s25+$0xFFFFFF70];
	[tilespmem:s23+$0xFFFFFFE0] =	vst v3  }
0x106: {  	v3 =	vshll.u32 v15, $0x10;
	v12 =	vld [tilespmem:s25+$0xFFFFFFF0];
	[tilespmem:s23+$0x60] =	vst v1  }
0x107: {  	[tilespmem:s8+$0xFFFFFF30] =	vst v9;
	v1 =	vmul.f32 v3, v4;
	v9 =	vld [tilespmem:s25+$0x70];
	s25 =	smov.u32 s9  }
0x108: {  	v14 =	vld [tilespmem:s15+$0xFFFFFF20];
	v2 =	vmul.f32 v2, v7  }
0x109: {  	v7 =	vld [tilespmem:s9+$0xFFFFFF40];
	v6 =	vmul.f32 v11, v6;
	[tilespmem:s8+$0xC0] =	vst v1  }
.Ltmp3:
0x10a: {  	[tilespmem:s8+$0xFFFFFFB0] =	vst v2;
	v4 =	vld [tilespmem:s9+$0xD0];
	v1 =	vmul.f32 v5, v10;
	(pc) =	sbr.rel @p1 .LBB2_5-.Ltmp3, $4  }
0x10b: {  	v3 =	vld [tilespmem:s15+$0xFFFFFFA0];
	[tilespmem:s8+$0x30] =	vst v6;
	v6 =	vmul.f32 v8, v12  }
0x10c: {  	v2 =	vld [tilespmem:s15+$0x20];
	[tilespmem:s23+$0xFFFFFF70] =	vst v1;
	v9 =	vmul.f32 v13, v9  }
0x10d: {  	v8 =	vshll.u32 v14, $0x10;
	v1 =	vand.u32 $0xFFFF0000, v14;
	v5 =	vld [tilespmem:s9+$0xFFFFFFC0];
	[tilespmem:s23+$0xFFFFFFF0] =	vst v6  }
0x10e: {  	s15 =	sadd.s32 $0x200, s15;
	v7 =	vmul.f32 v8, v7;
	v6 =	vld [tilespmem:s9+$0x40];
	v8 =	vand.u32 $0xFFFF0000, v15;
	[tilespmem:s23+$0x70] =	vst v9;
	s23 =	smov.u32 s8  }
0x10f: {  	_ =	sdelay $0x1  }
0x110: {  	v9 =	vshll.u32 v3, $0x10  }
0x111: {  	v5 =	vmul.f32 v9, v5  }
0x112: {  	[tilespmem:s8+$0xFFFFFF40] =	vst v7;
	v10 =	vshll.u32 v2, $0x10  }
0x113: {  	v6 =	vmul.f32 v10, v6;
	[tilespmem:s8+$0xFFFFFFC0] =	vst v5;
	v5 =	vld [tilespmem:s25+$0xFFFFFF50];
	_ =	sdelay $0x1  }
0x114: {  	[tilespmem:s8+$0x40] =	vst v6;
	v6 =	vld [tilespmem:s25+$0xFFFFFFD0]  }
0x115: {  	v4 =	vmul.f32 v8, v4;
	v7 =	vld [tilespmem:s25+$0x50];
	_ =	sdelay $0x1  }
0x116: {  	[tilespmem:s8+$0xD0] =	vst v4;
	v1 =	vmul.f32 v1, v5  }
0x117: {  	v3 =	vand.u32 $0xFFFF0000, v3;
	v4 =	vld [tilespmem:s7+$0xB0]  }
0x118: {  	v2 =	vand.u32 $0xFFFF0000, v2;
	v5 =	vld [tilespmem:s25+$0xE0];
	v3 =	vmul.f32 v3, v6;
	[tilespmem:s23+$0xFFFFFF50] =	vst v1  }
0x119: {  	v1 =	vmul.f32 v2, v7;
	v2 =	vld [tilespmem:s7+$0xFFFFFF30]  }
0x11a: {  	[tilespmem:s23+$0xFFFFFFD0] =	vst v3;
	v6 =	vld [tilespmem:s25+$0xFFFFFF60]  }
0x11b: {  	v3 =	vld [tilespmem:s7+$0xFFFFFFB0]  }
0x11c: {  	[tilespmem:s23+$0x50] =	vst v1;
	v7 =	vld [tilespmem:s25+$0xFFFFFFE0]  }
0x11d: {  	v1 =	vld [tilespmem:s7+$0x30]  }
0x11e: {  	v8 =	vld [tilespmem:s25+$0x60]  }
0x11f: {  	v9 =	vshll.u32 v4, $0x10  }
0x120: {  	v5 =	vmul.f32 v9, v5;
	v9 =	vshll.u32 v2, $0x10  }
0x121: {  	v10 =	vshll.u32 v3, $0x10;
	v6 =	vmul.f32 v9, v6  }
0x122: {  	[tilespmem:s23+$0xE0] =	vst v5;
	v5 =	vshll.u32 v1, $0x10;
	v7 =	vmul.f32 v10, v7  }
0x123: {  	v9 =	vld [tilespmem:s25+$0xF0];
	[tilespmem:s23+$0xFFFFFF60] =	vst v6;
	v5 =	vmul.f32 v5, v8  }
0x124: {  	v6 =	vld [tilespmem:s25+$0xFFFFFF70];
	[tilespmem:s23+$0xFFFFFFE0] =	vst v7  }
0x125: {  	v7 =	vld [tilespmem:s25+$0xFFFFFFF0];
	[tilespmem:s23+$0x60] =	vst v5  }
0x126: {  	v5 =	vld [tilespmem:s25+$0x70]  }
0x127: {  	v4 =	vand.u32 $0xFFFF0000, v4  }
0x128: {  	v2 =	vand.u32 $0xFFFF0000, v2;
	v4 =	vmul.f32 v4, v9  }
0x129: {  	p1 =	seq.s32 s6, $0x18;
	v3 =	vand.u32 $0xFFFF0000, v3;
	v2 =	vmul.f32 v2, v6  }
0x12a: {  	s8 =	sadd.s32 @!p1 $0x2, s0;
	v1 =	vand.u32 $0xFFFF0000, v1;
	[tilespmem:s23+$0xF0] =	vst v4;
	v3 =	vmul.f32 v3, v7  }
0x12b: {  	s9 =	sshll.u32 @!p1 s8, $0x7;
	s8 =	smul.u32 @!p1 $0x1400, s8;
	s25 =	sshll.u32 s6, $0x8;
	[tilespmem:s23+$0xFFFFFF70] =	vst v2;
	v1 =	vmul.f32 v1, v5  }
0x12c: {  	s7 =	sand.u32 $0x3FFFFF00, s25;
	[tilespmem:s23+$0xFFFFFFF0] =	vst v3  }
0x12d: {  	s15 =	simm.s32 @!p1 $0x28;
	s8 =	sadd.s32 @!p1 s11, s8;
	s26 =	sadd.s32 $0x1C00, s7;
	[tilespmem:s23+$0x70] =	vst v1  }
0x12e: {  	[spmem:s2] =	stream.indirect.scatter.add.f32 [tilespmem:s30], [sflag:$0x5], $0x80, s26, s3, $0xb8;
	[tilespmem:$0x1F000] =	vst v63  }
0x12f: {  	s19 =	simm.s32 @!p1 $0x3800;
	s9 =	sand.u32 @!p1 $0x3FFFFF80, s9;
	s8 =	sshrl.u32 @!p1 s8, $0x3  }
0x130: {  	[tilespmem:s19], [sflag:$0x1] =	stream.indirect.gather @!p1 [hbm4b:s1+s15], $0x80, s9, s15, $0xb8;
	[tilespmem:$0x1F000] =	vst v63  }
0x131: {  	s8 =	sadd.s32 @!p1 s5, s8;
	s9 =	simm.s32 @!p1 $0x0;
	s15 =	simm.s32 @!p1 $0x6000  }
0x132: {  	[tilespmem:s15], [sflag:$0x3] =	stream.linear.gather @!p1 [hbm4b:s8+s9], $0x1400, $0x38;
	[tilespmem:$0x1F000] =	vst v63  }
0x133: {  	_ =	swait.ge [sflag:s17], $0x1400  }
0x134: {  	[sflag:s17] =	ssyncset.done $0x0  }
0x135: {  	[sflag:s17] =	ssyncadd.s32 $0xFFFFEC00  }
0x136: {  	_ =	swait.ge [sflag:s20], $0x1400  }
0x137: {  	[sflag:s20] =	ssyncset.done $0x0  }
0x138: {  	s8 =	simm.s32 @!p0 $0x6;
	[sflag:s20] =	ssyncadd.s32 $0xFFFFEC00  }
0x139: {  	_ =	swait.ge @!p0 [sflag:s8], $0x1400  }
0x13a: {  	[sflag:s8] =	ssyncset.done @!p0 $0x0  }
0x13b: {  	[sflag:s8] =	ssyncadd.s32 @!p0 $0xFFFFEC00;
	s8 =	simm.s32 $0x7500  }
0x13c: {  	s23 =	simm.s32 $0x4D00;
	v1 =	vld [tilespmem:s8+$0x80]  }
0x13d: {  	v2 =	vld [tilespmem:s23+$0x80];
	_ =	sdelay $0x2  }
0x13e: {  	v3 =	vld [tilespmem:s8+$0xFFFFFF80]  }
0x13f: {  	v5 =	vld [tilespmem:s8+$0xFFFFFF00];
	v4 =	vshll.u32 v1, $0x10  }
0x140: {  	v6 =	vld [tilespmem:s23+$0xFFFFFF80];
	v2 =	vmul.f32 v4, v2  }
0x141: {  	s9 =	simm.s32 $0x9D00;
	v4 =	vld [tilespmem:s23+$0xFFFFFF00]  }
0x142: {  	[tilespmem:s9+$0x80] =	vst v2  }
0x143: {  	v2 =	vld [tilespmem:s23+$0x90]  }
0x144: {  	v7 =	vld [tilespmem:s8+$0x0];
	v10 =	vshll.u32 v3, $0x10  }
0x145: {  	v8 =	vld [tilespmem:s23+$0x0];
	v9 =	vshll.u32 v5, $0x10;
	v6 =	vmul.f32 v10, v6  }
0x146: {  	v4 =	vmul.f32 v9, v4  }
0x147: {  	v1 =	vand.u32 $0xFFFF0000, v1;
	[tilespmem:s9+$0xFFFFFF80] =	vst v6  }
0x148: {  	v6 =	vld [tilespmem:s23+$0xFFFFFF90];
	[tilespmem:s9+$0xFFFFFF00] =	vst v4;
	v1 =	vmul.f32 v1, v2  }
0x149: {  	v2 =	vshll.u32 v7, $0x10;
	v4 =	vld [tilespmem:s23+$0xFFFFFF10]  }
0x14a: {  	v2 =	vmul.f32 v2, v8;
	[tilespmem:s9+$0x90] =	vst v1  }
0x14b: {  	v1 =	vld [tilespmem:s8+$0x90]  }
0x14c: {  	v3 =	vand.u32 $0xFFFF0000, v3;
	[tilespmem:s9+$0x0] =	vst v2;
	v2 =	vld [tilespmem:s23+$0xA0]  }
0x14d: {  	v5 =	vand.u32 $0xFFFF0000, v5;
	v3 =	vmul.f32 v3, v6  }
0x14e: {  	v8 =	vld [tilespmem:s23+$0x10];
	v4 =	vmul.f32 v5, v4  }
0x14f: {  	[tilespmem:s9+$0xFFFFFF90] =	vst v3  }
0x150: {  	[tilespmem:s9+$0xFFFFFF10] =	vst v4;
	v4 =	vshll.u32 v1, $0x10  }
0x151: {  	v3 =	vld [tilespmem:s8+$0xFFFFFF90];
	v2 =	vmul.f32 v4, v2  }
0x152: {  	v5 =	vand.u32 $0xFFFF0000, v7;
	v6 =	vld [tilespmem:s8+$0xFFFFFF10]  }
0x153: {  	v4 =	vmul.f32 v5, v8;
	v5 =	vld [tilespmem:s23+$0xFFFFFF20];
	[tilespmem:s9+$0xA0] =	vst v2  }
0x154: {  	v2 =	vld [tilespmem:s23+$0xB0]  }
0x155: {  	v7 =	vld [tilespmem:s23+$0xFFFFFFA0];
	[tilespmem:s9+$0x10] =	vst v4  }
0x156: {  	v4 =	vld [tilespmem:s8+$0x10]  }
0x157: {  	v9 =	vld [tilespmem:s23+$0x20];
	v8 =	vshll.u32 v6, $0x10  }
0x158: {  	v1 =	vand.u32 $0xFFFF0000, v1;
	v5 =	vmul.f32 v8, v5  }
0x159: {  	v1 =	vmul.f32 v1, v2  }
0x15a: {  	[tilespmem:s9+$0xFFFFFF20] =	vst v5;
	v2 =	vshll.u32 v3, $0x10  }
0x15b: {  	v5 =	vshll.u32 v4, $0x10;
	v8 =	vld [tilespmem:s23+$0xFFFFFF30];
	v2 =	vmul.f32 v2, v7;
	[tilespmem:s9+$0xB0] =	vst v1  }
0x15c: {  	v1 =	vmul.f32 v5, v9;
	v9 =	vld [tilespmem:s8+$0xA0]  }
0x15d: {  	[tilespmem:s9+$0xFFFFFFA0] =	vst v2;
	v2 =	vld [tilespmem:s23+$0xC0]  }
0x15e: {  	v5 =	vld [tilespmem:s23+$0xFFFFFFB0];
	[tilespmem:s9+$0x20] =	vst v1  }
0x15f: {  	v1 =	vand.u32 $0xFFFF0000, v6;
	v6 =	vld [tilespmem:s23+$0x30]  }
0x160: {  	v1 =	vmul.f32 v1, v8  }
0x161: {  	v7 =	vshll.u32 v9, $0x10  }
0x162: {  	v3 =	vand.u32 $0xFFFF0000, v3;
	[tilespmem:s9+$0xFFFFFF30] =	vst v1;
	v1 =	vmul.f32 v7, v2  }
0x163: {  	v2 =	vand.u32 $0xFFFF0000, v4;
	v7 =	vld [tilespmem:s8+$0xFFFFFF20];
	v3 =	vmul.f32 v3, v5  }
0x164: {  	v8 =	vld [tilespmem:s23+$0xFFFFFF40];
	v2 =	vmul.f32 v2, v6;
	[tilespmem:s9+$0xC0] =	vst v1  }
0x165: {  	[tilespmem:s9+$0xFFFFFFB0] =	vst v3;
	v4 =	vld [tilespmem:s23+$0xD0]  }
0x166: {  	v3 =	vld [tilespmem:s8+$0xFFFFFFA0];
	[tilespmem:s9+$0x30] =	vst v2  }
0x167: {  	v2 =	vld [tilespmem:s8+$0x20]  }
0x168: {  	s25 =	simm.s32 $0x9D00;
	v5 =	vld [tilespmem:s23+$0xFFFFFFC0];
	v6 =	vshll.u32 v7, $0x10  }
0x169: {  	s26 =	simm.s32 $0x4D00;
	s19 =	simm.s32 $0x7700;
	s15 =	simm.s32 $0x0;
	v1 =	vand.u32 $0xFFFF0000, v7;
	v7 =	vmul.f32 v6, v8;
	v6 =	vld [tilespmem:s23+$0x40];
	v8 =	vand.u32 $0xFFFF0000, v9  }
.LBB2_7:
0x16a: {  	v9 =	vld [tilespmem:s19+$0x80];
	s15 =	sadd.s32 $0x4, s15;
	v4 =	vmul.f32 v8, v4;
	s23 =	sadd.s32 $0x200, s23  }
0x16b: {  	v8 =	vld [tilespmem:s23+$0x80];
	p0 =	slt.u32 s15, $0x24;
	[tilespmem:s9+$0xFFFFFF40] =	vst v7;
	v7 =	vshll.u32 v3, $0x10;
	v3 =	vand.u32 $0xFFFF0000, v3  }
0x16c: {  	v10 =	vld [tilespmem:s19+$0xFFFFFF80];
	v11 =	vshll.u32 v2, $0x10;
	v2 =	vand.u32 $0xFFFF0000, v2;
	[tilespmem:s9+$0xD0] =	vst v4  }
0x16d: {  	v4 =	vmul.f32 v7, v5;
	v5 =	vld [tilespmem:s8+$0xB0]  }
0x16e: {  	v6 =	vmul.f32 v11, v6;
	v7 =	vld [tilespmem:s26+$0xE0]  }
0x16f: {  	v11 =	vld [tilespmem:s19+$0x0];
	v12 =	vshll.u32 v9, $0x10;
	[tilespmem:s9+$0xFFFFFFC0] =	vst v4  }
0x170: {  	v4 =	vld [tilespmem:s19+$0xFFFFFF00];
	v8 =	vmul.f32 v12, v8;
	[tilespmem:s9+$0x40] =	vst v6  }
0x171: {  	s9 =	sadd.s32 $0x200, s9;
	v6 =	vld [tilespmem:s23+$0xFFFFFF00];
	v12 =	vshll.u32 v10, $0x10;
	v10 =	vand.u32 $0xFFFF0000, v10  }
0x172: {  	v13 =	vld [tilespmem:s23+$0xFFFFFF80];
	[tilespmem:s9+$0x80] =	vst v8;
	v8 =	vshll.u32 v5, $0x10  }
0x173: {  	v14 =	vld [tilespmem:s23+$0x90];
	v7 =	vmul.f32 v8, v7  }
0x174: {  	v8 =	vshll.u32 v11, $0x10;
	v11 =	vand.u32 $0xFFFF0000, v11;
	v15 =	vld [tilespmem:s23+$0x0]  }
0x175: {  	v16 =	vshll.u32 v4, $0x10;
	v4 =	vand.u32 $0xFFFF0000, v4;
	v17 =	vld [tilespmem:s26+$0xFFFFFF50];
	[tilespmem:s25+$0xE0] =	vst v7  }
0x176: {  	v6 =	vmul.f32 v16, v6;
	v7 =	vld [tilespmem:s26+$0xF0]  }
0x177: {  	v9 =	vand.u32 $0xFFFF0000, v9;
	v12 =	vmul.f32 v12, v13;
	v13 =	vld [tilespmem:s26+$0xFFFFFFD0]  }
0x178: {  	[tilespmem:s9+$0xFFFFFF00] =	vst v6;
	v6 =	vmul.f32 v9, v14;
	v9 =	vld [tilespmem:s26+$0x50]  }
0x179: {  	v14 =	vld [tilespmem:s23+$0xFFFFFF10];
	[tilespmem:s9+$0xFFFFFF80] =	vst v12;
	v8 =	vmul.f32 v8, v15  }
0x17a: {  	v5 =	vand.u32 $0xFFFF0000, v5;
	v12 =	vld [tilespmem:s23+$0xFFFFFF90];
	[tilespmem:s9+$0x90] =	vst v6;
	v1 =	vmul.f32 v1, v17  }
0x17b: {  	[tilespmem:s9+$0x0] =	vst v8;
	v6 =	vld [tilespmem:s19+$0x90];
	v5 =	vmul.f32 v5, v7  }
0x17c: {  	v7 =	vld [tilespmem:s23+$0xA0];
	[tilespmem:s25+$0xFFFFFF50] =	vst v1;
	v1 =	vmul.f32 v3, v13  }
0x17d: {  	v3 =	vld [tilespmem:s23+$0x10];
	v2 =	vmul.f32 v2, v9;
	[tilespmem:s25+$0xF0] =	vst v5  }
0x17e: {  	v4 =	vmul.f32 v4, v14;
	v5 =	vld [tilespmem:s8+$0xFFFFFF30];
	[tilespmem:s25+$0xFFFFFFD0] =	vst v1  }
0x17f: {  	v1 =	vmul.f32 v10, v12;
	v8 =	vld [tilespmem:s8+$0xFFFFFFB0];
	[tilespmem:s25+$0x50] =	vst v2  }
0x180: {  	[tilespmem:s9+$0xFFFFFF10] =	vst v4;
	v2 =	vshll.u32 v6, $0x10;
	v4 =	vld [tilespmem:s8+$0x30];
	s8 =	smov.u32 s19  }
0x181: {  	v9 =	vld [tilespmem:s19+$0xFFFFFF10];
	[tilespmem:s9+$0xFFFFFF90] =	vst v1;
	v1 =	vmul.f32 v2, v7  }
0x182: {  	v2 =	vld [tilespmem:s19+$0xFFFFFF90];
	v3 =	vmul.f32 v11, v3  }
0x183: {  	v7 =	vld [tilespmem:s23+$0xFFFFFF20];
	[tilespmem:s9+$0xA0] =	vst v1;
	v1 =	vshll.u32 v5, $0x10;
	v5 =	vand.u32 $0xFFFF0000, v5  }
0x184: {  	[tilespmem:s9+$0x10] =	vst v3;
	v3 =	vld [tilespmem:s23+$0xB0];
	v10 =	vshll.u32 v8, $0x10;
	v8 =	vand.u32 $0xFFFF0000, v8  }
0x185: {  	v11 =	vld [tilespmem:s19+$0x10];
	v12 =	vshll.u32 v4, $0x10;
	v13 =	vand.u32 $0xFFFF0000, v4  }
0x186: {  	v4 =	vshll.u32 v9, $0x10;
	v9 =	vand.u32 $0xFFFF0000, v9;
	v14 =	vld [tilespmem:s23+$0xFFFFFFA0]  }
0x187: {  	v15 =	vshll.u32 v2, $0x10;
	v2 =	vand.u32 $0xFFFF0000, v2;
	v16 =	vld [tilespmem:s23+$0x20]  }
0x188: {  	v6 =	vand.u32 $0xFFFF0000, v6;
	v4 =	vmul.f32 v4, v7;
	v7 =	vld [tilespmem:s26+$0xFFFFFF60]  }
0x189: {  	v3 =	vmul.f32 v6, v3;
	v6 =	vld [tilespmem:s26+$0xFFFFFFE0]  }
0x18a: {  	[tilespmem:s9+$0xFFFFFF20] =	vst v4;
	v4 =	vshll.u32 v11, $0x10;
	v11 =	vand.u32 $0xFFFF0000, v11;
	v17 =	vld [tilespmem:s26+$0x60]  }
0x18b: {  	v18 =	vld [tilespmem:s23+$0xFFFFFF30];
	v14 =	vmul.f32 v15, v14;
	[tilespmem:s9+$0xB0] =	vst v3  }
0x18c: {  	v3 =	vmul.f32 v4, v16;
	v15 =	vld [tilespmem:s19+$0xA0]  }
0x18d: {  	[tilespmem:s9+$0xFFFFFFA0] =	vst v14;
	v4 =	vld [tilespmem:s23+$0xC0];
	v1 =	vmul.f32 v1, v7  }
0x18e: {  	v7 =	vld [tilespmem:s23+$0xFFFFFFB0];
	[tilespmem:s9+$0x20] =	vst v3;
	v3 =	vmul.f32 v10, v6  }
0x18f: {  	v6 =	vld [tilespmem:s23+$0x30];
	[tilespmem:s25+$0xFFFFFF60] =	vst v1;
	v1 =	vmul.f32 v12, v17  }
0x190: {  	v9 =	vmul.f32 v9, v18;
	v10 =	vld [tilespmem:s26+$0xFFFFFF70];
	[tilespmem:s25+$0xFFFFFFE0] =	vst v3  }
0x191: {  	v3 =	vshll.u32 v15, $0x10;
	v12 =	vld [tilespmem:s26+$0xFFFFFFF0];
	[tilespmem:s25+$0x60] =	vst v1  }
0x192: {  	[tilespmem:s9+$0xFFFFFF30] =	vst v9;
	v1 =	vmul.f32 v3, v4;
	v9 =	vld [tilespmem:s26+$0x70];
	s26 =	smov.u32 s23  }
0x193: {  	v14 =	vld [tilespmem:s19+$0xFFFFFF20];
	v2 =	vmul.f32 v2, v7  }
0x194: {  	v7 =	vld [tilespmem:s23+$0xFFFFFF40];
	v6 =	vmul.f32 v11, v6;
	[tilespmem:s9+$0xC0] =	vst v1  }
.Ltmp4:
0x195: {  	[tilespmem:s9+$0xFFFFFFB0] =	vst v2;
	v4 =	vld [tilespmem:s23+$0xD0];
	v1 =	vmul.f32 v5, v10;
	(pc) =	sbr.rel @p0 .LBB2_7-.Ltmp4, $4  }
0x196: {  	v3 =	vld [tilespmem:s19+$0xFFFFFFA0];
	[tilespmem:s9+$0x30] =	vst v6;
	v6 =	vmul.f32 v8, v12  }
0x197: {  	v2 =	vld [tilespmem:s19+$0x20];
	[tilespmem:s25+$0xFFFFFF70] =	vst v1;
	v9 =	vmul.f32 v13, v9  }
0x198: {  	v8 =	vshll.u32 v14, $0x10;
	v1 =	vand.u32 $0xFFFF0000, v14;
	v5 =	vld [tilespmem:s23+$0xFFFFFFC0];
	[tilespmem:s25+$0xFFFFFFF0] =	vst v6  }
0x199: {  	s19 =	sadd.s32 $0x200, s19;
	v7 =	vmul.f32 v8, v7;
	v6 =	vld [tilespmem:s23+$0x40];
	v8 =	vand.u32 $0xFFFF0000, v15;
	[tilespmem:s25+$0x70] =	vst v9;
	s25 =	smov.u32 s9  }
0x19a: {  	_ =	sdelay $0x1  }
0x19b: {  	v9 =	vshll.u32 v3, $0x10  }
0x19c: {  	[tilespmem:s9+$0xFFFFFF40] =	vst v7;
	v5 =	vmul.f32 v9, v5  }
0x19d: {  	v51 =	vshll.u32 v2, $0x10;
	v52 =	vld [tilespmem:s26+$0xFFFFFF50]  }
0x19e: {  	v6 =	vmul.f32 v51, v6;
	[tilespmem:s9+$0xFFFFFFC0] =	vst v5  }
0x19f: {  	v53 =	vld [tilespmem:s26+$0xFFFFFFD0]  }
0x1a0: {  	v4 =	vmul.f32 v8, v4;
	[tilespmem:s9+$0x40] =	vst v6  }
0x1a1: {  	v54 =	vld [tilespmem:s26+$0x50]  }
0x1a2: {  	[tilespmem:s9+$0xD0] =	vst v4;
	v1 =	vmul.f32 v1, v52  }
0x1a3: {  	v3 =	vand.u32 $0xFFFF0000, v3;
	v4 =	vld [tilespmem:s8+$0xB0]  }
0x1a4: {  	v55 =	vld [tilespmem:s26+$0xE0];
	[tilespmem:s25+$0xFFFFFF50] =	vst v1;
	v3 =	vmul.f32 v3, v53  }
0x1a5: {  	v2 =	vand.u32 $0xFFFF0000, v2;
	v56 =	vld [tilespmem:s26+$0xFFFFFF60]  }
0x1a6: {  	v1 =	vmul.f32 v2, v54;
	v2 =	vld [tilespmem:s8+$0xFFFFFF30];
	[tilespmem:s25+$0xFFFFFFD0] =	vst v3  }
0x1a7: {  	v3 =	vld [tilespmem:s8+$0xFFFFFFB0]  }
0x1a8: {  	[tilespmem:s25+$0x50] =	vst v1;
	v57 =	vld [tilespmem:s26+$0xFFFFFFE0]  }
0x1a9: {  	v1 =	vld [tilespmem:s8+$0x30]  }
0x1aa: {  	v58 =	vld [tilespmem:s26+$0x60]  }
0x1ab: {  	v59 =	vshll.u32 v4, $0x10  }
0x1ac: {  	v5 =	vmul.f32 v59, v55;
	v60 =	vshll.u32 v2, $0x10  }
0x1ad: {  	v6 =	vmul.f32 v60, v56;
	v61 =	vshll.u32 v3, $0x10  }
0x1ae: {  	[tilespmem:s25+$0xE0] =	vst v5;
	v62 =	vshll.u32 v1, $0x10;
	v7 =	vmul.f32 v61, v57  }
0x1af: {  	v63 =	vld [tilespmem:s26+$0xF0];
	[tilespmem:s25+$0xFFFFFF60] =	vst v6;
	v5 =	vmul.f32 v62, v58  }
0x1b0: {  	v6 =	vld [tilespmem:s26+$0xFFFFFF70];
	[tilespmem:s25+$0xFFFFFFE0] =	vst v7  }
0x1b1: {  	v7 =	vld [tilespmem:s26+$0xFFFFFFF0];
	[tilespmem:s25+$0x60] =	vst v5  }
0x1b2: {  	v5 =	vld [tilespmem:s26+$0x70]  }
0x1b3: {  	v4 =	vand.u32 $0xFFFF0000, v4  }
0x1b4: {  	v4 =	vmul.f32 v4, v63;
	v2 =	vand.u32 $0xFFFF0000, v2  }
0x1b5: {  	v3 =	vand.u32 $0xFFFF0000, v3;
	v2 =	vmul.f32 v2, v6  }
.Ltmp5:
0x1b6: {  	[tilespmem:s25+$0xF0] =	vst v4;
	v1 =	vand.u32 $0xFFFF0000, v1;
	v3 =	vmul.f32 v3, v7;
	(pc) =	sbr.rel @p1 .LBB2_10-.Ltmp5, $4  }
0x1b7: {  	[tilespmem:s25+$0xFFFFFF70] =	vst v2;
	v1 =	vmul.f32 v1, v5  }
0x1b8: {  	[tilespmem:s25+$0xFFFFFFF0] =	vst v3  }
0x1b9: {  	s7 =	sadd.s32 $0x1C80, s7;
	[tilespmem:s25+$0x70] =	vst v1  }
0x1ba: {  	[spmem:s2] =	stream.indirect.scatter.add.f32 [tilespmem:s21], [sflag:$0x6], $0x80, s7, s3, $0xb8;
	[tilespmem:$0x1F000] =	vst v63  }
0x1bb: {  	s0 =	sadd.s32 $0x3, s0  }
0x1bc: {  	s7 =	sshll.u32 s0, $0x7  }
0x1bd: {  	s0 =	smul.u32 $0x1400, s0;
	s7 =	sand.u32 $0x3FFFFF80, s7  }
0x1be: {  	[tilespmem:s10], [sflag:$0x2] =	stream.indirect.gather [hbm4b:s1+s3], $0x80, s7, s3, $0xb8;
	[tilespmem:$0x1F000] =	vst v63  }
.Ltmp6:
0x1bf: {  	_ = 	snop;
	(pc) =	sbr.rel .LBB2_4-.Ltmp6, $4  }
0x1c0: {  	s0 =	sadd.s32 s11, s0  }
0x1c1: {  	s0 =	sshrl.u32 s0, $0x3  }
0x1c2: {  	s6 =	sadd.s32 $0x1, s6;
	s0 =	sadd.s32 s5, s0  }
0x1c3: {  	[tilespmem:s12], [sflag:$0x4] =	stream.linear.gather [hbm4b:s0+s4], $0x1400, $0x38;
	[tilespmem:$0x1F000] =	vst v63  }
.LBB2_10:
0x1c4: {  	s0 =	simm.s32 $0x5  }
0x1c5: {  	_ =	swait.ge [sflag:s0], $0x1400  }
0x1c6: {  	[sflag:s0] =	ssyncset.done $0x0  }
0x1c7: {  	s7 =	simm.s32 $0x6;
	[sflag:s0] =	ssyncadd.s32 $0xFFFFEC00  }
0x1c8: {  	_ =	swait.ge [sflag:s7], $0x1400  }
0x1c9: {  	[sflag:s7] =	ssyncset.done $0x0  }
0x1ca: {  	s6 =	simm.s32 $0x0;
	s8 =	rddreg [dreg:$0xb];
	[sflag:s7] =	ssyncadd.s32 $0xFFFFEC00  }
0x1cb: {  	[tilespmem:s6], [sflag:$0x7] =	stream.linear.gather [hbm4b:s8+s6], $0x1900, $0x38;
	[tilespmem:$0x1F000] =	vst v63  }
0x1cc: {  	_ =	swait.ge [sflag:s31], $0x1900  }
0x1cd: {  	[sflag:s31] =	ssyncset.done $0x0  }
0x1ce: {  	s7 =	simm.s32 $0x1C00;
	s9 =	rddreg [dreg:$0xc];
	[sflag:s31] =	ssyncadd.s32 $0xFFFFE700  }
0x1cf: {  	[tilespmem:s7], [sflag:$0x7] =	stream.linear.gather [hbm4b:s9+s6], $0x1900, $0x38;
	[tilespmem:$0x1F000] =	vst v63  }
0x1d0: {  	_ =	swait.ge [sflag:s31], $0x1900  }
0x1d1: {  	[sflag:s31] =	ssyncset.done $0x0  }
0x1d2: {  	s15 =	simm.s32 $0x3800;
	s19 =	sld [smem:$0x7F4];
	[sflag:s31] =	ssyncadd.s32 $0xFFFFE700  }
0x1d3: {  	[tilespmem:s15], [sflag:$0x1] =	stream.indirect.gather [hbm4b:s1+s3], $0x80, s6, s3, $0xb8;
	[tilespmem:$0x1F000] =	vst v63  }
0x1d4: {  	s23 =	simm.s32 $0x6000  }
0x1d5: {  	[tilespmem:s23], [sflag:$0x3] =	stream.linear.gather [hbm4b:s19+s6], $0x1400, $0x38;
	[tilespmem:$0x1F000] =	vst v63  }
0x1d6: {  	s25 =	simm.s32 $0x80;
	s26 =	sld [smem:$0x7F5]  }
0x1d7: {  	[tilespmem:s10], [sflag:$0x2] =	stream.indirect.gather [hbm4b:s1+s3], $0x80, s25, s3, $0xb8;
	[tilespmem:$0x1F000] =	vst v63  }
0x1d8: {  	_ = 	snop  }
0x1d9: {  	[tilespmem:s12], [sflag:$0x4] =	stream.linear.gather [hbm4b:s26+s6], $0x1400, $0x38;
	[tilespmem:$0x1F000] =	vst v63  }
0x1da: {  	s26 =	sld [smem:$0x7FD]  }
.LBB2_11:
0x1db: {  	_ =	swait.ge [sflag:s13], $0x1400  }
0x1dc: {  	[sflag:s13] =	ssyncset.done $0x0  }
0x1dd: {  	[sflag:s13] =	ssyncadd.s32 $0xFFFFEC00  }
0x1de: {  	_ =	swait.ge [sflag:s16], $0x1400  }
0x1df: {  	p0 =	seq.s32 s6, $0x0;
	[sflag:s16] =	ssyncset.done $0x0  }
0x1e0: {  	s0 =	simm.s32 @!p0 $0x5;
	[sflag:s16] =	ssyncadd.s32 $0xFFFFEC00  }
0x1e1: {  	_ =	swait.ge @!p0 [sflag:s0], $0x1400  }
0x1e2: {  	[sflag:s0] =	ssyncset.done @!p0 $0x0  }
0x1e3: {  	[sflag:s0] =	ssyncadd.s32 @!p0 $0xFFFFEC00;
	s0 =	simm.s32 $0x6100  }
0x1e4: {  	s8 =	simm.s32 $0x3900;
	v1 =	vld [tilespmem:s0+$0x80]  }
0x1e5: {  	v2 =	vld [tilespmem:s8+$0x80];
	_ =	sdelay $0x2  }
0x1e6: {  	v3 =	vld [tilespmem:s0+$0xFFFFFF80]  }
0x1e7: {  	v5 =	vld [tilespmem:s0+$0xFFFFFF00];
	v4 =	vshll.u32 v1, $0x10  }
0x1e8: {  	v6 =	vld [tilespmem:s8+$0xFFFFFF80];
	v2 =	vmul.f32 v4, v2  }
0x1e9: {  	s7 =	simm.s32 $0x8900;
	v4 =	vld [tilespmem:s8+$0xFFFFFF00]  }
0x1ea: {  	[tilespmem:s7+$0x80] =	vst v2  }
0x1eb: {  	v2 =	vld [tilespmem:s8+$0x90]  }
0x1ec: {  	v7 =	vld [tilespmem:s0+$0x0];
	v10 =	vshll.u32 v3, $0x10  }
0x1ed: {  	v8 =	vld [tilespmem:s8+$0x0];
	v9 =	vshll.u32 v5, $0x10;
	v6 =	vmul.f32 v10, v6  }
0x1ee: {  	v4 =	vmul.f32 v9, v4  }
0x1ef: {  	v1 =	vand.u32 $0xFFFF0000, v1;
	[tilespmem:s7+$0xFFFFFF80] =	vst v6  }
0x1f0: {  	v6 =	vld [tilespmem:s8+$0xFFFFFF90];
	[tilespmem:s7+$0xFFFFFF00] =	vst v4;
	v1 =	vmul.f32 v1, v2  }
0x1f1: {  	v2 =	vshll.u32 v7, $0x10;
	v4 =	vld [tilespmem:s8+$0xFFFFFF10]  }
0x1f2: {  	v2 =	vmul.f32 v2, v8;
	[tilespmem:s7+$0x90] =	vst v1  }
0x1f3: {  	v1 =	vld [tilespmem:s0+$0x90]  }
0x1f4: {  	v3 =	vand.u32 $0xFFFF0000, v3;
	[tilespmem:s7+$0x0] =	vst v2;
	v2 =	vld [tilespmem:s8+$0xA0]  }
0x1f5: {  	v5 =	vand.u32 $0xFFFF0000, v5;
	v3 =	vmul.f32 v3, v6  }
0x1f6: {  	v8 =	vld [tilespmem:s8+$0x10];
	v4 =	vmul.f32 v5, v4  }
0x1f7: {  	[tilespmem:s7+$0xFFFFFF90] =	vst v3  }
0x1f8: {  	[tilespmem:s7+$0xFFFFFF10] =	vst v4;
	v4 =	vshll.u32 v1, $0x10  }
0x1f9: {  	v3 =	vld [tilespmem:s0+$0xFFFFFF90];
	v2 =	vmul.f32 v4, v2  }
0x1fa: {  	v5 =	vand.u32 $0xFFFF0000, v7;
	v6 =	vld [tilespmem:s0+$0xFFFFFF10]  }
0x1fb: {  	v4 =	vmul.f32 v5, v8;
	v5 =	vld [tilespmem:s8+$0xFFFFFF20];
	[tilespmem:s7+$0xA0] =	vst v2  }
0x1fc: {  	v2 =	vld [tilespmem:s8+$0xB0]  }
0x1fd: {  	v7 =	vld [tilespmem:s8+$0xFFFFFFA0];
	[tilespmem:s7+$0x10] =	vst v4  }
0x1fe: {  	v4 =	vld [tilespmem:s0+$0x10]  }
0x1ff: {  	v9 =	vld [tilespmem:s8+$0x20];
	v8 =	vshll.u32 v6, $0x10  }
0x200: {  	v1 =	vand.u32 $0xFFFF0000, v1;
	v5 =	vmul.f32 v8, v5  }
0x201: {  	v1 =	vmul.f32 v1, v2  }
0x202: {  	[tilespmem:s7+$0xFFFFFF20] =	vst v5;
	v2 =	vshll.u32 v3, $0x10  }
0x203: {  	v5 =	vshll.u32 v4, $0x10;
	v8 =	vld [tilespmem:s8+$0xFFFFFF30];
	v2 =	vmul.f32 v2, v7;
	[tilespmem:s7+$0xB0] =	vst v1  }
0x204: {  	v1 =	vmul.f32 v5, v9;
	v9 =	vld [tilespmem:s0+$0xA0]  }
0x205: {  	[tilespmem:s7+$0xFFFFFFA0] =	vst v2;
	v2 =	vld [tilespmem:s8+$0xC0]  }
0x206: {  	v5 =	vld [tilespmem:s8+$0xFFFFFFB0];
	[tilespmem:s7+$0x20] =	vst v1  }
0x207: {  	v1 =	vand.u32 $0xFFFF0000, v6;
	v6 =	vld [tilespmem:s8+$0x30]  }
0x208: {  	v1 =	vmul.f32 v1, v8  }
0x209: {  	v7 =	vshll.u32 v9, $0x10  }
0x20a: {  	v3 =	vand.u32 $0xFFFF0000, v3;
	[tilespmem:s7+$0xFFFFFF30] =	vst v1;
	v1 =	vmul.f32 v7, v2  }
0x20b: {  	v2 =	vand.u32 $0xFFFF0000, v4;
	v7 =	vld [tilespmem:s0+$0xFFFFFF20];
	v3 =	vmul.f32 v3, v5  }
0x20c: {  	v8 =	vld [tilespmem:s8+$0xFFFFFF40];
	v2 =	vmul.f32 v2, v6;
	[tilespmem:s7+$0xC0] =	vst v1  }
0x20d: {  	[tilespmem:s7+$0xFFFFFFB0] =	vst v3;
	v4 =	vld [tilespmem:s8+$0xD0]  }
0x20e: {  	v3 =	vld [tilespmem:s0+$0xFFFFFFA0];
	[tilespmem:s7+$0x30] =	vst v2  }
0x20f: {  	v2 =	vld [tilespmem:s0+$0x20]  }
0x210: {  	s9 =	sshll.u32 s6, $0xA;
	s15 =	simm.s32 $0x0;
	v5 =	vld [tilespmem:s8+$0xFFFFFFC0];
	v6 =	vshll.u32 v7, $0x10  }
0x211: {  	s19 =	simm.s32 $0x6300;
	s25 =	simm.s32 $0x3900;
	s23 =	simm.s32 $0x8900;
	v1 =	vand.u32 $0xFFFF0000, v7;
	v7 =	vmul.f32 v6, v8;
	v6 =	vld [tilespmem:s8+$0x40];
	v8 =	vand.u32 $0xFFFF0000, v9  }
.LBB2_12:
0x212: {  	v9 =	vld [tilespmem:s19+$0x80];
	s15 =	sadd.s32 $0x4, s15;
	v4 =	vmul.f32 v8, v4;
	s8 =	sadd.s32 $0x200, s8  }
0x213: {  	v8 =	vld [tilespmem:s8+$0x80];
	p1 =	slt.u32 s15, $0x24;
	[tilespmem:s7+$0xFFFFFF40] =	vst v7;
	v7 =	vshll.u32 v3, $0x10;
	v3 =	vand.u32 $0xFFFF0000, v3  }
0x214: {  	v10 =	vld [tilespmem:s19+$0xFFFFFF80];
	v11 =	vshll.u32 v2, $0x10;
	v2 =	vand.u32 $0xFFFF0000, v2;
	[tilespmem:s7+$0xD0] =	vst v4  }
0x215: {  	v4 =	vmul.f32 v7, v5;
	v5 =	vld [tilespmem:s0+$0xB0]  }
0x216: {  	v6 =	vmul.f32 v11, v6;
	v7 =	vld [tilespmem:s25+$0xE0]  }
0x217: {  	v11 =	vld [tilespmem:s19+$0x0];
	v12 =	vshll.u32 v9, $0x10;
	[tilespmem:s7+$0xFFFFFFC0] =	vst v4  }
0x218: {  	v4 =	vld [tilespmem:s19+$0xFFFFFF00];
	v8 =	vmul.f32 v12, v8;
	[tilespmem:s7+$0x40] =	vst v6  }
0x219: {  	s7 =	sadd.s32 $0x200, s7;
	v6 =	vld [tilespmem:s8+$0xFFFFFF00];
	v12 =	vshll.u32 v10, $0x10;
	v10 =	vand.u32 $0xFFFF0000, v10  }
0x21a: {  	v13 =	vld [tilespmem:s8+$0xFFFFFF80];
	[tilespmem:s7+$0x80] =	vst v8;
	v8 =	vshll.u32 v5, $0x10  }
0x21b: {  	v14 =	vld [tilespmem:s8+$0x90];
	v7 =	vmul.f32 v8, v7  }
0x21c: {  	v8 =	vshll.u32 v11, $0x10;
	v11 =	vand.u32 $0xFFFF0000, v11;
	v15 =	vld [tilespmem:s8+$0x0]  }
0x21d: {  	v16 =	vshll.u32 v4, $0x10;
	v4 =	vand.u32 $0xFFFF0000, v4;
	v17 =	vld [tilespmem:s25+$0xFFFFFF50];
	[tilespmem:s23+$0xE0] =	vst v7  }
0x21e: {  	v6 =	vmul.f32 v16, v6;
	v7 =	vld [tilespmem:s25+$0xF0]  }
0x21f: {  	v9 =	vand.u32 $0xFFFF0000, v9;
	v12 =	vmul.f32 v12, v13;
	v13 =	vld [tilespmem:s25+$0xFFFFFFD0]  }
0x220: {  	[tilespmem:s7+$0xFFFFFF00] =	vst v6;
	v6 =	vmul.f32 v9, v14;
	v9 =	vld [tilespmem:s25+$0x50]  }
0x221: {  	v14 =	vld [tilespmem:s8+$0xFFFFFF10];
	[tilespmem:s7+$0xFFFFFF80] =	vst v12;
	v8 =	vmul.f32 v8, v15  }
0x222: {  	v5 =	vand.u32 $0xFFFF0000, v5;
	v12 =	vld [tilespmem:s8+$0xFFFFFF90];
	[tilespmem:s7+$0x90] =	vst v6;
	v1 =	vmul.f32 v1, v17  }
0x223: {  	[tilespmem:s7+$0x0] =	vst v8;
	v6 =	vld [tilespmem:s19+$0x90];
	v5 =	vmul.f32 v5, v7  }
0x224: {  	v7 =	vld [tilespmem:s8+$0xA0];
	[tilespmem:s23+$0xFFFFFF50] =	vst v1;
	v1 =	vmul.f32 v3, v13  }
0x225: {  	v3 =	vld [tilespmem:s8+$0x10];
	v2 =	vmul.f32 v2, v9;
	[tilespmem:s23+$0xF0] =	vst v5  }
0x226: {  	v4 =	vmul.f32 v4, v14;
	v5 =	vld [tilespmem:s0+$0xFFFFFF30];
	[tilespmem:s23+$0xFFFFFFD0] =	vst v1  }
0x227: {  	v1 =	vmul.f32 v10, v12;
	v8 =	vld [tilespmem:s0+$0xFFFFFFB0];
	[tilespmem:s23+$0x50] =	vst v2  }
0x228: {  	[tilespmem:s7+$0xFFFFFF10] =	vst v4;
	v2 =	vshll.u32 v6, $0x10;
	v4 =	vld [tilespmem:s0+$0x30];
	s0 =	smov.u32 s19  }
0x229: {  	v9 =	vld [tilespmem:s19+$0xFFFFFF10];
	[tilespmem:s7+$0xFFFFFF90] =	vst v1;
	v1 =	vmul.f32 v2, v7  }
0x22a: {  	v2 =	vld [tilespmem:s19+$0xFFFFFF90];
	v3 =	vmul.f32 v11, v3  }
0x22b: {  	v7 =	vld [tilespmem:s8+$0xFFFFFF20];
	[tilespmem:s7+$0xA0] =	vst v1;
	v1 =	vshll.u32 v5, $0x10;
	v5 =	vand.u32 $0xFFFF0000, v5  }
0x22c: {  	[tilespmem:s7+$0x10] =	vst v3;
	v3 =	vld [tilespmem:s8+$0xB0];
	v10 =	vshll.u32 v8, $0x10;
	v8 =	vand.u32 $0xFFFF0000, v8  }
0x22d: {  	v11 =	vld [tilespmem:s19+$0x10];
	v12 =	vshll.u32 v4, $0x10;
	v13 =	vand.u32 $0xFFFF0000, v4  }
0x22e: {  	v4 =	vshll.u32 v9, $0x10;
	v9 =	vand.u32 $0xFFFF0000, v9;
	v14 =	vld [tilespmem:s8+$0xFFFFFFA0]  }
0x22f: {  	v15 =	vshll.u32 v2, $0x10;
	v2 =	vand.u32 $0xFFFF0000, v2;
	v16 =	vld [tilespmem:s8+$0x20]  }
0x230: {  	v6 =	vand.u32 $0xFFFF0000, v6;
	v4 =	vmul.f32 v4, v7;
	v7 =	vld [tilespmem:s25+$0xFFFFFF60]  }
0x231: {  	v3 =	vmul.f32 v6, v3;
	v6 =	vld [tilespmem:s25+$0xFFFFFFE0]  }
0x232: {  	[tilespmem:s7+$0xFFFFFF20] =	vst v4;
	v4 =	vshll.u32 v11, $0x10;
	v11 =	vand.u32 $0xFFFF0000, v11;
	v17 =	vld [tilespmem:s25+$0x60]  }
0x233: {  	v18 =	vld [tilespmem:s8+$0xFFFFFF30];
	v14 =	vmul.f32 v15, v14;
	[tilespmem:s7+$0xB0] =	vst v3  }
0x234: {  	v3 =	vmul.f32 v4, v16;
	v15 =	vld [tilespmem:s19+$0xA0]  }
0x235: {  	[tilespmem:s7+$0xFFFFFFA0] =	vst v14;
	v4 =	vld [tilespmem:s8+$0xC0];
	v1 =	vmul.f32 v1, v7  }
0x236: {  	v7 =	vld [tilespmem:s8+$0xFFFFFFB0];
	[tilespmem:s7+$0x20] =	vst v3;
	v3 =	vmul.f32 v10, v6  }
0x237: {  	v6 =	vld [tilespmem:s8+$0x30];
	[tilespmem:s23+$0xFFFFFF60] =	vst v1;
	v1 =	vmul.f32 v12, v17  }
0x238: {  	v9 =	vmul.f32 v9, v18;
	v10 =	vld [tilespmem:s25+$0xFFFFFF70];
	[tilespmem:s23+$0xFFFFFFE0] =	vst v3  }
0x239: {  	v3 =	vshll.u32 v15, $0x10;
	v12 =	vld [tilespmem:s25+$0xFFFFFFF0];
	[tilespmem:s23+$0x60] =	vst v1  }
0x23a: {  	[tilespmem:s7+$0xFFFFFF30] =	vst v9;
	v1 =	vmul.f32 v3, v4;
	v9 =	vld [tilespmem:s25+$0x70];
	s25 =	smov.u32 s8  }
0x23b: {  	v14 =	vld [tilespmem:s19+$0xFFFFFF20];
	v2 =	vmul.f32 v2, v7  }
0x23c: {  	v7 =	vld [tilespmem:s8+$0xFFFFFF40];
	v6 =	vmul.f32 v11, v6;
	[tilespmem:s7+$0xC0] =	vst v1  }
.Ltmp7:
0x23d: {  	[tilespmem:s7+$0xFFFFFFB0] =	vst v2;
	v4 =	vld [tilespmem:s8+$0xD0];
	v1 =	vmul.f32 v5, v10;
	(pc) =	sbr.rel @p1 .LBB2_12-.Ltmp7, $4  }
0x23e: {  	v3 =	vld [tilespmem:s19+$0xFFFFFFA0];
	[tilespmem:s7+$0x30] =	vst v6;
	v6 =	vmul.f32 v8, v12  }
0x23f: {  	v2 =	vld [tilespmem:s19+$0x20];
	[tilespmem:s23+$0xFFFFFF70] =	vst v1;
	v9 =	vmul.f32 v13, v9  }
0x240: {  	v8 =	vshll.u32 v14, $0x10;
	v1 =	vand.u32 $0xFFFF0000, v14;
	v5 =	vld [tilespmem:s8+$0xFFFFFFC0];
	[tilespmem:s23+$0xFFFFFFF0] =	vst v6  }
0x241: {  	s19 =	sadd.s32 $0x200, s19;
	v7 =	vmul.f32 v8, v7;
	v6 =	vld [tilespmem:s8+$0x40];
	v8 =	vand.u32 $0xFFFF0000, v15;
	[tilespmem:s23+$0x70] =	vst v9;
	s23 =	smov.u32 s7  }
0x242: {  	_ =	sdelay $0x1  }
0x243: {  	v9 =	vshll.u32 v3, $0x10  }
0x244: {  	v5 =	vmul.f32 v9, v5  }
0x245: {  	[tilespmem:s7+$0xFFFFFF40] =	vst v7;
	v10 =	vshll.u32 v2, $0x10  }
0x246: {  	v6 =	vmul.f32 v10, v6;
	[tilespmem:s7+$0xFFFFFFC0] =	vst v5;
	v5 =	vld [tilespmem:s25+$0xFFFFFF50];
	_ =	sdelay $0x1  }
0x247: {  	[tilespmem:s7+$0x40] =	vst v6;
	v6 =	vld [tilespmem:s25+$0xFFFFFFD0]  }
0x248: {  	v4 =	vmul.f32 v8, v4;
	v7 =	vld [tilespmem:s25+$0x50];
	_ =	sdelay $0x1  }
0x249: {  	[tilespmem:s7+$0xD0] =	vst v4;
	v1 =	vmul.f32 v1, v5  }
0x24a: {  	v3 =	vand.u32 $0xFFFF0000, v3;
	v4 =	vld [tilespmem:s0+$0xB0]  }
0x24b: {  	v2 =	vand.u32 $0xFFFF0000, v2;
	v5 =	vld [tilespmem:s25+$0xE0];
	v3 =	vmul.f32 v3, v6;
	[tilespmem:s23+$0xFFFFFF50] =	vst v1  }
0x24c: {  	v1 =	vmul.f32 v2, v7;
	v2 =	vld [tilespmem:s0+$0xFFFFFF30]  }
0x24d: {  	[tilespmem:s23+$0xFFFFFFD0] =	vst v3;
	v6 =	vld [tilespmem:s25+$0xFFFFFF60]  }
0x24e: {  	v3 =	vld [tilespmem:s0+$0xFFFFFFB0]  }
0x24f: {  	[tilespmem:s23+$0x50] =	vst v1;
	v7 =	vld [tilespmem:s25+$0xFFFFFFE0]  }
0x250: {  	v1 =	vld [tilespmem:s0+$0x30]  }
0x251: {  	v8 =	vld [tilespmem:s25+$0x60]  }
0x252: {  	v9 =	vshll.u32 v4, $0x10  }
0x253: {  	v5 =	vmul.f32 v9, v5;
	v9 =	vshll.u32 v2, $0x10  }
0x254: {  	v10 =	vshll.u32 v3, $0x10;
	v6 =	vmul.f32 v9, v6  }
0x255: {  	[tilespmem:s23+$0xE0] =	vst v5;
	v5 =	vshll.u32 v1, $0x10;
	v7 =	vmul.f32 v10, v7  }
0x256: {  	v9 =	vld [tilespmem:s25+$0xF0];
	[tilespmem:s23+$0xFFFFFF60] =	vst v6;
	v5 =	vmul.f32 v5, v8  }
0x257: {  	v6 =	vld [tilespmem:s25+$0xFFFFFF70];
	[tilespmem:s23+$0xFFFFFFE0] =	vst v7  }
0x258: {  	v7 =	vld [tilespmem:s25+$0xFFFFFFF0];
	[tilespmem:s23+$0x60] =	vst v5  }
0x259: {  	v5 =	vld [tilespmem:s25+$0x70]  }
0x25a: {  	v4 =	vand.u32 $0xFFFF0000, v4  }
0x25b: {  	v2 =	vand.u32 $0xFFFF0000, v2;
	v4 =	vmul.f32 v4, v9  }
0x25c: {  	v3 =	vand.u32 $0xFFFF0000, v3;
	v2 =	vmul.f32 v2, v6  }
0x25d: {  	v1 =	vand.u32 $0xFFFF0000, v1;
	[tilespmem:s23+$0xF0] =	vst v4;
	v3 =	vmul.f32 v3, v7  }
0x25e: {  	[tilespmem:s23+$0xFFFFFF70] =	vst v2;
	v1 =	vmul.f32 v1, v5  }
0x25f: {  	p1 =	seq.s32 s6, $0x18;
	s0 =	sshrl.u32 s9, $0x2;
	[tilespmem:s23+$0xFFFFFFF0] =	vst v3  }
0x260: {  	s8 =	simm.s32 @!p1 $0x28;
	s7 =	sshrl.u32 @!p1 s9, $0x2;
	s25 =	sadd.s32 $0x1C00, s0;
	[tilespmem:s23+$0x70] =	vst v1  }
0x261: {  	[spmem:s2] =	stream.indirect.scatter.add.f32 [tilespmem:s30], [sflag:$0x5], $0x80, s25, s3, $0xb8;
	[tilespmem:$0x1F000] =	vst v63  }
0x262: {  	s15 =	smul.u32 @!p1 $0x2800, s6;
	s7 =	sadd.s32 @!p1 $0x100, s7;
	s9 =	simm.s32 @!p1 $0x3800  }
0x263: {  	[tilespmem:s9], [sflag:$0x1] =	stream.indirect.gather @!p1 [hbm4b:s1+s8], $0x80, s7, s8, $0xb8;
	[tilespmem:$0x1F000] =	vst v63  }
0x264: {  	s7 =	sadd.s32 @!p1 s15, s14  }
0x265: {  	s7 =	sshrl.u32 @!p1 s7, $0x3  }
0x266: {  	s8 =	simm.s32 @!p1 $0x0;
	s9 =	simm.s32 @!p1 $0x6000;
	s7 =	sadd.s32 @!p1 s5, s7  }
0x267: {  	[tilespmem:s9], [sflag:$0x3] =	stream.linear.gather @!p1 [hbm4b:s7+s8], $0x1400, $0x38;
	[tilespmem:$0x1F000] =	vst v63  }
0x268: {  	_ =	swait.ge [sflag:s17], $0x1400  }
0x269: {  	[sflag:s17] =	ssyncset.done $0x0  }
0x26a: {  	[sflag:s17] =	ssyncadd.s32 $0xFFFFEC00  }
0x26b: {  	_ =	swait.ge [sflag:s20], $0x1400  }
0x26c: {  	[sflag:s20] =	ssyncset.done $0x0  }
0x26d: {  	s7 =	simm.s32 @!p0 $0x6;
	[sflag:s20] =	ssyncadd.s32 $0xFFFFEC00  }
0x26e: {  	_ =	swait.ge @!p0 [sflag:s7], $0x1400  }
0x26f: {  	[sflag:s7] =	ssyncset.done @!p0 $0x0  }
0x270: {  	[sflag:s7] =	ssyncadd.s32 @!p0 $0xFFFFEC00;
	s7 =	simm.s32 $0x7500  }
0x271: {  	s9 =	simm.s32 $0x4D00;
	v1 =	vld [tilespmem:s7+$0x80]  }
0x272: {  	v2 =	vld [tilespmem:s9+$0x80];
	_ =	sdelay $0x2  }
0x273: {  	v3 =	vld [tilespmem:s7+$0xFFFFFF80]  }
0x274: {  	v5 =	vld [tilespmem:s7+$0xFFFFFF00];
	v4 =	vshll.u32 v1, $0x10  }
0x275: {  	v6 =	vld [tilespmem:s9+$0xFFFFFF80];
	v2 =	vmul.f32 v4, v2  }
0x276: {  	s8 =	simm.s32 $0x9D00;
	v4 =	vld [tilespmem:s9+$0xFFFFFF00]  }
0x277: {  	[tilespmem:s8+$0x80] =	vst v2  }
0x278: {  	v2 =	vld [tilespmem:s9+$0x90]  }
0x279: {  	v7 =	vld [tilespmem:s7+$0x0];
	v10 =	vshll.u32 v3, $0x10  }
0x27a: {  	v8 =	vld [tilespmem:s9+$0x0];
	v9 =	vshll.u32 v5, $0x10;
	v6 =	vmul.f32 v10, v6  }
0x27b: {  	v4 =	vmul.f32 v9, v4  }
0x27c: {  	v1 =	vand.u32 $0xFFFF0000, v1;
	[tilespmem:s8+$0xFFFFFF80] =	vst v6  }
0x27d: {  	v6 =	vld [tilespmem:s9+$0xFFFFFF90];
	[tilespmem:s8+$0xFFFFFF00] =	vst v4;
	v1 =	vmul.f32 v1, v2  }
0x27e: {  	v2 =	vshll.u32 v7, $0x10;
	v4 =	vld [tilespmem:s9+$0xFFFFFF10]  }
0x27f: {  	v2 =	vmul.f32 v2, v8;
	[tilespmem:s8+$0x90] =	vst v1  }
0x280: {  	v1 =	vld [tilespmem:s7+$0x90]  }
0x281: {  	v3 =	vand.u32 $0xFFFF0000, v3;
	[tilespmem:s8+$0x0] =	vst v2;
	v2 =	vld [tilespmem:s9+$0xA0]  }
0x282: {  	v5 =	vand.u32 $0xFFFF0000, v5;
	v3 =	vmul.f32 v3, v6  }
0x283: {  	v8 =	vld [tilespmem:s9+$0x10];
	v4 =	vmul.f32 v5, v4  }
0x284: {  	[tilespmem:s8+$0xFFFFFF90] =	vst v3  }
0x285: {  	[tilespmem:s8+$0xFFFFFF10] =	vst v4;
	v4 =	vshll.u32 v1, $0x10  }
0x286: {  	v3 =	vld [tilespmem:s7+$0xFFFFFF90];
	v2 =	vmul.f32 v4, v2  }
0x287: {  	v5 =	vand.u32 $0xFFFF0000, v7;
	v6 =	vld [tilespmem:s7+$0xFFFFFF10]  }
0x288: {  	v4 =	vmul.f32 v5, v8;
	v5 =	vld [tilespmem:s9+$0xFFFFFF20];
	[tilespmem:s8+$0xA0] =	vst v2  }
0x289: {  	v2 =	vld [tilespmem:s9+$0xB0]  }
0x28a: {  	v7 =	vld [tilespmem:s9+$0xFFFFFFA0];
	[tilespmem:s8+$0x10] =	vst v4  }
0x28b: {  	v4 =	vld [tilespmem:s7+$0x10]  }
0x28c: {  	v9 =	vld [tilespmem:s9+$0x20];
	v8 =	vshll.u32 v6, $0x10  }
0x28d: {  	v1 =	vand.u32 $0xFFFF0000, v1;
	v5 =	vmul.f32 v8, v5  }
0x28e: {  	v1 =	vmul.f32 v1, v2  }
0x28f: {  	[tilespmem:s8+$0xFFFFFF20] =	vst v5;
	v2 =	vshll.u32 v3, $0x10  }
0x290: {  	v5 =	vshll.u32 v4, $0x10;
	v8 =	vld [tilespmem:s9+$0xFFFFFF30];
	v2 =	vmul.f32 v2, v7;
	[tilespmem:s8+$0xB0] =	vst v1  }
0x291: {  	v1 =	vmul.f32 v5, v9;
	v9 =	vld [tilespmem:s7+$0xA0]  }
0x292: {  	[tilespmem:s8+$0xFFFFFFA0] =	vst v2;
	v2 =	vld [tilespmem:s9+$0xC0]  }
0x293: {  	v5 =	vld [tilespmem:s9+$0xFFFFFFB0];
	[tilespmem:s8+$0x20] =	vst v1  }
0x294: {  	v1 =	vand.u32 $0xFFFF0000, v6;
	v6 =	vld [tilespmem:s9+$0x30]  }
0x295: {  	v1 =	vmul.f32 v1, v8  }
0x296: {  	v7 =	vshll.u32 v9, $0x10  }
0x297: {  	v3 =	vand.u32 $0xFFFF0000, v3;
	[tilespmem:s8+$0xFFFFFF30] =	vst v1;
	v1 =	vmul.f32 v7, v2  }
0x298: {  	v2 =	vand.u32 $0xFFFF0000, v4;
	v7 =	vld [tilespmem:s7+$0xFFFFFF20];
	v3 =	vmul.f32 v3, v5  }
0x299: {  	v8 =	vld [tilespmem:s9+$0xFFFFFF40];
	v2 =	vmul.f32 v2, v6;
	[tilespmem:s8+$0xC0] =	vst v1  }
0x29a: {  	[tilespmem:s8+$0xFFFFFFB0] =	vst v3;
	v4 =	vld [tilespmem:s9+$0xD0]  }
0x29b: {  	v3 =	vld [tilespmem:s7+$0xFFFFFFA0];
	[tilespmem:s8+$0x30] =	vst v2  }
0x29c: {  	v2 =	vld [tilespmem:s7+$0x20]  }
0x29d: {  	s19 =	simm.s32 $0x7700;
	v5 =	vld [tilespmem:s9+$0xFFFFFFC0];
	v6 =	vshll.u32 v7, $0x10  }
0x29e: {  	s23 =	simm.s32 $0x9D00;
	s25 =	simm.s32 $0x4D00;
	s15 =	simm.s32 $0x0;
	v1 =	vand.u32 $0xFFFF0000, v7;
	v7 =	vmul.f32 v6, v8;
	v6 =	vld [tilespmem:s9+$0x40];
	v8 =	vand.u32 $0xFFFF0000, v9  }
.LBB2_14:
0x29f: {  	v9 =	vld [tilespmem:s19+$0x80];
	s15 =	sadd.s32 $0x4, s15;
	v4 =	vmul.f32 v8, v4;
	s9 =	sadd.s32 $0x200, s9  }
0x2a0: {  	v8 =	vld [tilespmem:s9+$0x80];
	p0 =	slt.u32 s15, $0x24;
	[tilespmem:s8+$0xFFFFFF40] =	vst v7;
	v7 =	vshll.u32 v3, $0x10;
	v3 =	vand.u32 $0xFFFF0000, v3  }
0x2a1: {  	v10 =	vld [tilespmem:s19+$0xFFFFFF80];
	v11 =	vshll.u32 v2, $0x10;
	v2 =	vand.u32 $0xFFFF0000, v2;
	[tilespmem:s8+$0xD0] =	vst v4  }
0x2a2: {  	v4 =	vmul.f32 v7, v5;
	v5 =	vld [tilespmem:s7+$0xB0]  }
0x2a3: {  	v6 =	vmul.f32 v11, v6;
	v7 =	vld [tilespmem:s25+$0xE0]  }
0x2a4: {  	v11 =	vld [tilespmem:s19+$0x0];
	v12 =	vshll.u32 v9, $0x10;
	[tilespmem:s8+$0xFFFFFFC0] =	vst v4  }
0x2a5: {  	v4 =	vld [tilespmem:s19+$0xFFFFFF00];
	v8 =	vmul.f32 v12, v8;
	[tilespmem:s8+$0x40] =	vst v6  }
0x2a6: {  	s8 =	sadd.s32 $0x200, s8;
	v6 =	vld [tilespmem:s9+$0xFFFFFF00];
	v12 =	vshll.u32 v10, $0x10;
	v10 =	vand.u32 $0xFFFF0000, v10  }
0x2a7: {  	v13 =	vld [tilespmem:s9+$0xFFFFFF80];
	[tilespmem:s8+$0x80] =	vst v8;
	v8 =	vshll.u32 v5, $0x10  }
0x2a8: {  	v14 =	vld [tilespmem:s9+$0x90];
	v7 =	vmul.f32 v8, v7  }
0x2a9: {  	v8 =	vshll.u32 v11, $0x10;
	v11 =	vand.u32 $0xFFFF0000, v11;
	v15 =	vld [tilespmem:s9+$0x0]  }
0x2aa: {  	v16 =	vshll.u32 v4, $0x10;
	v4 =	vand.u32 $0xFFFF0000, v4;
	v17 =	vld [tilespmem:s25+$0xFFFFFF50];
	[tilespmem:s23+$0xE0] =	vst v7  }
0x2ab: {  	v6 =	vmul.f32 v16, v6;
	v7 =	vld [tilespmem:s25+$0xF0]  }
0x2ac: {  	v9 =	vand.u32 $0xFFFF0000, v9;
	v12 =	vmul.f32 v12, v13;
	v13 =	vld [tilespmem:s25+$0xFFFFFFD0]  }
0x2ad: {  	[tilespmem:s8+$0xFFFFFF00] =	vst v6;
	v6 =	vmul.f32 v9, v14;
	v9 =	vld [tilespmem:s25+$0x50]  }
0x2ae: {  	v14 =	vld [tilespmem:s9+$0xFFFFFF10];
	[tilespmem:s8+$0xFFFFFF80] =	vst v12;
	v8 =	vmul.f32 v8, v15  }
0x2af: {  	v5 =	vand.u32 $0xFFFF0000, v5;
	v12 =	vld [tilespmem:s9+$0xFFFFFF90];
	[tilespmem:s8+$0x90] =	vst v6;
	v1 =	vmul.f32 v1, v17  }
0x2b0: {  	[tilespmem:s8+$0x0] =	vst v8;
	v6 =	vld [tilespmem:s19+$0x90];
	v5 =	vmul.f32 v5, v7  }
0x2b1: {  	v7 =	vld [tilespmem:s9+$0xA0];
	[tilespmem:s23+$0xFFFFFF50] =	vst v1;
	v1 =	vmul.f32 v3, v13  }
0x2b2: {  	v3 =	vld [tilespmem:s9+$0x10];
	v2 =	vmul.f32 v2, v9;
	[tilespmem:s23+$0xF0] =	vst v5  }
0x2b3: {  	v4 =	vmul.f32 v4, v14;
	v5 =	vld [tilespmem:s7+$0xFFFFFF30];
	[tilespmem:s23+$0xFFFFFFD0] =	vst v1  }
0x2b4: {  	v1 =	vmul.f32 v10, v12;
	v8 =	vld [tilespmem:s7+$0xFFFFFFB0];
	[tilespmem:s23+$0x50] =	vst v2  }
0x2b5: {  	[tilespmem:s8+$0xFFFFFF10] =	vst v4;
	v2 =	vshll.u32 v6, $0x10;
	v4 =	vld [tilespmem:s7+$0x30];
	s7 =	smov.u32 s19  }
0x2b6: {  	v9 =	vld [tilespmem:s19+$0xFFFFFF10];
	[tilespmem:s8+$0xFFFFFF90] =	vst v1;
	v1 =	vmul.f32 v2, v7  }
0x2b7: {  	v2 =	vld [tilespmem:s19+$0xFFFFFF90];
	v3 =	vmul.f32 v11, v3  }
0x2b8: {  	v7 =	vld [tilespmem:s9+$0xFFFFFF20];
	[tilespmem:s8+$0xA0] =	vst v1;
	v1 =	vshll.u32 v5, $0x10;
	v5 =	vand.u32 $0xFFFF0000, v5  }
0x2b9: {  	[tilespmem:s8+$0x10] =	vst v3;
	v3 =	vld [tilespmem:s9+$0xB0];
	v10 =	vshll.u32 v8, $0x10;
	v8 =	vand.u32 $0xFFFF0000, v8  }
0x2ba: {  	v11 =	vld [tilespmem:s19+$0x10];
	v12 =	vshll.u32 v4, $0x10;
	v13 =	vand.u32 $0xFFFF0000, v4  }
0x2bb: {  	v4 =	vshll.u32 v9, $0x10;
	v9 =	vand.u32 $0xFFFF0000, v9;
	v14 =	vld [tilespmem:s9+$0xFFFFFFA0]  }
0x2bc: {  	v15 =	vshll.u32 v2, $0x10;
	v2 =	vand.u32 $0xFFFF0000, v2;
	v16 =	vld [tilespmem:s9+$0x20]  }
0x2bd: {  	v6 =	vand.u32 $0xFFFF0000, v6;
	v4 =	vmul.f32 v4, v7;
	v7 =	vld [tilespmem:s25+$0xFFFFFF60]  }
0x2be: {  	v3 =	vmul.f32 v6, v3;
	v6 =	vld [tilespmem:s25+$0xFFFFFFE0]  }
0x2bf: {  	[tilespmem:s8+$0xFFFFFF20] =	vst v4;
	v4 =	vshll.u32 v11, $0x10;
	v11 =	vand.u32 $0xFFFF0000, v11;
	v17 =	vld [tilespmem:s25+$0x60]  }
0x2c0: {  	v18 =	vld [tilespmem:s9+$0xFFFFFF30];
	v14 =	vmul.f32 v15, v14;
	[tilespmem:s8+$0xB0] =	vst v3  }
0x2c1: {  	v3 =	vmul.f32 v4, v16;
	v15 =	vld [tilespmem:s19+$0xA0]  }
0x2c2: {  	[tilespmem:s8+$0xFFFFFFA0] =	vst v14;
	v4 =	vld [tilespmem:s9+$0xC0];
	v1 =	vmul.f32 v1, v7  }
0x2c3: {  	v7 =	vld [tilespmem:s9+$0xFFFFFFB0];
	[tilespmem:s8+$0x20] =	vst v3;
	v3 =	vmul.f32 v10, v6  }
0x2c4: {  	v6 =	vld [tilespmem:s9+$0x30];
	[tilespmem:s23+$0xFFFFFF60] =	vst v1;
	v1 =	vmul.f32 v12, v17  }
0x2c5: {  	v9 =	vmul.f32 v9, v18;
	v10 =	vld [tilespmem:s25+$0xFFFFFF70];
	[tilespmem:s23+$0xFFFFFFE0] =	vst v3  }
0x2c6: {  	v3 =	vshll.u32 v15, $0x10;
	v12 =	vld [tilespmem:s25+$0xFFFFFFF0];
	[tilespmem:s23+$0x60] =	vst v1  }
0x2c7: {  	[tilespmem:s8+$0xFFFFFF30] =	vst v9;
	v1 =	vmul.f32 v3, v4;
	v9 =	vld [tilespmem:s25+$0x70];
	s25 =	smov.u32 s9  }
0x2c8: {  	v14 =	vld [tilespmem:s19+$0xFFFFFF20];
	v2 =	vmul.f32 v2, v7  }
0x2c9: {  	v7 =	vld [tilespmem:s9+$0xFFFFFF40];
	v6 =	vmul.f32 v11, v6;
	[tilespmem:s8+$0xC0] =	vst v1  }
.Ltmp8:
0x2ca: {  	[tilespmem:s8+$0xFFFFFFB0] =	vst v2;
	v4 =	vld [tilespmem:s9+$0xD0];
	v1 =	vmul.f32 v5, v10;
	(pc) =	sbr.rel @p0 .LBB2_14-.Ltmp8, $4  }
0x2cb: {  	v3 =	vld [tilespmem:s19+$0xFFFFFFA0];
	[tilespmem:s8+$0x30] =	vst v6;
	v6 =	vmul.f32 v8, v12  }
0x2cc: {  	v2 =	vld [tilespmem:s19+$0x20];
	[tilespmem:s23+$0xFFFFFF70] =	vst v1;
	v9 =	vmul.f32 v13, v9  }
0x2cd: {  	v8 =	vshll.u32 v14, $0x10;
	v1 =	vand.u32 $0xFFFF0000, v14;
	v5 =	vld [tilespmem:s9+$0xFFFFFFC0];
	[tilespmem:s23+$0xFFFFFFF0] =	vst v6  }
0x2ce: {  	s19 =	sadd.s32 $0x200, s19;
	v7 =	vmul.f32 v8, v7;
	v6 =	vld [tilespmem:s9+$0x40];
	v8 =	vand.u32 $0xFFFF0000, v15;
	[tilespmem:s23+$0x70] =	vst v9;
	s23 =	smov.u32 s8  }
0x2cf: {  	_ =	sdelay $0x1  }
0x2d0: {  	v9 =	vshll.u32 v3, $0x10  }
0x2d1: {  	[tilespmem:s8+$0xFFFFFF40] =	vst v7;
	v5 =	vmul.f32 v9, v5  }
0x2d2: {  	v51 =	vshll.u32 v2, $0x10;
	v52 =	vld [tilespmem:s25+$0xFFFFFF50]  }
0x2d3: {  	v6 =	vmul.f32 v51, v6;
	[tilespmem:s8+$0xFFFFFFC0] =	vst v5  }
0x2d4: {  	v53 =	vld [tilespmem:s25+$0xFFFFFFD0]  }
0x2d5: {  	v4 =	vmul.f32 v8, v4;
	[tilespmem:s8+$0x40] =	vst v6  }
0x2d6: {  	v54 =	vld [tilespmem:s25+$0x50]  }
0x2d7: {  	[tilespmem:s8+$0xD0] =	vst v4;
	v1 =	vmul.f32 v1, v52  }
0x2d8: {  	v3 =	vand.u32 $0xFFFF0000, v3;
	v4 =	vld [tilespmem:s7+$0xB0]  }
0x2d9: {  	v55 =	vld [tilespmem:s25+$0xE0];
	[tilespmem:s23+$0xFFFFFF50] =	vst v1;
	v3 =	vmul.f32 v3, v53  }
0x2da: {  	v2 =	vand.u32 $0xFFFF0000, v2;
	v56 =	vld [tilespmem:s25+$0xFFFFFF60]  }
0x2db: {  	v1 =	vmul.f32 v2, v54;
	v2 =	vld [tilespmem:s7+$0xFFFFFF30];
	[tilespmem:s23+$0xFFFFFFD0] =	vst v3  }
0x2dc: {  	v3 =	vld [tilespmem:s7+$0xFFFFFFB0]  }
0x2dd: {  	[tilespmem:s23+$0x50] =	vst v1;
	v57 =	vld [tilespmem:s25+$0xFFFFFFE0]  }
0x2de: {  	v1 =	vld [tilespmem:s7+$0x30]  }
0x2df: {  	v58 =	vld [tilespmem:s25+$0x60]  }
0x2e0: {  	v59 =	vshll.u32 v4, $0x10  }
0x2e1: {  	v5 =	vmul.f32 v59, v55;
	v60 =	vshll.u32 v2, $0x10  }
0x2e2: {  	v6 =	vmul.f32 v60, v56;
	v61 =	vshll.u32 v3, $0x10  }
0x2e3: {  	[tilespmem:s23+$0xE0] =	vst v5;
	v62 =	vshll.u32 v1, $0x10;
	v7 =	vmul.f32 v61, v57  }
0x2e4: {  	v63 =	vld [tilespmem:s25+$0xF0];
	[tilespmem:s23+$0xFFFFFF60] =	vst v6;
	v5 =	vmul.f32 v62, v58  }
0x2e5: {  	v6 =	vld [tilespmem:s25+$0xFFFFFF70];
	[tilespmem:s23+$0xFFFFFFE0] =	vst v7  }
0x2e6: {  	v7 =	vld [tilespmem:s25+$0xFFFFFFF0];
	[tilespmem:s23+$0x60] =	vst v5  }
0x2e7: {  	v5 =	vld [tilespmem:s25+$0x70]  }
0x2e8: {  	v4 =	vand.u32 $0xFFFF0000, v4  }
0x2e9: {  	v4 =	vmul.f32 v4, v63;
	v2 =	vand.u32 $0xFFFF0000, v2  }
0x2ea: {  	v3 =	vand.u32 $0xFFFF0000, v3;
	v2 =	vmul.f32 v2, v6  }
.Ltmp9:
0x2eb: {  	[tilespmem:s23+$0xF0] =	vst v4;
	v1 =	vand.u32 $0xFFFF0000, v1;
	v3 =	vmul.f32 v3, v7;
	(pc) =	sbr.rel @p1 .LBB2_17-.Ltmp9, $4  }
0x2ec: {  	[tilespmem:s23+$0xFFFFFF70] =	vst v2;
	v1 =	vmul.f32 v1, v5  }
0x2ed: {  	[tilespmem:s23+$0xFFFFFFF0] =	vst v3  }
0x2ee: {  	s25 =	sadd.s32 $0x1C80, s0;
	[tilespmem:s23+$0x70] =	vst v1  }
0x2ef: {  	[spmem:s2] =	stream.indirect.scatter.add.f32 [tilespmem:s21], [sflag:$0x6], $0x80, s25, s3, $0xb8;
	[tilespmem:$0x1F000] =	vst v63  }
0x2f0: {  	s0 =	sadd.s32 $0x180, s0;
	s7 =	smul.u32 $0x2800, s6  }
0x2f1: {  	[tilespmem:s10], [sflag:$0x2] =	stream.indirect.gather [hbm4b:s1+s3], $0x80, s0, s3, $0xb8;
	[tilespmem:$0x1F000] =	vst v63  }
.Ltmp10:
0x2f2: {  	_ = 	snop;
	(pc) =	sbr.rel .LBB2_11-.Ltmp10, $4  }
0x2f3: {  	s25 =	sadd.s32 s7, s26  }
0x2f4: {  	s0 =	sshrl.u32 s25, $0x3  }
0x2f5: {  	s6 =	sadd.s32 $0x1, s6;
	s0 =	sadd.s32 s5, s0  }
0x2f6: {  	[tilespmem:s12], [sflag:$0x4] =	stream.linear.gather [hbm4b:s0+s4], $0x1400, $0x38;
	[tilespmem:$0x1F000] =	vst v63  }
.LBB2_17:
0x2f7: {  	s0 =	simm.s32 $0x5  }
0x2f8: {  	_ =	swait.ge [sflag:s0], $0x1400  }
0x2f9: {  	[sflag:s0] =	ssyncset.done $0x0  }
0x2fa: {  	s7 =	simm.s32 $0x6;
	[sflag:s0] =	ssyncadd.s32 $0xFFFFEC00  }
0x2fb: {  	_ =	swait.ge [sflag:s7], $0x1400  }
0x2fc: {  	[sflag:s7] =	ssyncset.done $0x0  }
0x2fd: {  	s6 =	simm.s32 $0x0;
	s8 =	rddreg [dreg:$0xd];
	[sflag:s7] =	ssyncadd.s32 $0xFFFFEC00  }
0x2fe: {  	[tilespmem:s6], [sflag:$0x7] =	stream.linear.gather [hbm4b:s8+s6], $0x1900, $0x38;
	[tilespmem:$0x1F000] =	vst v63  }
0x2ff: {  	_ =	swait.ge [sflag:s31], $0x1900  }
0x300: {  	[sflag:s31] =	ssyncset.done $0x0  }
0x301: {  	s7 =	simm.s32 $0x1C00;
	s9 =	rddreg [dreg:$0xe];
	[sflag:s31] =	ssyncadd.s32 $0xFFFFE700  }
0x302: {  	[tilespmem:s7], [sflag:$0x7] =	stream.linear.gather [hbm4b:s9+s6], $0x1900, $0x38;
	[tilespmem:$0x1F000] =	vst v63  }
0x303: {  	_ =	swait.ge [sflag:s31], $0x1900  }
0x304: {  	[sflag:s31] =	ssyncset.done $0x0  }
0x305: {  	s15 =	simm.s32 $0x3800;
	s19 =	sld [smem:$0x7F6];
	[sflag:s31] =	ssyncadd.s32 $0xFFFFE700  }
0x306: {  	[tilespmem:s15], [sflag:$0x1] =	stream.indirect.gather [hbm4b:s1+s3], $0x80, s6, s3, $0xb8;
	[tilespmem:$0x1F000] =	vst v63  }
0x307: {  	s23 =	simm.s32 $0x6000  }
0x308: {  	[tilespmem:s23], [sflag:$0x3] =	stream.linear.gather [hbm4b:s19+s6], $0x1400, $0x38;
	[tilespmem:$0x1F000] =	vst v63  }
0x309: {  	s25 =	simm.s32 $0x80;
	s26 =	sld [smem:$0x7F7]  }
0x30a: {  	[tilespmem:s10], [sflag:$0x2] =	stream.indirect.gather [hbm4b:s1+s3], $0x80, s25, s3, $0xb8;
	[tilespmem:$0x1F000] =	vst v63  }
0x30b: {  	_ = 	snop  }
0x30c: {  	[tilespmem:s12], [sflag:$0x4] =	stream.linear.gather [hbm4b:s26+s6], $0x1400, $0x38;
	[tilespmem:$0x1F000] =	vst v63  }
.LBB2_18:
0x30d: {  	_ =	swait.ge [sflag:s13], $0x1400  }
0x30e: {  	[sflag:s13] =	ssyncset.done $0x0  }
0x30f: {  	[sflag:s13] =	ssyncadd.s32 $0xFFFFEC00  }
0x310: {  	_ =	swait.ge [sflag:s16], $0x1400  }
0x311: {  	p0 =	seq.s32 s6, $0x0;
	[sflag:s16] =	ssyncset.done $0x0  }
0x312: {  	s0 =	simm.s32 @!p0 $0x5;
	[sflag:s16] =	ssyncadd.s32 $0xFFFFEC00  }
0x313: {  	_ =	swait.ge @!p0 [sflag:s0], $0x1400  }
0x314: {  	[sflag:s0] =	ssyncset.done @!p0 $0x0  }
0x315: {  	[sflag:s0] =	ssyncadd.s32 @!p0 $0xFFFFEC00;
	s0 =	simm.s32 $0x6100  }
0x316: {  	s8 =	simm.s32 $0x3900;
	v1 =	vld [tilespmem:s0+$0x80]  }
0x317: {  	v2 =	vld [tilespmem:s8+$0x80];
	_ =	sdelay $0x2  }
0x318: {  	v3 =	vld [tilespmem:s0+$0xFFFFFF80]  }
0x319: {  	v5 =	vld [tilespmem:s0+$0xFFFFFF00];
	v4 =	vshll.u32 v1, $0x10  }
0x31a: {  	v6 =	vld [tilespmem:s8+$0xFFFFFF80];
	v2 =	vmul.f32 v4, v2  }
0x31b: {  	s7 =	simm.s32 $0x8900;
	v4 =	vld [tilespmem:s8+$0xFFFFFF00]  }
0x31c: {  	[tilespmem:s7+$0x80] =	vst v2  }
0x31d: {  	v2 =	vld [tilespmem:s8+$0x90]  }
0x31e: {  	v7 =	vld [tilespmem:s0+$0x0];
	v10 =	vshll.u32 v3, $0x10  }
0x31f: {  	v8 =	vld [tilespmem:s8+$0x0];
	v9 =	vshll.u32 v5, $0x10;
	v6 =	vmul.f32 v10, v6  }
0x320: {  	v4 =	vmul.f32 v9, v4  }
0x321: {  	v1 =	vand.u32 $0xFFFF0000, v1;
	[tilespmem:s7+$0xFFFFFF80] =	vst v6  }
0x322: {  	v6 =	vld [tilespmem:s8+$0xFFFFFF90];
	[tilespmem:s7+$0xFFFFFF00] =	vst v4;
	v1 =	vmul.f32 v1, v2  }
0x323: {  	v2 =	vshll.u32 v7, $0x10;
	v4 =	vld [tilespmem:s8+$0xFFFFFF10]  }
0x324: {  	v2 =	vmul.f32 v2, v8;
	[tilespmem:s7+$0x90] =	vst v1  }
0x325: {  	v1 =	vld [tilespmem:s0+$0x90]  }
0x326: {  	v3 =	vand.u32 $0xFFFF0000, v3;
	[tilespmem:s7+$0x0] =	vst v2;
	v2 =	vld [tilespmem:s8+$0xA0]  }
0x327: {  	v5 =	vand.u32 $0xFFFF0000, v5;
	v3 =	vmul.f32 v3, v6  }
0x328: {  	v8 =	vld [tilespmem:s8+$0x10];
	v4 =	vmul.f32 v5, v4  }
0x329: {  	[tilespmem:s7+$0xFFFFFF90] =	vst v3  }
0x32a: {  	[tilespmem:s7+$0xFFFFFF10] =	vst v4;
	v4 =	vshll.u32 v1, $0x10  }
0x32b: {  	v3 =	vld [tilespmem:s0+$0xFFFFFF90];
	v2 =	vmul.f32 v4, v2  }
0x32c: {  	v5 =	vand.u32 $0xFFFF0000, v7;
	v6 =	vld [tilespmem:s0+$0xFFFFFF10]  }
0x32d: {  	v4 =	vmul.f32 v5, v8;
	v5 =	vld [tilespmem:s8+$0xFFFFFF20];
	[tilespmem:s7+$0xA0] =	vst v2  }
0x32e: {  	v2 =	vld [tilespmem:s8+$0xB0]  }
0x32f: {  	v7 =	vld [tilespmem:s8+$0xFFFFFFA0];
	[tilespmem:s7+$0x10] =	vst v4  }
0x330: {  	v4 =	vld [tilespmem:s0+$0x10]  }
0x331: {  	v9 =	vld [tilespmem:s8+$0x20];
	v8 =	vshll.u32 v6, $0x10  }
0x332: {  	v1 =	vand.u32 $0xFFFF0000, v1;
	v5 =	vmul.f32 v8, v5  }
0x333: {  	v1 =	vmul.f32 v1, v2  }
0x334: {  	[tilespmem:s7+$0xFFFFFF20] =	vst v5;
	v2 =	vshll.u32 v3, $0x10  }
0x335: {  	v5 =	vshll.u32 v4, $0x10;
	v8 =	vld [tilespmem:s8+$0xFFFFFF30];
	v2 =	vmul.f32 v2, v7;
	[tilespmem:s7+$0xB0] =	vst v1  }
0x336: {  	v1 =	vmul.f32 v5, v9;
	v9 =	vld [tilespmem:s0+$0xA0]  }
0x337: {  	[tilespmem:s7+$0xFFFFFFA0] =	vst v2;
	v2 =	vld [tilespmem:s8+$0xC0]  }
0x338: {  	v5 =	vld [tilespmem:s8+$0xFFFFFFB0];
	[tilespmem:s7+$0x20] =	vst v1  }
0x339: {  	v1 =	vand.u32 $0xFFFF0000, v6;
	v6 =	vld [tilespmem:s8+$0x30]  }
0x33a: {  	v1 =	vmul.f32 v1, v8  }
0x33b: {  	v7 =	vshll.u32 v9, $0x10  }
0x33c: {  	v3 =	vand.u32 $0xFFFF0000, v3;
	[tilespmem:s7+$0xFFFFFF30] =	vst v1;
	v1 =	vmul.f32 v7, v2  }
0x33d: {  	v2 =	vand.u32 $0xFFFF0000, v4;
	v7 =	vld [tilespmem:s0+$0xFFFFFF20];
	v3 =	vmul.f32 v3, v5  }
0x33e: {  	v8 =	vld [tilespmem:s8+$0xFFFFFF40];
	v2 =	vmul.f32 v2, v6;
	[tilespmem:s7+$0xC0] =	vst v1  }
0x33f: {  	[tilespmem:s7+$0xFFFFFFB0] =	vst v3;
	v4 =	vld [tilespmem:s8+$0xD0]  }
0x340: {  	v3 =	vld [tilespmem:s0+$0xFFFFFFA0];
	[tilespmem:s7+$0x30] =	vst v2  }
0x341: {  	v2 =	vld [tilespmem:s0+$0x20]  }
0x342: {  	s9 =	sshll.u32 s6, $0xA;
	s15 =	simm.s32 $0x0;
	v5 =	vld [tilespmem:s8+$0xFFFFFFC0];
	v6 =	vshll.u32 v7, $0x10  }
0x343: {  	s19 =	simm.s32 $0x6300;
	s25 =	simm.s32 $0x3900;
	s23 =	simm.s32 $0x8900;
	v1 =	vand.u32 $0xFFFF0000, v7;
	v7 =	vmul.f32 v6, v8;
	v6 =	vld [tilespmem:s8+$0x40];
	v8 =	vand.u32 $0xFFFF0000, v9  }
.LBB2_19:
0x344: {  	v9 =	vld [tilespmem:s19+$0x80];
	s15 =	sadd.s32 $0x4, s15;
	v4 =	vmul.f32 v8, v4;
	s8 =	sadd.s32 $0x200, s8  }
0x345: {  	v8 =	vld [tilespmem:s8+$0x80];
	p1 =	slt.u32 s15, $0x24;
	[tilespmem:s7+$0xFFFFFF40] =	vst v7;
	v7 =	vshll.u32 v3, $0x10;
	v3 =	vand.u32 $0xFFFF0000, v3  }
0x346: {  	v10 =	vld [tilespmem:s19+$0xFFFFFF80];
	v11 =	vshll.u32 v2, $0x10;
	v2 =	vand.u32 $0xFFFF0000, v2;
	[tilespmem:s7+$0xD0] =	vst v4  }
0x347: {  	v4 =	vmul.f32 v7, v5;
	v5 =	vld [tilespmem:s0+$0xB0]  }
0x348: {  	v6 =	vmul.f32 v11, v6;
	v7 =	vld [tilespmem:s25+$0xE0]  }
0x349: {  	v11 =	vld [tilespmem:s19+$0x0];
	v12 =	vshll.u32 v9, $0x10;
	[tilespmem:s7+$0xFFFFFFC0] =	vst v4  }
0x34a: {  	v4 =	vld [tilespmem:s19+$0xFFFFFF00];
	v8 =	vmul.f32 v12, v8;
	[tilespmem:s7+$0x40] =	vst v6  }
0x34b: {  	s7 =	sadd.s32 $0x200, s7;
	v6 =	vld [tilespmem:s8+$0xFFFFFF00];
	v12 =	vshll.u32 v10, $0x10;
	v10 =	vand.u32 $0xFFFF0000, v10  }
0x34c: {  	v13 =	vld [tilespmem:s8+$0xFFFFFF80];
	[tilespmem:s7+$0x80] =	vst v8;
	v8 =	vshll.u32 v5, $0x10  }
0x34d: {  	v14 =	vld [tilespmem:s8+$0x90];
	v7 =	vmul.f32 v8, v7  }
0x34e: {  	v8 =	vshll.u32 v11, $0x10;
	v11 =	vand.u32 $0xFFFF0000, v11;
	v15 =	vld [tilespmem:s8+$0x0]  }
0x34f: {  	v16 =	vshll.u32 v4, $0x10;
	v4 =	vand.u32 $0xFFFF0000, v4;
	v17 =	vld [tilespmem:s25+$0xFFFFFF50];
	[tilespmem:s23+$0xE0] =	vst v7  }
0x350: {  	v6 =	vmul.f32 v16, v6;
	v7 =	vld [tilespmem:s25+$0xF0]  }
0x351: {  	v9 =	vand.u32 $0xFFFF0000, v9;
	v12 =	vmul.f32 v12, v13;
	v13 =	vld [tilespmem:s25+$0xFFFFFFD0]  }
0x352: {  	[tilespmem:s7+$0xFFFFFF00] =	vst v6;
	v6 =	vmul.f32 v9, v14;
	v9 =	vld [tilespmem:s25+$0x50]  }
0x353: {  	v14 =	vld [tilespmem:s8+$0xFFFFFF10];
	[tilespmem:s7+$0xFFFFFF80] =	vst v12;
	v8 =	vmul.f32 v8, v15  }
0x354: {  	v5 =	vand.u32 $0xFFFF0000, v5;
	v12 =	vld [tilespmem:s8+$0xFFFFFF90];
	[tilespmem:s7+$0x90] =	vst v6;
	v1 =	vmul.f32 v1, v17  }
0x355: {  	[tilespmem:s7+$0x0] =	vst v8;
	v6 =	vld [tilespmem:s19+$0x90];
	v5 =	vmul.f32 v5, v7  }
0x356: {  	v7 =	vld [tilespmem:s8+$0xA0];
	[tilespmem:s23+$0xFFFFFF50] =	vst v1;
	v1 =	vmul.f32 v3, v13  }
0x357: {  	v3 =	vld [tilespmem:s8+$0x10];
	v2 =	vmul.f32 v2, v9;
	[tilespmem:s23+$0xF0] =	vst v5  }
0x358: {  	v4 =	vmul.f32 v4, v14;
	v5 =	vld [tilespmem:s0+$0xFFFFFF30];
	[tilespmem:s23+$0xFFFFFFD0] =	vst v1  }
0x359: {  	v1 =	vmul.f32 v10, v12;
	v8 =	vld [tilespmem:s0+$0xFFFFFFB0];
	[tilespmem:s23+$0x50] =	vst v2  }
0x35a: {  	[tilespmem:s7+$0xFFFFFF10] =	vst v4;
	v2 =	vshll.u32 v6, $0x10;
	v4 =	vld [tilespmem:s0+$0x30];
	s0 =	smov.u32 s19  }
0x35b: {  	v9 =	vld [tilespmem:s19+$0xFFFFFF10];
	[tilespmem:s7+$0xFFFFFF90] =	vst v1;
	v1 =	vmul.f32 v2, v7  }
0x35c: {  	v2 =	vld [tilespmem:s19+$0xFFFFFF90];
	v3 =	vmul.f32 v11, v3  }
0x35d: {  	v7 =	vld [tilespmem:s8+$0xFFFFFF20];
	[tilespmem:s7+$0xA0] =	vst v1;
	v1 =	vshll.u32 v5, $0x10;
	v5 =	vand.u32 $0xFFFF0000, v5  }
0x35e: {  	[tilespmem:s7+$0x10] =	vst v3;
	v3 =	vld [tilespmem:s8+$0xB0];
	v10 =	vshll.u32 v8, $0x10;
	v8 =	vand.u32 $0xFFFF0000, v8  }
0x35f: {  	v11 =	vld [tilespmem:s19+$0x10];
	v12 =	vshll.u32 v4, $0x10;
	v13 =	vand.u32 $0xFFFF0000, v4  }
0x360: {  	v4 =	vshll.u32 v9, $0x10;
	v9 =	vand.u32 $0xFFFF0000, v9;
	v14 =	vld [tilespmem:s8+$0xFFFFFFA0]  }
0x361: {  	v15 =	vshll.u32 v2, $0x10;
	v2 =	vand.u32 $0xFFFF0000, v2;
	v16 =	vld [tilespmem:s8+$0x20]  }
0x362: {  	v6 =	vand.u32 $0xFFFF0000, v6;
	v4 =	vmul.f32 v4, v7;
	v7 =	vld [tilespmem:s25+$0xFFFFFF60]  }
0x363: {  	v3 =	vmul.f32 v6, v3;
	v6 =	vld [tilespmem:s25+$0xFFFFFFE0]  }
0x364: {  	[tilespmem:s7+$0xFFFFFF20] =	vst v4;
	v4 =	vshll.u32 v11, $0x10;
	v11 =	vand.u32 $0xFFFF0000, v11;
	v17 =	vld [tilespmem:s25+$0x60]  }
0x365: {  	v18 =	vld [tilespmem:s8+$0xFFFFFF30];
	v14 =	vmul.f32 v15, v14;
	[tilespmem:s7+$0xB0] =	vst v3  }
0x366: {  	v3 =	vmul.f32 v4, v16;
	v15 =	vld [tilespmem:s19+$0xA0]  }
0x367: {  	[tilespmem:s7+$0xFFFFFFA0] =	vst v14;
	v4 =	vld [tilespmem:s8+$0xC0];
	v1 =	vmul.f32 v1, v7  }
0x368: {  	v7 =	vld [tilespmem:s8+$0xFFFFFFB0];
	[tilespmem:s7+$0x20] =	vst v3;
	v3 =	vmul.f32 v10, v6  }
0x369: {  	v6 =	vld [tilespmem:s8+$0x30];
	[tilespmem:s23+$0xFFFFFF60] =	vst v1;
	v1 =	vmul.f32 v12, v17  }
0x36a: {  	v9 =	vmul.f32 v9, v18;
	v10 =	vld [tilespmem:s25+$0xFFFFFF70];
	[tilespmem:s23+$0xFFFFFFE0] =	vst v3  }
0x36b: {  	v3 =	vshll.u32 v15, $0x10;
	v12 =	vld [tilespmem:s25+$0xFFFFFFF0];
	[tilespmem:s23+$0x60] =	vst v1  }
0x36c: {  	[tilespmem:s7+$0xFFFFFF30] =	vst v9;
	v1 =	vmul.f32 v3, v4;
	v9 =	vld [tilespmem:s25+$0x70];
	s25 =	smov.u32 s8  }
0x36d: {  	v14 =	vld [tilespmem:s19+$0xFFFFFF20];
	v2 =	vmul.f32 v2, v7  }
0x36e: {  	v7 =	vld [tilespmem:s8+$0xFFFFFF40];
	v6 =	vmul.f32 v11, v6;
	[tilespmem:s7+$0xC0] =	vst v1  }
.Ltmp11:
0x36f: {  	[tilespmem:s7+$0xFFFFFFB0] =	vst v2;
	v4 =	vld [tilespmem:s8+$0xD0];
	v1 =	vmul.f32 v5, v10;
	(pc) =	sbr.rel @p1 .LBB2_19-.Ltmp11, $4  }
0x370: {  	v3 =	vld [tilespmem:s19+$0xFFFFFFA0];
	[tilespmem:s7+$0x30] =	vst v6;
	v6 =	vmul.f32 v8, v12  }
0x371: {  	v2 =	vld [tilespmem:s19+$0x20];
	[tilespmem:s23+$0xFFFFFF70] =	vst v1;
	v9 =	vmul.f32 v13, v9  }
0x372: {  	v8 =	vshll.u32 v14, $0x10;
	v1 =	vand.u32 $0xFFFF0000, v14;
	v5 =	vld [tilespmem:s8+$0xFFFFFFC0];
	[tilespmem:s23+$0xFFFFFFF0] =	vst v6  }
0x373: {  	s19 =	sadd.s32 $0x200, s19;
	v7 =	vmul.f32 v8, v7;
	v6 =	vld [tilespmem:s8+$0x40];
	v8 =	vand.u32 $0xFFFF0000, v15;
	[tilespmem:s23+$0x70] =	vst v9;
	s23 =	smov.u32 s7  }
0x374: {  	_ =	sdelay $0x1  }
0x375: {  	v9 =	vshll.u32 v3, $0x10  }
0x376: {  	v5 =	vmul.f32 v9, v5  }
0x377: {  	[tilespmem:s7+$0xFFFFFF40] =	vst v7;
	v10 =	vshll.u32 v2, $0x10  }
0x378: {  	v6 =	vmul.f32 v10, v6;
	[tilespmem:s7+$0xFFFFFFC0] =	vst v5;
	v5 =	vld [tilespmem:s25+$0xFFFFFF50];
	_ =	sdelay $0x1  }
0x379: {  	[tilespmem:s7+$0x40] =	vst v6;
	v6 =	vld [tilespmem:s25+$0xFFFFFFD0]  }
0x37a: {  	v4 =	vmul.f32 v8, v4;
	v7 =	vld [tilespmem:s25+$0x50];
	_ =	sdelay $0x1  }
0x37b: {  	[tilespmem:s7+$0xD0] =	vst v4;
	v1 =	vmul.f32 v1, v5  }
0x37c: {  	v3 =	vand.u32 $0xFFFF0000, v3;
	v4 =	vld [tilespmem:s0+$0xB0]  }
0x37d: {  	v2 =	vand.u32 $0xFFFF0000, v2;
	v5 =	vld [tilespmem:s25+$0xE0];
	v3 =	vmul.f32 v3, v6;
	[tilespmem:s23+$0xFFFFFF50] =	vst v1  }
0x37e: {  	v1 =	vmul.f32 v2, v7;
	v2 =	vld [tilespmem:s0+$0xFFFFFF30]  }
0x37f: {  	[tilespmem:s23+$0xFFFFFFD0] =	vst v3;
	v6 =	vld [tilespmem:s25+$0xFFFFFF60]  }
0x380: {  	v3 =	vld [tilespmem:s0+$0xFFFFFFB0]  }
0x381: {  	[tilespmem:s23+$0x50] =	vst v1;
	v7 =	vld [tilespmem:s25+$0xFFFFFFE0]  }
0x382: {  	v1 =	vld [tilespmem:s0+$0x30]  }
0x383: {  	v8 =	vld [tilespmem:s25+$0x60]  }
0x384: {  	v9 =	vshll.u32 v4, $0x10  }
0x385: {  	v5 =	vmul.f32 v9, v5;
	v9 =	vshll.u32 v2, $0x10  }
0x386: {  	v10 =	vshll.u32 v3, $0x10;
	v6 =	vmul.f32 v9, v6  }
0x387: {  	[tilespmem:s23+$0xE0] =	vst v5;
	v5 =	vshll.u32 v1, $0x10;
	v7 =	vmul.f32 v10, v7  }
0x388: {  	v9 =	vld [tilespmem:s25+$0xF0];
	[tilespmem:s23+$0xFFFFFF60] =	vst v6;
	v5 =	vmul.f32 v5, v8  }
0x389: {  	v6 =	vld [tilespmem:s25+$0xFFFFFF70];
	[tilespmem:s23+$0xFFFFFFE0] =	vst v7  }
0x38a: {  	v7 =	vld [tilespmem:s25+$0xFFFFFFF0];
	[tilespmem:s23+$0x60] =	vst v5  }
0x38b: {  	v5 =	vld [tilespmem:s25+$0x70]  }
0x38c: {  	v4 =	vand.u32 $0xFFFF0000, v4  }
0x38d: {  	v2 =	vand.u32 $0xFFFF0000, v2;
	v4 =	vmul.f32 v4, v9  }
0x38e: {  	v3 =	vand.u32 $0xFFFF0000, v3;
	v2 =	vmul.f32 v2, v6  }
0x38f: {  	v1 =	vand.u32 $0xFFFF0000, v1;
	[tilespmem:s23+$0xF0] =	vst v4;
	v3 =	vmul.f32 v3, v7  }
0x390: {  	[tilespmem:s23+$0xFFFFFF70] =	vst v2;
	v1 =	vmul.f32 v1, v5  }
0x391: {  	p1 =	seq.s32 s6, $0x18;
	s0 =	sshrl.u32 s9, $0x2;
	[tilespmem:s23+$0xFFFFFFF0] =	vst v3  }
0x392: {  	s8 =	simm.s32 @!p1 $0x28;
	s7 =	sshrl.u32 @!p1 s9, $0x2;
	s26 =	sadd.s32 $0x1C00, s0;
	[tilespmem:s23+$0x70] =	vst v1  }
0x393: {  	[spmem:s2] =	stream.indirect.scatter.add.f32 [tilespmem:s30], [sflag:$0x5], $0x80, s26, s3, $0xb8;
	[tilespmem:$0x1F000] =	vst v63  }
0x394: {  	s15 =	smul.u32 @!p1 $0x2800, s6;
	s7 =	sadd.s32 @!p1 $0x100, s7;
	s9 =	simm.s32 @!p1 $0x3800  }
0x395: {  	[tilespmem:s9], [sflag:$0x1] =	stream.indirect.gather @!p1 [hbm4b:s1+s8], $0x80, s7, s8, $0xb8;
	[tilespmem:$0x1F000] =	vst v63  }
0x396: {  	s7 =	sadd.s32 @!p1 s15, s18  }
0x397: {  	s7 =	sshrl.u32 @!p1 s7, $0x3  }
0x398: {  	s8 =	simm.s32 @!p1 $0x0;
	s9 =	simm.s32 @!p1 $0x6000;
	s7 =	sadd.s32 @!p1 s5, s7  }
0x399: {  	[tilespmem:s9], [sflag:$0x3] =	stream.linear.gather @!p1 [hbm4b:s7+s8], $0x1400, $0x38;
	[tilespmem:$0x1F000] =	vst v63  }
0x39a: {  	_ =	swait.ge [sflag:s17], $0x1400  }
0x39b: {  	[sflag:s17] =	ssyncset.done $0x0  }
0x39c: {  	[sflag:s17] =	ssyncadd.s32 $0xFFFFEC00  }
0x39d: {  	_ =	swait.ge [sflag:s20], $0x1400  }
0x39e: {  	[sflag:s20] =	ssyncset.done $0x0  }
0x39f: {  	s7 =	simm.s32 @!p0 $0x6;
	[sflag:s20] =	ssyncadd.s32 $0xFFFFEC00  }
0x3a0: {  	_ =	swait.ge @!p0 [sflag:s7], $0x1400  }
0x3a1: {  	[sflag:s7] =	ssyncset.done @!p0 $0x0  }
0x3a2: {  	[sflag:s7] =	ssyncadd.s32 @!p0 $0xFFFFEC00;
	s7 =	simm.s32 $0x7500  }
0x3a3: {  	s9 =	simm.s32 $0x4D00;
	v1 =	vld [tilespmem:s7+$0x80]  }
0x3a4: {  	v2 =	vld [tilespmem:s9+$0x80];
	_ =	sdelay $0x2  }
0x3a5: {  	v3 =	vld [tilespmem:s7+$0xFFFFFF80]  }
0x3a6: {  	v5 =	vld [tilespmem:s7+$0xFFFFFF00];
	v4 =	vshll.u32 v1, $0x10  }
0x3a7: {  	v6 =	vld [tilespmem:s9+$0xFFFFFF80];
	v2 =	vmul.f32 v4, v2  }
0x3a8: {  	s8 =	simm.s32 $0x9D00;
	v4 =	vld [tilespmem:s9+$0xFFFFFF00]  }
0x3a9: {  	[tilespmem:s8+$0x80] =	vst v2  }
0x3aa: {  	v2 =	vld [tilespmem:s9+$0x90]  }
0x3ab: {  	v7 =	vld [tilespmem:s7+$0x0];
	v10 =	vshll.u32 v3, $0x10  }
0x3ac: {  	v8 =	vld [tilespmem:s9+$0x0];
	v9 =	vshll.u32 v5, $0x10;
	v6 =	vmul.f32 v10, v6  }
0x3ad: {  	v4 =	vmul.f32 v9, v4  }
0x3ae: {  	v1 =	vand.u32 $0xFFFF0000, v1;
	[tilespmem:s8+$0xFFFFFF80] =	vst v6  }
0x3af: {  	v6 =	vld [tilespmem:s9+$0xFFFFFF90];
	[tilespmem:s8+$0xFFFFFF00] =	vst v4;
	v1 =	vmul.f32 v1, v2  }
0x3b0: {  	v2 =	vshll.u32 v7, $0x10;
	v4 =	vld [tilespmem:s9+$0xFFFFFF10]  }
0x3b1: {  	v2 =	vmul.f32 v2, v8;
	[tilespmem:s8+$0x90] =	vst v1  }
0x3b2: {  	v1 =	vld [tilespmem:s7+$0x90]  }
0x3b3: {  	v3 =	vand.u32 $0xFFFF0000, v3;
	[tilespmem:s8+$0x0] =	vst v2;
	v2 =	vld [tilespmem:s9+$0xA0]  }
0x3b4: {  	v5 =	vand.u32 $0xFFFF0000, v5;
	v3 =	vmul.f32 v3, v6  }
0x3b5: {  	v8 =	vld [tilespmem:s9+$0x10];
	v4 =	vmul.f32 v5, v4  }
0x3b6: {  	[tilespmem:s8+$0xFFFFFF90] =	vst v3  }
0x3b7: {  	[tilespmem:s8+$0xFFFFFF10] =	vst v4;
	v4 =	vshll.u32 v1, $0x10  }
0x3b8: {  	v3 =	vld [tilespmem:s7+$0xFFFFFF90];
	v2 =	vmul.f32 v4, v2  }
0x3b9: {  	v5 =	vand.u32 $0xFFFF0000, v7;
	v6 =	vld [tilespmem:s7+$0xFFFFFF10]  }
0x3ba: {  	v4 =	vmul.f32 v5, v8;
	v5 =	vld [tilespmem:s9+$0xFFFFFF20];
	[tilespmem:s8+$0xA0] =	vst v2  }
0x3bb: {  	v2 =	vld [tilespmem:s9+$0xB0]  }
0x3bc: {  	v7 =	vld [tilespmem:s9+$0xFFFFFFA0];
	[tilespmem:s8+$0x10] =	vst v4  }
0x3bd: {  	v4 =	vld [tilespmem:s7+$0x10]  }
0x3be: {  	v9 =	vld [tilespmem:s9+$0x20];
	v8 =	vshll.u32 v6, $0x10  }
0x3bf: {  	v1 =	vand.u32 $0xFFFF0000, v1;
	v5 =	vmul.f32 v8, v5  }
0x3c0: {  	v1 =	vmul.f32 v1, v2  }
0x3c1: {  	[tilespmem:s8+$0xFFFFFF20] =	vst v5;
	v2 =	vshll.u32 v3, $0x10  }
0x3c2: {  	v5 =	vshll.u32 v4, $0x10;
	v8 =	vld [tilespmem:s9+$0xFFFFFF30];
	v2 =	vmul.f32 v2, v7;
	[tilespmem:s8+$0xB0] =	vst v1  }
0x3c3: {  	v1 =	vmul.f32 v5, v9;
	v9 =	vld [tilespmem:s7+$0xA0]  }
0x3c4: {  	[tilespmem:s8+$0xFFFFFFA0] =	vst v2;
	v2 =	vld [tilespmem:s9+$0xC0]  }
0x3c5: {  	v5 =	vld [tilespmem:s9+$0xFFFFFFB0];
	[tilespmem:s8+$0x20] =	vst v1  }
0x3c6: {  	v1 =	vand.u32 $0xFFFF0000, v6;
	v6 =	vld [tilespmem:s9+$0x30]  }
0x3c7: {  	v1 =	vmul.f32 v1, v8  }
0x3c8: {  	v7 =	vshll.u32 v9, $0x10  }
0x3c9: {  	v3 =	vand.u32 $0xFFFF0000, v3;
	[tilespmem:s8+$0xFFFFFF30] =	vst v1;
	v1 =	vmul.f32 v7, v2  }
0x3ca: {  	v2 =	vand.u32 $0xFFFF0000, v4;
	v7 =	vld [tilespmem:s7+$0xFFFFFF20];
	v3 =	vmul.f32 v3, v5  }
0x3cb: {  	v8 =	vld [tilespmem:s9+$0xFFFFFF40];
	v2 =	vmul.f32 v2, v6;
	[tilespmem:s8+$0xC0] =	vst v1  }
0x3cc: {  	[tilespmem:s8+$0xFFFFFFB0] =	vst v3;
	v4 =	vld [tilespmem:s9+$0xD0]  }
0x3cd: {  	v3 =	vld [tilespmem:s7+$0xFFFFFFA0];
	[tilespmem:s8+$0x30] =	vst v2  }
0x3ce: {  	v2 =	vld [tilespmem:s7+$0x20]  }
0x3cf: {  	s19 =	simm.s32 $0x7700;
	v5 =	vld [tilespmem:s9+$0xFFFFFFC0];
	v6 =	vshll.u32 v7, $0x10  }
0x3d0: {  	s25 =	simm.s32 $0x4D00;
	s23 =	simm.s32 $0x9D00;
	s15 =	simm.s32 $0x0;
	v1 =	vand.u32 $0xFFFF0000, v7;
	v7 =	vmul.f32 v6, v8;
	v6 =	vld [tilespmem:s9+$0x40];
	v8 =	vand.u32 $0xFFFF0000, v9  }
.LBB2_21:
0x3d1: {  	v9 =	vld [tilespmem:s19+$0x80];
	s15 =	sadd.s32 $0x4, s15;
	v4 =	vmul.f32 v8, v4;
	s9 =	sadd.s32 $0x200, s9  }
0x3d2: {  	v8 =	vld [tilespmem:s9+$0x80];
	p0 =	slt.u32 s15, $0x24;
	[tilespmem:s8+$0xFFFFFF40] =	vst v7;
	v7 =	vshll.u32 v3, $0x10;
	v3 =	vand.u32 $0xFFFF0000, v3  }
0x3d3: {  	v10 =	vld [tilespmem:s19+$0xFFFFFF80];
	v11 =	vshll.u32 v2, $0x10;
	v2 =	vand.u32 $0xFFFF0000, v2;
	[tilespmem:s8+$0xD0] =	vst v4  }
0x3d4: {  	v4 =	vmul.f32 v7, v5;
	v5 =	vld [tilespmem:s7+$0xB0]  }
0x3d5: {  	v6 =	vmul.f32 v11, v6;
	v7 =	vld [tilespmem:s25+$0xE0]  }
0x3d6: {  	v11 =	vld [tilespmem:s19+$0x0];
	v12 =	vshll.u32 v9, $0x10;
	[tilespmem:s8+$0xFFFFFFC0] =	vst v4  }
0x3d7: {  	v4 =	vld [tilespmem:s19+$0xFFFFFF00];
	v8 =	vmul.f32 v12, v8;
	[tilespmem:s8+$0x40] =	vst v6  }
0x3d8: {  	s8 =	sadd.s32 $0x200, s8;
	v6 =	vld [tilespmem:s9+$0xFFFFFF00];
	v12 =	vshll.u32 v10, $0x10;
	v10 =	vand.u32 $0xFFFF0000, v10  }
0x3d9: {  	v13 =	vld [tilespmem:s9+$0xFFFFFF80];
	[tilespmem:s8+$0x80] =	vst v8;
	v8 =	vshll.u32 v5, $0x10  }
0x3da: {  	v14 =	vld [tilespmem:s9+$0x90];
	v7 =	vmul.f32 v8, v7  }
0x3db: {  	v8 =	vshll.u32 v11, $0x10;
	v11 =	vand.u32 $0xFFFF0000, v11;
	v15 =	vld [tilespmem:s9+$0x0]  }
0x3dc: {  	v16 =	vshll.u32 v4, $0x10;
	v4 =	vand.u32 $0xFFFF0000, v4;
	v17 =	vld [tilespmem:s25+$0xFFFFFF50];
	[tilespmem:s23+$0xE0] =	vst v7  }
0x3dd: {  	v6 =	vmul.f32 v16, v6;
	v7 =	vld [tilespmem:s25+$0xF0]  }
0x3de: {  	v9 =	vand.u32 $0xFFFF0000, v9;
	v12 =	vmul.f32 v12, v13;
	v13 =	vld [tilespmem:s25+$0xFFFFFFD0]  }
0x3df: {  	[tilespmem:s8+$0xFFFFFF00] =	vst v6;
	v6 =	vmul.f32 v9, v14;
	v9 =	vld [tilespmem:s25+$0x50]  }
0x3e0: {  	v14 =	vld [tilespmem:s9+$0xFFFFFF10];
	[tilespmem:s8+$0xFFFFFF80] =	vst v12;
	v8 =	vmul.f32 v8, v15  }
0x3e1: {  	v5 =	vand.u32 $0xFFFF0000, v5;
	v12 =	vld [tilespmem:s9+$0xFFFFFF90];
	[tilespmem:s8+$0x90] =	vst v6;
	v1 =	vmul.f32 v1, v17  }
0x3e2: {  	[tilespmem:s8+$0x0] =	vst v8;
	v6 =	vld [tilespmem:s19+$0x90];
	v5 =	vmul.f32 v5, v7  }
0x3e3: {  	v7 =	vld [tilespmem:s9+$0xA0];
	[tilespmem:s23+$0xFFFFFF50] =	vst v1;
	v1 =	vmul.f32 v3, v13  }
0x3e4: {  	v3 =	vld [tilespmem:s9+$0x10];
	v2 =	vmul.f32 v2, v9;
	[tilespmem:s23+$0xF0] =	vst v5  }
0x3e5: {  	v4 =	vmul.f32 v4, v14;
	v5 =	vld [tilespmem:s7+$0xFFFFFF30];
	[tilespmem:s23+$0xFFFFFFD0] =	vst v1  }
0x3e6: {  	v1 =	vmul.f32 v10, v12;
	v8 =	vld [tilespmem:s7+$0xFFFFFFB0];
	[tilespmem:s23+$0x50] =	vst v2  }
0x3e7: {  	[tilespmem:s8+$0xFFFFFF10] =	vst v4;
	v2 =	vshll.u32 v6, $0x10;
	v4 =	vld [tilespmem:s7+$0x30];
	s7 =	smov.u32 s19  }
0x3e8: {  	v9 =	vld [tilespmem:s19+$0xFFFFFF10];
	[tilespmem:s8+$0xFFFFFF90] =	vst v1;
	v1 =	vmul.f32 v2, v7  }
0x3e9: {  	v2 =	vld [tilespmem:s19+$0xFFFFFF90];
	v3 =	vmul.f32 v11, v3  }
0x3ea: {  	v7 =	vld [tilespmem:s9+$0xFFFFFF20];
	[tilespmem:s8+$0xA0] =	vst v1;
	v1 =	vshll.u32 v5, $0x10;
	v5 =	vand.u32 $0xFFFF0000, v5  }
0x3eb: {  	[tilespmem:s8+$0x10] =	vst v3;
	v3 =	vld [tilespmem:s9+$0xB0];
	v10 =	vshll.u32 v8, $0x10;
	v8 =	vand.u32 $0xFFFF0000, v8  }
0x3ec: {  	v11 =	vld [tilespmem:s19+$0x10];
	v12 =	vshll.u32 v4, $0x10;
	v13 =	vand.u32 $0xFFFF0000, v4  }
0x3ed: {  	v4 =	vshll.u32 v9, $0x10;
	v9 =	vand.u32 $0xFFFF0000, v9;
	v14 =	vld [tilespmem:s9+$0xFFFFFFA0]  }
0x3ee: {  	v15 =	vshll.u32 v2, $0x10;
	v2 =	vand.u32 $0xFFFF0000, v2;
	v16 =	vld [tilespmem:s9+$0x20]  }
0x3ef: {  	v6 =	vand.u32 $0xFFFF0000, v6;
	v4 =	vmul.f32 v4, v7;
	v7 =	vld [tilespmem:s25+$0xFFFFFF60]  }
0x3f0: {  	v3 =	vmul.f32 v6, v3;
	v6 =	vld [tilespmem:s25+$0xFFFFFFE0]  }
0x3f1: {  	[tilespmem:s8+$0xFFFFFF20] =	vst v4;
	v4 =	vshll.u32 v11, $0x10;
	v11 =	vand.u32 $0xFFFF0000, v11;
	v17 =	vld [tilespmem:s25+$0x60]  }
0x3f2: {  	v18 =	vld [tilespmem:s9+$0xFFFFFF30];
	v14 =	vmul.f32 v15, v14;
	[tilespmem:s8+$0xB0] =	vst v3  }
0x3f3: {  	v3 =	vmul.f32 v4, v16;
	v15 =	vld [tilespmem:s19+$0xA0]  }
0x3f4: {  	[tilespmem:s8+$0xFFFFFFA0] =	vst v14;
	v4 =	vld [tilespmem:s9+$0xC0];
	v1 =	vmul.f32 v1, v7  }
0x3f5: {  	v7 =	vld [tilespmem:s9+$0xFFFFFFB0];
	[tilespmem:s8+$0x20] =	vst v3;
	v3 =	vmul.f32 v10, v6  }
0x3f6: {  	v6 =	vld [tilespmem:s9+$0x30];
	[tilespmem:s23+$0xFFFFFF60] =	vst v1;
	v1 =	vmul.f32 v12, v17  }
0x3f7: {  	v9 =	vmul.f32 v9, v18;
	v10 =	vld [tilespmem:s25+$0xFFFFFF70];
	[tilespmem:s23+$0xFFFFFFE0] =	vst v3  }
0x3f8: {  	v3 =	vshll.u32 v15, $0x10;
	v12 =	vld [tilespmem:s25+$0xFFFFFFF0];
	[tilespmem:s23+$0x60] =	vst v1  }
0x3f9: {  	[tilespmem:s8+$0xFFFFFF30] =	vst v9;
	v1 =	vmul.f32 v3, v4;
	v9 =	vld [tilespmem:s25+$0x70];
	s25 =	smov.u32 s9  }
0x3fa: {  	v14 =	vld [tilespmem:s19+$0xFFFFFF20];
	v2 =	vmul.f32 v2, v7  }
0x3fb: {  	v7 =	vld [tilespmem:s9+$0xFFFFFF40];
	v6 =	vmul.f32 v11, v6;
	[tilespmem:s8+$0xC0] =	vst v1  }
.Ltmp12:
0x3fc: {  	[tilespmem:s8+$0xFFFFFFB0] =	vst v2;
	v4 =	vld [tilespmem:s9+$0xD0];
	v1 =	vmul.f32 v5, v10;
	(pc) =	sbr.rel @p0 .LBB2_21-.Ltmp12, $4  }
0x3fd: {  	v3 =	vld [tilespmem:s19+$0xFFFFFFA0];
	[tilespmem:s8+$0x30] =	vst v6;
	v6 =	vmul.f32 v8, v12  }
0x3fe: {  	v2 =	vld [tilespmem:s19+$0x20];
	[tilespmem:s23+$0xFFFFFF70] =	vst v1;
	v9 =	vmul.f32 v13, v9  }
0x3ff: {  	v8 =	vshll.u32 v14, $0x10;
	v1 =	vand.u32 $0xFFFF0000, v14;
	v5 =	vld [tilespmem:s9+$0xFFFFFFC0];
	[tilespmem:s23+$0xFFFFFFF0] =	vst v6  }
0x400: {  	s19 =	sadd.s32 $0x200, s19;
	v7 =	vmul.f32 v8, v7;
	v6 =	vld [tilespmem:s9+$0x40];
	v8 =	vand.u32 $0xFFFF0000, v15;
	[tilespmem:s23+$0x70] =	vst v9;
	s23 =	smov.u32 s8  }
0x401: {  	_ =	sdelay $0x1  }
0x402: {  	v9 =	vshll.u32 v3, $0x10  }
0x403: {  	[tilespmem:s8+$0xFFFFFF40] =	vst v7;
	v5 =	vmul.f32 v9, v5  }
0x404: {  	v51 =	vshll.u32 v2, $0x10;
	v52 =	vld [tilespmem:s25+$0xFFFFFF50]  }
0x405: {  	v6 =	vmul.f32 v51, v6;
	[tilespmem:s8+$0xFFFFFFC0] =	vst v5  }
0x406: {  	v53 =	vld [tilespmem:s25+$0xFFFFFFD0]  }
0x407: {  	v4 =	vmul.f32 v8, v4;
	[tilespmem:s8+$0x40] =	vst v6  }
0x408: {  	v54 =	vld [tilespmem:s25+$0x50]  }
0x409: {  	[tilespmem:s8+$0xD0] =	vst v4;
	v1 =	vmul.f32 v1, v52  }
0x40a: {  	v3 =	vand.u32 $0xFFFF0000, v3;
	v4 =	vld [tilespmem:s7+$0xB0]  }
0x40b: {  	v55 =	vld [tilespmem:s25+$0xE0];
	[tilespmem:s23+$0xFFFFFF50] =	vst v1;
	v3 =	vmul.f32 v3, v53  }
0x40c: {  	v2 =	vand.u32 $0xFFFF0000, v2;
	v56 =	vld [tilespmem:s25+$0xFFFFFF60]  }
0x40d: {  	v1 =	vmul.f32 v2, v54;
	v2 =	vld [tilespmem:s7+$0xFFFFFF30];
	[tilespmem:s23+$0xFFFFFFD0] =	vst v3  }
0x40e: {  	v3 =	vld [tilespmem:s7+$0xFFFFFFB0]  }
0x40f: {  	[tilespmem:s23+$0x50] =	vst v1;
	v57 =	vld [tilespmem:s25+$0xFFFFFFE0]  }
0x410: {  	v1 =	vld [tilespmem:s7+$0x30]  }
0x411: {  	v58 =	vld [tilespmem:s25+$0x60]  }
0x412: {  	v59 =	vshll.u32 v4, $0x10  }
0x413: {  	v5 =	vmul.f32 v59, v55;
	v60 =	vshll.u32 v2, $0x10  }
0x414: {  	v6 =	vmul.f32 v60, v56;
	v61 =	vshll.u32 v3, $0x10  }
0x415: {  	[tilespmem:s23+$0xE0] =	vst v5;
	v62 =	vshll.u32 v1, $0x10;
	v7 =	vmul.f32 v61, v57  }
0x416: {  	v63 =	vld [tilespmem:s25+$0xF0];
	[tilespmem:s23+$0xFFFFFF60] =	vst v6;
	v5 =	vmul.f32 v62, v58  }
0x417: {  	v6 =	vld [tilespmem:s25+$0xFFFFFF70];
	[tilespmem:s23+$0xFFFFFFE0] =	vst v7  }
0x418: {  	v7 =	vld [tilespmem:s25+$0xFFFFFFF0];
	[tilespmem:s23+$0x60] =	vst v5  }
0x419: {  	v5 =	vld [tilespmem:s25+$0x70]  }
0x41a: {  	v4 =	vand.u32 $0xFFFF0000, v4  }
0x41b: {  	v4 =	vmul.f32 v4, v63;
	v2 =	vand.u32 $0xFFFF0000, v2  }
0x41c: {  	v3 =	vand.u32 $0xFFFF0000, v3;
	v2 =	vmul.f32 v2, v6  }
.Ltmp13:
0x41d: {  	[tilespmem:s23+$0xF0] =	vst v4;
	v1 =	vand.u32 $0xFFFF0000, v1;
	v3 =	vmul.f32 v3, v7;
	(pc) =	sbr.rel @p1 .LBB2_24-.Ltmp13, $4  }
0x41e: {  	[tilespmem:s23+$0xFFFFFF70] =	vst v2;
	v1 =	vmul.f32 v1, v5  }
0x41f: {  	[tilespmem:s23+$0xFFFFFFF0] =	vst v3  }
0x420: {  	s26 =	sadd.s32 $0x1C80, s0;
	[tilespmem:s23+$0x70] =	vst v1  }
0x421: {  	[spmem:s2] =	stream.indirect.scatter.add.f32 [tilespmem:s21], [sflag:$0x6], $0x80, s26, s3, $0xb8;
	[tilespmem:$0x1F000] =	vst v63  }
0x422: {  	s0 =	sadd.s32 $0x180, s0;
	s7 =	smul.u32 $0x2800, s6;
	s26 =	sld [smem:$0x7F8]  }
0x423: {  	[tilespmem:s10], [sflag:$0x2] =	stream.indirect.gather [hbm4b:s1+s3], $0x80, s0, s3, $0xb8;
	[tilespmem:$0x1F000] =	vst v63  }
.Ltmp14:
0x424: {  	_ = 	snop;
	(pc) =	sbr.rel .LBB2_18-.Ltmp14, $4  }
0x425: {  	s0 =	sadd.s32 s7, s26  }
0x426: {  	s0 =	sshrl.u32 s0, $0x3  }
0x427: {  	s6 =	sadd.s32 $0x1, s6;
	s0 =	sadd.s32 s5, s0  }
0x428: {  	[tilespmem:s12], [sflag:$0x4] =	stream.linear.gather [hbm4b:s0+s4], $0x1400, $0x38;
	[tilespmem:$0x1F000] =	vst v63  }
.LBB2_24:
0x429: {  	s0 =	simm.s32 $0x5  }
0x42a: {  	_ =	swait.ge [sflag:s0], $0x1400  }
0x42b: {  	[sflag:s0] =	ssyncset.done $0x0  }
0x42c: {  	s7 =	simm.s32 $0x6;
	[sflag:s0] =	ssyncadd.s32 $0xFFFFEC00  }
0x42d: {  	_ =	swait.ge [sflag:s7], $0x1400  }
0x42e: {  	[sflag:s7] =	ssyncset.done $0x0  }
0x42f: {  	s6 =	simm.s32 $0x0;
	s8 =	rddreg [dreg:$0xf];
	[sflag:s7] =	ssyncadd.s32 $0xFFFFEC00  }
0x430: {  	[tilespmem:s6], [sflag:$0x7] =	stream.linear.gather [hbm4b:s8+s6], $0x1900, $0x38;
	[tilespmem:$0x1F000] =	vst v63  }
0x431: {  	_ =	swait.ge [sflag:s31], $0x1900  }
0x432: {  	[sflag:s31] =	ssyncset.done $0x0  }
0x433: {  	s7 =	simm.s32 $0x1C00;
	s9 =	rddreg [dreg:$0x10];
	[sflag:s31] =	ssyncadd.s32 $0xFFFFE700  }
0x434: {  	[tilespmem:s7], [sflag:$0x7] =	stream.linear.gather [hbm4b:s9+s6], $0x1900, $0x38;
	[tilespmem:$0x1F000] =	vst v63  }
0x435: {  	_ =	swait.ge [sflag:s31], $0x1900  }
0x436: {  	[sflag:s31] =	ssyncset.done $0x0  }
0x437: {  	s15 =	simm.s32 $0x3800;
	s19 =	sld [smem:$0x7F9];
	[sflag:s31] =	ssyncadd.s32 $0xFFFFE700  }
0x438: {  	[tilespmem:s15], [sflag:$0x1] =	stream.indirect.gather [hbm4b:s1+s3], $0x80, s6, s3, $0xb8;
	[tilespmem:$0x1F000] =	vst v63  }
0x439: {  	s23 =	simm.s32 $0x6000  }
0x43a: {  	[tilespmem:s23], [sflag:$0x3] =	stream.linear.gather [hbm4b:s19+s6], $0x1400, $0x38;
	[tilespmem:$0x1F000] =	vst v63  }
0x43b: {  	s25 =	simm.s32 $0x80;
	s26 =	sld [smem:$0x7FA]  }
0x43c: {  	[tilespmem:s10], [sflag:$0x2] =	stream.indirect.gather [hbm4b:s1+s3], $0x80, s25, s3, $0xb8;
	[tilespmem:$0x1F000] =	vst v63  }
0x43d: {  	_ = 	snop  }
0x43e: {  	[tilespmem:s12], [sflag:$0x4] =	stream.linear.gather [hbm4b:s26+s6], $0x1400, $0x38;
	[tilespmem:$0x1F000] =	vst v63  }
.LBB2_25:
0x43f: {  	_ =	swait.ge [sflag:s13], $0x1400  }
0x440: {  	[sflag:s13] =	ssyncset.done $0x0  }
0x441: {  	[sflag:s13] =	ssyncadd.s32 $0xFFFFEC00  }
0x442: {  	_ =	swait.ge [sflag:s16], $0x1400  }
0x443: {  	p0 =	seq.s32 s6, $0x0;
	[sflag:s16] =	ssyncset.done $0x0  }
0x444: {  	s0 =	simm.s32 @!p0 $0x5;
	[sflag:s16] =	ssyncadd.s32 $0xFFFFEC00  }
0x445: {  	_ =	swait.ge @!p0 [sflag:s0], $0x1400  }
0x446: {  	[sflag:s0] =	ssyncset.done @!p0 $0x0  }
0x447: {  	[sflag:s0] =	ssyncadd.s32 @!p0 $0xFFFFEC00;
	s0 =	simm.s32 $0x6100  }
0x448: {  	s8 =	simm.s32 $0x3900;
	v1 =	vld [tilespmem:s0+$0x80]  }
0x449: {  	v2 =	vld [tilespmem:s8+$0x80];
	_ =	sdelay $0x2  }
0x44a: {  	v3 =	vld [tilespmem:s0+$0xFFFFFF80]  }
0x44b: {  	v5 =	vld [tilespmem:s0+$0xFFFFFF00];
	v4 =	vshll.u32 v1, $0x10  }
0x44c: {  	v6 =	vld [tilespmem:s8+$0xFFFFFF80];
	v2 =	vmul.f32 v4, v2  }
0x44d: {  	s7 =	simm.s32 $0x8900;
	v4 =	vld [tilespmem:s8+$0xFFFFFF00]  }
0x44e: {  	[tilespmem:s7+$0x80] =	vst v2  }
0x44f: {  	v2 =	vld [tilespmem:s8+$0x90]  }
0x450: {  	v7 =	vld [tilespmem:s0+$0x0];
	v10 =	vshll.u32 v3, $0x10  }
0x451: {  	v8 =	vld [tilespmem:s8+$0x0];
	v9 =	vshll.u32 v5, $0x10;
	v6 =	vmul.f32 v10, v6  }
0x452: {  	v4 =	vmul.f32 v9, v4  }
0x453: {  	v1 =	vand.u32 $0xFFFF0000, v1;
	[tilespmem:s7+$0xFFFFFF80] =	vst v6  }
0x454: {  	v6 =	vld [tilespmem:s8+$0xFFFFFF90];
	[tilespmem:s7+$0xFFFFFF00] =	vst v4;
	v1 =	vmul.f32 v1, v2  }
0x455: {  	v2 =	vshll.u32 v7, $0x10;
	v4 =	vld [tilespmem:s8+$0xFFFFFF10]  }
0x456: {  	v2 =	vmul.f32 v2, v8;
	[tilespmem:s7+$0x90] =	vst v1  }
0x457: {  	v1 =	vld [tilespmem:s0+$0x90]  }
0x458: {  	v3 =	vand.u32 $0xFFFF0000, v3;
	[tilespmem:s7+$0x0] =	vst v2;
	v2 =	vld [tilespmem:s8+$0xA0]  }
0x459: {  	v5 =	vand.u32 $0xFFFF0000, v5;
	v3 =	vmul.f32 v3, v6  }
0x45a: {  	v8 =	vld [tilespmem:s8+$0x10];
	v4 =	vmul.f32 v5, v4  }
0x45b: {  	[tilespmem:s7+$0xFFFFFF90] =	vst v3  }
0x45c: {  	[tilespmem:s7+$0xFFFFFF10] =	vst v4;
	v4 =	vshll.u32 v1, $0x10  }
0x45d: {  	v3 =	vld [tilespmem:s0+$0xFFFFFF90];
	v2 =	vmul.f32 v4, v2  }
0x45e: {  	v5 =	vand.u32 $0xFFFF0000, v7;
	v6 =	vld [tilespmem:s0+$0xFFFFFF10]  }
0x45f: {  	v4 =	vmul.f32 v5, v8;
	v5 =	vld [tilespmem:s8+$0xFFFFFF20];
	[tilespmem:s7+$0xA0] =	vst v2  }
0x460: {  	v2 =	vld [tilespmem:s8+$0xB0]  }
0x461: {  	v7 =	vld [tilespmem:s8+$0xFFFFFFA0];
	[tilespmem:s7+$0x10] =	vst v4  }
0x462: {  	v4 =	vld [tilespmem:s0+$0x10]  }
0x463: {  	v9 =	vld [tilespmem:s8+$0x20];
	v8 =	vshll.u32 v6, $0x10  }
0x464: {  	v1 =	vand.u32 $0xFFFF0000, v1;
	v5 =	vmul.f32 v8, v5  }
0x465: {  	v1 =	vmul.f32 v1, v2  }
0x466: {  	[tilespmem:s7+$0xFFFFFF20] =	vst v5;
	v2 =	vshll.u32 v3, $0x10  }
0x467: {  	v5 =	vshll.u32 v4, $0x10;
	v8 =	vld [tilespmem:s8+$0xFFFFFF30];
	v2 =	vmul.f32 v2, v7;
	[tilespmem:s7+$0xB0] =	vst v1  }
0x468: {  	v1 =	vmul.f32 v5, v9;
	v9 =	vld [tilespmem:s0+$0xA0]  }
0x469: {  	[tilespmem:s7+$0xFFFFFFA0] =	vst v2;
	v2 =	vld [tilespmem:s8+$0xC0]  }
0x46a: {  	v5 =	vld [tilespmem:s8+$0xFFFFFFB0];
	[tilespmem:s7+$0x20] =	vst v1  }
0x46b: {  	v1 =	vand.u32 $0xFFFF0000, v6;
	v6 =	vld [tilespmem:s8+$0x30]  }
0x46c: {  	v1 =	vmul.f32 v1, v8  }
0x46d: {  	v7 =	vshll.u32 v9, $0x10  }
0x46e: {  	v3 =	vand.u32 $0xFFFF0000, v3;
	[tilespmem:s7+$0xFFFFFF30] =	vst v1;
	v1 =	vmul.f32 v7, v2  }
0x46f: {  	v2 =	vand.u32 $0xFFFF0000, v4;
	v7 =	vld [tilespmem:s0+$0xFFFFFF20];
	v3 =	vmul.f32 v3, v5  }
0x470: {  	v8 =	vld [tilespmem:s8+$0xFFFFFF40];
	v2 =	vmul.f32 v2, v6;
	[tilespmem:s7+$0xC0] =	vst v1  }
0x471: {  	[tilespmem:s7+$0xFFFFFFB0] =	vst v3;
	v4 =	vld [tilespmem:s8+$0xD0]  }
0x472: {  	v3 =	vld [tilespmem:s0+$0xFFFFFFA0];
	[tilespmem:s7+$0x30] =	vst v2  }
0x473: {  	v2 =	vld [tilespmem:s0+$0x20]  }
0x474: {  	s9 =	sshll.u32 s6, $0xA;
	s15 =	simm.s32 $0x0;
	v5 =	vld [tilespmem:s8+$0xFFFFFFC0];
	v6 =	vshll.u32 v7, $0x10  }
0x475: {  	s19 =	simm.s32 $0x6300;
	s25 =	simm.s32 $0x3900;
	s23 =	simm.s32 $0x8900;
	v1 =	vand.u32 $0xFFFF0000, v7;
	v7 =	vmul.f32 v6, v8;
	v6 =	vld [tilespmem:s8+$0x40];
	v8 =	vand.u32 $0xFFFF0000, v9  }
.LBB2_26:
0x476: {  	v9 =	vld [tilespmem:s19+$0x80];
	s15 =	sadd.s32 $0x4, s15;
	v4 =	vmul.f32 v8, v4;
	s8 =	sadd.s32 $0x200, s8  }
0x477: {  	v8 =	vld [tilespmem:s8+$0x80];
	p1 =	slt.u32 s15, $0x24;
	[tilespmem:s7+$0xFFFFFF40] =	vst v7;
	v7 =	vshll.u32 v3, $0x10;
	v3 =	vand.u32 $0xFFFF0000, v3  }
0x478: {  	v10 =	vld [tilespmem:s19+$0xFFFFFF80];
	v11 =	vshll.u32 v2, $0x10;
	v2 =	vand.u32 $0xFFFF0000, v2;
	[tilespmem:s7+$0xD0] =	vst v4  }
0x479: {  	v4 =	vmul.f32 v7, v5;
	v5 =	vld [tilespmem:s0+$0xB0]  }
0x47a: {  	v6 =	vmul.f32 v11, v6;
	v7 =	vld [tilespmem:s25+$0xE0]  }
0x47b: {  	v11 =	vld [tilespmem:s19+$0x0];
	v12 =	vshll.u32 v9, $0x10;
	[tilespmem:s7+$0xFFFFFFC0] =	vst v4  }
0x47c: {  	v4 =	vld [tilespmem:s19+$0xFFFFFF00];
	v8 =	vmul.f32 v12, v8;
	[tilespmem:s7+$0x40] =	vst v6  }
0x47d: {  	s7 =	sadd.s32 $0x200, s7;
	v6 =	vld [tilespmem:s8+$0xFFFFFF00];
	v12 =	vshll.u32 v10, $0x10;
	v10 =	vand.u32 $0xFFFF0000, v10  }
0x47e: {  	v13 =	vld [tilespmem:s8+$0xFFFFFF80];
	[tilespmem:s7+$0x80] =	vst v8;
	v8 =	vshll.u32 v5, $0x10  }
0x47f: {  	v14 =	vld [tilespmem:s8+$0x90];
	v7 =	vmul.f32 v8, v7  }
0x480: {  	v8 =	vshll.u32 v11, $0x10;
	v11 =	vand.u32 $0xFFFF0000, v11;
	v15 =	vld [tilespmem:s8+$0x0]  }
0x481: {  	v16 =	vshll.u32 v4, $0x10;
	v4 =	vand.u32 $0xFFFF0000, v4;
	v17 =	vld [tilespmem:s25+$0xFFFFFF50];
	[tilespmem:s23+$0xE0] =	vst v7  }
0x482: {  	v6 =	vmul.f32 v16, v6;
	v7 =	vld [tilespmem:s25+$0xF0]  }
0x483: {  	v9 =	vand.u32 $0xFFFF0000, v9;
	v12 =	vmul.f32 v12, v13;
	v13 =	vld [tilespmem:s25+$0xFFFFFFD0]  }
0x484: {  	[tilespmem:s7+$0xFFFFFF00] =	vst v6;
	v6 =	vmul.f32 v9, v14;
	v9 =	vld [tilespmem:s25+$0x50]  }
0x485: {  	v14 =	vld [tilespmem:s8+$0xFFFFFF10];
	[tilespmem:s7+$0xFFFFFF80] =	vst v12;
	v8 =	vmul.f32 v8, v15  }
0x486: {  	v5 =	vand.u32 $0xFFFF0000, v5;
	v12 =	vld [tilespmem:s8+$0xFFFFFF90];
	[tilespmem:s7+$0x90] =	vst v6;
	v1 =	vmul.f32 v1, v17  }
0x487: {  	[tilespmem:s7+$0x0] =	vst v8;
	v6 =	vld [tilespmem:s19+$0x90];
	v5 =	vmul.f32 v5, v7  }
0x488: {  	v7 =	vld [tilespmem:s8+$0xA0];
	[tilespmem:s23+$0xFFFFFF50] =	vst v1;
	v1 =	vmul.f32 v3, v13  }
0x489: {  	v3 =	vld [tilespmem:s8+$0x10];
	v2 =	vmul.f32 v2, v9;
	[tilespmem:s23+$0xF0] =	vst v5  }
0x48a: {  	v4 =	vmul.f32 v4, v14;
	v5 =	vld [tilespmem:s0+$0xFFFFFF30];
	[tilespmem:s23+$0xFFFFFFD0] =	vst v1  }
0x48b: {  	v1 =	vmul.f32 v10, v12;
	v8 =	vld [tilespmem:s0+$0xFFFFFFB0];
	[tilespmem:s23+$0x50] =	vst v2  }
0x48c: {  	[tilespmem:s7+$0xFFFFFF10] =	vst v4;
	v2 =	vshll.u32 v6, $0x10;
	v4 =	vld [tilespmem:s0+$0x30];
	s0 =	smov.u32 s19  }
0x48d: {  	v9 =	vld [tilespmem:s19+$0xFFFFFF10];
	[tilespmem:s7+$0xFFFFFF90] =	vst v1;
	v1 =	vmul.f32 v2, v7  }
0x48e: {  	v2 =	vld [tilespmem:s19+$0xFFFFFF90];
	v3 =	vmul.f32 v11, v3  }
0x48f: {  	v7 =	vld [tilespmem:s8+$0xFFFFFF20];
	[tilespmem:s7+$0xA0] =	vst v1;
	v1 =	vshll.u32 v5, $0x10;
	v5 =	vand.u32 $0xFFFF0000, v5  }
0x490: {  	[tilespmem:s7+$0x10] =	vst v3;
	v3 =	vld [tilespmem:s8+$0xB0];
	v10 =	vshll.u32 v8, $0x10;
	v8 =	vand.u32 $0xFFFF0000, v8  }
0x491: {  	v11 =	vld [tilespmem:s19+$0x10];
	v12 =	vshll.u32 v4, $0x10;
	v13 =	vand.u32 $0xFFFF0000, v4  }
0x492: {  	v4 =	vshll.u32 v9, $0x10;
	v9 =	vand.u32 $0xFFFF0000, v9;
	v14 =	vld [tilespmem:s8+$0xFFFFFFA0]  }
0x493: {  	v15 =	vshll.u32 v2, $0x10;
	v2 =	vand.u32 $0xFFFF0000, v2;
	v16 =	vld [tilespmem:s8+$0x20]  }
0x494: {  	v6 =	vand.u32 $0xFFFF0000, v6;
	v4 =	vmul.f32 v4, v7;
	v7 =	vld [tilespmem:s25+$0xFFFFFF60]  }
0x495: {  	v3 =	vmul.f32 v6, v3;
	v6 =	vld [tilespmem:s25+$0xFFFFFFE0]  }
0x496: {  	[tilespmem:s7+$0xFFFFFF20] =	vst v4;
	v4 =	vshll.u32 v11, $0x10;
	v11 =	vand.u32 $0xFFFF0000, v11;
	v17 =	vld [tilespmem:s25+$0x60]  }
0x497: {  	v18 =	vld [tilespmem:s8+$0xFFFFFF30];
	v14 =	vmul.f32 v15, v14;
	[tilespmem:s7+$0xB0] =	vst v3  }
0x498: {  	v3 =	vmul.f32 v4, v16;
	v15 =	vld [tilespmem:s19+$0xA0]  }
0x499: {  	[tilespmem:s7+$0xFFFFFFA0] =	vst v14;
	v4 =	vld [tilespmem:s8+$0xC0];
	v1 =	vmul.f32 v1, v7  }
0x49a: {  	v7 =	vld [tilespmem:s8+$0xFFFFFFB0];
	[tilespmem:s7+$0x20] =	vst v3;
	v3 =	vmul.f32 v10, v6  }
0x49b: {  	v6 =	vld [tilespmem:s8+$0x30];
	[tilespmem:s23+$0xFFFFFF60] =	vst v1;
	v1 =	vmul.f32 v12, v17  }
0x49c: {  	v9 =	vmul.f32 v9, v18;
	v10 =	vld [tilespmem:s25+$0xFFFFFF70];
	[tilespmem:s23+$0xFFFFFFE0] =	vst v3  }
0x49d: {  	v3 =	vshll.u32 v15, $0x10;
	v12 =	vld [tilespmem:s25+$0xFFFFFFF0];
	[tilespmem:s23+$0x60] =	vst v1  }
0x49e: {  	[tilespmem:s7+$0xFFFFFF30] =	vst v9;
	v1 =	vmul.f32 v3, v4;
	v9 =	vld [tilespmem:s25+$0x70];
	s25 =	smov.u32 s8  }
0x49f: {  	v14 =	vld [tilespmem:s19+$0xFFFFFF20];
	v2 =	vmul.f32 v2, v7  }
0x4a0: {  	v7 =	vld [tilespmem:s8+$0xFFFFFF40];
	v6 =	vmul.f32 v11, v6;
	[tilespmem:s7+$0xC0] =	vst v1  }
.Ltmp15:
0x4a1: {  	[tilespmem:s7+$0xFFFFFFB0] =	vst v2;
	v4 =	vld [tilespmem:s8+$0xD0];
	v1 =	vmul.f32 v5, v10;
	(pc) =	sbr.rel @p1 .LBB2_26-.Ltmp15, $4  }
0x4a2: {  	v3 =	vld [tilespmem:s19+$0xFFFFFFA0];
	[tilespmem:s7+$0x30] =	vst v6;
	v6 =	vmul.f32 v8, v12  }
0x4a3: {  	v2 =	vld [tilespmem:s19+$0x20];
	[tilespmem:s23+$0xFFFFFF70] =	vst v1;
	v9 =	vmul.f32 v13, v9  }
0x4a4: {  	v8 =	vshll.u32 v14, $0x10;
	v1 =	vand.u32 $0xFFFF0000, v14;
	v5 =	vld [tilespmem:s8+$0xFFFFFFC0];
	[tilespmem:s23+$0xFFFFFFF0] =	vst v6  }
0x4a5: {  	s19 =	sadd.s32 $0x200, s19;
	v7 =	vmul.f32 v8, v7;
	v6 =	vld [tilespmem:s8+$0x40];
	v8 =	vand.u32 $0xFFFF0000, v15;
	[tilespmem:s23+$0x70] =	vst v9;
	s23 =	smov.u32 s7  }
0x4a6: {  	_ =	sdelay $0x1  }
0x4a7: {  	v9 =	vshll.u32 v3, $0x10  }
0x4a8: {  	v5 =	vmul.f32 v9, v5  }
0x4a9: {  	[tilespmem:s7+$0xFFFFFF40] =	vst v7;
	v10 =	vshll.u32 v2, $0x10  }
0x4aa: {  	v6 =	vmul.f32 v10, v6;
	[tilespmem:s7+$0xFFFFFFC0] =	vst v5;
	v5 =	vld [tilespmem:s25+$0xFFFFFF50];
	_ =	sdelay $0x1  }
0x4ab: {  	[tilespmem:s7+$0x40] =	vst v6;
	v6 =	vld [tilespmem:s25+$0xFFFFFFD0]  }
0x4ac: {  	v4 =	vmul.f32 v8, v4;
	v7 =	vld [tilespmem:s25+$0x50];
	_ =	sdelay $0x1  }
0x4ad: {  	[tilespmem:s7+$0xD0] =	vst v4;
	v1 =	vmul.f32 v1, v5  }
0x4ae: {  	v3 =	vand.u32 $0xFFFF0000, v3;
	v4 =	vld [tilespmem:s0+$0xB0]  }
0x4af: {  	v2 =	vand.u32 $0xFFFF0000, v2;
	v5 =	vld [tilespmem:s25+$0xE0];
	v3 =	vmul.f32 v3, v6;
	[tilespmem:s23+$0xFFFFFF50] =	vst v1  }
0x4b0: {  	v1 =	vmul.f32 v2, v7;
	v2 =	vld [tilespmem:s0+$0xFFFFFF30]  }
0x4b1: {  	[tilespmem:s23+$0xFFFFFFD0] =	vst v3;
	v6 =	vld [tilespmem:s25+$0xFFFFFF60]  }
0x4b2: {  	v3 =	vld [tilespmem:s0+$0xFFFFFFB0]  }
0x4b3: {  	[tilespmem:s23+$0x50] =	vst v1;
	v7 =	vld [tilespmem:s25+$0xFFFFFFE0]  }
0x4b4: {  	v1 =	vld [tilespmem:s0+$0x30]  }
0x4b5: {  	v8 =	vld [tilespmem:s25+$0x60]  }
0x4b6: {  	v9 =	vshll.u32 v4, $0x10  }
0x4b7: {  	v5 =	vmul.f32 v9, v5;
	v9 =	vshll.u32 v2, $0x10  }
0x4b8: {  	v10 =	vshll.u32 v3, $0x10;
	v6 =	vmul.f32 v9, v6  }
0x4b9: {  	[tilespmem:s23+$0xE0] =	vst v5;
	v5 =	vshll.u32 v1, $0x10;
	v7 =	vmul.f32 v10, v7  }
0x4ba: {  	v9 =	vld [tilespmem:s25+$0xF0];
	[tilespmem:s23+$0xFFFFFF60] =	vst v6;
	v5 =	vmul.f32 v5, v8  }
0x4bb: {  	v6 =	vld [tilespmem:s25+$0xFFFFFF70];
	[tilespmem:s23+$0xFFFFFFE0] =	vst v7  }
0x4bc: {  	v7 =	vld [tilespmem:s25+$0xFFFFFFF0];
	[tilespmem:s23+$0x60] =	vst v5  }
0x4bd: {  	v5 =	vld [tilespmem:s25+$0x70]  }
0x4be: {  	v4 =	vand.u32 $0xFFFF0000, v4  }
0x4bf: {  	v2 =	vand.u32 $0xFFFF0000, v2;
	v4 =	vmul.f32 v4, v9  }
0x4c0: {  	v3 =	vand.u32 $0xFFFF0000, v3;
	v2 =	vmul.f32 v2, v6  }
0x4c1: {  	v1 =	vand.u32 $0xFFFF0000, v1;
	[tilespmem:s23+$0xF0] =	vst v4;
	v3 =	vmul.f32 v3, v7  }
0x4c2: {  	[tilespmem:s23+$0xFFFFFF70] =	vst v2;
	v1 =	vmul.f32 v1, v5  }
0x4c3: {  	p1 =	seq.s32 s6, $0x18;
	s0 =	sshrl.u32 s9, $0x2;
	[tilespmem:s23+$0xFFFFFFF0] =	vst v3  }
0x4c4: {  	s8 =	simm.s32 @!p1 $0x28;
	s7 =	sshrl.u32 @!p1 s9, $0x2;
	s26 =	sadd.s32 $0x1C00, s0;
	[tilespmem:s23+$0x70] =	vst v1  }
0x4c5: {  	[spmem:s2] =	stream.indirect.scatter.add.f32 [tilespmem:s30], [sflag:$0x5], $0x80, s26, s3, $0xb8;
	[tilespmem:$0x1F000] =	vst v63  }
0x4c6: {  	s15 =	smul.u32 @!p1 $0x2800, s6;
	s7 =	sadd.s32 @!p1 $0x100, s7;
	s9 =	simm.s32 @!p1 $0x3800  }
0x4c7: {  	[tilespmem:s9], [sflag:$0x1] =	stream.indirect.gather @!p1 [hbm4b:s1+s8], $0x80, s7, s8, $0xb8;
	[tilespmem:$0x1F000] =	vst v63  }
0x4c8: {  	s7 =	sadd.s32 @!p1 s15, s22  }
0x4c9: {  	s7 =	sshrl.u32 @!p1 s7, $0x3  }
0x4ca: {  	s8 =	simm.s32 @!p1 $0x0;
	s9 =	simm.s32 @!p1 $0x6000;
	s7 =	sadd.s32 @!p1 s5, s7  }
0x4cb: {  	[tilespmem:s9], [sflag:$0x3] =	stream.linear.gather @!p1 [hbm4b:s7+s8], $0x1400, $0x38;
	[tilespmem:$0x1F000] =	vst v63  }
0x4cc: {  	_ =	swait.ge [sflag:s17], $0x1400  }
0x4cd: {  	[sflag:s17] =	ssyncset.done $0x0  }
0x4ce: {  	[sflag:s17] =	ssyncadd.s32 $0xFFFFEC00  }
0x4cf: {  	_ =	swait.ge [sflag:s20], $0x1400  }
0x4d0: {  	[sflag:s20] =	ssyncset.done $0x0  }
0x4d1: {  	s7 =	simm.s32 @!p0 $0x6;
	[sflag:s20] =	ssyncadd.s32 $0xFFFFEC00  }
0x4d2: {  	_ =	swait.ge @!p0 [sflag:s7], $0x1400  }
0x4d3: {  	[sflag:s7] =	ssyncset.done @!p0 $0x0  }
0x4d4: {  	[sflag:s7] =	ssyncadd.s32 @!p0 $0xFFFFEC00;
	s7 =	simm.s32 $0x7500  }
0x4d5: {  	s9 =	simm.s32 $0x4D00;
	v1 =	vld [tilespmem:s7+$0x80]  }
0x4d6: {  	v2 =	vld [tilespmem:s9+$0x80];
	_ =	sdelay $0x2  }
0x4d7: {  	v3 =	vld [tilespmem:s7+$0xFFFFFF80]  }
0x4d8: {  	v5 =	vld [tilespmem:s7+$0xFFFFFF00];
	v4 =	vshll.u32 v1, $0x10  }
0x4d9: {  	v6 =	vld [tilespmem:s9+$0xFFFFFF80];
	v2 =	vmul.f32 v4, v2  }
0x4da: {  	s8 =	simm.s32 $0x9D00;
	v4 =	vld [tilespmem:s9+$0xFFFFFF00]  }
0x4db: {  	[tilespmem:s8+$0x80] =	vst v2  }
0x4dc: {  	v2 =	vld [tilespmem:s9+$0x90]  }
0x4dd: {  	v7 =	vld [tilespmem:s7+$0x0];
	v10 =	vshll.u32 v3, $0x10  }
0x4de: {  	v8 =	vld [tilespmem:s9+$0x0];
	v9 =	vshll.u32 v5, $0x10;
	v6 =	vmul.f32 v10, v6  }
0x4df: {  	v4 =	vmul.f32 v9, v4  }
0x4e0: {  	v1 =	vand.u32 $0xFFFF0000, v1;
	[tilespmem:s8+$0xFFFFFF80] =	vst v6  }
0x4e1: {  	v6 =	vld [tilespmem:s9+$0xFFFFFF90];
	[tilespmem:s8+$0xFFFFFF00] =	vst v4;
	v1 =	vmul.f32 v1, v2  }
0x4e2: {  	v2 =	vshll.u32 v7, $0x10;
	v4 =	vld [tilespmem:s9+$0xFFFFFF10]  }
0x4e3: {  	v2 =	vmul.f32 v2, v8;
	[tilespmem:s8+$0x90] =	vst v1  }
0x4e4: {  	v1 =	vld [tilespmem:s7+$0x90]  }
0x4e5: {  	v3 =	vand.u32 $0xFFFF0000, v3;
	[tilespmem:s8+$0x0] =	vst v2;
	v2 =	vld [tilespmem:s9+$0xA0]  }
0x4e6: {  	v5 =	vand.u32 $0xFFFF0000, v5;
	v3 =	vmul.f32 v3, v6  }
0x4e7: {  	v8 =	vld [tilespmem:s9+$0x10];
	v4 =	vmul.f32 v5, v4  }
0x4e8: {  	[tilespmem:s8+$0xFFFFFF90] =	vst v3  }
0x4e9: {  	[tilespmem:s8+$0xFFFFFF10] =	vst v4;
	v4 =	vshll.u32 v1, $0x10  }
0x4ea: {  	v3 =	vld [tilespmem:s7+$0xFFFFFF90];
	v2 =	vmul.f32 v4, v2  }
0x4eb: {  	v5 =	vand.u32 $0xFFFF0000, v7;
	v6 =	vld [tilespmem:s7+$0xFFFFFF10]  }
0x4ec: {  	v4 =	vmul.f32 v5, v8;
	v5 =	vld [tilespmem:s9+$0xFFFFFF20];
	[tilespmem:s8+$0xA0] =	vst v2  }
0x4ed: {  	v2 =	vld [tilespmem:s9+$0xB0]  }
0x4ee: {  	v7 =	vld [tilespmem:s9+$0xFFFFFFA0];
	[tilespmem:s8+$0x10] =	vst v4  }
0x4ef: {  	v4 =	vld [tilespmem:s7+$0x10]  }
0x4f0: {  	v9 =	vld [tilespmem:s9+$0x20];
	v8 =	vshll.u32 v6, $0x10  }
0x4f1: {  	v1 =	vand.u32 $0xFFFF0000, v1;
	v5 =	vmul.f32 v8, v5  }
0x4f2: {  	v1 =	vmul.f32 v1, v2  }
0x4f3: {  	[tilespmem:s8+$0xFFFFFF20] =	vst v5;
	v2 =	vshll.u32 v3, $0x10  }
0x4f4: {  	v5 =	vshll.u32 v4, $0x10;
	v8 =	vld [tilespmem:s9+$0xFFFFFF30];
	v2 =	vmul.f32 v2, v7;
	[tilespmem:s8+$0xB0] =	vst v1  }
0x4f5: {  	v1 =	vmul.f32 v5, v9;
	v9 =	vld [tilespmem:s7+$0xA0]  }
0x4f6: {  	[tilespmem:s8+$0xFFFFFFA0] =	vst v2;
	v2 =	vld [tilespmem:s9+$0xC0]  }
0x4f7: {  	v5 =	vld [tilespmem:s9+$0xFFFFFFB0];
	[tilespmem:s8+$0x20] =	vst v1  }
0x4f8: {  	v1 =	vand.u32 $0xFFFF0000, v6;
	v6 =	vld [tilespmem:s9+$0x30]  }
0x4f9: {  	v1 =	vmul.f32 v1, v8  }
0x4fa: {  	v7 =	vshll.u32 v9, $0x10  }
0x4fb: {  	v3 =	vand.u32 $0xFFFF0000, v3;
	[tilespmem:s8+$0xFFFFFF30] =	vst v1;
	v1 =	vmul.f32 v7, v2  }
0x4fc: {  	v2 =	vand.u32 $0xFFFF0000, v4;
	v7 =	vld [tilespmem:s7+$0xFFFFFF20];
	v3 =	vmul.f32 v3, v5  }
0x4fd: {  	v8 =	vld [tilespmem:s9+$0xFFFFFF40];
	v2 =	vmul.f32 v2, v6;
	[tilespmem:s8+$0xC0] =	vst v1  }
0x4fe: {  	[tilespmem:s8+$0xFFFFFFB0] =	vst v3;
	v4 =	vld [tilespmem:s9+$0xD0]  }
0x4ff: {  	v3 =	vld [tilespmem:s7+$0xFFFFFFA0];
	[tilespmem:s8+$0x30] =	vst v2  }
0x500: {  	v2 =	vld [tilespmem:s7+$0x20]  }
0x501: {  	s19 =	simm.s32 $0x7700;
	v5 =	vld [tilespmem:s9+$0xFFFFFFC0];
	v6 =	vshll.u32 v7, $0x10  }
0x502: {  	s25 =	simm.s32 $0x4D00;
	s23 =	simm.s32 $0x9D00;
	s15 =	simm.s32 $0x0;
	v1 =	vand.u32 $0xFFFF0000, v7;
	v7 =	vmul.f32 v6, v8;
	v6 =	vld [tilespmem:s9+$0x40];
	v8 =	vand.u32 $0xFFFF0000, v9  }
.LBB2_28:
0x503: {  	v9 =	vld [tilespmem:s19+$0x80];
	s15 =	sadd.s32 $0x4, s15;
	v4 =	vmul.f32 v8, v4;
	s9 =	sadd.s32 $0x200, s9  }
0x504: {  	v8 =	vld [tilespmem:s9+$0x80];
	p0 =	slt.u32 s15, $0x24;
	[tilespmem:s8+$0xFFFFFF40] =	vst v7;
	v7 =	vshll.u32 v3, $0x10;
	v3 =	vand.u32 $0xFFFF0000, v3  }
0x505: {  	v10 =	vld [tilespmem:s19+$0xFFFFFF80];
	v11 =	vshll.u32 v2, $0x10;
	v2 =	vand.u32 $0xFFFF0000, v2;
	[tilespmem:s8+$0xD0] =	vst v4  }
0x506: {  	v4 =	vmul.f32 v7, v5;
	v5 =	vld [tilespmem:s7+$0xB0]  }
0x507: {  	v6 =	vmul.f32 v11, v6;
	v7 =	vld [tilespmem:s25+$0xE0]  }
0x508: {  	v11 =	vld [tilespmem:s19+$0x0];
	v12 =	vshll.u32 v9, $0x10;
	[tilespmem:s8+$0xFFFFFFC0] =	vst v4  }
0x509: {  	v4 =	vld [tilespmem:s19+$0xFFFFFF00];
	v8 =	vmul.f32 v12, v8;
	[tilespmem:s8+$0x40] =	vst v6  }
0x50a: {  	s8 =	sadd.s32 $0x200, s8;
	v6 =	vld [tilespmem:s9+$0xFFFFFF00];
	v12 =	vshll.u32 v10, $0x10;
	v10 =	vand.u32 $0xFFFF0000, v10  }
0x50b: {  	v13 =	vld [tilespmem:s9+$0xFFFFFF80];
	[tilespmem:s8+$0x80] =	vst v8;
	v8 =	vshll.u32 v5, $0x10  }
0x50c: {  	v14 =	vld [tilespmem:s9+$0x90];
	v7 =	vmul.f32 v8, v7  }
0x50d: {  	v8 =	vshll.u32 v11, $0x10;
	v11 =	vand.u32 $0xFFFF0000, v11;
	v15 =	vld [tilespmem:s9+$0x0]  }
0x50e: {  	v16 =	vshll.u32 v4, $0x10;
	v4 =	vand.u32 $0xFFFF0000, v4;
	v17 =	vld [tilespmem:s25+$0xFFFFFF50];
	[tilespmem:s23+$0xE0] =	vst v7  }
0x50f: {  	v6 =	vmul.f32 v16, v6;
	v7 =	vld [tilespmem:s25+$0xF0]  }
0x510: {  	v9 =	vand.u32 $0xFFFF0000, v9;
	v12 =	vmul.f32 v12, v13;
	v13 =	vld [tilespmem:s25+$0xFFFFFFD0]  }
0x511: {  	[tilespmem:s8+$0xFFFFFF00] =	vst v6;
	v6 =	vmul.f32 v9, v14;
	v9 =	vld [tilespmem:s25+$0x50]  }
0x512: {  	v14 =	vld [tilespmem:s9+$0xFFFFFF10];
	[tilespmem:s8+$0xFFFFFF80] =	vst v12;
	v8 =	vmul.f32 v8, v15  }
0x513: {  	v5 =	vand.u32 $0xFFFF0000, v5;
	v12 =	vld [tilespmem:s9+$0xFFFFFF90];
	[tilespmem:s8+$0x90] =	vst v6;
	v1 =	vmul.f32 v1, v17  }
0x514: {  	[tilespmem:s8+$0x0] =	vst v8;
	v6 =	vld [tilespmem:s19+$0x90];
	v5 =	vmul.f32 v5, v7  }
0x515: {  	v7 =	vld [tilespmem:s9+$0xA0];
	[tilespmem:s23+$0xFFFFFF50] =	vst v1;
	v1 =	vmul.f32 v3, v13  }
0x516: {  	v3 =	vld [tilespmem:s9+$0x10];
	v2 =	vmul.f32 v2, v9;
	[tilespmem:s23+$0xF0] =	vst v5  }
0x517: {  	v4 =	vmul.f32 v4, v14;
	v5 =	vld [tilespmem:s7+$0xFFFFFF30];
	[tilespmem:s23+$0xFFFFFFD0] =	vst v1  }
0x518: {  	v1 =	vmul.f32 v10, v12;
	v8 =	vld [tilespmem:s7+$0xFFFFFFB0];
	[tilespmem:s23+$0x50] =	vst v2  }
0x519: {  	[tilespmem:s8+$0xFFFFFF10] =	vst v4;
	v2 =	vshll.u32 v6, $0x10;
	v4 =	vld [tilespmem:s7+$0x30];
	s7 =	smov.u32 s19  }
0x51a: {  	v9 =	vld [tilespmem:s19+$0xFFFFFF10];
	[tilespmem:s8+$0xFFFFFF90] =	vst v1;
	v1 =	vmul.f32 v2, v7  }
0x51b: {  	v2 =	vld [tilespmem:s19+$0xFFFFFF90];
	v3 =	vmul.f32 v11, v3  }
0x51c: {  	v7 =	vld [tilespmem:s9+$0xFFFFFF20];
	[tilespmem:s8+$0xA0] =	vst v1;
	v1 =	vshll.u32 v5, $0x10;
	v5 =	vand.u32 $0xFFFF0000, v5  }
0x51d: {  	[tilespmem:s8+$0x10] =	vst v3;
	v3 =	vld [tilespmem:s9+$0xB0];
	v10 =	vshll.u32 v8, $0x10;
	v8 =	vand.u32 $0xFFFF0000, v8  }
0x51e: {  	v11 =	vld [tilespmem:s19+$0x10];
	v12 =	vshll.u32 v4, $0x10;
	v13 =	vand.u32 $0xFFFF0000, v4  }
0x51f: {  	v4 =	vshll.u32 v9, $0x10;
	v9 =	vand.u32 $0xFFFF0000, v9;
	v14 =	vld [tilespmem:s9+$0xFFFFFFA0]  }
0x520: {  	v15 =	vshll.u32 v2, $0x10;
	v2 =	vand.u32 $0xFFFF0000, v2;
	v16 =	vld [tilespmem:s9+$0x20]  }
0x521: {  	v6 =	vand.u32 $0xFFFF0000, v6;
	v4 =	vmul.f32 v4, v7;
	v7 =	vld [tilespmem:s25+$0xFFFFFF60]  }
0x522: {  	v3 =	vmul.f32 v6, v3;
	v6 =	vld [tilespmem:s25+$0xFFFFFFE0]  }
0x523: {  	[tilespmem:s8+$0xFFFFFF20] =	vst v4;
	v4 =	vshll.u32 v11, $0x10;
	v11 =	vand.u32 $0xFFFF0000, v11;
	v17 =	vld [tilespmem:s25+$0x60]  }
0x524: {  	v18 =	vld [tilespmem:s9+$0xFFFFFF30];
	v14 =	vmul.f32 v15, v14;
	[tilespmem:s8+$0xB0] =	vst v3  }
0x525: {  	v3 =	vmul.f32 v4, v16;
	v15 =	vld [tilespmem:s19+$0xA0]  }
0x526: {  	[tilespmem:s8+$0xFFFFFFA0] =	vst v14;
	v4 =	vld [tilespmem:s9+$0xC0];
	v1 =	vmul.f32 v1, v7  }
0x527: {  	v7 =	vld [tilespmem:s9+$0xFFFFFFB0];
	[tilespmem:s8+$0x20] =	vst v3;
	v3 =	vmul.f32 v10, v6  }
0x528: {  	v6 =	vld [tilespmem:s9+$0x30];
	[tilespmem:s23+$0xFFFFFF60] =	vst v1;
	v1 =	vmul.f32 v12, v17  }
0x529: {  	v9 =	vmul.f32 v9, v18;
	v10 =	vld [tilespmem:s25+$0xFFFFFF70];
	[tilespmem:s23+$0xFFFFFFE0] =	vst v3  }
0x52a: {  	v3 =	vshll.u32 v15, $0x10;
	v12 =	vld [tilespmem:s25+$0xFFFFFFF0];
	[tilespmem:s23+$0x60] =	vst v1  }
0x52b: {  	[tilespmem:s8+$0xFFFFFF30] =	vst v9;
	v1 =	vmul.f32 v3, v4;
	v9 =	vld [tilespmem:s25+$0x70];
	s25 =	smov.u32 s9  }
0x52c: {  	v14 =	vld [tilespmem:s19+$0xFFFFFF20];
	v2 =	vmul.f32 v2, v7  }
0x52d: {  	v7 =	vld [tilespmem:s9+$0xFFFFFF40];
	v6 =	vmul.f32 v11, v6;
	[tilespmem:s8+$0xC0] =	vst v1  }
.Ltmp16:
0x52e: {  	[tilespmem:s8+$0xFFFFFFB0] =	vst v2;
	v4 =	vld [tilespmem:s9+$0xD0];
	v1 =	vmul.f32 v5, v10;
	(pc) =	sbr.rel @p0 .LBB2_28-.Ltmp16, $4  }
0x52f: {  	v3 =	vld [tilespmem:s19+$0xFFFFFFA0];
	[tilespmem:s8+$0x30] =	vst v6;
	v6 =	vmul.f32 v8, v12  }
0x530: {  	v2 =	vld [tilespmem:s19+$0x20];
	[tilespmem:s23+$0xFFFFFF70] =	vst v1;
	v9 =	vmul.f32 v13, v9  }
0x531: {  	v8 =	vshll.u32 v14, $0x10;
	v1 =	vand.u32 $0xFFFF0000, v14;
	v5 =	vld [tilespmem:s9+$0xFFFFFFC0];
	[tilespmem:s23+$0xFFFFFFF0] =	vst v6  }
0x532: {  	s19 =	sadd.s32 $0x200, s19;
	v7 =	vmul.f32 v8, v7;
	v6 =	vld [tilespmem:s9+$0x40];
	v8 =	vand.u32 $0xFFFF0000, v15;
	[tilespmem:s23+$0x70] =	vst v9;
	s23 =	smov.u32 s8  }
0x533: {  	_ =	sdelay $0x1  }
0x534: {  	v9 =	vshll.u32 v3, $0x10  }
0x535: {  	[tilespmem:s8+$0xFFFFFF40] =	vst v7;
	v5 =	vmul.f32 v9, v5  }
0x536: {  	v51 =	vshll.u32 v2, $0x10;
	v52 =	vld [tilespmem:s25+$0xFFFFFF50]  }
0x537: {  	v6 =	vmul.f32 v51, v6;
	[tilespmem:s8+$0xFFFFFFC0] =	vst v5  }
0x538: {  	v53 =	vld [tilespmem:s25+$0xFFFFFFD0]  }
0x539: {  	v4 =	vmul.f32 v8, v4;
	[tilespmem:s8+$0x40] =	vst v6  }
0x53a: {  	v54 =	vld [tilespmem:s25+$0x50]  }
0x53b: {  	[tilespmem:s8+$0xD0] =	vst v4;
	v1 =	vmul.f32 v1, v52  }
0x53c: {  	v3 =	vand.u32 $0xFFFF0000, v3;
	v4 =	vld [tilespmem:s7+$0xB0]  }
0x53d: {  	v55 =	vld [tilespmem:s25+$0xE0];
	[tilespmem:s23+$0xFFFFFF50] =	vst v1;
	v3 =	vmul.f32 v3, v53  }
0x53e: {  	v2 =	vand.u32 $0xFFFF0000, v2;
	v56 =	vld [tilespmem:s25+$0xFFFFFF60]  }
0x53f: {  	v1 =	vmul.f32 v2, v54;
	v2 =	vld [tilespmem:s7+$0xFFFFFF30];
	[tilespmem:s23+$0xFFFFFFD0] =	vst v3  }
0x540: {  	v3 =	vld [tilespmem:s7+$0xFFFFFFB0]  }
0x541: {  	[tilespmem:s23+$0x50] =	vst v1;
	v57 =	vld [tilespmem:s25+$0xFFFFFFE0]  }
0x542: {  	v1 =	vld [tilespmem:s7+$0x30]  }
0x543: {  	v58 =	vld [tilespmem:s25+$0x60]  }
0x544: {  	v59 =	vshll.u32 v4, $0x10  }
0x545: {  	v5 =	vmul.f32 v59, v55;
	v60 =	vshll.u32 v2, $0x10  }
0x546: {  	v6 =	vmul.f32 v60, v56;
	v61 =	vshll.u32 v3, $0x10  }
0x547: {  	[tilespmem:s23+$0xE0] =	vst v5;
	v62 =	vshll.u32 v1, $0x10;
	v7 =	vmul.f32 v61, v57  }
0x548: {  	v63 =	vld [tilespmem:s25+$0xF0];
	[tilespmem:s23+$0xFFFFFF60] =	vst v6;
	v5 =	vmul.f32 v62, v58  }
0x549: {  	v6 =	vld [tilespmem:s25+$0xFFFFFF70];
	[tilespmem:s23+$0xFFFFFFE0] =	vst v7  }
0x54a: {  	v7 =	vld [tilespmem:s25+$0xFFFFFFF0];
	[tilespmem:s23+$0x60] =	vst v5  }
0x54b: {  	v5 =	vld [tilespmem:s25+$0x70]  }
0x54c: {  	v4 =	vand.u32 $0xFFFF0000, v4  }
0x54d: {  	v4 =	vmul.f32 v4, v63;
	v2 =	vand.u32 $0xFFFF0000, v2  }
0x54e: {  	v3 =	vand.u32 $0xFFFF0000, v3;
	v2 =	vmul.f32 v2, v6  }
.Ltmp17:
0x54f: {  	[tilespmem:s23+$0xF0] =	vst v4;
	v1 =	vand.u32 $0xFFFF0000, v1;
	v3 =	vmul.f32 v3, v7;
	(pc) =	sbr.rel @p1 .LBB2_31-.Ltmp17, $4  }
0x550: {  	[tilespmem:s23+$0xFFFFFF70] =	vst v2;
	v1 =	vmul.f32 v1, v5  }
0x551: {  	[tilespmem:s23+$0xFFFFFFF0] =	vst v3  }
0x552: {  	s26 =	sadd.s32 $0x1C80, s0;
	[tilespmem:s23+$0x70] =	vst v1  }
0x553: {  	[spmem:s2] =	stream.indirect.scatter.add.f32 [tilespmem:s21], [sflag:$0x6], $0x80, s26, s3, $0xb8;
	[tilespmem:$0x1F000] =	vst v63  }
0x554: {  	s0 =	sadd.s32 $0x180, s0;
	s7 =	smul.u32 $0x2800, s6  }
0x555: {  	[tilespmem:s10], [sflag:$0x2] =	stream.indirect.gather [hbm4b:s1+s3], $0x80, s0, s3, $0xb8;
	[tilespmem:$0x1F000] =	vst v63  }
.Ltmp18:
0x556: {  	_ = 	snop;
	(pc) =	sbr.rel .LBB2_25-.Ltmp18, $4  }
0x557: {  	s26 =	sadd.s32 s7, s24  }
0x558: {  	s0 =	sshrl.u32 s26, $0x3  }
0x559: {  	s6 =	sadd.s32 $0x1, s6;
	s0 =	sadd.s32 s5, s0  }
0x55a: {  	[tilespmem:s12], [sflag:$0x4] =	stream.linear.gather [hbm4b:s0+s4], $0x1400, $0x38;
	[tilespmem:$0x1F000] =	vst v63  }
.LBB2_31:
0x55b: {  	s0 =	simm.s32 $0x5  }
0x55c: {  	_ =	swait.ge [sflag:s0], $0x1400  }
0x55d: {  	[sflag:s0] =	ssyncset.done $0x0  }
0x55e: {  	s7 =	simm.s32 $0x6;
	[sflag:s0] =	ssyncadd.s32 $0xFFFFEC00  }
0x55f: {  	_ =	swait.ge [sflag:s7], $0x1400  }
0x560: {  	[sflag:s7] =	ssyncset.done $0x0  }
0x561: {  	s6 =	simm.s32 $0x0;
	s8 =	rddreg [dreg:$0x11];
	[sflag:s7] =	ssyncadd.s32 $0xFFFFEC00  }
0x562: {  	[tilespmem:s6], [sflag:$0x7] =	stream.linear.gather [hbm4b:s8+s6], $0x1900, $0x38;
	[tilespmem:$0x1F000] =	vst v63  }
0x563: {  	_ =	swait.ge [sflag:s31], $0x1900  }
0x564: {  	[sflag:s31] =	ssyncset.done $0x0  }
0x565: {  	s7 =	simm.s32 $0x1C00;
	s9 =	rddreg [dreg:$0x12];
	[sflag:s31] =	ssyncadd.s32 $0xFFFFE700  }
0x566: {  	[tilespmem:s7], [sflag:$0x7] =	stream.linear.gather [hbm4b:s9+s6], $0x1900, $0x38;
	[tilespmem:$0x1F000] =	vst v63  }
0x567: {  	_ =	swait.ge [sflag:s31], $0x1900  }
0x568: {  	[sflag:s31] =	ssyncset.done $0x0  }
0x569: {  	s15 =	simm.s32 $0x3800;
	s19 =	sld [smem:$0x7FB];
	[sflag:s31] =	ssyncadd.s32 $0xFFFFE700  }
0x56a: {  	[tilespmem:s15], [sflag:$0x1] =	stream.indirect.gather [hbm4b:s1+s3], $0x80, s6, s3, $0xb8;
	[tilespmem:$0x1F000] =	vst v63  }
0x56b: {  	s23 =	simm.s32 $0x6000  }
0x56c: {  	[tilespmem:s23], [sflag:$0x3] =	stream.linear.gather [hbm4b:s19+s6], $0x1400, $0x38;
	[tilespmem:$0x1F000] =	vst v63  }
0x56d: {  	s25 =	simm.s32 $0x80;
	s26 =	sld [smem:$0x7FC]  }
0x56e: {  	[tilespmem:s10], [sflag:$0x2] =	stream.indirect.gather [hbm4b:s1+s3], $0x80, s25, s3, $0xb8;
	[tilespmem:$0x1F000] =	vst v63  }
0x56f: {  	_ = 	snop  }
0x570: {  	[tilespmem:s12], [sflag:$0x4] =	stream.linear.gather [hbm4b:s26+s6], $0x1400, $0x38;
	[tilespmem:$0x1F000] =	vst v63  }
.LBB2_32:
0x571: {  	_ =	swait.ge [sflag:s13], $0x1400  }
0x572: {  	[sflag:s13] =	ssyncset.done $0x0  }
0x573: {  	[sflag:s13] =	ssyncadd.s32 $0xFFFFEC00  }
0x574: {  	_ =	swait.ge [sflag:s16], $0x1400  }
0x575: {  	p0 =	seq.s32 s6, $0x0;
	[sflag:s16] =	ssyncset.done $0x0  }
0x576: {  	s0 =	simm.s32 @!p0 $0x5;
	[sflag:s16] =	ssyncadd.s32 $0xFFFFEC00  }
0x577: {  	_ =	swait.ge @!p0 [sflag:s0], $0x1400  }
0x578: {  	[sflag:s0] =	ssyncset.done @!p0 $0x0  }
0x579: {  	[sflag:s0] =	ssyncadd.s32 @!p0 $0xFFFFEC00;
	s0 =	simm.s32 $0x6100  }
0x57a: {  	s8 =	simm.s32 $0x3900;
	v1 =	vld [tilespmem:s0+$0x80]  }
0x57b: {  	v2 =	vld [tilespmem:s8+$0x80];
	_ =	sdelay $0x2  }
0x57c: {  	v3 =	vld [tilespmem:s0+$0xFFFFFF80]  }
0x57d: {  	v5 =	vld [tilespmem:s0+$0xFFFFFF00];
	v4 =	vshll.u32 v1, $0x10  }
0x57e: {  	v6 =	vld [tilespmem:s8+$0xFFFFFF80];
	v2 =	vmul.f32 v4, v2  }
0x57f: {  	s7 =	simm.s32 $0x8900;
	v4 =	vld [tilespmem:s8+$0xFFFFFF00]  }
0x580: {  	[tilespmem:s7+$0x80] =	vst v2  }
0x581: {  	v2 =	vld [tilespmem:s8+$0x90]  }
0x582: {  	v7 =	vld [tilespmem:s0+$0x0];
	v10 =	vshll.u32 v3, $0x10  }
0x583: {  	v8 =	vld [tilespmem:s8+$0x0];
	v9 =	vshll.u32 v5, $0x10;
	v6 =	vmul.f32 v10, v6  }
0x584: {  	v4 =	vmul.f32 v9, v4  }
0x585: {  	v1 =	vand.u32 $0xFFFF0000, v1;
	[tilespmem:s7+$0xFFFFFF80] =	vst v6  }
0x586: {  	v6 =	vld [tilespmem:s8+$0xFFFFFF90];
	[tilespmem:s7+$0xFFFFFF00] =	vst v4;
	v1 =	vmul.f32 v1, v2  }
0x587: {  	v2 =	vshll.u32 v7, $0x10;
	v4 =	vld [tilespmem:s8+$0xFFFFFF10]  }
0x588: {  	v2 =	vmul.f32 v2, v8;
	[tilespmem:s7+$0x90] =	vst v1  }
0x589: {  	v1 =	vld [tilespmem:s0+$0x90]  }
0x58a: {  	v3 =	vand.u32 $0xFFFF0000, v3;
	[tilespmem:s7+$0x0] =	vst v2;
	v2 =	vld [tilespmem:s8+$0xA0]  }
0x58b: {  	v5 =	vand.u32 $0xFFFF0000, v5;
	v3 =	vmul.f32 v3, v6  }
0x58c: {  	v8 =	vld [tilespmem:s8+$0x10];
	v4 =	vmul.f32 v5, v4  }
0x58d: {  	[tilespmem:s7+$0xFFFFFF90] =	vst v3  }
0x58e: {  	[tilespmem:s7+$0xFFFFFF10] =	vst v4;
	v4 =	vshll.u32 v1, $0x10  }
0x58f: {  	v3 =	vld [tilespmem:s0+$0xFFFFFF90];
	v2 =	vmul.f32 v4, v2  }
0x590: {  	v5 =	vand.u32 $0xFFFF0000, v7;
	v6 =	vld [tilespmem:s0+$0xFFFFFF10]  }
0x591: {  	v4 =	vmul.f32 v5, v8;
	v5 =	vld [tilespmem:s8+$0xFFFFFF20];
	[tilespmem:s7+$0xA0] =	vst v2  }
0x592: {  	v2 =	vld [tilespmem:s8+$0xB0]  }
0x593: {  	v7 =	vld [tilespmem:s8+$0xFFFFFFA0];
	[tilespmem:s7+$0x10] =	vst v4  }
0x594: {  	v4 =	vld [tilespmem:s0+$0x10]  }
0x595: {  	v9 =	vld [tilespmem:s8+$0x20];
	v8 =	vshll.u32 v6, $0x10  }
0x596: {  	v1 =	vand.u32 $0xFFFF0000, v1;
	v5 =	vmul.f32 v8, v5  }
0x597: {  	v1 =	vmul.f32 v1, v2  }
0x598: {  	[tilespmem:s7+$0xFFFFFF20] =	vst v5;
	v2 =	vshll.u32 v3, $0x10  }
0x599: {  	v5 =	vshll.u32 v4, $0x10;
	v8 =	vld [tilespmem:s8+$0xFFFFFF30];
	v2 =	vmul.f32 v2, v7;
	[tilespmem:s7+$0xB0] =	vst v1  }
0x59a: {  	v1 =	vmul.f32 v5, v9;
	v9 =	vld [tilespmem:s0+$0xA0]  }
0x59b: {  	[tilespmem:s7+$0xFFFFFFA0] =	vst v2;
	v2 =	vld [tilespmem:s8+$0xC0]  }
0x59c: {  	v5 =	vld [tilespmem:s8+$0xFFFFFFB0];
	[tilespmem:s7+$0x20] =	vst v1  }
0x59d: {  	v1 =	vand.u32 $0xFFFF0000, v6;
	v6 =	vld [tilespmem:s8+$0x30]  }
0x59e: {  	v1 =	vmul.f32 v1, v8  }
0x59f: {  	v7 =	vshll.u32 v9, $0x10  }
0x5a0: {  	v3 =	vand.u32 $0xFFFF0000, v3;
	[tilespmem:s7+$0xFFFFFF30] =	vst v1;
	v1 =	vmul.f32 v7, v2  }
0x5a1: {  	v2 =	vand.u32 $0xFFFF0000, v4;
	v7 =	vld [tilespmem:s0+$0xFFFFFF20];
	v3 =	vmul.f32 v3, v5  }
0x5a2: {  	v8 =	vld [tilespmem:s8+$0xFFFFFF40];
	v2 =	vmul.f32 v2, v6;
	[tilespmem:s7+$0xC0] =	vst v1  }
0x5a3: {  	[tilespmem:s7+$0xFFFFFFB0] =	vst v3;
	v4 =	vld [tilespmem:s8+$0xD0]  }
0x5a4: {  	v3 =	vld [tilespmem:s0+$0xFFFFFFA0];
	[tilespmem:s7+$0x30] =	vst v2  }
0x5a5: {  	v2 =	vld [tilespmem:s0+$0x20]  }
0x5a6: {  	s9 =	sshll.u32 s6, $0xA;
	s15 =	simm.s32 $0x0;
	v5 =	vld [tilespmem:s8+$0xFFFFFFC0];
	v6 =	vshll.u32 v7, $0x10  }
0x5a7: {  	s19 =	simm.s32 $0x6300;
	s25 =	simm.s32 $0x3900;
	s23 =	simm.s32 $0x8900;
	v1 =	vand.u32 $0xFFFF0000, v7;
	v7 =	vmul.f32 v6, v8;
	v6 =	vld [tilespmem:s8+$0x40];
	v8 =	vand.u32 $0xFFFF0000, v9  }
.LBB2_33:
0x5a8: {  	v9 =	vld [tilespmem:s19+$0x80];
	s15 =	sadd.s32 $0x4, s15;
	v4 =	vmul.f32 v8, v4;
	s8 =	sadd.s32 $0x200, s8  }
0x5a9: {  	v8 =	vld [tilespmem:s8+$0x80];
	p1 =	slt.u32 s15, $0x24;
	[tilespmem:s7+$0xFFFFFF40] =	vst v7;
	v7 =	vshll.u32 v3, $0x10;
	v3 =	vand.u32 $0xFFFF0000, v3  }
0x5aa: {  	v10 =	vld [tilespmem:s19+$0xFFFFFF80];
	v11 =	vshll.u32 v2, $0x10;
	v2 =	vand.u32 $0xFFFF0000, v2;
	[tilespmem:s7+$0xD0] =	vst v4  }
0x5ab: {  	v4 =	vmul.f32 v7, v5;
	v5 =	vld [tilespmem:s0+$0xB0]  }
0x5ac: {  	v6 =	vmul.f32 v11, v6;
	v7 =	vld [tilespmem:s25+$0xE0]  }
0x5ad: {  	v11 =	vld [tilespmem:s19+$0x0];
	v12 =	vshll.u32 v9, $0x10;
	[tilespmem:s7+$0xFFFFFFC0] =	vst v4  }
0x5ae: {  	v4 =	vld [tilespmem:s19+$0xFFFFFF00];
	v8 =	vmul.f32 v12, v8;
	[tilespmem:s7+$0x40] =	vst v6  }
0x5af: {  	s7 =	sadd.s32 $0x200, s7;
	v6 =	vld [tilespmem:s8+$0xFFFFFF00];
	v12 =	vshll.u32 v10, $0x10;
	v10 =	vand.u32 $0xFFFF0000, v10  }
0x5b0: {  	v13 =	vld [tilespmem:s8+$0xFFFFFF80];
	[tilespmem:s7+$0x80] =	vst v8;
	v8 =	vshll.u32 v5, $0x10  }
0x5b1: {  	v14 =	vld [tilespmem:s8+$0x90];
	v7 =	vmul.f32 v8, v7  }
0x5b2: {  	v8 =	vshll.u32 v11, $0x10;
	v11 =	vand.u32 $0xFFFF0000, v11;
	v15 =	vld [tilespmem:s8+$0x0]  }
0x5b3: {  	v16 =	vshll.u32 v4, $0x10;
	v4 =	vand.u32 $0xFFFF0000, v4;
	v17 =	vld [tilespmem:s25+$0xFFFFFF50];
	[tilespmem:s23+$0xE0] =	vst v7  }
0x5b4: {  	v6 =	vmul.f32 v16, v6;
	v7 =	vld [tilespmem:s25+$0xF0]  }
0x5b5: {  	v9 =	vand.u32 $0xFFFF0000, v9;
	v12 =	vmul.f32 v12, v13;
	v13 =	vld [tilespmem:s25+$0xFFFFFFD0]  }
0x5b6: {  	[tilespmem:s7+$0xFFFFFF00] =	vst v6;
	v6 =	vmul.f32 v9, v14;
	v9 =	vld [tilespmem:s25+$0x50]  }
0x5b7: {  	v14 =	vld [tilespmem:s8+$0xFFFFFF10];
	[tilespmem:s7+$0xFFFFFF80] =	vst v12;
	v8 =	vmul.f32 v8, v15  }
0x5b8: {  	v5 =	vand.u32 $0xFFFF0000, v5;
	v12 =	vld [tilespmem:s8+$0xFFFFFF90];
	[tilespmem:s7+$0x90] =	vst v6;
	v1 =	vmul.f32 v1, v17  }
0x5b9: {  	[tilespmem:s7+$0x0] =	vst v8;
	v6 =	vld [tilespmem:s19+$0x90];
	v5 =	vmul.f32 v5, v7  }
0x5ba: {  	v7 =	vld [tilespmem:s8+$0xA0];
	[tilespmem:s23+$0xFFFFFF50] =	vst v1;
	v1 =	vmul.f32 v3, v13  }
0x5bb: {  	v3 =	vld [tilespmem:s8+$0x10];
	v2 =	vmul.f32 v2, v9;
	[tilespmem:s23+$0xF0] =	vst v5  }
0x5bc: {  	v4 =	vmul.f32 v4, v14;
	v5 =	vld [tilespmem:s0+$0xFFFFFF30];
	[tilespmem:s23+$0xFFFFFFD0] =	vst v1  }
0x5bd: {  	v1 =	vmul.f32 v10, v12;
	v8 =	vld [tilespmem:s0+$0xFFFFFFB0];
	[tilespmem:s23+$0x50] =	vst v2  }
0x5be: {  	[tilespmem:s7+$0xFFFFFF10] =	vst v4;
	v2 =	vshll.u32 v6, $0x10;
	v4 =	vld [tilespmem:s0+$0x30];
	s0 =	smov.u32 s19  }
0x5bf: {  	v9 =	vld [tilespmem:s19+$0xFFFFFF10];
	[tilespmem:s7+$0xFFFFFF90] =	vst v1;
	v1 =	vmul.f32 v2, v7  }
0x5c0: {  	v2 =	vld [tilespmem:s19+$0xFFFFFF90];
	v3 =	vmul.f32 v11, v3  }
0x5c1: {  	v7 =	vld [tilespmem:s8+$0xFFFFFF20];
	[tilespmem:s7+$0xA0] =	vst v1;
	v1 =	vshll.u32 v5, $0x10;
	v5 =	vand.u32 $0xFFFF0000, v5  }
0x5c2: {  	[tilespmem:s7+$0x10] =	vst v3;
	v3 =	vld [tilespmem:s8+$0xB0];
	v10 =	vshll.u32 v8, $0x10;
	v8 =	vand.u32 $0xFFFF0000, v8  }
0x5c3: {  	v11 =	vld [tilespmem:s19+$0x10];
	v12 =	vshll.u32 v4, $0x10;
	v13 =	vand.u32 $0xFFFF0000, v4  }
0x5c4: {  	v4 =	vshll.u32 v9, $0x10;
	v9 =	vand.u32 $0xFFFF0000, v9;
	v14 =	vld [tilespmem:s8+$0xFFFFFFA0]  }
0x5c5: {  	v15 =	vshll.u32 v2, $0x10;
	v2 =	vand.u32 $0xFFFF0000, v2;
	v16 =	vld [tilespmem:s8+$0x20]  }
0x5c6: {  	v6 =	vand.u32 $0xFFFF0000, v6;
	v4 =	vmul.f32 v4, v7;
	v7 =	vld [tilespmem:s25+$0xFFFFFF60]  }
0x5c7: {  	v3 =	vmul.f32 v6, v3;
	v6 =	vld [tilespmem:s25+$0xFFFFFFE0]  }
0x5c8: {  	[tilespmem:s7+$0xFFFFFF20] =	vst v4;
	v4 =	vshll.u32 v11, $0x10;
	v11 =	vand.u32 $0xFFFF0000, v11;
	v17 =	vld [tilespmem:s25+$0x60]  }
0x5c9: {  	v18 =	vld [tilespmem:s8+$0xFFFFFF30];
	v14 =	vmul.f32 v15, v14;
	[tilespmem:s7+$0xB0] =	vst v3  }
0x5ca: {  	v3 =	vmul.f32 v4, v16;
	v15 =	vld [tilespmem:s19+$0xA0]  }
0x5cb: {  	[tilespmem:s7+$0xFFFFFFA0] =	vst v14;
	v4 =	vld [tilespmem:s8+$0xC0];
	v1 =	vmul.f32 v1, v7  }
0x5cc: {  	v7 =	vld [tilespmem:s8+$0xFFFFFFB0];
	[tilespmem:s7+$0x20] =	vst v3;
	v3 =	vmul.f32 v10, v6  }
0x5cd: {  	v6 =	vld [tilespmem:s8+$0x30];
	[tilespmem:s23+$0xFFFFFF60] =	vst v1;
	v1 =	vmul.f32 v12, v17  }
0x5ce: {  	v9 =	vmul.f32 v9, v18;
	v10 =	vld [tilespmem:s25+$0xFFFFFF70];
	[tilespmem:s23+$0xFFFFFFE0] =	vst v3  }
0x5cf: {  	v3 =	vshll.u32 v15, $0x10;
	v12 =	vld [tilespmem:s25+$0xFFFFFFF0];
	[tilespmem:s23+$0x60] =	vst v1  }
0x5d0: {  	[tilespmem:s7+$0xFFFFFF30] =	vst v9;
	v1 =	vmul.f32 v3, v4;
	v9 =	vld [tilespmem:s25+$0x70];
	s25 =	smov.u32 s8  }
0x5d1: {  	v14 =	vld [tilespmem:s19+$0xFFFFFF20];
	v2 =	vmul.f32 v2, v7  }
0x5d2: {  	v7 =	vld [tilespmem:s8+$0xFFFFFF40];
	v6 =	vmul.f32 v11, v6;
	[tilespmem:s7+$0xC0] =	vst v1  }
.Ltmp19:
0x5d3: {  	[tilespmem:s7+$0xFFFFFFB0] =	vst v2;
	v4 =	vld [tilespmem:s8+$0xD0];
	v1 =	vmul.f32 v5, v10;
	(pc) =	sbr.rel @p1 .LBB2_33-.Ltmp19, $4  }
0x5d4: {  	v3 =	vld [tilespmem:s19+$0xFFFFFFA0];
	[tilespmem:s7+$0x30] =	vst v6;
	v6 =	vmul.f32 v8, v12  }
0x5d5: {  	v2 =	vld [tilespmem:s19+$0x20];
	[tilespmem:s23+$0xFFFFFF70] =	vst v1;
	v9 =	vmul.f32 v13, v9  }
0x5d6: {  	v8 =	vshll.u32 v14, $0x10;
	v1 =	vand.u32 $0xFFFF0000, v14;
	v5 =	vld [tilespmem:s8+$0xFFFFFFC0];
	[tilespmem:s23+$0xFFFFFFF0] =	vst v6  }
0x5d7: {  	s19 =	sadd.s32 $0x200, s19;
	v7 =	vmul.f32 v8, v7;
	v6 =	vld [tilespmem:s8+$0x40];
	v8 =	vand.u32 $0xFFFF0000, v15;
	[tilespmem:s23+$0x70] =	vst v9;
	s23 =	smov.u32 s7  }
0x5d8: {  	_ =	sdelay $0x1  }
0x5d9: {  	v9 =	vshll.u32 v3, $0x10  }
0x5da: {  	v5 =	vmul.f32 v9, v5  }
0x5db: {  	[tilespmem:s7+$0xFFFFFF40] =	vst v7;
	v10 =	vshll.u32 v2, $0x10  }
0x5dc: {  	v6 =	vmul.f32 v10, v6;
	[tilespmem:s7+$0xFFFFFFC0] =	vst v5;
	v5 =	vld [tilespmem:s25+$0xFFFFFF50];
	_ =	sdelay $0x1  }
0x5dd: {  	[tilespmem:s7+$0x40] =	vst v6;
	v6 =	vld [tilespmem:s25+$0xFFFFFFD0]  }
0x5de: {  	v4 =	vmul.f32 v8, v4;
	v7 =	vld [tilespmem:s25+$0x50];
	_ =	sdelay $0x1  }
0x5df: {  	[tilespmem:s7+$0xD0] =	vst v4;
	v1 =	vmul.f32 v1, v5  }
0x5e0: {  	v3 =	vand.u32 $0xFFFF0000, v3;
	v4 =	vld [tilespmem:s0+$0xB0]  }
0x5e1: {  	v2 =	vand.u32 $0xFFFF0000, v2;
	v5 =	vld [tilespmem:s25+$0xE0];
	v3 =	vmul.f32 v3, v6;
	[tilespmem:s23+$0xFFFFFF50] =	vst v1  }
0x5e2: {  	v1 =	vmul.f32 v2, v7;
	v2 =	vld [tilespmem:s0+$0xFFFFFF30]  }
0x5e3: {  	[tilespmem:s23+$0xFFFFFFD0] =	vst v3;
	v6 =	vld [tilespmem:s25+$0xFFFFFF60]  }
0x5e4: {  	v3 =	vld [tilespmem:s0+$0xFFFFFFB0]  }
0x5e5: {  	[tilespmem:s23+$0x50] =	vst v1;
	v7 =	vld [tilespmem:s25+$0xFFFFFFE0]  }
0x5e6: {  	v1 =	vld [tilespmem:s0+$0x30]  }
0x5e7: {  	v8 =	vld [tilespmem:s25+$0x60]  }
0x5e8: {  	v9 =	vshll.u32 v4, $0x10  }
0x5e9: {  	v5 =	vmul.f32 v9, v5;
	v9 =	vshll.u32 v2, $0x10  }
0x5ea: {  	v10 =	vshll.u32 v3, $0x10;
	v6 =	vmul.f32 v9, v6  }
0x5eb: {  	[tilespmem:s23+$0xE0] =	vst v5;
	v5 =	vshll.u32 v1, $0x10;
	v7 =	vmul.f32 v10, v7  }
0x5ec: {  	v9 =	vld [tilespmem:s25+$0xF0];
	[tilespmem:s23+$0xFFFFFF60] =	vst v6;
	v5 =	vmul.f32 v5, v8  }
0x5ed: {  	v6 =	vld [tilespmem:s25+$0xFFFFFF70];
	[tilespmem:s23+$0xFFFFFFE0] =	vst v7  }
0x5ee: {  	v7 =	vld [tilespmem:s25+$0xFFFFFFF0];
	[tilespmem:s23+$0x60] =	vst v5  }
0x5ef: {  	v5 =	vld [tilespmem:s25+$0x70]  }
0x5f0: {  	v4 =	vand.u32 $0xFFFF0000, v4  }
0x5f1: {  	v2 =	vand.u32 $0xFFFF0000, v2;
	v4 =	vmul.f32 v4, v9  }
0x5f2: {  	v3 =	vand.u32 $0xFFFF0000, v3;
	v2 =	vmul.f32 v2, v6  }
0x5f3: {  	v1 =	vand.u32 $0xFFFF0000, v1;
	[tilespmem:s23+$0xF0] =	vst v4;
	v3 =	vmul.f32 v3, v7  }
0x5f4: {  	[tilespmem:s23+$0xFFFFFF70] =	vst v2;
	v1 =	vmul.f32 v1, v5  }
0x5f5: {  	p1 =	seq.s32 s6, $0x18;
	s0 =	sshrl.u32 s9, $0x2;
	[tilespmem:s23+$0xFFFFFFF0] =	vst v3  }
0x5f6: {  	s8 =	simm.s32 @!p1 $0x28;
	s7 =	sshrl.u32 @!p1 s9, $0x2;
	s26 =	sadd.s32 $0x1C00, s0;
	[tilespmem:s23+$0x70] =	vst v1  }
0x5f7: {  	[spmem:s2] =	stream.indirect.scatter.add.f32 [tilespmem:s30], [sflag:$0x5], $0x80, s26, s3, $0xb8;
	[tilespmem:$0x1F000] =	vst v63  }
0x5f8: {  	s15 =	smul.u32 @!p1 $0x2800, s6;
	s7 =	sadd.s32 @!p1 $0x100, s7;
	s9 =	simm.s32 @!p1 $0x3800  }
0x5f9: {  	[tilespmem:s9], [sflag:$0x1] =	stream.indirect.gather @!p1 [hbm4b:s1+s8], $0x80, s7, s8, $0xb8;
	[tilespmem:$0x1F000] =	vst v63  }
0x5fa: {  	s7 =	sadd.s32 @!p1 s15, s28  }
0x5fb: {  	s7 =	sshrl.u32 @!p1 s7, $0x3  }
0x5fc: {  	s8 =	simm.s32 @!p1 $0x0;
	s9 =	simm.s32 @!p1 $0x6000;
	s7 =	sadd.s32 @!p1 s5, s7  }
0x5fd: {  	[tilespmem:s9], [sflag:$0x3] =	stream.linear.gather @!p1 [hbm4b:s7+s8], $0x1400, $0x38;
	[tilespmem:$0x1F000] =	vst v63  }
0x5fe: {  	_ =	swait.ge [sflag:s17], $0x1400  }
0x5ff: {  	[sflag:s17] =	ssyncset.done $0x0  }
0x600: {  	[sflag:s17] =	ssyncadd.s32 $0xFFFFEC00  }
0x601: {  	_ =	swait.ge [sflag:s20], $0x1400  }
0x602: {  	[sflag:s20] =	ssyncset.done $0x0  }
0x603: {  	s7 =	simm.s32 @!p0 $0x6;
	[sflag:s20] =	ssyncadd.s32 $0xFFFFEC00  }
0x604: {  	_ =	swait.ge @!p0 [sflag:s7], $0x1400  }
0x605: {  	[sflag:s7] =	ssyncset.done @!p0 $0x0  }
0x606: {  	[sflag:s7] =	ssyncadd.s32 @!p0 $0xFFFFEC00;
	s7 =	simm.s32 $0x7500  }
0x607: {  	s9 =	simm.s32 $0x4D00;
	v1 =	vld [tilespmem:s7+$0x80]  }
0x608: {  	v2 =	vld [tilespmem:s9+$0x80];
	_ =	sdelay $0x2  }
0x609: {  	v3 =	vld [tilespmem:s7+$0xFFFFFF80]  }
0x60a: {  	v5 =	vld [tilespmem:s7+$0xFFFFFF00];
	v4 =	vshll.u32 v1, $0x10  }
0x60b: {  	v6 =	vld [tilespmem:s9+$0xFFFFFF80];
	v2 =	vmul.f32 v4, v2  }
0x60c: {  	s8 =	simm.s32 $0x9D00;
	v4 =	vld [tilespmem:s9+$0xFFFFFF00]  }
0x60d: {  	[tilespmem:s8+$0x80] =	vst v2  }
0x60e: {  	v2 =	vld [tilespmem:s9+$0x90]  }
0x60f: {  	v7 =	vld [tilespmem:s7+$0x0];
	v10 =	vshll.u32 v3, $0x10  }
0x610: {  	v8 =	vld [tilespmem:s9+$0x0];
	v9 =	vshll.u32 v5, $0x10;
	v6 =	vmul.f32 v10, v6  }
0x611: {  	v4 =	vmul.f32 v9, v4  }
0x612: {  	v1 =	vand.u32 $0xFFFF0000, v1;
	[tilespmem:s8+$0xFFFFFF80] =	vst v6  }
0x613: {  	v6 =	vld [tilespmem:s9+$0xFFFFFF90];
	[tilespmem:s8+$0xFFFFFF00] =	vst v4;
	v1 =	vmul.f32 v1, v2  }
0x614: {  	v2 =	vshll.u32 v7, $0x10;
	v4 =	vld [tilespmem:s9+$0xFFFFFF10]  }
0x615: {  	v2 =	vmul.f32 v2, v8;
	[tilespmem:s8+$0x90] =	vst v1  }
0x616: {  	v1 =	vld [tilespmem:s7+$0x90]  }
0x617: {  	v3 =	vand.u32 $0xFFFF0000, v3;
	[tilespmem:s8+$0x0] =	vst v2;
	v2 =	vld [tilespmem:s9+$0xA0]  }
0x618: {  	v5 =	vand.u32 $0xFFFF0000, v5;
	v3 =	vmul.f32 v3, v6  }
0x619: {  	v8 =	vld [tilespmem:s9+$0x10];
	v4 =	vmul.f32 v5, v4  }
0x61a: {  	[tilespmem:s8+$0xFFFFFF90] =	vst v3  }
0x61b: {  	[tilespmem:s8+$0xFFFFFF10] =	vst v4;
	v4 =	vshll.u32 v1, $0x10  }
0x61c: {  	v3 =	vld [tilespmem:s7+$0xFFFFFF90];
	v2 =	vmul.f32 v4, v2  }
0x61d: {  	v5 =	vand.u32 $0xFFFF0000, v7;
	v6 =	vld [tilespmem:s7+$0xFFFFFF10]  }
0x61e: {  	v4 =	vmul.f32 v5, v8;
	v5 =	vld [tilespmem:s9+$0xFFFFFF20];
	[tilespmem:s8+$0xA0] =	vst v2  }
0x61f: {  	v2 =	vld [tilespmem:s9+$0xB0]  }
0x620: {  	v7 =	vld [tilespmem:s9+$0xFFFFFFA0];
	[tilespmem:s8+$0x10] =	vst v4  }
0x621: {  	v4 =	vld [tilespmem:s7+$0x10]  }
0x622: {  	v9 =	vld [tilespmem:s9+$0x20];
	v8 =	vshll.u32 v6, $0x10  }
0x623: {  	v1 =	vand.u32 $0xFFFF0000, v1;
	v5 =	vmul.f32 v8, v5  }
0x624: {  	v1 =	vmul.f32 v1, v2  }
0x625: {  	[tilespmem:s8+$0xFFFFFF20] =	vst v5;
	v2 =	vshll.u32 v3, $0x10  }
0x626: {  	v5 =	vshll.u32 v4, $0x10;
	v8 =	vld [tilespmem:s9+$0xFFFFFF30];
	v2 =	vmul.f32 v2, v7;
	[tilespmem:s8+$0xB0] =	vst v1  }
0x627: {  	v1 =	vmul.f32 v5, v9;
	v9 =	vld [tilespmem:s7+$0xA0]  }
0x628: {  	[tilespmem:s8+$0xFFFFFFA0] =	vst v2;
	v2 =	vld [tilespmem:s9+$0xC0]  }
0x629: {  	v5 =	vld [tilespmem:s9+$0xFFFFFFB0];
	[tilespmem:s8+$0x20] =	vst v1  }
0x62a: {  	v1 =	vand.u32 $0xFFFF0000, v6;
	v6 =	vld [tilespmem:s9+$0x30]  }
0x62b: {  	v1 =	vmul.f32 v1, v8  }
0x62c: {  	v7 =	vshll.u32 v9, $0x10  }
0x62d: {  	v3 =	vand.u32 $0xFFFF0000, v3;
	[tilespmem:s8+$0xFFFFFF30] =	vst v1;
	v1 =	vmul.f32 v7, v2  }
0x62e: {  	v2 =	vand.u32 $0xFFFF0000, v4;
	v7 =	vld [tilespmem:s7+$0xFFFFFF20];
	v3 =	vmul.f32 v3, v5  }
0x62f: {  	v8 =	vld [tilespmem:s9+$0xFFFFFF40];
	v2 =	vmul.f32 v2, v6;
	[tilespmem:s8+$0xC0] =	vst v1  }
0x630: {  	[tilespmem:s8+$0xFFFFFFB0] =	vst v3;
	v4 =	vld [tilespmem:s9+$0xD0]  }
0x631: {  	v3 =	vld [tilespmem:s7+$0xFFFFFFA0];
	[tilespmem:s8+$0x30] =	vst v2  }
0x632: {  	v2 =	vld [tilespmem:s7+$0x20]  }
0x633: {  	s19 =	simm.s32 $0x7700;
	v5 =	vld [tilespmem:s9+$0xFFFFFFC0];
	v6 =	vshll.u32 v7, $0x10  }
0x634: {  	s25 =	simm.s32 $0x4D00;
	s23 =	simm.s32 $0x9D00;
	s15 =	simm.s32 $0x0;
	v1 =	vand.u32 $0xFFFF0000, v7;
	v7 =	vmul.f32 v6, v8;
	v6 =	vld [tilespmem:s9+$0x40];
	v8 =	vand.u32 $0xFFFF0000, v9  }
.LBB2_35:
0x635: {  	v9 =	vld [tilespmem:s19+$0x80];
	s15 =	sadd.s32 $0x4, s15;
	v4 =	vmul.f32 v8, v4;
	s9 =	sadd.s32 $0x200, s9  }
0x636: {  	v8 =	vld [tilespmem:s9+$0x80];
	p0 =	slt.u32 s15, $0x24;
	[tilespmem:s8+$0xFFFFFF40] =	vst v7;
	v7 =	vshll.u32 v3, $0x10;
	v3 =	vand.u32 $0xFFFF0000, v3  }
0x637: {  	v10 =	vld [tilespmem:s19+$0xFFFFFF80];
	v11 =	vshll.u32 v2, $0x10;
	v2 =	vand.u32 $0xFFFF0000, v2;
	[tilespmem:s8+$0xD0] =	vst v4  }
0x638: {  	v4 =	vmul.f32 v7, v5;
	v5 =	vld [tilespmem:s7+$0xB0]  }
0x639: {  	v6 =	vmul.f32 v11, v6;
	v7 =	vld [tilespmem:s25+$0xE0]  }
0x63a: {  	v11 =	vld [tilespmem:s19+$0x0];
	v12 =	vshll.u32 v9, $0x10;
	[tilespmem:s8+$0xFFFFFFC0] =	vst v4  }
0x63b: {  	v4 =	vld [tilespmem:s19+$0xFFFFFF00];
	v8 =	vmul.f32 v12, v8;
	[tilespmem:s8+$0x40] =	vst v6  }
0x63c: {  	s8 =	sadd.s32 $0x200, s8;
	v6 =	vld [tilespmem:s9+$0xFFFFFF00];
	v12 =	vshll.u32 v10, $0x10;
	v10 =	vand.u32 $0xFFFF0000, v10  }
0x63d: {  	v13 =	vld [tilespmem:s9+$0xFFFFFF80];
	[tilespmem:s8+$0x80] =	vst v8;
	v8 =	vshll.u32 v5, $0x10  }
0x63e: {  	v14 =	vld [tilespmem:s9+$0x90];
	v7 =	vmul.f32 v8, v7  }
0x63f: {  	v8 =	vshll.u32 v11, $0x10;
	v11 =	vand.u32 $0xFFFF0000, v11;
	v15 =	vld [tilespmem:s9+$0x0]  }
0x640: {  	v16 =	vshll.u32 v4, $0x10;
	v4 =	vand.u32 $0xFFFF0000, v4;
	v17 =	vld [tilespmem:s25+$0xFFFFFF50];
	[tilespmem:s23+$0xE0] =	vst v7  }
0x641: {  	v6 =	vmul.f32 v16, v6;
	v7 =	vld [tilespmem:s25+$0xF0]  }
0x642: {  	v9 =	vand.u32 $0xFFFF0000, v9;
	v12 =	vmul.f32 v12, v13;
	v13 =	vld [tilespmem:s25+$0xFFFFFFD0]  }
0x643: {  	[tilespmem:s8+$0xFFFFFF00] =	vst v6;
	v6 =	vmul.f32 v9, v14;
	v9 =	vld [tilespmem:s25+$0x50]  }
0x644: {  	v14 =	vld [tilespmem:s9+$0xFFFFFF10];
	[tilespmem:s8+$0xFFFFFF80] =	vst v12;
	v8 =	vmul.f32 v8, v15  }
0x645: {  	v5 =	vand.u32 $0xFFFF0000, v5;
	v12 =	vld [tilespmem:s9+$0xFFFFFF90];
	[tilespmem:s8+$0x90] =	vst v6;
	v1 =	vmul.f32 v1, v17  }
0x646: {  	[tilespmem:s8+$0x0] =	vst v8;
	v6 =	vld [tilespmem:s19+$0x90];
	v5 =	vmul.f32 v5, v7  }
0x647: {  	v7 =	vld [tilespmem:s9+$0xA0];
	[tilespmem:s23+$0xFFFFFF50] =	vst v1;
	v1 =	vmul.f32 v3, v13  }
0x648: {  	v3 =	vld [tilespmem:s9+$0x10];
	v2 =	vmul.f32 v2, v9;
	[tilespmem:s23+$0xF0] =	vst v5  }
0x649: {  	v4 =	vmul.f32 v4, v14;
	v5 =	vld [tilespmem:s7+$0xFFFFFF30];
	[tilespmem:s23+$0xFFFFFFD0] =	vst v1  }
0x64a: {  	v1 =	vmul.f32 v10, v12;
	v8 =	vld [tilespmem:s7+$0xFFFFFFB0];
	[tilespmem:s23+$0x50] =	vst v2  }
0x64b: {  	[tilespmem:s8+$0xFFFFFF10] =	vst v4;
	v2 =	vshll.u32 v6, $0x10;
	v4 =	vld [tilespmem:s7+$0x30];
	s7 =	smov.u32 s19  }
0x64c: {  	v9 =	vld [tilespmem:s19+$0xFFFFFF10];
	[tilespmem:s8+$0xFFFFFF90] =	vst v1;
	v1 =	vmul.f32 v2, v7  }
0x64d: {  	v2 =	vld [tilespmem:s19+$0xFFFFFF90];
	v3 =	vmul.f32 v11, v3  }
0x64e: {  	v7 =	vld [tilespmem:s9+$0xFFFFFF20];
	[tilespmem:s8+$0xA0] =	vst v1;
	v1 =	vshll.u32 v5, $0x10;
	v5 =	vand.u32 $0xFFFF0000, v5  }
0x64f: {  	[tilespmem:s8+$0x10] =	vst v3;
	v3 =	vld [tilespmem:s9+$0xB0];
	v10 =	vshll.u32 v8, $0x10;
	v8 =	vand.u32 $0xFFFF0000, v8  }
0x650: {  	v11 =	vld [tilespmem:s19+$0x10];
	v12 =	vshll.u32 v4, $0x10;
	v13 =	vand.u32 $0xFFFF0000, v4  }
0x651: {  	v4 =	vshll.u32 v9, $0x10;
	v9 =	vand.u32 $0xFFFF0000, v9;
	v14 =	vld [tilespmem:s9+$0xFFFFFFA0]  }
0x652: {  	v15 =	vshll.u32 v2, $0x10;
	v2 =	vand.u32 $0xFFFF0000, v2;
	v16 =	vld [tilespmem:s9+$0x20]  }
0x653: {  	v6 =	vand.u32 $0xFFFF0000, v6;
	v4 =	vmul.f32 v4, v7;
	v7 =	vld [tilespmem:s25+$0xFFFFFF60]  }
0x654: {  	v3 =	vmul.f32 v6, v3;
	v6 =	vld [tilespmem:s25+$0xFFFFFFE0]  }
0x655: {  	[tilespmem:s8+$0xFFFFFF20] =	vst v4;
	v4 =	vshll.u32 v11, $0x10;
	v11 =	vand.u32 $0xFFFF0000, v11;
	v17 =	vld [tilespmem:s25+$0x60]  }
0x656: {  	v18 =	vld [tilespmem:s9+$0xFFFFFF30];
	v14 =	vmul.f32 v15, v14;
	[tilespmem:s8+$0xB0] =	vst v3  }
0x657: {  	v3 =	vmul.f32 v4, v16;
	v15 =	vld [tilespmem:s19+$0xA0]  }
0x658: {  	[tilespmem:s8+$0xFFFFFFA0] =	vst v14;
	v4 =	vld [tilespmem:s9+$0xC0];
	v1 =	vmul.f32 v1, v7  }
0x659: {  	v7 =	vld [tilespmem:s9+$0xFFFFFFB0];
	[tilespmem:s8+$0x20] =	vst v3;
	v3 =	vmul.f32 v10, v6  }
0x65a: {  	v6 =	vld [tilespmem:s9+$0x30];
	[tilespmem:s23+$0xFFFFFF60] =	vst v1;
	v1 =	vmul.f32 v12, v17  }
0x65b: {  	v9 =	vmul.f32 v9, v18;
	v10 =	vld [tilespmem:s25+$0xFFFFFF70];
	[tilespmem:s23+$0xFFFFFFE0] =	vst v3  }
0x65c: {  	v3 =	vshll.u32 v15, $0x10;
	v12 =	vld [tilespmem:s25+$0xFFFFFFF0];
	[tilespmem:s23+$0x60] =	vst v1  }
0x65d: {  	[tilespmem:s8+$0xFFFFFF30] =	vst v9;
	v1 =	vmul.f32 v3, v4;
	v9 =	vld [tilespmem:s25+$0x70];
	s25 =	smov.u32 s9  }
0x65e: {  	v14 =	vld [tilespmem:s19+$0xFFFFFF20];
	v2 =	vmul.f32 v2, v7  }
0x65f: {  	v7 =	vld [tilespmem:s9+$0xFFFFFF40];
	v6 =	vmul.f32 v11, v6;
	[tilespmem:s8+$0xC0] =	vst v1  }
.Ltmp20:
0x660: {  	[tilespmem:s8+$0xFFFFFFB0] =	vst v2;
	v4 =	vld [tilespmem:s9+$0xD0];
	v1 =	vmul.f32 v5, v10;
	(pc) =	sbr.rel @p0 .LBB2_35-.Ltmp20, $4  }
0x661: {  	v3 =	vld [tilespmem:s19+$0xFFFFFFA0];
	[tilespmem:s8+$0x30] =	vst v6;
	v6 =	vmul.f32 v8, v12  }
0x662: {  	v2 =	vld [tilespmem:s19+$0x20];
	[tilespmem:s23+$0xFFFFFF70] =	vst v1;
	v9 =	vmul.f32 v13, v9  }
0x663: {  	v8 =	vshll.u32 v14, $0x10;
	v1 =	vand.u32 $0xFFFF0000, v14;
	v5 =	vld [tilespmem:s9+$0xFFFFFFC0];
	[tilespmem:s23+$0xFFFFFFF0] =	vst v6  }
0x664: {  	s19 =	sadd.s32 $0x200, s19;
	v7 =	vmul.f32 v8, v7;
	v6 =	vld [tilespmem:s9+$0x40];
	v8 =	vand.u32 $0xFFFF0000, v15;
	[tilespmem:s23+$0x70] =	vst v9;
	s23 =	smov.u32 s8  }
0x665: {  	_ =	sdelay $0x1  }
0x666: {  	v9 =	vshll.u32 v3, $0x10  }
0x667: {  	[tilespmem:s8+$0xFFFFFF40] =	vst v7;
	v5 =	vmul.f32 v9, v5  }
0x668: {  	v51 =	vshll.u32 v2, $0x10;
	v52 =	vld [tilespmem:s25+$0xFFFFFF50]  }
0x669: {  	v6 =	vmul.f32 v51, v6;
	[tilespmem:s8+$0xFFFFFFC0] =	vst v5  }
0x66a: {  	v53 =	vld [tilespmem:s25+$0xFFFFFFD0]  }
0x66b: {  	v4 =	vmul.f32 v8, v4;
	[tilespmem:s8+$0x40] =	vst v6  }
0x66c: {  	v54 =	vld [tilespmem:s25+$0x50]  }
0x66d: {  	[tilespmem:s8+$0xD0] =	vst v4;
	v1 =	vmul.f32 v1, v52  }
0x66e: {  	v3 =	vand.u32 $0xFFFF0000, v3;
	v4 =	vld [tilespmem:s7+$0xB0]  }
0x66f: {  	v55 =	vld [tilespmem:s25+$0xE0];
	[tilespmem:s23+$0xFFFFFF50] =	vst v1;
	v3 =	vmul.f32 v3, v53  }
0x670: {  	v2 =	vand.u32 $0xFFFF0000, v2;
	v56 =	vld [tilespmem:s25+$0xFFFFFF60]  }
0x671: {  	v1 =	vmul.f32 v2, v54;
	v2 =	vld [tilespmem:s7+$0xFFFFFF30];
	[tilespmem:s23+$0xFFFFFFD0] =	vst v3  }
0x672: {  	v3 =	vld [tilespmem:s7+$0xFFFFFFB0]  }
0x673: {  	[tilespmem:s23+$0x50] =	vst v1;
	v57 =	vld [tilespmem:s25+$0xFFFFFFE0]  }
0x674: {  	v1 =	vld [tilespmem:s7+$0x30]  }
0x675: {  	v58 =	vld [tilespmem:s25+$0x60]  }
0x676: {  	v59 =	vshll.u32 v4, $0x10  }
0x677: {  	v5 =	vmul.f32 v59, v55;
	v60 =	vshll.u32 v2, $0x10  }
0x678: {  	v6 =	vmul.f32 v60, v56;
	v61 =	vshll.u32 v3, $0x10  }
0x679: {  	[tilespmem:s23+$0xE0] =	vst v5;
	v62 =	vshll.u32 v1, $0x10;
	v7 =	vmul.f32 v61, v57  }
0x67a: {  	v63 =	vld [tilespmem:s25+$0xF0];
	[tilespmem:s23+$0xFFFFFF60] =	vst v6;
	v5 =	vmul.f32 v62, v58  }
0x67b: {  	v6 =	vld [tilespmem:s25+$0xFFFFFF70];
	[tilespmem:s23+$0xFFFFFFE0] =	vst v7  }
0x67c: {  	v7 =	vld [tilespmem:s25+$0xFFFFFFF0];
	[tilespmem:s23+$0x60] =	vst v5  }
0x67d: {  	v5 =	vld [tilespmem:s25+$0x70]  }
0x67e: {  	v4 =	vand.u32 $0xFFFF0000, v4  }
0x67f: {  	v4 =	vmul.f32 v4, v63;
	v2 =	vand.u32 $0xFFFF0000, v2  }
0x680: {  	v3 =	vand.u32 $0xFFFF0000, v3;
	v2 =	vmul.f32 v2, v6  }
.Ltmp21:
0x681: {  	[tilespmem:s23+$0xF0] =	vst v4;
	v1 =	vand.u32 $0xFFFF0000, v1;
	v3 =	vmul.f32 v3, v7;
	(pc) =	sbr.rel @p1 .LBB2_38-.Ltmp21, $4  }
0x682: {  	[tilespmem:s23+$0xFFFFFF70] =	vst v2;
	v1 =	vmul.f32 v1, v5  }
0x683: {  	[tilespmem:s23+$0xFFFFFFF0] =	vst v3  }
0x684: {  	s26 =	sadd.s32 $0x1C80, s0;
	[tilespmem:s23+$0x70] =	vst v1  }
0x685: {  	[spmem:s2] =	stream.indirect.scatter.add.f32 [tilespmem:s21], [sflag:$0x6], $0x80, s26, s3, $0xb8;
	[tilespmem:$0x1F000] =	vst v63  }
0x686: {  	s0 =	sadd.s32 $0x180, s0;
	s7 =	smul.u32 $0x2800, s6  }
0x687: {  	[tilespmem:s10], [sflag:$0x2] =	stream.indirect.gather [hbm4b:s1+s3], $0x80, s0, s3, $0xb8;
	[tilespmem:$0x1F000] =	vst v63  }
.Ltmp22:
0x688: {  	_ = 	snop;
	(pc) =	sbr.rel .LBB2_32-.Ltmp22, $4  }
0x689: {  	s26 =	sadd.s32 s7, s29  }
0x68a: {  	s0 =	sshrl.u32 s26, $0x3  }
0x68b: {  	s6 =	sadd.s32 $0x1, s6;
	s0 =	sadd.s32 s5, s0  }
0x68c: {  	[tilespmem:s12], [sflag:$0x4] =	stream.linear.gather [hbm4b:s0+s4], $0x1400, $0x38;
	[tilespmem:$0x1F000] =	vst v63  }
.LBB2_39:
0x68d: {  	_ =	sfence.sel $0x180000  }
0x68e: {  	[bflag:$0x0] =	sbarrier.arrive $0xFFFF  }
0x68f: {  	_ =	strace $0x90000047  }
0x690: {  	s0 =	stileid.u32;
	[bflag:$0x2] =	sbarrier.arrive $0xFFFF  }
0x691: {  	p0 =	sne.s32 s0, $0x0;
	s0 =	rddreg [dreg:$0x3]  }
0x692: {  	s0 =	sadd.s32 @!p0 $0x100000, s0  }
0x693: {  	[sflag:s0] =	ssyncadd.tile.s32 @!p0 $0x1;
	_ =	shalt  }
.Lfunc_end2:
_tile_overlayer_lowered:
.L_overlay_start_2:
0x694: {  	(tag) =	ssettag $0x2  }
0x695: {  	s0 =	rddreg [dreg:$0x0];
	s2 =	stileid.u32  }
0x696: {  	s1 =	rddreg [dreg:$0x1];
	p0 =	sne.s32 s2, $0x0  }
0x697: {  	s3 =	rddreg [dreg:$0x2];
	[bflag:$0x3] =	sbarrier.arrive $0xFFFF;
	s2 =	simm.s32 @!p0 $0x1C07  }
0x698: {  	[timem:s3], [sflag:s2] =	dma.local @!p0 [hbm:s0], s1  }
0x699: {  	s0 =	simm.s32 @!p0 $0x7  }
0x69a: {  	_ =	swait.ge @!p0 [sflag:s0], s1  }
0x69b: {  	s1 =	ssub.s32 @!p0 $0x0, s1;
	[sflag:s0] =	ssyncset.done @!p0 $0x0  }
0x69c: {  	[sflag:s0] =	ssyncadd.s32 @!p0 s1  }
0x69d: {  	[bflag:$0x3] =	sbarrier.arrive $0xFFFF  }
0x69e: {  	_ =	shalt  }

</sc_bundles>
